<compile_context>
chip_gen: v7x
topology: tpu7x:2x2x1
jax: 0.10.2.dev20260603
libtpu: 0.0.44.dev20260713+nightly
codegen_flags: <defaults>
</compile_context>

<pallas_src>
import functools

import jax
import jax.numpy as jnp
from jax import lax
from jax.experimental import pallas as pl
from jax.experimental.pallas import tpu as pltpu
from jax.experimental.pallas import tpu_sc as plsc

EMBED_DIM = 32
BATCH = 16384
FIELDS = 26
TOTAL = BATCH * FIELDS
NUM_CORES = 2
NUM_SUBCORES = 16
NW = NUM_CORES * NUM_SUBCORES
ROWS_PER_W = TOTAL // NW
GRP = 128
G_PER_CHUNK = 13
CHUNK = GRP * G_PER_CHUNK
GROUPS_PER_W = ROWS_PER_W // GRP
N_CHUNKS = GROUPS_PER_W // G_PER_CHUNK

N_PAIRS = FIELDS * (BATCH // GRP)
PAIRS_PER_W = N_PAIRS // NW
PAIR_WORDS = GRP * EMBED_DIM

_mesh = plsc.VectorSubcoreMesh(core_axis_name="c", subcore_axis_name="s")


@functools.partial(
    pl.kernel,
    mesh=_mesh,
    out_type=jax.ShapeDtypeStruct((TOTAL, EMBED_DIM), jnp.float32),
    scratch_types=[
        pltpu.VMEM((GROUPS_PER_W, GRP), jnp.int32),
        pltpu.VMEM((CHUNK, EMBED_DIM), jnp.float32),
        pltpu.VMEM((CHUNK, EMBED_DIM), jnp.float32),
        pltpu.SemaphoreType.DMA,
        pltpu.SemaphoreType.DMA,
    ],
    compiler_params=pltpu.CompilerParams(use_tc_tiling_on_sc=False),
)
def _sc_gather(idx_hbm, table_hbm, out_hbm, idx_v, rows0, rows1, sem0, sem1):
    wid = lax.axis_index("s") * NUM_CORES + lax.axis_index("c")
    grp0 = wid * GROUPS_PER_W
    row0 = grp0 * GRP

    pltpu.sync_copy(idx_hbm.at[pl.ds(grp0, GROUPS_PER_W)], idx_v)

    def fire(c, buf, sem):
        for g in range(G_PER_CHUNK):
            pltpu.async_copy(
                table_hbm.at[idx_v.at[c * G_PER_CHUNK + g]],
                buf.at[pl.ds(g * GRP, GRP)],
                sem,
            )

    def drain(buf, sem):
        pltpu.make_async_copy(out_hbm.at[pl.ds(0, CHUNK)], buf, sem).wait()

    def flush(c, buf):
        pltpu.sync_copy(buf, out_hbm.at[pl.ds(row0 + c * CHUNK, CHUNK)])

    fire(0, rows0, sem0)
    fire(1, rows1, sem1)

    def step(i, carry):
        c0 = 2 * i
        drain(rows0, sem0)
        flush(c0, rows0)

        @pl.when(i < N_CHUNKS // 2 - 1)
        def _():
            fire(c0 + 2, rows0, sem0)

        drain(rows1, sem1)
        flush(c0 + 1, rows1)

        @pl.when(i < N_CHUNKS // 2 - 1)
        def _():
            fire(c0 + 3, rows1, sem1)

        return carry

    lax.fori_loop(0, N_CHUNKS // 2, step, 0)


@functools.partial(
    pl.kernel,
    mesh=_mesh,
    out_type=jax.ShapeDtypeStruct((FIELDS, EMBED_DIM, BATCH), jnp.float32),
    scratch_types=[
        pltpu.VMEM((PAIR_WORDS,), jnp.float32),
        pltpu.VMEM((PAIR_WORDS,), jnp.float32),
        pltpu.VMEM((EMBED_DIM, GRP), jnp.float32),
        pltpu.VMEM((EMBED_DIM, GRP), jnp.float32),
        pltpu.SemaphoreType.DMA,
        pltpu.SemaphoreType.DMA,
        pltpu.SemaphoreType.DMA,
        pltpu.SemaphoreType.DMA,
    ],
    compiler_params=pltpu.CompilerParams(
        use_tc_tiling_on_sc=True, needs_layout_passes=False
    ),
)
def _sc_out_xpose(
    x_hbm, out_hbm, in0, in1, ob0, ob1, isem0, isem1, osem0, osem1
):
    wid = lax.axis_index("s") * NUM_CORES + lax.axis_index("c")
    q0 = wid * PAIRS_PER_W
    lanes32 = lax.iota(jnp.int32, 16) * EMBED_DIM

    def start_in(t, buf, sem):
        pltpu.async_copy(
            x_hbm.at[pl.ds((q0 + t) * PAIR_WORDS, PAIR_WORDS)], buf, sem
        )

    def drain(buf, sem):
        pltpu.make_async_copy(x_hbm.at[pl.ds(0, PAIR_WORDS)], buf, sem).wait()

    def drain_ob(buf, sem):
        pltpu.make_async_copy(
            out_hbm.at[0, pl.ds(0, EMBED_DIM), pl.ds(0, GRP)], buf, sem
        ).wait()

    lanes = lax.iota(jnp.int32, 16)
    cols = [(lanes + j) & 15 for j in range(16)]

    def xpose(src, dst):
        def kb_body(kb, carry):
            for kd in range(2):
                base = lanes32 + (16 * EMBED_DIM * kb + 16 * kd)
                for jh in range(2):
                    vals = [
                        plsc.load_gather(src, [base + cols[8 * jh + j]])
                        for j in range(8)
                    ]
                    for j in range(8):
                        plsc.store_scatter(
                            dst,
                            [16 * kd + cols[8 * jh + j], 16 * kb + lanes],
                            vals[j],
                        )
            return carry

        lax.fori_loop(0, 8, kb_body, 0)

    def write_out(t, buf, sem):
        q = q0 + t
        f = q // (BATCH // GRP)
        jb = q % (BATCH // GRP)
        pltpu.async_copy(
            buf,
            out_hbm.at[f, pl.ds(0, EMBED_DIM), pl.ds(jb * GRP, GRP)],
            sem,
        )

    HALF = PAIRS_PER_W // 2

    pltpu.sync_copy(x_hbm.at[pl.ds(q0 * PAIR_WORDS, PAIR_WORDS)], in0)
    start_in(1, in1, isem1)

    def step(u, carry):
        tA = 2 * u

        @pl.when(u > 0)
        def _():
            drain(in0, isem0)

        xpose(in0, ob0)

        @pl.when(u < HALF - 1)
        def _():
            start_in(tA + 2, in0, isem0)

        @pl.when(u > 0)
        def _():
            drain_ob(ob0, osem0)

        write_out(tA, ob0, osem0)

        drain(in1, isem1)
        xpose(in1, ob1)

        @pl.when(u < HALF - 1)
        def _():
            start_in(tA + 3, in1, isem1)

        @pl.when(u > 0)
        def _():
            drain_ob(ob1, osem1)

        write_out(tA + 1, ob1, osem1)
        return carry

    lax.fori_loop(0, HALF, step, 0)
    drain_ob(ob0, osem0)
    drain_ob(ob1, osem1)


def kernel(indices, table):
    fidx = indices.T.astype(jnp.int32).reshape(TOTAL // GRP, GRP)
    x = _sc_gather(fidx, table)
    out3 = _sc_out_xpose(x.reshape(TOTAL * EMBED_DIM))
    return jnp.transpose(out3, (2, 0, 1))

# --- scband reference (transcript-rebuilt; emitter-appended) ---
"""Pipeline reference for scband-my-model-43052752175847 (READ-ONLY COPY).

The authoritative reference and input builder live on the scoring server;
editing this copy changes nothing except your own understanding.
"""

import jax, jax.numpy as jnp
import numpy as np

NUM_EMBEDDINGS = 1000000
EMBED_DIM = 32
BATCH = 16384
FIELDS = 26

def setup_inputs(seed: int = 0) -> dict:
    key = jax.random.key(seed)
    k_idx, k_tab = jax.random.split(key)
    indices = jax.random.randint(k_idx, (BATCH, FIELDS), 0, NUM_EMBEDDINGS, dtype=jnp.int64 if jax.config.jax_enable_x64 else jnp.int32)
    table = jax.random.normal(k_tab, (NUM_EMBEDDINGS, EMBED_DIM), dtype=jnp.float32) * 0.02
    return {"indices": indices, "table": table}

def reference(indices, table):
    # Embedding lookup: gather rows of the table by integer index.
    # Maps to SparseCore gather on TPU.
    return jnp.take(table, indices, axis=0)

if __name__ == "__main__":
    import jax
    _d = setup_inputs()
    print(jax.jit(kernel)(*tuple(_d.values())))

</pallas_src>

<mosaic_0001>
#map = affine_map<(d0, d1) -> (0)>
#map1 = affine_map<(d0, d1) -> (0, 0, 0)>
module attributes {stable_mosaic.version = 14 : i64} {
  func.func @_sc_out_xpose(%arg0: i32, %arg1: i32, %arg2: memref<13631488xf32, #tpu.memory_space<hbm>>, %arg3: memref<26x32x16384xf32, #tpu.memory_space<hbm>>, %arg4: memref<4096xf32, #tpu.memory_space<vmem>>, %arg5: memref<4096xf32, #tpu.memory_space<vmem>>, %arg6: memref<32x128xf32, #tpu.memory_space<vmem>>, %arg7: memref<32x128xf32, #tpu.memory_space<vmem>>, %arg8: memref<!tpu.dma_semaphore, #tpu.memory_space<semaphore_mem>>, %arg9: memref<!tpu.dma_semaphore, #tpu.memory_space<semaphore_mem>>, %arg10: memref<!tpu.dma_semaphore, #tpu.memory_space<semaphore_mem>>, %arg11: memref<!tpu.dma_semaphore, #tpu.memory_space<semaphore_mem>>) attributes {dimension_semantics = [#tpu.dimension_semantics<core_parallel>, #tpu.dimension_semantics<subcore_parallel>], iteration_bounds = array<i64: 2, 16>, scalar_prefetch = 0 : i64, scratch_operands = 8 : i64, tpu.core_type = #tpu.core_type<sc_vector_subcore>, window_params = [{transform_indices = #map}, {transform_indices = #map1}]} {
    %mul3A = arith.constant 2 : i32
    %mul3A_0 = arith.muli %arg1, %mul3A : i32
    %add3A = arith.addi %mul3A_0, %arg0 : i32
    %mul3A_1 = arith.constant 104 : i32
    %mul3A_2 = arith.muli %add3A, %mul3A_1 : i32
    %iota3A = tpu.iota {dimensions = array<i32: 0>} : vector<16xi32>
    %mul3A_3 = arith.constant 32 : i32
    %mul3A_4 = vector.broadcast %mul3A_3 : i32 to vector<16xi32>
    %mul3A_5 = arith.muli %iota3A, %mul3A_4 : vector<16xi32>
    %iota3A_6 = tpu.iota {dimensions = array<i32: 0>} : vector<16xi32>
    %add3A_7 = arith.constant 0 : i32
    %add3A_8 = vector.broadcast %add3A_7 : i32 to vector<16xi32>
    %add3A_9 = arith.addi %iota3A_6, %add3A_8 : vector<16xi32>
    %and3A = arith.constant 15 : i32
    %and3A_10 = vector.broadcast %and3A : i32 to vector<16xi32>
    %and3A_11 = arith.andi %add3A_9, %and3A_10 : vector<16xi32>
    %add3A_12 = arith.constant 1 : i32
    %add3A_13 = vector.broadcast %add3A_12 : i32 to vector<16xi32>
    %add3A_14 = arith.addi %iota3A_6, %add3A_13 : vector<16xi32>
    %and3A_15 = arith.constant 15 : i32
    %and3A_16 = vector.broadcast %and3A_15 : i32 to vector<16xi32>
    %and3A_17 = arith.andi %add3A_14, %and3A_16 : vector<16xi32>
    %add3A_18 = arith.constant 2 : i32
    %add3A_19 = vector.broadcast %add3A_18 : i32 to vector<16xi32>
    %add3A_20 = arith.addi %iota3A_6, %add3A_19 : vector<16xi32>
    %and3A_21 = arith.constant 15 : i32
    %and3A_22 = vector.broadcast %and3A_21 : i32 to vector<16xi32>
    %and3A_23 = arith.andi %add3A_20, %and3A_22 : vector<16xi32>
    %add3A_24 = arith.constant 3 : i32
    %add3A_25 = vector.broadcast %add3A_24 : i32 to vector<16xi32>
    %add3A_26 = arith.addi %iota3A_6, %add3A_25 : vector<16xi32>
    %and3A_27 = arith.constant 15 : i32
    %and3A_28 = vector.broadcast %and3A_27 : i32 to vector<16xi32>
    %and3A_29 = arith.andi %add3A_26, %and3A_28 : vector<16xi32>
    %add3A_30 = arith.constant 4 : i32
    %add3A_31 = vector.broadcast %add3A_30 : i32 to vector<16xi32>
    %add3A_32 = arith.addi %iota3A_6, %add3A_31 : vector<16xi32>
    %and3A_33 = arith.constant 15 : i32
    %and3A_34 = vector.broadcast %and3A_33 : i32 to vector<16xi32>
    %and3A_35 = arith.andi %add3A_32, %and3A_34 : vector<16xi32>
    %add3A_36 = arith.constant 5 : i32
    %add3A_37 = vector.broadcast %add3A_36 : i32 to vector<16xi32>
    %add3A_38 = arith.addi %iota3A_6, %add3A_37 : vector<16xi32>
    %and3A_39 = arith.constant 15 : i32
    %and3A_40 = vector.broadcast %and3A_39 : i32 to vector<16xi32>
    %and3A_41 = arith.andi %add3A_38, %and3A_40 : vector<16xi32>
    %add3A_42 = arith.constant 6 : i32
    %add3A_43 = vector.broadcast %add3A_42 : i32 to vector<16xi32>
    %add3A_44 = arith.addi %iota3A_6, %add3A_43 : vector<16xi32>
    %and3A_45 = arith.constant 15 : i32
    %and3A_46 = vector.broadcast %and3A_45 : i32 to vector<16xi32>
    %and3A_47 = arith.andi %add3A_44, %and3A_46 : vector<16xi32>
    %add3A_48 = arith.constant 7 : i32
    %add3A_49 = vector.broadcast %add3A_48 : i32 to vector<16xi32>
    %add3A_50 = arith.addi %iota3A_6, %add3A_49 : vector<16xi32>
    %and3A_51 = arith.constant 15 : i32
    %and3A_52 = vector.broadcast %and3A_51 : i32 to vector<16xi32>
    %and3A_53 = arith.andi %add3A_50, %and3A_52 : vector<16xi32>
    %add3A_54 = arith.constant 8 : i32
    %add3A_55 = vector.broadcast %add3A_54 : i32 to vector<16xi32>
    %add3A_56 = arith.addi %iota3A_6, %add3A_55 : vector<16xi32>
    %and3A_57 = arith.constant 15 : i32
    %and3A_58 = vector.broadcast %and3A_57 : i32 to vector<16xi32>
    %and3A_59 = arith.andi %add3A_56, %and3A_58 : vector<16xi32>
    %add3A_60 = arith.constant 9 : i32
    %add3A_61 = vector.broadcast %add3A_60 : i32 to vector<16xi32>
    %add3A_62 = arith.addi %iota3A_6, %add3A_61 : vector<16xi32>
    %and3A_63 = arith.constant 15 : i32
    %and3A_64 = vector.broadcast %and3A_63 : i32 to vector<16xi32>
    %and3A_65 = arith.andi %add3A_62, %and3A_64 : vector<16xi32>
    %add3A_66 = arith.constant 10 : i32
    %add3A_67 = vector.broadcast %add3A_66 : i32 to vector<16xi32>
    %add3A_68 = arith.addi %iota3A_6, %add3A_67 : vector<16xi32>
    %and3A_69 = arith.constant 15 : i32
    %and3A_70 = vector.broadcast %and3A_69 : i32 to vector<16xi32>
    %and3A_71 = arith.andi %add3A_68, %and3A_70 : vector<16xi32>
    %add3A_72 = arith.constant 11 : i32
    %add3A_73 = vector.broadcast %add3A_72 : i32 to vector<16xi32>
    %add3A_74 = arith.addi %iota3A_6, %add3A_73 : vector<16xi32>
    %and3A_75 = arith.constant 15 : i32
    %and3A_76 = vector.broadcast %and3A_75 : i32 to vector<16xi32>
    %and3A_77 = arith.andi %add3A_74, %and3A_76 : vector<16xi32>
    %add3A_78 = arith.constant 12 : i32
    %add3A_79 = vector.broadcast %add3A_78 : i32 to vector<16xi32>
    %add3A_80 = arith.addi %iota3A_6, %add3A_79 : vector<16xi32>
    %and3A_81 = arith.constant 15 : i32
    %and3A_82 = vector.broadcast %and3A_81 : i32 to vector<16xi32>
    %and3A_83 = arith.andi %add3A_80, %and3A_82 : vector<16xi32>
    %add3A_84 = arith.constant 13 : i32
    %add3A_85 = vector.broadcast %add3A_84 : i32 to vector<16xi32>
    %add3A_86 = arith.addi %iota3A_6, %add3A_85 : vector<16xi32>
    %and3A_87 = arith.constant 15 : i32
    %and3A_88 = vector.broadcast %and3A_87 : i32 to vector<16xi32>
    %and3A_89 = arith.andi %add3A_86, %and3A_88 : vector<16xi32>
    %add3A_90 = arith.constant 14 : i32
    %add3A_91 = vector.broadcast %add3A_90 : i32 to vector<16xi32>
    %add3A_92 = arith.addi %iota3A_6, %add3A_91 : vector<16xi32>
    %and3A_93 = arith.constant 15 : i32
    %and3A_94 = vector.broadcast %and3A_93 : i32 to vector<16xi32>
    %and3A_95 = arith.andi %add3A_92, %and3A_94 : vector<16xi32>
    %add3A_96 = arith.constant 15 : i32
    %add3A_97 = vector.broadcast %add3A_96 : i32 to vector<16xi32>
    %add3A_98 = arith.addi %iota3A_6, %add3A_97 : vector<16xi32>
    %and3A_99 = arith.constant 15 : i32
    %and3A_100 = vector.broadcast %and3A_99 : i32 to vector<16xi32>
    %and3A_101 = arith.andi %add3A_98, %and3A_100 : vector<16xi32>
    %mul3A_102 = arith.constant 4096 : i32
    %mul3A_103 = arith.muli %mul3A_2, %mul3A_102 : i32
    "tpu.region"() ({
      %run_scoped3A = tpu.sem_alloc : memref<!tpu.dma_semaphore, #tpu.memory_space<semaphore_mem>>
      %dma_start3A_131 = tpu.memref_slice %arg2[%mul3A_103] : memref<13631488xf32, #tpu.memory_space<hbm>> -> memref<4096xf32, #tpu.memory_space<hbm>>
      %dma_start3A_132 = tpu.memref_slice %arg2[%mul3A_103] : memref<13631488xf32, #tpu.memory_space<hbm>> -> memref<4096xf32, #tpu.memory_space<hbm>>
      tpu.enqueue_dma source(%dma_start3A_132 : memref<4096xf32, #tpu.memory_space<hbm>>) target(%arg4 : memref<4096xf32, #tpu.memory_space<vmem>>) target_semaphore(%run_scoped3A : memref<!tpu.dma_semaphore, #tpu.memory_space<semaphore_mem>>)
      %dma_wait3A_133 = tpu.memref_slice %arg2[%mul3A_103] : memref<13631488xf32, #tpu.memory_space<hbm>> -> memref<4096xf32, #tpu.memory_space<hbm>>
      %dma_wait3A_134 = tpu.memref_slice %arg2[%mul3A_103] : memref<13631488xf32, #tpu.memory_space<hbm>> -> memref<4096xf32, #tpu.memory_space<hbm>>
      tpu.wait_dma2 semaphore(%run_scoped3A : memref<!tpu.dma_semaphore, #tpu.memory_space<semaphore_mem>>) src(%dma_wait3A_134 : memref<4096xf32, #tpu.memory_space<hbm>>) dst(%arg4 : memref<4096xf32, #tpu.memory_space<vmem>>)
      tpu.yield
    }) : () -> ()
    %add3A_104 = arith.constant 1 : i32
    %add3A_105 = arith.addi %mul3A_2, %add3A_104 : i32
    %mul3A_106 = arith.constant 4096 : i32
    %mul3A_107 = arith.muli %add3A_105, %mul3A_106 : i32
    %dma_start3A = tpu.memref_slice %arg2[%mul3A_107] : memref<13631488xf32, #tpu.memory_space<hbm>> -> memref<4096xf32, #tpu.memory_space<hbm>>
    %dma_start3A_108 = tpu.memref_slice %arg2[%mul3A_107] : memref<13631488xf32, #tpu.memory_space<hbm>> -> memref<4096xf32, #tpu.memory_space<hbm>>
    tpu.enqueue_dma source(%dma_start3A_108 : memref<4096xf32, #tpu.memory_space<hbm>>) target(%arg5 : memref<4096xf32, #tpu.memory_space<vmem>>) target_semaphore(%arg9 : memref<!tpu.dma_semaphore, #tpu.memory_space<semaphore_mem>>)
    %scan3A = arith.constant 0 : i32
    %scan3A_109 = arith.constant 0 : i32
    %scan3A_110 = arith.constant 52 : i32
    %scan3A_111 = arith.addi %scan3A_109, %scan3A_110 : i32
    %scan3A_112 = arith.constant 1 : i32
    scf.for %scan3A_131 = %scan3A_109 to %scan3A_111 step %scan3A_112  : i32 {
      %mul3A_132 = arith.constant 2 : i32
      %mul3A_133 = arith.muli %mul3A_132, %scan3A_131 : i32
      %gt3A = arith.constant 0 : i32
      %gt3A_134 = arith.cmpi sgt, %scan3A_131, %gt3A : i32
      %convert_element_type3A = arith.extui %gt3A_134 : i1 to i32
      %cond3A = arith.constant 0 : i32
      %cond3A_135 = arith.cmpi ne, %convert_element_type3A, %cond3A : i32
      scf.if %cond3A_135 {
        %dma_wait3A_263 = arith.constant 0 : i32
        %dma_wait3A_264 = tpu.memref_slice %arg2[%dma_wait3A_263] : memref<13631488xf32, #tpu.memory_space<hbm>> -> memref<4096xf32, #tpu.memory_space<hbm>>
        %dma_wait3A_265 = arith.constant 0 : i32
        %dma_wait3A_266 = tpu.memref_slice %arg2[%dma_wait3A_265] : memref<13631488xf32, #tpu.memory_space<hbm>> -> memref<4096xf32, #tpu.memory_space<hbm>>
        tpu.wait_dma2 semaphore(%arg8 : memref<!tpu.dma_semaphore, #tpu.memory_space<semaphore_mem>>) src(%dma_wait3A_266 : memref<4096xf32, #tpu.memory_space<hbm>>) dst(%arg4 : memref<4096xf32, #tpu.memory_space<vmem>>)
      } else {
      }
      %scan3A_136 = arith.constant 0 : i32
      %scan3A_137 = arith.constant 0 : i32
      %scan3A_138 = arith.constant 8 : i32
      %scan3A_139 = arith.addi %scan3A_137, %scan3A_138 : i32
      %scan3A_140 = arith.constant 1 : i32
      scf.for %scan3A_263 = %scan3A_137 to %scan3A_139 step %scan3A_140  : i32 {
        %mul3A_264 = arith.constant 512 : i32
        %mul3A_265 = arith.muli %mul3A_264, %scan3A_263 : i32
        %add3A_266 = arith.constant 0 : i32
        %add3A_267 = arith.addi %mul3A_265, %add3A_266 : i32
        %add3A_268 = vector.broadcast %add3A_267 : i32 to vector<16xi32>
        %add3A_269 = arith.addi %mul3A_5, %add3A_268 : vector<16xi32>
        %add3A_270 = arith.addi %add3A_269, %and3A_11 : vector<16xi32>
        %gather3A = tpu.vector_load_idx %arg4[%add3A_270] : memref<4096xf32, #tpu.memory_space<vmem>>[vector<16xi32>], vector<16xf32>,
        %add3A_271 = arith.addi %add3A_269, %and3A_17 : vector<16xi32>
        %gather3A_272 = tpu.vector_load_idx %arg4[%add3A_271] : memref<4096xf32, #tpu.memory_space<vmem>>[vector<16xi32>], vector<16xf32>,
        %add3A_273 = arith.addi %add3A_269, %and3A_23 : vector<16xi32>
        %gather3A_274 = tpu.vector_load_idx %arg4[%add3A_273] : memref<4096xf32, #tpu.memory_space<vmem>>[vector<16xi32>], vector<16xf32>,
        %add3A_275 = arith.addi %add3A_269, %and3A_29 : vector<16xi32>
        %gather3A_276 = tpu.vector_load_idx %arg4[%add3A_275] : memref<4096xf32, #tpu.memory_space<vmem>>[vector<16xi32>], vector<16xf32>,
        %add3A_277 = arith.addi %add3A_269, %and3A_35 : vector<16xi32>
        %gather3A_278 = tpu.vector_load_idx %arg4[%add3A_277] : memref<4096xf32, #tpu.memory_space<vmem>>[vector<16xi32>], vector<16xf32>,
        %add3A_279 = arith.addi %add3A_269, %and3A_41 : vector<16xi32>
        %gather3A_280 = tpu.vector_load_idx %arg4[%add3A_279] : memref<4096xf32, #tpu.memory_space<vmem>>[vector<16xi32>], vector<16xf32>,
        %add3A_281 = arith.addi %add3A_269, %and3A_47 : vector<16xi32>
        %gather3A_282 = tpu.vector_load_idx %arg4[%add3A_281] : memref<4096xf32, #tpu.memory_space<vmem>>[vector<16xi32>], vector<16xf32>,
        %add3A_283 = arith.addi %add3A_269, %and3A_53 : vector<16xi32>
        %gather3A_284 = tpu.vector_load_idx %arg4[%add3A_283] : memref<4096xf32, #tpu.memory_space<vmem>>[vector<16xi32>], vector<16xf32>,
        %add3A_285 = arith.constant 0 : i32
        %add3A_286 = vector.broadcast %add3A_285 : i32 to vector<16xi32>
        %add3A_287 = arith.addi %add3A_286, %and3A_11 : vector<16xi32>
        %mul3A_288 = arith.constant 16 : i32
        %mul3A_289 = arith.muli %mul3A_288, %scan3A_263 : i32
        %add3A_290 = vector.broadcast %mul3A_289 : i32 to vector<16xi32>
        %add3A_291 = arith.addi %add3A_290, %iota3A_6 : vector<16xi32>
        tpu.vector_store_idx %arg6[%add3A_287, %add3A_291], %gather3A : memref<32x128xf32, #tpu.memory_space<vmem>>[vector<16xi32>, vector<16xi32>], vector<16xf32>,
        %add3A_292 = arith.constant 0 : i32
        %add3A_293 = vector.broadcast %add3A_292 : i32 to vector<16xi32>
        %add3A_294 = arith.addi %add3A_293, %and3A_17 : vector<16xi32>
        %mul3A_295 = arith.constant 16 : i32
        %mul3A_296 = arith.muli %mul3A_295, %scan3A_263 : i32
        %add3A_297 = vector.broadcast %mul3A_296 : i32 to vector<16xi32>
        %add3A_298 = arith.addi %add3A_297, %iota3A_6 : vector<16xi32>
        tpu.vector_store_idx %arg6[%add3A_294, %add3A_298], %gather3A_272 : memref<32x128xf32, #tpu.memory_space<vmem>>[vector<16xi32>, vector<16xi32>], vector<16xf32>,
        %add3A_299 = arith.constant 0 : i32
        %add3A_300 = vector.broadcast %add3A_299 : i32 to vector<16xi32>
        %add3A_301 = arith.addi %add3A_300, %and3A_23 : vector<16xi32>
        %mul3A_302 = arith.constant 16 : i32
        %mul3A_303 = arith.muli %mul3A_302, %scan3A_263 : i32
        %add3A_304 = vector.broadcast %mul3A_303 : i32 to vector<16xi32>
        %add3A_305 = arith.addi %add3A_304, %iota3A_6 : vector<16xi32>
        tpu.vector_store_idx %arg6[%add3A_301, %add3A_305], %gather3A_274 : memref<32x128xf32, #tpu.memory_space<vmem>>[vector<16xi32>, vector<16xi32>], vector<16xf32>,
        %add3A_306 = arith.constant 0 : i32
        %add3A_307 = vector.broadcast %add3A_306 : i32 to vector<16xi32>
        %add3A_308 = arith.addi %add3A_307, %and3A_29 : vector<16xi32>
        %mul3A_309 = arith.constant 16 : i32
        %mul3A_310 = arith.muli %mul3A_309, %scan3A_263 : i32
        %add3A_311 = vector.broadcast %mul3A_310 : i32 to vector<16xi32>
        %add3A_312 = arith.addi %add3A_311, %iota3A_6 : vector<16xi32>
        tpu.vector_store_idx %arg6[%add3A_308, %add3A_312], %gather3A_276 : memref<32x128xf32, #tpu.memory_space<vmem>>[vector<16xi32>, vector<16xi32>], vector<16xf32>,
        %add3A_313 = arith.constant 0 : i32
        %add3A_314 = vector.broadcast %add3A_313 : i32 to vector<16xi32>
        %add3A_315 = arith.addi %add3A_314, %and3A_35 : vector<16xi32>
        %mul3A_316 = arith.constant 16 : i32
        %mul3A_317 = arith.muli %mul3A_316, %scan3A_263 : i32
        %add3A_318 = vector.broadcast %mul3A_317 : i32 to vector<16xi32>
        %add3A_319 = arith.addi %add3A_318, %iota3A_6 : vector<16xi32>
        tpu.vector_store_idx %arg6[%add3A_315, %add3A_319], %gather3A_278 : memref<32x128xf32, #tpu.memory_space<vmem>>[vector<16xi32>, vector<16xi32>], vector<16xf32>,
        %add3A_320 = arith.constant 0 : i32
        %add3A_321 = vector.broadcast %add3A_320 : i32 to vector<16xi32>
        %add3A_322 = arith.addi %add3A_321, %and3A_41 : vector<16xi32>
        %mul3A_323 = arith.constant 16 : i32
        %mul3A_324 = arith.muli %mul3A_323, %scan3A_263 : i32
        %add3A_325 = vector.broadcast %mul3A_324 : i32 to vector<16xi32>
        %add3A_326 = arith.addi %add3A_325, %iota3A_6 : vector<16xi32>
        tpu.vector_store_idx %arg6[%add3A_322, %add3A_326], %gather3A_280 : memref<32x128xf32, #tpu.memory_space<vmem>>[vector<16xi32>, vector<16xi32>], vector<16xf32>,
        %add3A_327 = arith.constant 0 : i32
        %add3A_328 = vector.broadcast %add3A_327 : i32 to vector<16xi32>
        %add3A_329 = arith.addi %add3A_328, %and3A_47 : vector<16xi32>
        %mul3A_330 = arith.constant 16 : i32
        %mul3A_331 = arith.muli %mul3A_330, %scan3A_263 : i32
        %add3A_332 = vector.broadcast %mul3A_331 : i32 to vector<16xi32>
        %add3A_333 = arith.addi %add3A_332, %iota3A_6 : vector<16xi32>
        tpu.vector_store_idx %arg6[%add3A_329, %add3A_333], %gather3A_282 : memref<32x128xf32, #tpu.memory_space<vmem>>[vector<16xi32>, vector<16xi32>], vector<16xf32>,
        %add3A_334 = arith.constant 0 : i32
        %add3A_335 = vector.broadcast %add3A_334 : i32 to vector<16xi32>
        %add3A_336 = arith.addi %add3A_335, %and3A_53 : vector<16xi32>
        %mul3A_337 = arith.constant 16 : i32
        %mul3A_338 = arith.muli %mul3A_337, %scan3A_263 : i32
        %add3A_339 = vector.broadcast %mul3A_338 : i32 to vector<16xi32>
        %add3A_340 = arith.addi %add3A_339, %iota3A_6 : vector<16xi32>
        tpu.vector_store_idx %arg6[%add3A_336, %add3A_340], %gather3A_284 : memref<32x128xf32, #tpu.memory_space<vmem>>[vector<16xi32>, vector<16xi32>], vector<16xf32>,
        %add3A_341 = arith.addi %add3A_269, %and3A_59 : vector<16xi32>
        %gather3A_342 = tpu.vector_load_idx %arg4[%add3A_341] : memref<4096xf32, #tpu.memory_space<vmem>>[vector<16xi32>], vector<16xf32>,
        %add3A_343 = arith.addi %add3A_269, %and3A_65 : vector<16xi32>
        %gather3A_344 = tpu.vector_load_idx %arg4[%add3A_343] : memref<4096xf32, #tpu.memory_space<vmem>>[vector<16xi32>], vector<16xf32>,
        %add3A_345 = arith.addi %add3A_269, %and3A_71 : vector<16xi32>
        %gather3A_346 = tpu.vector_load_idx %arg4[%add3A_345] : memref<4096xf32, #tpu.memory_space<vmem>>[vector<16xi32>], vector<16xf32>,
        %add3A_347 = arith.addi %add3A_269, %and3A_77 : vector<16xi32>
        %gather3A_348 = tpu.vector_load_idx %arg4[%add3A_347] : memref<4096xf32, #tpu.memory_space<vmem>>[vector<16xi32>], vector<16xf32>,
        %add3A_349 = arith.addi %add3A_269, %and3A_83 : vector<16xi32>
        %gather3A_350 = tpu.vector_load_idx %arg4[%add3A_349] : memref<4096xf32, #tpu.memory_space<vmem>>[vector<16xi32>], vector<16xf32>,
        %add3A_351 = arith.addi %add3A_269, %and3A_89 : vector<16xi32>
        %gather3A_352 = tpu.vector_load_idx %arg4[%add3A_351] : memref<4096xf32, #tpu.memory_space<vmem>>[vector<16xi32>], vector<16xf32>,
        %add3A_353 = arith.addi %add3A_269, %and3A_95 : vector<16xi32>
        %gather3A_354 = tpu.vector_load_idx %arg4[%add3A_353] : memref<4096xf32, #tpu.memory_space<vmem>>[vector<16xi32>], vector<16xf32>,
        %add3A_355 = arith.addi %add3A_269, %and3A_101 : vector<16xi32>
        %gather3A_356 = tpu.vector_load_idx %arg4[%add3A_355] : memref<4096xf32, #tpu.memory_space<vmem>>[vector<16xi32>], vector<16xf32>,
        %add3A_357 = arith.constant 0 : i32
        %add3A_358 = vector.broadcast %add3A_357 : i32 to vector<16xi32>
        %add3A_359 = arith.addi %add3A_358, %and3A_59 : vector<16xi32>
        %mul3A_360 = arith.constant 16 : i32
        %mul3A_361 = arith.muli %mul3A_360, %scan3A_263 : i32
        %add3A_362 = vector.broadcast %mul3A_361 : i32 to vector<16xi32>
        %add3A_363 = arith.addi %add3A_362, %iota3A_6 : vector<16xi32>
        tpu.vector_store_idx %arg6[%add3A_359, %add3A_363], %gather3A_342 : memref<32x128xf32, #tpu.memory_space<vmem>>[vector<16xi32>, vector<16xi32>], vector<16xf32>,
        %add3A_364 = arith.constant 0 : i32
        %add3A_365 = vector.broadcast %add3A_364 : i32 to vector<16xi32>
        %add3A_366 = arith.addi %add3A_365, %and3A_65 : vector<16xi32>
        %mul3A_367 = arith.constant 16 : i32
        %mul3A_368 = arith.muli %mul3A_367, %scan3A_263 : i32
        %add3A_369 = vector.broadcast %mul3A_368 : i32 to vector<16xi32>
        %add3A_370 = arith.addi %add3A_369, %iota3A_6 : vector<16xi32>
        tpu.vector_store_idx %arg6[%add3A_366, %add3A_370], %gather3A_344 : memref<32x128xf32, #tpu.memory_space<vmem>>[vector<16xi32>, vector<16xi32>], vector<16xf32>,
        %add3A_371 = arith.constant 0 : i32
        %add3A_372 = vector.broadcast %add3A_371 : i32 to vector<16xi32>
        %add3A_373 = arith.addi %add3A_372, %and3A_71 : vector<16xi32>
        %mul3A_374 = arith.constant 16 : i32
        %mul3A_375 = arith.muli %mul3A_374, %scan3A_263 : i32
        %add3A_376 = vector.broadcast %mul3A_375 : i32 to vector<16xi32>
        %add3A_377 = arith.addi %add3A_376, %iota3A_6 : vector<16xi32>
        tpu.vector_store_idx %arg6[%add3A_373, %add3A_377], %gather3A_346 : memref<32x128xf32, #tpu.memory_space<vmem>>[vector<16xi32>, vector<16xi32>], vector<16xf32>,
        %add3A_378 = arith.constant 0 : i32
        %add3A_379 = vector.broadcast %add3A_378 : i32 to vector<16xi32>
        %add3A_380 = arith.addi %add3A_379, %and3A_77 : vector<16xi32>
        %mul3A_381 = arith.constant 16 : i32
        %mul3A_382 = arith.muli %mul3A_381, %scan3A_263 : i32
        %add3A_383 = vector.broadcast %mul3A_382 : i32 to vector<16xi32>
        %add3A_384 = arith.addi %add3A_383, %iota3A_6 : vector<16xi32>
        tpu.vector_store_idx %arg6[%add3A_380, %add3A_384], %gather3A_348 : memref<32x128xf32, #tpu.memory_space<vmem>>[vector<16xi32>, vector<16xi32>], vector<16xf32>,
        %add3A_385 = arith.constant 0 : i32
        %add3A_386 = vector.broadcast %add3A_385 : i32 to vector<16xi32>
        %add3A_387 = arith.addi %add3A_386, %and3A_83 : vector<16xi32>
        %mul3A_388 = arith.constant 16 : i32
        %mul3A_389 = arith.muli %mul3A_388, %scan3A_263 : i32
        %add3A_390 = vector.broadcast %mul3A_389 : i32 to vector<16xi32>
        %add3A_391 = arith.addi %add3A_390, %iota3A_6 : vector<16xi32>
        tpu.vector_store_idx %arg6[%add3A_387, %add3A_391], %gather3A_350 : memref<32x128xf32, #tpu.memory_space<vmem>>[vector<16xi32>, vector<16xi32>], vector<16xf32>,
        %add3A_392 = arith.constant 0 : i32
        %add3A_393 = vector.broadcast %add3A_392 : i32 to vector<16xi32>
        %add3A_394 = arith.addi %add3A_393, %and3A_89 : vector<16xi32>
        %mul3A_395 = arith.constant 16 : i32
        %mul3A_396 = arith.muli %mul3A_395, %scan3A_263 : i32
        %add3A_397 = vector.broadcast %mul3A_396 : i32 to vector<16xi32>
        %add3A_398 = arith.addi %add3A_397, %iota3A_6 : vector<16xi32>
        tpu.vector_store_idx %arg6[%add3A_394, %add3A_398], %gather3A_352 : memref<32x128xf32, #tpu.memory_space<vmem>>[vector<16xi32>, vector<16xi32>], vector<16xf32>,
        %add3A_399 = arith.constant 0 : i32
        %add3A_400 = vector.broadcast %add3A_399 : i32 to vector<16xi32>
        %add3A_401 = arith.addi %add3A_400, %and3A_95 : vector<16xi32>
        %mul3A_402 = arith.constant 16 : i32
        %mul3A_403 = arith.muli %mul3A_402, %scan3A_263 : i32
        %add3A_404 = vector.broadcast %mul3A_403 : i32 to vector<16xi32>
        %add3A_405 = arith.addi %add3A_404, %iota3A_6 : vector<16xi32>
        tpu.vector_store_idx %arg6[%add3A_401, %add3A_405], %gather3A_354 : memref<32x128xf32, #tpu.memory_space<vmem>>[vector<16xi32>, vector<16xi32>], vector<16xf32>,
        %add3A_406 = arith.constant 0 : i32
        %add3A_407 = vector.broadcast %add3A_406 : i32 to vector<16xi32>
        %add3A_408 = arith.addi %add3A_407, %and3A_101 : vector<16xi32>
        %mul3A_409 = arith.constant 16 : i32
        %mul3A_410 = arith.muli %mul3A_409, %scan3A_263 : i32
        %add3A_411 = vector.broadcast %mul3A_410 : i32 to vector<16xi32>
        %add3A_412 = arith.addi %add3A_411, %iota3A_6 : vector<16xi32>
        tpu.vector_store_idx %arg6[%add3A_408, %add3A_412], %gather3A_356 : memref<32x128xf32, #tpu.memory_space<vmem>>[vector<16xi32>, vector<16xi32>], vector<16xf32>,
        %mul3A_413 = arith.constant 512 : i32
        %mul3A_414 = arith.muli %mul3A_413, %scan3A_263 : i32
        %add3A_415 = arith.constant 16 : i32
        %add3A_416 = arith.addi %mul3A_414, %add3A_415 : i32
        %add3A_417 = vector.broadcast %add3A_416 : i32 to vector<16xi32>
        %add3A_418 = arith.addi %mul3A_5, %add3A_417 : vector<16xi32>
        %add3A_419 = arith.addi %add3A_418, %and3A_11 : vector<16xi32>
        %gather3A_420 = tpu.vector_load_idx %arg4[%add3A_419] : memref<4096xf32, #tpu.memory_space<vmem>>[vector<16xi32>], vector<16xf32>,
        %add3A_421 = arith.addi %add3A_418, %and3A_17 : vector<16xi32>
        %gather3A_422 = tpu.vector_load_idx %arg4[%add3A_421] : memref<4096xf32, #tpu.memory_space<vmem>>[vector<16xi32>], vector<16xf32>,
        %add3A_423 = arith.addi %add3A_418, %and3A_23 : vector<16xi32>
        %gather3A_424 = tpu.vector_load_idx %arg4[%add3A_423] : memref<4096xf32, #tpu.memory_space<vmem>>[vector<16xi32>], vector<16xf32>,
        %add3A_425 = arith.addi %add3A_418, %and3A_29 : vector<16xi32>
        %gather3A_426 = tpu.vector_load_idx %arg4[%add3A_425] : memref<4096xf32, #tpu.memory_space<vmem>>[vector<16xi32>], vector<16xf32>,
        %add3A_427 = arith.addi %add3A_418, %and3A_35 : vector<16xi32>
        %gather3A_428 = tpu.vector_load_idx %arg4[%add3A_427] : memref<4096xf32, #tpu.memory_space<vmem>>[vector<16xi32>], vector<16xf32>,
        %add3A_429 = arith.addi %add3A_418, %and3A_41 : vector<16xi32>
        %gather3A_430 = tpu.vector_load_idx %arg4[%add3A_429] : memref<4096xf32, #tpu.memory_space<vmem>>[vector<16xi32>], vector<16xf32>,
        %add3A_431 = arith.addi %add3A_418, %and3A_47 : vector<16xi32>
        %gather3A_432 = tpu.vector_load_idx %arg4[%add3A_431] : memref<4096xf32, #tpu.memory_space<vmem>>[vector<16xi32>], vector<16xf32>,
        %add3A_433 = arith.addi %add3A_418, %and3A_53 : vector<16xi32>
        %gather3A_434 = tpu.vector_load_idx %arg4[%add3A_433] : memref<4096xf32, #tpu.memory_space<vmem>>[vector<16xi32>], vector<16xf32>,
        %add3A_435 = arith.constant 16 : i32
        %add3A_436 = vector.broadcast %add3A_435 : i32 to vector<16xi32>
        %add3A_437 = arith.addi %add3A_436, %and3A_11 : vector<16xi32>
        %mul3A_438 = arith.constant 16 : i32
        %mul3A_439 = arith.muli %mul3A_438, %scan3A_263 : i32
        %add3A_440 = vector.broadcast %mul3A_439 : i32 to vector<16xi32>
        %add3A_441 = arith.addi %add3A_440, %iota3A_6 : vector<16xi32>
        tpu.vector_store_idx %arg6[%add3A_437, %add3A_441], %gather3A_420 : memref<32x128xf32, #tpu.memory_space<vmem>>[vector<16xi32>, vector<16xi32>], vector<16xf32>,
        %add3A_442 = arith.constant 16 : i32
        %add3A_443 = vector.broadcast %add3A_442 : i32 to vector<16xi32>
        %add3A_444 = arith.addi %add3A_443, %and3A_17 : vector<16xi32>
        %mul3A_445 = arith.constant 16 : i32
        %mul3A_446 = arith.muli %mul3A_445, %scan3A_263 : i32
        %add3A_447 = vector.broadcast %mul3A_446 : i32 to vector<16xi32>
        %add3A_448 = arith.addi %add3A_447, %iota3A_6 : vector<16xi32>
        tpu.vector_store_idx %arg6[%add3A_444, %add3A_448], %gather3A_422 : memref<32x128xf32, #tpu.memory_space<vmem>>[vector<16xi32>, vector<16xi32>], vector<16xf32>,
        %add3A_449 = arith.constant 16 : i32
        %add3A_450 = vector.broadcast %add3A_449 : i32 to vector<16xi32>
        %add3A_451 = arith.addi %add3A_450, %and3A_23 : vector<16xi32>
        %mul3A_452 = arith.constant 16 : i32
        %mul3A_453 = arith.muli %mul3A_452, %scan3A_263 : i32
        %add3A_454 = vector.broadcast %mul3A_453 : i32 to vector<16xi32>
        %add3A_455 = arith.addi %add3A_454, %iota3A_6 : vector<16xi32>
        tpu.vector_store_idx %arg6[%add3A_451, %add3A_455], %gather3A_424 : memref<32x128xf32, #tpu.memory_space<vmem>>[vector<16xi32>, vector<16xi32>], vector<16xf32>,
        %add3A_456 = arith.constant 16 : i32
        %add3A_457 = vector.broadcast %add3A_456 : i32 to vector<16xi32>
        %add3A_458 = arith.addi %add3A_457, %and3A_29 : vector<16xi32>
        %mul3A_459 = arith.constant 16 : i32
        %mul3A_460 = arith.muli %mul3A_459, %scan3A_263 : i32
        %add3A_461 = vector.broadcast %mul3A_460 : i32 to vector<16xi32>
        %add3A_462 = arith.addi %add3A_461, %iota3A_6 : vector<16xi32>
        tpu.vector_store_idx %arg6[%add3A_458, %add3A_462], %gather3A_426 : memref<32x128xf32, #tpu.memory_space<vmem>>[vector<16xi32>, vector<16xi32>], vector<16xf32>,
        %add3A_463 = arith.constant 16 : i32
        %add3A_464 = vector.broadcast %add3A_463 : i32 to vector<16xi32>
        %add3A_465 = arith.addi %add3A_464, %and3A_35 : vector<16xi32>
        %mul3A_466 = arith.constant 16 : i32
        %mul3A_467 = arith.muli %mul3A_466, %scan3A_263 : i32
        %add3A_468 = vector.broadcast %mul3A_467 : i32 to vector<16xi32>
        %add3A_469 = arith.addi %add3A_468, %iota3A_6 : vector<16xi32>
        tpu.vector_store_idx %arg6[%add3A_465, %add3A_469], %gather3A_428 : memref<32x128xf32, #tpu.memory_space<vmem>>[vector<16xi32>, vector<16xi32>], vector<16xf32>,
        %add3A_470 = arith.constant 16 : i32
        %add3A_471 = vector.broadcast %add3A_470 : i32 to vector<16xi32>
        %add3A_472 = arith.addi %add3A_471, %and3A_41 : vector<16xi32>
        %mul3A_473 = arith.constant 16 : i32
        %mul3A_474 = arith.muli %mul3A_473, %scan3A_263 : i32
        %add3A_475 = vector.broadcast %mul3A_474 : i32 to vector<16xi32>
        %add3A_476 = arith.addi %add3A_475, %iota3A_6 : vector<16xi32>
        tpu.vector_store_idx %arg6[%add3A_472, %add3A_476], %gather3A_430 : memref<32x128xf32, #tpu.memory_space<vmem>>[vector<16xi32>, vector<16xi32>], vector<16xf32>,
        %add3A_477 = arith.constant 16 : i32
        %add3A_478 = vector.broadcast %add3A_477 : i32 to vector<16xi32>
        %add3A_479 = arith.addi %add3A_478, %and3A_47 : vector<16xi32>
        %mul3A_480 = arith.constant 16 : i32
        %mul3A_481 = arith.muli %mul3A_480, %scan3A_263 : i32
        %add3A_482 = vector.broadcast %mul3A_481 : i32 to vector<16xi32>
        %add3A_483 = arith.addi %add3A_482, %iota3A_6 : vector<16xi32>
        tpu.vector_store_idx %arg6[%add3A_479, %add3A_483], %gather3A_432 : memref<32x128xf32, #tpu.memory_space<vmem>>[vector<16xi32>, vector<16xi32>], vector<16xf32>,
        %add3A_484 = arith.constant 16 : i32
        %add3A_485 = vector.broadcast %add3A_484 : i32 to vector<16xi32>
        %add3A_486 = arith.addi %add3A_485, %and3A_53 : vector<16xi32>
        %mul3A_487 = arith.constant 16 : i32
        %mul3A_488 = arith.muli %mul3A_487, %scan3A_263 : i32
        %add3A_489 = vector.broadcast %mul3A_488 : i32 to vector<16xi32>
        %add3A_490 = arith.addi %add3A_489, %iota3A_6 : vector<16xi32>
        tpu.vector_store_idx %arg6[%add3A_486, %add3A_490], %gather3A_434 : memref<32x128xf32, #tpu.memory_space<vmem>>[vector<16xi32>, vector<16xi32>], vector<16xf32>,
        %add3A_491 = arith.addi %add3A_418, %and3A_59 : vector<16xi32>
        %gather3A_492 = tpu.vector_load_idx %arg4[%add3A_491] : memref<4096xf32, #tpu.memory_space<vmem>>[vector<16xi32>], vector<16xf32>,
        %add3A_493 = arith.addi %add3A_418, %and3A_65 : vector<16xi32>
        %gather3A_494 = tpu.vector_load_idx %arg4[%add3A_493] : memref<4096xf32, #tpu.memory_space<vmem>>[vector<16xi32>], vector<16xf32>,
        %add3A_495 = arith.addi %add3A_418, %and3A_71 : vector<16xi32>
        %gather3A_496 = tpu.vector_load_idx %arg4[%add3A_495] : memref<4096xf32, #tpu.memory_space<vmem>>[vector<16xi32>], vector<16xf32>,
        %add3A_497 = arith.addi %add3A_418, %and3A_77 : vector<16xi32>
        %gather3A_498 = tpu.vector_load_idx %arg4[%add3A_497] : memref<4096xf32, #tpu.memory_space<vmem>>[vector<16xi32>], vector<16xf32>,
        %add3A_499 = arith.addi %add3A_418, %and3A_83 : vector<16xi32>
        %gather3A_500 = tpu.vector_load_idx %arg4[%add3A_499] : memref<4096xf32, #tpu.memory_space<vmem>>[vector<16xi32>], vector<16xf32>,
        %add3A_501 = arith.addi %add3A_418, %and3A_89 : vector<16xi32>
        %gather3A_502 = tpu.vector_load_idx %arg4[%add3A_501] : memref<4096xf32, #tpu.memory_space<vmem>>[vector<16xi32>], vector<16xf32>,
        %add3A_503 = arith.addi %add3A_418, %and3A_95 : vector<16xi32>
        %gather3A_504 = tpu.vector_load_idx %arg4[%add3A_503] : memref<4096xf32, #tpu.memory_space<vmem>>[vector<16xi32>], vector<16xf32>,
        %add3A_505 = arith.addi %add3A_418, %and3A_101 : vector<16xi32>
        %gather3A_506 = tpu.vector_load_idx %arg4[%add3A_505] : memref<4096xf32, #tpu.memory_space<vmem>>[vector<16xi32>], vector<16xf32>,
        %add3A_507 = arith.constant 16 : i32
        %add3A_508 = vector.broadcast %add3A_507 : i32 to vector<16xi32>
        %add3A_509 = arith.addi %add3A_508, %and3A_59 : vector<16xi32>
        %mul3A_510 = arith.constant 16 : i32
        %mul3A_511 = arith.muli %mul3A_510, %scan3A_263 : i32
        %add3A_512 = vector.broadcast %mul3A_511 : i32 to vector<16xi32>
        %add3A_513 = arith.addi %add3A_512, %iota3A_6 : vector<16xi32>
        tpu.vector_store_idx %arg6[%add3A_509, %add3A_513], %gather3A_492 : memref<32x128xf32, #tpu.memory_space<vmem>>[vector<16xi32>, vector<16xi32>], vector<16xf32>,
        %add3A_514 = arith.constant 16 : i32
        %add3A_515 = vector.broadcast %add3A_514 : i32 to vector<16xi32>
        %add3A_516 = arith.addi %add3A_515, %and3A_65 : vector<16xi32>
        %mul3A_517 = arith.constant 16 : i32
        %mul3A_518 = arith.muli %mul3A_517, %scan3A_263 : i32
        %add3A_519 = vector.broadcast %mul3A_518 : i32 to vector<16xi32>
        %add3A_520 = arith.addi %add3A_519, %iota3A_6 : vector<16xi32>
        tpu.vector_store_idx %arg6[%add3A_516, %add3A_520], %gather3A_494 : memref<32x128xf32, #tpu.memory_space<vmem>>[vector<16xi32>, vector<16xi32>], vector<16xf32>,
        %add3A_521 = arith.constant 16 : i32
        %add3A_522 = vector.broadcast %add3A_521 : i32 to vector<16xi32>
        %add3A_523 = arith.addi %add3A_522, %and3A_71 : vector<16xi32>
        %mul3A_524 = arith.constant 16 : i32
        %mul3A_525 = arith.muli %mul3A_524, %scan3A_263 : i32
        %add3A_526 = vector.broadcast %mul3A_525 : i32 to vector<16xi32>
        %add3A_527 = arith.addi %add3A_526, %iota3A_6 : vector<16xi32>
        tpu.vector_store_idx %arg6[%add3A_523, %add3A_527], %gather3A_496 : memref<32x128xf32, #tpu.memory_space<vmem>>[vector<16xi32>, vector<16xi32>], vector<16xf32>,
        %add3A_528 = arith.constant 16 : i32
        %add3A_529 = vector.broadcast %add3A_528 : i32 to vector<16xi32>
        %add3A_530 = arith.addi %add3A_529, %and3A_77 : vector<16xi32>
        %mul3A_531 = arith.constant 16 : i32
        %mul3A_532 = arith.muli %mul3A_531, %scan3A_263 : i32
        %add3A_533 = vector.broadcast %mul3A_532 : i32 to vector<16xi32>
        %add3A_534 = arith.addi %add3A_533, %iota3A_6 : vector<16xi32>
        tpu.vector_store_idx %arg6[%add3A_530, %add3A_534], %gather3A_498 : memref<32x128xf32, #tpu.memory_space<vmem>>[vector<16xi32>, vector<16xi32>], vector<16xf32>,
        %add3A_535 = arith.constant 16 : i32
        %add3A_536 = vector.broadcast %add3A_535 : i32 to vector<16xi32>
        %add3A_537 = arith.addi %add3A_536, %and3A_83 : vector<16xi32>
        %mul3A_538 = arith.constant 16 : i32
        %mul3A_539 = arith.muli %mul3A_538, %scan3A_263 : i32
        %add3A_540 = vector.broadcast %mul3A_539 : i32 to vector<16xi32>
        %add3A_541 = arith.addi %add3A_540, %iota3A_6 : vector<16xi32>
        tpu.vector_store_idx %arg6[%add3A_537, %add3A_541], %gather3A_500 : memref<32x128xf32, #tpu.memory_space<vmem>>[vector<16xi32>, vector<16xi32>], vector<16xf32>,
        %add3A_542 = arith.constant 16 : i32
        %add3A_543 = vector.broadcast %add3A_542 : i32 to vector<16xi32>
        %add3A_544 = arith.addi %add3A_543, %and3A_89 : vector<16xi32>
        %mul3A_545 = arith.constant 16 : i32
        %mul3A_546 = arith.muli %mul3A_545, %scan3A_263 : i32
        %add3A_547 = vector.broadcast %mul3A_546 : i32 to vector<16xi32>
        %add3A_548 = arith.addi %add3A_547, %iota3A_6 : vector<16xi32>
        tpu.vector_store_idx %arg6[%add3A_544, %add3A_548], %gather3A_502 : memref<32x128xf32, #tpu.memory_space<vmem>>[vector<16xi32>, vector<16xi32>], vector<16xf32>,
        %add3A_549 = arith.constant 16 : i32
        %add3A_550 = vector.broadcast %add3A_549 : i32 to vector<16xi32>
        %add3A_551 = arith.addi %add3A_550, %and3A_95 : vector<16xi32>
        %mul3A_552 = arith.constant 16 : i32
        %mul3A_553 = arith.muli %mul3A_552, %scan3A_263 : i32
        %add3A_554 = vector.broadcast %mul3A_553 : i32 to vector<16xi32>
        %add3A_555 = arith.addi %add3A_554, %iota3A_6 : vector<16xi32>
        tpu.vector_store_idx %arg6[%add3A_551, %add3A_555], %gather3A_504 : memref<32x128xf32, #tpu.memory_space<vmem>>[vector<16xi32>, vector<16xi32>], vector<16xf32>,
        %add3A_556 = arith.constant 16 : i32
        %add3A_557 = vector.broadcast %add3A_556 : i32 to vector<16xi32>
        %add3A_558 = arith.addi %add3A_557, %and3A_101 : vector<16xi32>
        %mul3A_559 = arith.constant 16 : i32
        %mul3A_560 = arith.muli %mul3A_559, %scan3A_263 : i32
        %add3A_561 = vector.broadcast %mul3A_560 : i32 to vector<16xi32>
        %add3A_562 = arith.addi %add3A_561, %iota3A_6 : vector<16xi32>
        tpu.vector_store_idx %arg6[%add3A_558, %add3A_562], %gather3A_506 : memref<32x128xf32, #tpu.memory_space<vmem>>[vector<16xi32>, vector<16xi32>], vector<16xf32>,
      }
      %scan3A_141 = arith.constant 8 : i32
      %lt3A = arith.constant 51 : i32
      %lt3A_142 = arith.cmpi slt, %scan3A_131, %lt3A : i32
      %convert_element_type3A_143 = arith.extui %lt3A_142 : i1 to i32
      %cond3A_144 = arith.constant 0 : i32
      %cond3A_145 = arith.cmpi ne, %convert_element_type3A_143, %cond3A_144 : i32
      scf.if %cond3A_145 {
        %add3A_263 = arith.constant 2 : i32
        %add3A_264 = arith.addi %mul3A_133, %add3A_263 : i32
        %add3A_265 = arith.addi %mul3A_2, %add3A_264 : i32
        %mul3A_266 = arith.constant 4096 : i32
        %mul3A_267 = arith.muli %add3A_265, %mul3A_266 : i32
        %dma_start3A_268 = tpu.memref_slice %arg2[%mul3A_267] : memref<13631488xf32, #tpu.memory_space<hbm>> -> memref<4096xf32, #tpu.memory_space<hbm>>
        %dma_start3A_269 = tpu.memref_slice %arg2[%mul3A_267] : memref<13631488xf32, #tpu.memory_space<hbm>> -> memref<4096xf32, #tpu.memory_space<hbm>>
        tpu.enqueue_dma source(%dma_start3A_269 : memref<4096xf32, #tpu.memory_space<hbm>>) target(%arg4 : memref<4096xf32, #tpu.memory_space<vmem>>) target_semaphore(%arg8 : memref<!tpu.dma_semaphore, #tpu.memory_space<semaphore_mem>>)
      } else {
      }
      %gt3A_146 = arith.constant 0 : i32
      %gt3A_147 = arith.cmpi sgt, %scan3A_131, %gt3A_146 : i32
      %convert_element_type3A_148 = arith.extui %gt3A_147 : i1 to i32
      %cond3A_149 = arith.constant 0 : i32
      %cond3A_150 = arith.cmpi ne, %convert_element_type3A_148, %cond3A_149 : i32
      scf.if %cond3A_150 {
        %dma_wait3A_263 = arith.constant 0 : i32
        %dma_wait3A_264 = arith.constant 0 : i32
        %dma_wait3A_265 = arith.constant 0 : i32
        %dma_wait3A_266 = tpu.memref_slice %arg3[%dma_wait3A_263, %dma_wait3A_264, %dma_wait3A_265] : memref<26x32x16384xf32, #tpu.memory_space<hbm>> -> memref<1x32x128xf32, #tpu.memory_space<hbm>>
        %dma_wait3A_267 = tpu.memref_squeeze %dma_wait3A_266 : memref<1x32x128xf32, #tpu.memory_space<hbm>> -> memref<32x128xf32, #tpu.memory_space<hbm>>
        %dma_wait3A_268 = arith.constant 0 : i32
        %dma_wait3A_269 = arith.constant 0 : i32
        %dma_wait3A_270 = tpu.memref_slice %arg3[%dma_wait3A_263, %dma_wait3A_268, %dma_wait3A_269] : memref<26x32x16384xf32, #tpu.memory_space<hbm>> -> memref<1x32x128xf32, #tpu.memory_space<hbm>>
        %dma_wait3A_271 = tpu.memref_squeeze %dma_wait3A_270 : memref<1x32x128xf32, #tpu.memory_space<hbm>> -> memref<32x128xf32, #tpu.memory_space<hbm>>
        tpu.wait_dma2 semaphore(%arg10 : memref<!tpu.dma_semaphore, #tpu.memory_space<semaphore_mem>>) src(%dma_wait3A_271 : memref<32x128xf32, #tpu.memory_space<hbm>>) dst(%arg6 : memref<32x128xf32, #tpu.memory_space<vmem>>)
      } else {
      }
      %add3A_151 = arith.addi %mul3A_2, %mul3A_133 : i32
      %jit3A = arith.constant 128 : i32
      %div3A = arith.divsi %add3A_151, %jit3A : i32
      %sign3A = arith.constant 0 : i32
      %sign3A_152 = arith.cmpi sgt, %add3A_151, %sign3A : i32
      %sign3A_153 = arith.extui %sign3A_152 : i1 to i32
      %sign3A_154 = arith.constant 0 : i32
      %sign3A_155 = arith.cmpi slt, %add3A_151, %sign3A_154 : i32
      %sign3A_156 = arith.extui %sign3A_155 : i1 to i32
      %sign3A_157 = arith.subi %sign3A_153, %sign3A_156 : i32
      %sign3A_158 = arith.constant 0 : i32
      %sign3A_159 = arith.cmpi sgt, %jit3A, %sign3A_158 : i32
      %sign3A_160 = arith.extui %sign3A_159 : i1 to i32
      %sign3A_161 = arith.constant 0 : i32
      %sign3A_162 = arith.cmpi slt, %jit3A, %sign3A_161 : i32
      %sign3A_163 = arith.extui %sign3A_162 : i1 to i32
      %sign3A_164 = arith.subi %sign3A_160, %sign3A_163 : i32
      %ne3A = arith.cmpi ne, %sign3A_157, %sign3A_164 : i32
      %rem3A = arith.remsi %add3A_151, %jit3A : i32
      %ne3A_165 = arith.constant 0 : i32
      %ne3A_166 = arith.cmpi ne, %rem3A, %ne3A_165 : i32
      %and3A_167 = arith.andi %ne3A, %ne3A_166 : i1
      %sub3A = arith.constant 1 : i32
      %sub3A_168 = arith.subi %div3A, %sub3A : i32
      %select_n3A = arith.select %and3A_167, %sub3A_168, %div3A : i32
      %jit3A_169 = arith.constant 128 : i32
      %eq3A = arith.constant 0 : i32
      %eq3A_170 = arith.cmpi eq, %jit3A_169, %eq3A : i32
      %jit3A_171 = arith.constant 1 : i32
      %select_n3A_172 = arith.select %eq3A_170, %jit3A_171, %jit3A_169 : i32
      %rem3A_173 = arith.remsi %add3A_151, %select_n3A_172 : i32
      %ne3A_174 = arith.constant 0 : i32
      %ne3A_175 = arith.cmpi ne, %rem3A_173, %ne3A_174 : i32
      %lt3A_176 = arith.constant 0 : i32
      %lt3A_177 = arith.cmpi slt, %rem3A_173, %lt3A_176 : i32
      %lt3A_178 = arith.constant 0 : i32
      %lt3A_179 = arith.cmpi slt, %select_n3A_172, %lt3A_178 : i32
      %ne3A_180 = arith.xori %lt3A_177, %lt3A_179 : i1
      %and3A_181 = arith.andi %ne3A_180, %ne3A_175 : i1
      %add3A_182 = arith.addi %rem3A_173, %select_n3A_172 : i32
      %select_n3A_183 = arith.select %and3A_181, %add3A_182, %rem3A_173 : i32
      %mul3A_184 = arith.constant 128 : i32
      %mul3A_185 = arith.muli %select_n3A_183, %mul3A_184 : i32
      %dma_start3A_186 = arith.constant 0 : i32
      %dma_start3A_187 = tpu.memref_slice %arg3[%select_n3A, %dma_start3A_186, %mul3A_185] : memref<26x32x16384xf32, #tpu.memory_space<hbm>> -> memref<1x32x128xf32, #tpu.memory_space<hbm>>
      %dma_start3A_188 = tpu.memref_squeeze %dma_start3A_187 : memref<1x32x128xf32, #tpu.memory_space<hbm>> -> memref<32x128xf32, #tpu.memory_space<hbm>>
      %dma_start3A_189 = arith.constant 0 : i32
      %dma_start3A_190 = tpu.memref_slice %arg3[%select_n3A, %dma_start3A_189, %mul3A_185] : memref<26x32x16384xf32, #tpu.memory_space<hbm>> -> memref<1x32x128xf32, #tpu.memory_space<hbm>>
      %dma_start3A_191 = tpu.memref_squeeze %dma_start3A_190 : memref<1x32x128xf32, #tpu.memory_space<hbm>> -> memref<32x128xf32, #tpu.memory_space<hbm>>
      tpu.enqueue_dma source(%arg6 : memref<32x128xf32, #tpu.memory_space<vmem>>) target(%dma_start3A_191 : memref<32x128xf32, #tpu.memory_space<hbm>>) target_semaphore(%arg10 : memref<!tpu.dma_semaphore, #tpu.memory_space<semaphore_mem>>)
      %dma_wait3A_192 = arith.constant 0 : i32
      %dma_wait3A_193 = tpu.memref_slice %arg2[%dma_wait3A_192] : memref<13631488xf32, #tpu.memory_space<hbm>> -> memref<4096xf32, #tpu.memory_space<hbm>>
      %dma_wait3A_194 = arith.constant 0 : i32
      %dma_wait3A_195 = tpu.memref_slice %arg2[%dma_wait3A_194] : memref<13631488xf32, #tpu.memory_space<hbm>> -> memref<4096xf32, #tpu.memory_space<hbm>>
      tpu.wait_dma2 semaphore(%arg9 : memref<!tpu.dma_semaphore, #tpu.memory_space<semaphore_mem>>) src(%dma_wait3A_195 : memref<4096xf32, #tpu.memory_space<hbm>>) dst(%arg5 : memref<4096xf32, #tpu.memory_space<vmem>>)
      %scan3A_196 = arith.constant 0 : i32
      %scan3A_197 = arith.constant 0 : i32
      %scan3A_198 = arith.constant 8 : i32
      %scan3A_199 = arith.addi %scan3A_197, %scan3A_198 : i32
      %scan3A_200 = arith.constant 1 : i32
      scf.for %scan3A_263 = %scan3A_197 to %scan3A_199 step %scan3A_200  : i32 {
        %mul3A_264 = arith.constant 512 : i32
        %mul3A_265 = arith.muli %mul3A_264, %scan3A_263 : i32
        %add3A_266 = arith.constant 0 : i32
        %add3A_267 = arith.addi %mul3A_265, %add3A_266 : i32
        %add3A_268 = vector.broadcast %add3A_267 : i32 to vector<16xi32>
        %add3A_269 = arith.addi %mul3A_5, %add3A_268 : vector<16xi32>
        %add3A_270 = arith.addi %add3A_269, %and3A_11 : vector<16xi32>
        %gather3A = tpu.vector_load_idx %arg5[%add3A_270] : memref<4096xf32, #tpu.memory_space<vmem>>[vector<16xi32>], vector<16xf32>,
        %add3A_271 = arith.addi %add3A_269, %and3A_17 : vector<16xi32>
        %gather3A_272 = tpu.vector_load_idx %arg5[%add3A_271] : memref<4096xf32, #tpu.memory_space<vmem>>[vector<16xi32>], vector<16xf32>,
        %add3A_273 = arith.addi %add3A_269, %and3A_23 : vector<16xi32>
        %gather3A_274 = tpu.vector_load_idx %arg5[%add3A_273] : memref<4096xf32, #tpu.memory_space<vmem>>[vector<16xi32>], vector<16xf32>,
        %add3A_275 = arith.addi %add3A_269, %and3A_29 : vector<16xi32>
        %gather3A_276 = tpu.vector_load_idx %arg5[%add3A_275] : memref<4096xf32, #tpu.memory_space<vmem>>[vector<16xi32>], vector<16xf32>,
        %add3A_277 = arith.addi %add3A_269, %and3A_35 : vector<16xi32>
        %gather3A_278 = tpu.vector_load_idx %arg5[%add3A_277] : memref<4096xf32, #tpu.memory_space<vmem>>[vector<16xi32>], vector<16xf32>,
        %add3A_279 = arith.addi %add3A_269, %and3A_41 : vector<16xi32>
        %gather3A_280 = tpu.vector_load_idx %arg5[%add3A_279] : memref<4096xf32, #tpu.memory_space<vmem>>[vector<16xi32>], vector<16xf32>,
        %add3A_281 = arith.addi %add3A_269, %and3A_47 : vector<16xi32>
        %gather3A_282 = tpu.vector_load_idx %arg5[%add3A_281] : memref<4096xf32, #tpu.memory_space<vmem>>[vector<16xi32>], vector<16xf32>,
        %add3A_283 = arith.addi %add3A_269, %and3A_53 : vector<16xi32>
        %gather3A_284 = tpu.vector_load_idx %arg5[%add3A_283] : memref<4096xf32, #tpu.memory_space<vmem>>[vector<16xi32>], vector<16xf32>,
        %add3A_285 = arith.constant 0 : i32
        %add3A_286 = vector.broadcast %add3A_285 : i32 to vector<16xi32>
        %add3A_287 = arith.addi %add3A_286, %and3A_11 : vector<16xi32>
        %mul3A_288 = arith.constant 16 : i32
        %mul3A_289 = arith.muli %mul3A_288, %scan3A_263 : i32
        %add3A_290 = vector.broadcast %mul3A_289 : i32 to vector<16xi32>
        %add3A_291 = arith.addi %add3A_290, %iota3A_6 : vector<16xi32>
        tpu.vector_store_idx %arg7[%add3A_287, %add3A_291], %gather3A : memref<32x128xf32, #tpu.memory_space<vmem>>[vector<16xi32>, vector<16xi32>], vector<16xf32>,
        %add3A_292 = arith.constant 0 : i32
        %add3A_293 = vector.broadcast %add3A_292 : i32 to vector<16xi32>
        %add3A_294 = arith.addi %add3A_293, %and3A_17 : vector<16xi32>
        %mul3A_295 = arith.constant 16 : i32
        %mul3A_296 = arith.muli %mul3A_295, %scan3A_263 : i32
        %add3A_297 = vector.broadcast %mul3A_296 : i32 to vector<16xi32>
        %add3A_298 = arith.addi %add3A_297, %iota3A_6 : vector<16xi32>
        tpu.vector_store_idx %arg7[%add3A_294, %add3A_298], %gather3A_272 : memref<32x128xf32, #tpu.memory_space<vmem>>[vector<16xi32>, vector<16xi32>], vector<16xf32>,
        %add3A_299 = arith.constant 0 : i32
        %add3A_300 = vector.broadcast %add3A_299 : i32 to vector<16xi32>
        %add3A_301 = arith.addi %add3A_300, %and3A_23 : vector<16xi32>
        %mul3A_302 = arith.constant 16 : i32
        %mul3A_303 = arith.muli %mul3A_302, %scan3A_263 : i32
        %add3A_304 = vector.broadcast %mul3A_303 : i32 to vector<16xi32>
        %add3A_305 = arith.addi %add3A_304, %iota3A_6 : vector<16xi32>
        tpu.vector_store_idx %arg7[%add3A_301, %add3A_305], %gather3A_274 : memref<32x128xf32, #tpu.memory_space<vmem>>[vector<16xi32>, vector<16xi32>], vector<16xf32>,
        %add3A_306 = arith.constant 0 : i32
        %add3A_307 = vector.broadcast %add3A_306 : i32 to vector<16xi32>
        %add3A_308 = arith.addi %add3A_307, %and3A_29 : vector<16xi32>
        %mul3A_309 = arith.constant 16 : i32
        %mul3A_310 = arith.muli %mul3A_309, %scan3A_263 : i32
        %add3A_311 = vector.broadcast %mul3A_310 : i32 to vector<16xi32>
        %add3A_312 = arith.addi %add3A_311, %iota3A_6 : vector<16xi32>
        tpu.vector_store_idx %arg7[%add3A_308, %add3A_312], %gather3A_276 : memref<32x128xf32, #tpu.memory_space<vmem>>[vector<16xi32>, vector<16xi32>], vector<16xf32>,
        %add3A_313 = arith.constant 0 : i32
        %add3A_314 = vector.broadcast %add3A_313 : i32 to vector<16xi32>
        %add3A_315 = arith.addi %add3A_314, %and3A_35 : vector<16xi32>
        %mul3A_316 = arith.constant 16 : i32
        %mul3A_317 = arith.muli %mul3A_316, %scan3A_263 : i32
        %add3A_318 = vector.broadcast %mul3A_317 : i32 to vector<16xi32>
        %add3A_319 = arith.addi %add3A_318, %iota3A_6 : vector<16xi32>
        tpu.vector_store_idx %arg7[%add3A_315, %add3A_319], %gather3A_278 : memref<32x128xf32, #tpu.memory_space<vmem>>[vector<16xi32>, vector<16xi32>], vector<16xf32>,
        %add3A_320 = arith.constant 0 : i32
        %add3A_321 = vector.broadcast %add3A_320 : i32 to vector<16xi32>
        %add3A_322 = arith.addi %add3A_321, %and3A_41 : vector<16xi32>
        %mul3A_323 = arith.constant 16 : i32
        %mul3A_324 = arith.muli %mul3A_323, %scan3A_263 : i32
        %add3A_325 = vector.broadcast %mul3A_324 : i32 to vector<16xi32>
        %add3A_326 = arith.addi %add3A_325, %iota3A_6 : vector<16xi32>
        tpu.vector_store_idx %arg7[%add3A_322, %add3A_326], %gather3A_280 : memref<32x128xf32, #tpu.memory_space<vmem>>[vector<16xi32>, vector<16xi32>], vector<16xf32>,
        %add3A_327 = arith.constant 0 : i32
        %add3A_328 = vector.broadcast %add3A_327 : i32 to vector<16xi32>
        %add3A_329 = arith.addi %add3A_328, %and3A_47 : vector<16xi32>
        %mul3A_330 = arith.constant 16 : i32
        %mul3A_331 = arith.muli %mul3A_330, %scan3A_263 : i32
        %add3A_332 = vector.broadcast %mul3A_331 : i32 to vector<16xi32>
        %add3A_333 = arith.addi %add3A_332, %iota3A_6 : vector<16xi32>
        tpu.vector_store_idx %arg7[%add3A_329, %add3A_333], %gather3A_282 : memref<32x128xf32, #tpu.memory_space<vmem>>[vector<16xi32>, vector<16xi32>], vector<16xf32>,
        %add3A_334 = arith.constant 0 : i32
        %add3A_335 = vector.broadcast %add3A_334 : i32 to vector<16xi32>
        %add3A_336 = arith.addi %add3A_335, %and3A_53 : vector<16xi32>
        %mul3A_337 = arith.constant 16 : i32
        %mul3A_338 = arith.muli %mul3A_337, %scan3A_263 : i32
        %add3A_339 = vector.broadcast %mul3A_338 : i32 to vector<16xi32>
        %add3A_340 = arith.addi %add3A_339, %iota3A_6 : vector<16xi32>
        tpu.vector_store_idx %arg7[%add3A_336, %add3A_340], %gather3A_284 : memref<32x128xf32, #tpu.memory_space<vmem>>[vector<16xi32>, vector<16xi32>], vector<16xf32>,
        %add3A_341 = arith.addi %add3A_269, %and3A_59 : vector<16xi32>
        %gather3A_342 = tpu.vector_load_idx %arg5[%add3A_341] : memref<4096xf32, #tpu.memory_space<vmem>>[vector<16xi32>], vector<16xf32>,
        %add3A_343 = arith.addi %add3A_269, %and3A_65 : vector<16xi32>
        %gather3A_344 = tpu.vector_load_idx %arg5[%add3A_343] : memref<4096xf32, #tpu.memory_space<vmem>>[vector<16xi32>], vector<16xf32>,
        %add3A_345 = arith.addi %add3A_269, %and3A_71 : vector<16xi32>
        %gather3A_346 = tpu.vector_load_idx %arg5[%add3A_345] : memref<4096xf32, #tpu.memory_space<vmem>>[vector<16xi32>], vector<16xf32>,
        %add3A_347 = arith.addi %add3A_269, %and3A_77 : vector<16xi32>
        %gather3A_348 = tpu.vector_load_idx %arg5[%add3A_347] : memref<4096xf32, #tpu.memory_space<vmem>>[vector<16xi32>], vector<16xf32>,
        %add3A_349 = arith.addi %add3A_269, %and3A_83 : vector<16xi32>
        %gather3A_350 = tpu.vector_load_idx %arg5[%add3A_349] : memref<4096xf32, #tpu.memory_space<vmem>>[vector<16xi32>], vector<16xf32>,
        %add3A_351 = arith.addi %add3A_269, %and3A_89 : vector<16xi32>
        %gather3A_352 = tpu.vector_load_idx %arg5[%add3A_351] : memref<4096xf32, #tpu.memory_space<vmem>>[vector<16xi32>], vector<16xf32>,
        %add3A_353 = arith.addi %add3A_269, %and3A_95 : vector<16xi32>
        %gather3A_354 = tpu.vector_load_idx %arg5[%add3A_353] : memref<4096xf32, #tpu.memory_space<vmem>>[vector<16xi32>], vector<16xf32>,
        %add3A_355 = arith.addi %add3A_269, %and3A_101 : vector<16xi32>
        %gather3A_356 = tpu.vector_load_idx %arg5[%add3A_355] : memref<4096xf32, #tpu.memory_space<vmem>>[vector<16xi32>], vector<16xf32>,
        %add3A_357 = arith.constant 0 : i32
        %add3A_358 = vector.broadcast %add3A_357 : i32 to vector<16xi32>
        %add3A_359 = arith.addi %add3A_358, %and3A_59 : vector<16xi32>
        %mul3A_360 = arith.constant 16 : i32
        %mul3A_361 = arith.muli %mul3A_360, %scan3A_263 : i32
        %add3A_362 = vector.broadcast %mul3A_361 : i32 to vector<16xi32>
        %add3A_363 = arith.addi %add3A_362, %iota3A_6 : vector<16xi32>
        tpu.vector_store_idx %arg7[%add3A_359, %add3A_363], %gather3A_342 : memref<32x128xf32, #tpu.memory_space<vmem>>[vector<16xi32>, vector<16xi32>], vector<16xf32>,
        %add3A_364 = arith.constant 0 : i32
        %add3A_365 = vector.broadcast %add3A_364 : i32 to vector<16xi32>
        %add3A_366 = arith.addi %add3A_365, %and3A_65 : vector<16xi32>
        %mul3A_367 = arith.constant 16 : i32
        %mul3A_368 = arith.muli %mul3A_367, %scan3A_263 : i32
        %add3A_369 = vector.broadcast %mul3A_368 : i32 to vector<16xi32>
        %add3A_370 = arith.addi %add3A_369, %iota3A_6 : vector<16xi32>
        tpu.vector_store_idx %arg7[%add3A_366, %add3A_370], %gather3A_344 : memref<32x128xf32, #tpu.memory_space<vmem>>[vector<16xi32>, vector<16xi32>], vector<16xf32>,
        %add3A_371 = arith.constant 0 : i32
        %add3A_372 = vector.broadcast %add3A_371 : i32 to vector<16xi32>
        %add3A_373 = arith.addi %add3A_372, %and3A_71 : vector<16xi32>
        %mul3A_374 = arith.constant 16 : i32
        %mul3A_375 = arith.muli %mul3A_374, %scan3A_263 : i32
        %add3A_376 = vector.broadcast %mul3A_375 : i32 to vector<16xi32>
        %add3A_377 = arith.addi %add3A_376, %iota3A_6 : vector<16xi32>
        tpu.vector_store_idx %arg7[%add3A_373, %add3A_377], %gather3A_346 : memref<32x128xf32, #tpu.memory_space<vmem>>[vector<16xi32>, vector<16xi32>], vector<16xf32>,
        %add3A_378 = arith.constant 0 : i32
        %add3A_379 = vector.broadcast %add3A_378 : i32 to vector<16xi32>
        %add3A_380 = arith.addi %add3A_379, %and3A_77 : vector<16xi32>
        %mul3A_381 = arith.constant 16 : i32
        %mul3A_382 = arith.muli %mul3A_381, %scan3A_263 : i32
        %add3A_383 = vector.broadcast %mul3A_382 : i32 to vector<16xi32>
        %add3A_384 = arith.addi %add3A_383, %iota3A_6 : vector<16xi32>
        tpu.vector_store_idx %arg7[%add3A_380, %add3A_384], %gather3A_348 : memref<32x128xf32, #tpu.memory_space<vmem>>[vector<16xi32>, vector<16xi32>], vector<16xf32>,
        %add3A_385 = arith.constant 0 : i32
        %add3A_386 = vector.broadcast %add3A_385 : i32 to vector<16xi32>
        %add3A_387 = arith.addi %add3A_386, %and3A_83 : vector<16xi32>
        %mul3A_388 = arith.constant 16 : i32
        %mul3A_389 = arith.muli %mul3A_388, %scan3A_263 : i32
        %add3A_390 = vector.broadcast %mul3A_389 : i32 to vector<16xi32>
        %add3A_391 = arith.addi %add3A_390, %iota3A_6 : vector<16xi32>
        tpu.vector_store_idx %arg7[%add3A_387, %add3A_391], %gather3A_350 : memref<32x128xf32, #tpu.memory_space<vmem>>[vector<16xi32>, vector<16xi32>], vector<16xf32>,
        %add3A_392 = arith.constant 0 : i32
        %add3A_393 = vector.broadcast %add3A_392 : i32 to vector<16xi32>
        %add3A_394 = arith.addi %add3A_393, %and3A_89 : vector<16xi32>
        %mul3A_395 = arith.constant 16 : i32
        %mul3A_396 = arith.muli %mul3A_395, %scan3A_263 : i32
        %add3A_397 = vector.broadcast %mul3A_396 : i32 to vector<16xi32>
        %add3A_398 = arith.addi %add3A_397, %iota3A_6 : vector<16xi32>
        tpu.vector_store_idx %arg7[%add3A_394, %add3A_398], %gather3A_352 : memref<32x128xf32, #tpu.memory_space<vmem>>[vector<16xi32>, vector<16xi32>], vector<16xf32>,
        %add3A_399 = arith.constant 0 : i32
        %add3A_400 = vector.broadcast %add3A_399 : i32 to vector<16xi32>
        %add3A_401 = arith.addi %add3A_400, %and3A_95 : vector<16xi32>
        %mul3A_402 = arith.constant 16 : i32
        %mul3A_403 = arith.muli %mul3A_402, %scan3A_263 : i32
        %add3A_404 = vector.broadcast %mul3A_403 : i32 to vector<16xi32>
        %add3A_405 = arith.addi %add3A_404, %iota3A_6 : vector<16xi32>
        tpu.vector_store_idx %arg7[%add3A_401, %add3A_405], %gather3A_354 : memref<32x128xf32, #tpu.memory_space<vmem>>[vector<16xi32>, vector<16xi32>], vector<16xf32>,
        %add3A_406 = arith.constant 0 : i32
        %add3A_407 = vector.broadcast %add3A_406 : i32 to vector<16xi32>
        %add3A_408 = arith.addi %add3A_407, %and3A_101 : vector<16xi32>
        %mul3A_409 = arith.constant 16 : i32
        %mul3A_410 = arith.muli %mul3A_409, %scan3A_263 : i32
        %add3A_411 = vector.broadcast %mul3A_410 : i32 to vector<16xi32>
        %add3A_412 = arith.addi %add3A_411, %iota3A_6 : vector<16xi32>
        tpu.vector_store_idx %arg7[%add3A_408, %add3A_412], %gather3A_356 : memref<32x128xf32, #tpu.memory_space<vmem>>[vector<16xi32>, vector<16xi32>], vector<16xf32>,
        %mul3A_413 = arith.constant 512 : i32
        %mul3A_414 = arith.muli %mul3A_413, %scan3A_263 : i32
        %add3A_415 = arith.constant 16 : i32
        %add3A_416 = arith.addi %mul3A_414, %add3A_415 : i32
        %add3A_417 = vector.broadcast %add3A_416 : i32 to vector<16xi32>
        %add3A_418 = arith.addi %mul3A_5, %add3A_417 : vector<16xi32>
        %add3A_419 = arith.addi %add3A_418, %and3A_11 : vector<16xi32>
        %gather3A_420 = tpu.vector_load_idx %arg5[%add3A_419] : memref<4096xf32, #tpu.memory_space<vmem>>[vector<16xi32>], vector<16xf32>,
        %add3A_421 = arith.addi %add3A_418, %and3A_17 : vector<16xi32>
        %gather3A_422 = tpu.vector_load_idx %arg5[%add3A_421] : memref<4096xf32, #tpu.memory_space<vmem>>[vector<16xi32>], vector<16xf32>,
        %add3A_423 = arith.addi %add3A_418, %and3A_23 : vector<16xi32>
        %gather3A_424 = tpu.vector_load_idx %arg5[%add3A_423] : memref<4096xf32, #tpu.memory_space<vmem>>[vector<16xi32>], vector<16xf32>,
        %add3A_425 = arith.addi %add3A_418, %and3A_29 : vector<16xi32>
        %gather3A_426 = tpu.vector_load_idx %arg5[%add3A_425] : memref<4096xf32, #tpu.memory_space<vmem>>[vector<16xi32>], vector<16xf32>,
        %add3A_427 = arith.addi %add3A_418, %and3A_35 : vector<16xi32>
        %gather3A_428 = tpu.vector_load_idx %arg5[%add3A_427] : memref<4096xf32, #tpu.memory_space<vmem>>[vector<16xi32>], vector<16xf32>,
        %add3A_429 = arith.addi %add3A_418, %and3A_41 : vector<16xi32>
        %gather3A_430 = tpu.vector_load_idx %arg5[%add3A_429] : memref<4096xf32, #tpu.memory_space<vmem>>[vector<16xi32>], vector<16xf32>,
        %add3A_431 = arith.addi %add3A_418, %and3A_47 : vector<16xi32>
        %gather3A_432 = tpu.vector_load_idx %arg5[%add3A_431] : memref<4096xf32, #tpu.memory_space<vmem>>[vector<16xi32>], vector<16xf32>,
        %add3A_433 = arith.addi %add3A_418, %and3A_53 : vector<16xi32>
        %gather3A_434 = tpu.vector_load_idx %arg5[%add3A_433] : memref<4096xf32, #tpu.memory_space<vmem>>[vector<16xi32>], vector<16xf32>,
        %add3A_435 = arith.constant 16 : i32
        %add3A_436 = vector.broadcast %add3A_435 : i32 to vector<16xi32>
        %add3A_437 = arith.addi %add3A_436, %and3A_11 : vector<16xi32>
        %mul3A_438 = arith.constant 16 : i32
        %mul3A_439 = arith.muli %mul3A_438, %scan3A_263 : i32
        %add3A_440 = vector.broadcast %mul3A_439 : i32 to vector<16xi32>
        %add3A_441 = arith.addi %add3A_440, %iota3A_6 : vector<16xi32>
        tpu.vector_store_idx %arg7[%add3A_437, %add3A_441], %gather3A_420 : memref<32x128xf32, #tpu.memory_space<vmem>>[vector<16xi32>, vector<16xi32>], vector<16xf32>,
        %add3A_442 = arith.constant 16 : i32
        %add3A_443 = vector.broadcast %add3A_442 : i32 to vector<16xi32>
        %add3A_444 = arith.addi %add3A_443, %and3A_17 : vector<16xi32>
        %mul3A_445 = arith.constant 16 : i32
        %mul3A_446 = arith.muli %mul3A_445, %scan3A_263 : i32
        %add3A_447 = vector.broadcast %mul3A_446 : i32 to vector<16xi32>
        %add3A_448 = arith.addi %add3A_447, %iota3A_6 : vector<16xi32>
        tpu.vector_store_idx %arg7[%add3A_444, %add3A_448], %gather3A_422 : memref<32x128xf32, #tpu.memory_space<vmem>>[vector<16xi32>, vector<16xi32>], vector<16xf32>,
        %add3A_449 = arith.constant 16 : i32
        %add3A_450 = vector.broadcast %add3A_449 : i32 to vector<16xi32>
        %add3A_451 = arith.addi %add3A_450, %and3A_23 : vector<16xi32>
        %mul3A_452 = arith.constant 16 : i32
        %mul3A_453 = arith.muli %mul3A_452, %scan3A_263 : i32
        %add3A_454 = vector.broadcast %mul3A_453 : i32 to vector<16xi32>
        %add3A_455 = arith.addi %add3A_454, %iota3A_6 : vector<16xi32>
        tpu.vector_store_idx %arg7[%add3A_451, %add3A_455], %gather3A_424 : memref<32x128xf32, #tpu.memory_space<vmem>>[vector<16xi32>, vector<16xi32>], vector<16xf32>,
        %add3A_456 = arith.constant 16 : i32
        %add3A_457 = vector.broadcast %add3A_456 : i32 to vector<16xi32>
        %add3A_458 = arith.addi %add3A_457, %and3A_29 : vector<16xi32>
        %mul3A_459 = arith.constant 16 : i32
        %mul3A_460 = arith.muli %mul3A_459, %scan3A_263 : i32
        %add3A_461 = vector.broadcast %mul3A_460 : i32 to vector<16xi32>
        %add3A_462 = arith.addi %add3A_461, %iota3A_6 : vector<16xi32>
        tpu.vector_store_idx %arg7[%add3A_458, %add3A_462], %gather3A_426 : memref<32x128xf32, #tpu.memory_space<vmem>>[vector<16xi32>, vector<16xi32>], vector<16xf32>,
        %add3A_463 = arith.constant 16 : i32
        %add3A_464 = vector.broadcast %add3A_463 : i32 to vector<16xi32>
        %add3A_465 = arith.addi %add3A_464, %and3A_35 : vector<16xi32>
        %mul3A_466 = arith.constant 16 : i32
        %mul3A_467 = arith.muli %mul3A_466, %scan3A_263 : i32
        %add3A_468 = vector.broadcast %mul3A_467 : i32 to vector<16xi32>
        %add3A_469 = arith.addi %add3A_468, %iota3A_6 : vector<16xi32>
        tpu.vector_store_idx %arg7[%add3A_465, %add3A_469], %gather3A_428 : memref<32x128xf32, #tpu.memory_space<vmem>>[vector<16xi32>, vector<16xi32>], vector<16xf32>,
        %add3A_470 = arith.constant 16 : i32
        %add3A_471 = vector.broadcast %add3A_470 : i32 to vector<16xi32>
        %add3A_472 = arith.addi %add3A_471, %and3A_41 : vector<16xi32>
        %mul3A_473 = arith.constant 16 : i32
        %mul3A_474 = arith.muli %mul3A_473, %scan3A_263 : i32
        %add3A_475 = vector.broadcast %mul3A_474 : i32 to vector<16xi32>
        %add3A_476 = arith.addi %add3A_475, %iota3A_6 : vector<16xi32>
        tpu.vector_store_idx %arg7[%add3A_472, %add3A_476], %gather3A_430 : memref<32x128xf32, #tpu.memory_space<vmem>>[vector<16xi32>, vector<16xi32>], vector<16xf32>,
        %add3A_477 = arith.constant 16 : i32
        %add3A_478 = vector.broadcast %add3A_477 : i32 to vector<16xi32>
        %add3A_479 = arith.addi %add3A_478, %and3A_47 : vector<16xi32>
        %mul3A_480 = arith.constant 16 : i32
        %mul3A_481 = arith.muli %mul3A_480, %scan3A_263 : i32
        %add3A_482 = vector.broadcast %mul3A_481 : i32 to vector<16xi32>
        %add3A_483 = arith.addi %add3A_482, %iota3A_6 : vector<16xi32>
        tpu.vector_store_idx %arg7[%add3A_479, %add3A_483], %gather3A_432 : memref<32x128xf32, #tpu.memory_space<vmem>>[vector<16xi32>, vector<16xi32>], vector<16xf32>,
        %add3A_484 = arith.constant 16 : i32
        %add3A_485 = vector.broadcast %add3A_484 : i32 to vector<16xi32>
        %add3A_486 = arith.addi %add3A_485, %and3A_53 : vector<16xi32>
        %mul3A_487 = arith.constant 16 : i32
        %mul3A_488 = arith.muli %mul3A_487, %scan3A_263 : i32
        %add3A_489 = vector.broadcast %mul3A_488 : i32 to vector<16xi32>
        %add3A_490 = arith.addi %add3A_489, %iota3A_6 : vector<16xi32>
        tpu.vector_store_idx %arg7[%add3A_486, %add3A_490], %gather3A_434 : memref<32x128xf32, #tpu.memory_space<vmem>>[vector<16xi32>, vector<16xi32>], vector<16xf32>,
        %add3A_491 = arith.addi %add3A_418, %and3A_59 : vector<16xi32>
        %gather3A_492 = tpu.vector_load_idx %arg5[%add3A_491] : memref<4096xf32, #tpu.memory_space<vmem>>[vector<16xi32>], vector<16xf32>,
        %add3A_493 = arith.addi %add3A_418, %and3A_65 : vector<16xi32>
        %gather3A_494 = tpu.vector_load_idx %arg5[%add3A_493] : memref<4096xf32, #tpu.memory_space<vmem>>[vector<16xi32>], vector<16xf32>,
        %add3A_495 = arith.addi %add3A_418, %and3A_71 : vector<16xi32>
        %gather3A_496 = tpu.vector_load_idx %arg5[%add3A_495] : memref<4096xf32, #tpu.memory_space<vmem>>[vector<16xi32>], vector<16xf32>,
        %add3A_497 = arith.addi %add3A_418, %and3A_77 : vector<16xi32>
        %gather3A_498 = tpu.vector_load_idx %arg5[%add3A_497] : memref<4096xf32, #tpu.memory_space<vmem>>[vector<16xi32>], vector<16xf32>,
        %add3A_499 = arith.addi %add3A_418, %and3A_83 : vector<16xi32>
        %gather3A_500 = tpu.vector_load_idx %arg5[%add3A_499] : memref<4096xf32, #tpu.memory_space<vmem>>[vector<16xi32>], vector<16xf32>,
        %add3A_501 = arith.addi %add3A_418, %and3A_89 : vector<16xi32>
        %gather3A_502 = tpu.vector_load_idx %arg5[%add3A_501] : memref<4096xf32, #tpu.memory_space<vmem>>[vector<16xi32>], vector<16xf32>,
        %add3A_503 = arith.addi %add3A_418, %and3A_95 : vector<16xi32>
        %gather3A_504 = tpu.vector_load_idx %arg5[%add3A_503] : memref<4096xf32, #tpu.memory_space<vmem>>[vector<16xi32>], vector<16xf32>,
        %add3A_505 = arith.addi %add3A_418, %and3A_101 : vector<16xi32>
        %gather3A_506 = tpu.vector_load_idx %arg5[%add3A_505] : memref<4096xf32, #tpu.memory_space<vmem>>[vector<16xi32>], vector<16xf32>,
        %add3A_507 = arith.constant 16 : i32
        %add3A_508 = vector.broadcast %add3A_507 : i32 to vector<16xi32>
        %add3A_509 = arith.addi %add3A_508, %and3A_59 : vector<16xi32>
        %mul3A_510 = arith.constant 16 : i32
        %mul3A_511 = arith.muli %mul3A_510, %scan3A_263 : i32
        %add3A_512 = vector.broadcast %mul3A_511 : i32 to vector<16xi32>
        %add3A_513 = arith.addi %add3A_512, %iota3A_6 : vector<16xi32>
        tpu.vector_store_idx %arg7[%add3A_509, %add3A_513], %gather3A_492 : memref<32x128xf32, #tpu.memory_space<vmem>>[vector<16xi32>, vector<16xi32>], vector<16xf32>,
        %add3A_514 = arith.constant 16 : i32
        %add3A_515 = vector.broadcast %add3A_514 : i32 to vector<16xi32>
        %add3A_516 = arith.addi %add3A_515, %and3A_65 : vector<16xi32>
        %mul3A_517 = arith.constant 16 : i32
        %mul3A_518 = arith.muli %mul3A_517, %scan3A_263 : i32
        %add3A_519 = vector.broadcast %mul3A_518 : i32 to vector<16xi32>
        %add3A_520 = arith.addi %add3A_519, %iota3A_6 : vector<16xi32>
        tpu.vector_store_idx %arg7[%add3A_516, %add3A_520], %gather3A_494 : memref<32x128xf32, #tpu.memory_space<vmem>>[vector<16xi32>, vector<16xi32>], vector<16xf32>,
        %add3A_521 = arith.constant 16 : i32
        %add3A_522 = vector.broadcast %add3A_521 : i32 to vector<16xi32>
        %add3A_523 = arith.addi %add3A_522, %and3A_71 : vector<16xi32>
        %mul3A_524 = arith.constant 16 : i32
        %mul3A_525 = arith.muli %mul3A_524, %scan3A_263 : i32
        %add3A_526 = vector.broadcast %mul3A_525 : i32 to vector<16xi32>
        %add3A_527 = arith.addi %add3A_526, %iota3A_6 : vector<16xi32>
        tpu.vector_store_idx %arg7[%add3A_523, %add3A_527], %gather3A_496 : memref<32x128xf32, #tpu.memory_space<vmem>>[vector<16xi32>, vector<16xi32>], vector<16xf32>,
        %add3A_528 = arith.constant 16 : i32
        %add3A_529 = vector.broadcast %add3A_528 : i32 to vector<16xi32>
        %add3A_530 = arith.addi %add3A_529, %and3A_77 : vector<16xi32>
        %mul3A_531 = arith.constant 16 : i32
        %mul3A_532 = arith.muli %mul3A_531, %scan3A_263 : i32
        %add3A_533 = vector.broadcast %mul3A_532 : i32 to vector<16xi32>
        %add3A_534 = arith.addi %add3A_533, %iota3A_6 : vector<16xi32>
        tpu.vector_store_idx %arg7[%add3A_530, %add3A_534], %gather3A_498 : memref<32x128xf32, #tpu.memory_space<vmem>>[vector<16xi32>, vector<16xi32>], vector<16xf32>,
        %add3A_535 = arith.constant 16 : i32
        %add3A_536 = vector.broadcast %add3A_535 : i32 to vector<16xi32>
        %add3A_537 = arith.addi %add3A_536, %and3A_83 : vector<16xi32>
        %mul3A_538 = arith.constant 16 : i32
        %mul3A_539 = arith.muli %mul3A_538, %scan3A_263 : i32
        %add3A_540 = vector.broadcast %mul3A_539 : i32 to vector<16xi32>
        %add3A_541 = arith.addi %add3A_540, %iota3A_6 : vector<16xi32>
        tpu.vector_store_idx %arg7[%add3A_537, %add3A_541], %gather3A_500 : memref<32x128xf32, #tpu.memory_space<vmem>>[vector<16xi32>, vector<16xi32>], vector<16xf32>,
        %add3A_542 = arith.constant 16 : i32
        %add3A_543 = vector.broadcast %add3A_542 : i32 to vector<16xi32>
        %add3A_544 = arith.addi %add3A_543, %and3A_89 : vector<16xi32>
        %mul3A_545 = arith.constant 16 : i32
        %mul3A_546 = arith.muli %mul3A_545, %scan3A_263 : i32
        %add3A_547 = vector.broadcast %mul3A_546 : i32 to vector<16xi32>
        %add3A_548 = arith.addi %add3A_547, %iota3A_6 : vector<16xi32>
        tpu.vector_store_idx %arg7[%add3A_544, %add3A_548], %gather3A_502 : memref<32x128xf32, #tpu.memory_space<vmem>>[vector<16xi32>, vector<16xi32>], vector<16xf32>,
        %add3A_549 = arith.constant 16 : i32
        %add3A_550 = vector.broadcast %add3A_549 : i32 to vector<16xi32>
        %add3A_551 = arith.addi %add3A_550, %and3A_95 : vector<16xi32>
        %mul3A_552 = arith.constant 16 : i32
        %mul3A_553 = arith.muli %mul3A_552, %scan3A_263 : i32
        %add3A_554 = vector.broadcast %mul3A_553 : i32 to vector<16xi32>
        %add3A_555 = arith.addi %add3A_554, %iota3A_6 : vector<16xi32>
        tpu.vector_store_idx %arg7[%add3A_551, %add3A_555], %gather3A_504 : memref<32x128xf32, #tpu.memory_space<vmem>>[vector<16xi32>, vector<16xi32>], vector<16xf32>,
        %add3A_556 = arith.constant 16 : i32
        %add3A_557 = vector.broadcast %add3A_556 : i32 to vector<16xi32>
        %add3A_558 = arith.addi %add3A_557, %and3A_101 : vector<16xi32>
        %mul3A_559 = arith.constant 16 : i32
        %mul3A_560 = arith.muli %mul3A_559, %scan3A_263 : i32
        %add3A_561 = vector.broadcast %mul3A_560 : i32 to vector<16xi32>
        %add3A_562 = arith.addi %add3A_561, %iota3A_6 : vector<16xi32>
        tpu.vector_store_idx %arg7[%add3A_558, %add3A_562], %gather3A_506 : memref<32x128xf32, #tpu.memory_space<vmem>>[vector<16xi32>, vector<16xi32>], vector<16xf32>,
      }
      %scan3A_201 = arith.constant 8 : i32
      %lt3A_202 = arith.constant 51 : i32
      %lt3A_203 = arith.cmpi slt, %scan3A_131, %lt3A_202 : i32
      %convert_element_type3A_204 = arith.extui %lt3A_203 : i1 to i32
      %cond3A_205 = arith.constant 0 : i32
      %cond3A_206 = arith.cmpi ne, %convert_element_type3A_204, %cond3A_205 : i32
      scf.if %cond3A_206 {
        %add3A_263 = arith.constant 3 : i32
        %add3A_264 = arith.addi %mul3A_133, %add3A_263 : i32
        %add3A_265 = arith.addi %mul3A_2, %add3A_264 : i32
        %mul3A_266 = arith.constant 4096 : i32
        %mul3A_267 = arith.muli %add3A_265, %mul3A_266 : i32
        %dma_start3A_268 = tpu.memref_slice %arg2[%mul3A_267] : memref<13631488xf32, #tpu.memory_space<hbm>> -> memref<4096xf32, #tpu.memory_space<hbm>>
        %dma_start3A_269 = tpu.memref_slice %arg2[%mul3A_267] : memref<13631488xf32, #tpu.memory_space<hbm>> -> memref<4096xf32, #tpu.memory_space<hbm>>
        tpu.enqueue_dma source(%dma_start3A_269 : memref<4096xf32, #tpu.memory_space<hbm>>) target(%arg5 : memref<4096xf32, #tpu.memory_space<vmem>>) target_semaphore(%arg9 : memref<!tpu.dma_semaphore, #tpu.memory_space<semaphore_mem>>)
      } else {
      }
      %gt3A_207 = arith.constant 0 : i32
      %gt3A_208 = arith.cmpi sgt, %scan3A_131, %gt3A_207 : i32
      %convert_element_type3A_209 = arith.extui %gt3A_208 : i1 to i32
      %cond3A_210 = arith.constant 0 : i32
      %cond3A_211 = arith.cmpi ne, %convert_element_type3A_209, %cond3A_210 : i32
      scf.if %cond3A_211 {
        %dma_wait3A_263 = arith.constant 0 : i32
        %dma_wait3A_264 = arith.constant 0 : i32
        %dma_wait3A_265 = arith.constant 0 : i32
        %dma_wait3A_266 = tpu.memref_slice %arg3[%dma_wait3A_263, %dma_wait3A_264, %dma_wait3A_265] : memref<26x32x16384xf32, #tpu.memory_space<hbm>> -> memref<1x32x128xf32, #tpu.memory_space<hbm>>
        %dma_wait3A_267 = tpu.memref_squeeze %dma_wait3A_266 : memref<1x32x128xf32, #tpu.memory_space<hbm>> -> memref<32x128xf32, #tpu.memory_space<hbm>>
        %dma_wait3A_268 = arith.constant 0 : i32
        %dma_wait3A_269 = arith.constant 0 : i32
        %dma_wait3A_270 = tpu.memref_slice %arg3[%dma_wait3A_263, %dma_wait3A_268, %dma_wait3A_269] : memref<26x32x16384xf32, #tpu.memory_space<hbm>> -> memref<1x32x128xf32, #tpu.memory_space<hbm>>
        %dma_wait3A_271 = tpu.memref_squeeze %dma_wait3A_270 : memref<1x32x128xf32, #tpu.memory_space<hbm>> -> memref<32x128xf32, #tpu.memory_space<hbm>>
        tpu.wait_dma2 semaphore(%arg11 : memref<!tpu.dma_semaphore, #tpu.memory_space<semaphore_mem>>) src(%dma_wait3A_271 : memref<32x128xf32, #tpu.memory_space<hbm>>) dst(%arg7 : memref<32x128xf32, #tpu.memory_space<vmem>>)
      } else {
      }
      %add3A_212 = arith.constant 1 : i32
      %add3A_213 = arith.addi %mul3A_133, %add3A_212 : i32
      %add3A_214 = arith.addi %mul3A_2, %add3A_213 : i32
      %jit3A_215 = arith.constant 128 : i32
      %div3A_216 = arith.divsi %add3A_214, %jit3A_215 : i32
      %sign3A_217 = arith.constant 0 : i32
      %sign3A_218 = arith.cmpi sgt, %add3A_214, %sign3A_217 : i32
      %sign3A_219 = arith.extui %sign3A_218 : i1 to i32
      %sign3A_220 = arith.constant 0 : i32
      %sign3A_221 = arith.cmpi slt, %add3A_214, %sign3A_220 : i32
      %sign3A_222 = arith.extui %sign3A_221 : i1 to i32
      %sign3A_223 = arith.subi %sign3A_219, %sign3A_222 : i32
      %sign3A_224 = arith.constant 0 : i32
      %sign3A_225 = arith.cmpi sgt, %jit3A_215, %sign3A_224 : i32
      %sign3A_226 = arith.extui %sign3A_225 : i1 to i32
      %sign3A_227 = arith.constant 0 : i32
      %sign3A_228 = arith.cmpi slt, %jit3A_215, %sign3A_227 : i32
      %sign3A_229 = arith.extui %sign3A_228 : i1 to i32
      %sign3A_230 = arith.subi %sign3A_226, %sign3A_229 : i32
      %ne3A_231 = arith.cmpi ne, %sign3A_223, %sign3A_230 : i32
      %rem3A_232 = arith.remsi %add3A_214, %jit3A_215 : i32
      %ne3A_233 = arith.constant 0 : i32
      %ne3A_234 = arith.cmpi ne, %rem3A_232, %ne3A_233 : i32
      %and3A_235 = arith.andi %ne3A_231, %ne3A_234 : i1
      %sub3A_236 = arith.constant 1 : i32
      %sub3A_237 = arith.subi %div3A_216, %sub3A_236 : i32
      %select_n3A_238 = arith.select %and3A_235, %sub3A_237, %div3A_216 : i32
      %jit3A_239 = arith.constant 128 : i32
      %eq3A_240 = arith.constant 0 : i32
      %eq3A_241 = arith.cmpi eq, %jit3A_239, %eq3A_240 : i32
      %jit3A_242 = arith.constant 1 : i32
      %select_n3A_243 = arith.select %eq3A_241, %jit3A_242, %jit3A_239 : i32
      %rem3A_244 = arith.remsi %add3A_214, %select_n3A_243 : i32
      %ne3A_245 = arith.constant 0 : i32
      %ne3A_246 = arith.cmpi ne, %rem3A_244, %ne3A_245 : i32
      %lt3A_247 = arith.constant 0 : i32
      %lt3A_248 = arith.cmpi slt, %rem3A_244, %lt3A_247 : i32
      %lt3A_249 = arith.constant 0 : i32
      %lt3A_250 = arith.cmpi slt, %select_n3A_243, %lt3A_249 : i32
      %ne3A_251 = arith.xori %lt3A_248, %lt3A_250 : i1
      %and3A_252 = arith.andi %ne3A_251, %ne3A_246 : i1
      %add3A_253 = arith.addi %rem3A_244, %select_n3A_243 : i32
      %select_n3A_254 = arith.select %and3A_252, %add3A_253, %rem3A_244 : i32
      %mul3A_255 = arith.constant 128 : i32
      %mul3A_256 = arith.muli %select_n3A_254, %mul3A_255 : i32
      %dma_start3A_257 = arith.constant 0 : i32
      %dma_start3A_258 = tpu.memref_slice %arg3[%select_n3A_238, %dma_start3A_257, %mul3A_256] : memref<26x32x16384xf32, #tpu.memory_space<hbm>> -> memref<1x32x128xf32, #tpu.memory_space<hbm>>
      %dma_start3A_259 = tpu.memref_squeeze %dma_start3A_258 : memref<1x32x128xf32, #tpu.memory_space<hbm>> -> memref<32x128xf32, #tpu.memory_space<hbm>>
      %dma_start3A_260 = arith.constant 0 : i32
      %dma_start3A_261 = tpu.memref_slice %arg3[%select_n3A_238, %dma_start3A_260, %mul3A_256] : memref<26x32x16384xf32, #tpu.memory_space<hbm>> -> memref<1x32x128xf32, #tpu.memory_space<hbm>>
      %dma_start3A_262 = tpu.memref_squeeze %dma_start3A_261 : memref<1x32x128xf32, #tpu.memory_space<hbm>> -> memref<32x128xf32, #tpu.memory_space<hbm>>
      tpu.enqueue_dma source(%arg7 : memref<32x128xf32, #tpu.memory_space<vmem>>) target(%dma_start3A_262 : memref<32x128xf32, #tpu.memory_space<hbm>>) target_semaphore(%arg11 : memref<!tpu.dma_semaphore, #tpu.memory_space<semaphore_mem>>)
    }
    %scan3A_113 = arith.constant 52 : i32
    %dma_wait3A = arith.constant 0 : i32
    %dma_wait3A_114 = arith.constant 0 : i32
    %dma_wait3A_115 = arith.constant 0 : i32
    %dma_wait3A_116 = tpu.memref_slice %arg3[%dma_wait3A, %dma_wait3A_114, %dma_wait3A_115] : memref<26x32x16384xf32, #tpu.memory_space<hbm>> -> memref<1x32x128xf32, #tpu.memory_space<hbm>>
    %dma_wait3A_117 = tpu.memref_squeeze %dma_wait3A_116 : memref<1x32x128xf32, #tpu.memory_space<hbm>> -> memref<32x128xf32, #tpu.memory_space<hbm>>
    %dma_wait3A_118 = arith.constant 0 : i32
    %dma_wait3A_119 = arith.constant 0 : i32
    %dma_wait3A_120 = tpu.memref_slice %arg3[%dma_wait3A, %dma_wait3A_118, %dma_wait3A_119] : memref<26x32x16384xf32, #tpu.memory_space<hbm>> -> memref<1x32x128xf32, #tpu.memory_space<hbm>>
    %dma_wait3A_121 = tpu.memref_squeeze %dma_wait3A_120 : memref<1x32x128xf32, #tpu.memory_space<hbm>> -> memref<32x128xf32, #tpu.memory_space<hbm>>
    tpu.wait_dma2 semaphore(%arg10 : memref<!tpu.dma_semaphore, #tpu.memory_space<semaphore_mem>>) src(%dma_wait3A_121 : memref<32x128xf32, #tpu.memory_space<hbm>>) dst(%arg6 : memref<32x128xf32, #tpu.memory_space<vmem>>)
    %dma_wait3A_122 = arith.constant 0 : i32
    %dma_wait3A_123 = arith.constant 0 : i32
    %dma_wait3A_124 = arith.constant 0 : i32
    %dma_wait3A_125 = tpu.memref_slice %arg3[%dma_wait3A_122, %dma_wait3A_123, %dma_wait3A_124] : memref<26x32x16384xf32, #tpu.memory_space<hbm>> -> memref<1x32x128xf32, #tpu.memory_space<hbm>>
    %dma_wait3A_126 = tpu.memref_squeeze %dma_wait3A_125 : memref<1x32x128xf32, #tpu.memory_space<hbm>> -> memref<32x128xf32, #tpu.memory_space<hbm>>
    %dma_wait3A_127 = arith.constant 0 : i32
    %dma_wait3A_128 = arith.constant 0 : i32
    %dma_wait3A_129 = tpu.memref_slice %arg3[%dma_wait3A_122, %dma_wait3A_127, %dma_wait3A_128] : memref<26x32x16384xf32, #tpu.memory_space<hbm>> -> memref<1x32x128xf32, #tpu.memory_space<hbm>>
    %dma_wait3A_130 = tpu.memref_squeeze %dma_wait3A_129 : memref<1x32x128xf32, #tpu.memory_space<hbm>> -> memref<32x128xf32, #tpu.memory_space<hbm>>
    tpu.wait_dma2 semaphore(%arg11 : memref<!tpu.dma_semaphore, #tpu.memory_space<semaphore_mem>>) src(%dma_wait3A_130 : memref<32x128xf32, #tpu.memory_space<hbm>>) dst(%arg7 : memref<32x128xf32, #tpu.memory_space<vmem>>)
    return
  }
}

#map = affine_map<(d0, d1) -> (0, 0)>
module attributes {stable_mosaic.version = 14 : i64} {
  func.func @_sc_gather(%arg0: i32, %arg1: i32, %arg2: memref<3328x128xi32, #tpu.memory_space<hbm>>, %arg3: memref<1000000x32xf32, #tpu.memory_space<hbm>>, %arg4: memref<425984x32xf32, #tpu.memory_space<hbm>>, %arg5: memref<104x128xi32, #tpu.memory_space<vmem>>, %arg6: memref<1664x32xf32, #tpu.memory_space<vmem>>, %arg7: memref<1664x32xf32, #tpu.memory_space<vmem>>, %arg8: memref<!tpu.dma_semaphore, #tpu.memory_space<semaphore_mem>>, %arg9: memref<!tpu.dma_semaphore, #tpu.memory_space<semaphore_mem>>) attributes {dimension_semantics = [#tpu.dimension_semantics<core_parallel>, #tpu.dimension_semantics<subcore_parallel>], iteration_bounds = array<i64: 2, 16>, scalar_prefetch = 0 : i64, scratch_operands = 5 : i64, tpu.core_type = #tpu.core_type<sc_vector_subcore>, window_params = [{transform_indices = #map}, {transform_indices = #map}, {transform_indices = #map}]} {
    %mul3A = arith.constant 2 : i32
    %mul3A_0 = arith.muli %arg1, %mul3A : i32
    %add3A = arith.addi %mul3A_0, %arg0 : i32
    %mul3A_1 = arith.constant 104 : i32
    %mul3A_2 = arith.muli %add3A, %mul3A_1 : i32
    %mul3A_3 = arith.constant 128 : i32
    %mul3A_4 = arith.muli %mul3A_2, %mul3A_3 : i32
    "tpu.region"() ({
      %run_scoped3A = tpu.sem_alloc : memref<!tpu.dma_semaphore, #tpu.memory_space<semaphore_mem>>
      %dma_start3A_269 = arith.constant 0 : i32
      %dma_start3A_270 = tpu.memref_slice %arg2[%mul3A_2, %dma_start3A_269] : memref<3328x128xi32, #tpu.memory_space<hbm>> -> memref<104x128xi32, #tpu.memory_space<hbm>>
      %dma_start3A_271 = arith.constant 0 : i32
      %dma_start3A_272 = tpu.memref_slice %arg2[%mul3A_2, %dma_start3A_271] : memref<3328x128xi32, #tpu.memory_space<hbm>> -> memref<104x128xi32, #tpu.memory_space<hbm>>
      tpu.enqueue_dma source(%dma_start3A_272 : memref<104x128xi32, #tpu.memory_space<hbm>>) target(%arg5 : memref<104x128xi32, #tpu.memory_space<vmem>>) target_semaphore(%run_scoped3A : memref<!tpu.dma_semaphore, #tpu.memory_space<semaphore_mem>>)
      %dma_wait3A = arith.constant 0 : i32
      %dma_wait3A_273 = tpu.memref_slice %arg2[%mul3A_2, %dma_wait3A] : memref<3328x128xi32, #tpu.memory_space<hbm>> -> memref<104x128xi32, #tpu.memory_space<hbm>>
      %dma_wait3A_274 = arith.constant 0 : i32
      %dma_wait3A_275 = tpu.memref_slice %arg2[%mul3A_2, %dma_wait3A_274] : memref<3328x128xi32, #tpu.memory_space<hbm>> -> memref<104x128xi32, #tpu.memory_space<hbm>>
      tpu.wait_dma2 semaphore(%run_scoped3A : memref<!tpu.dma_semaphore, #tpu.memory_space<semaphore_mem>>) src(%dma_wait3A_275 : memref<104x128xi32, #tpu.memory_space<hbm>>) dst(%arg5 : memref<104x128xi32, #tpu.memory_space<vmem>>)
      tpu.yield
    }) : () -> ()
    %dma_start3A = arith.constant 0 : i32
    %dma_start3A_5 = arith.constant 0 : i32
    %dma_start3A_6 = arith.constant 0 : i32
    %dma_start3A_7 = tpu.memref_slice %arg6[%dma_start3A_5, %dma_start3A_6] : memref<1664x32xf32, #tpu.memory_space<vmem>> -> memref<128x32xf32, #tpu.memory_space<vmem>>
    %dma_start3A_8 = arith.constant 0 : i32
    %dma_start3A_9 = tpu.memref_slice %arg5[%dma_start3A, %dma_start3A_8] : memref<104x128xi32, #tpu.memory_space<vmem>> -> memref<1x128xi32, #tpu.memory_space<vmem>>
    %dma_start3A_10 = tpu.memref_squeeze %dma_start3A_9 : memref<1x128xi32, #tpu.memory_space<vmem>> -> memref<128xi32, #tpu.memory_space<vmem>>
    %dma_start3A_11 = arith.constant 0 : i32
    %dma_start3A_12 = arith.constant 0 : i32
    %dma_start3A_13 = tpu.memref_slice %arg3[%dma_start3A_11, %dma_start3A_12] : memref<1000000x32xf32, #tpu.memory_space<hbm>> -> memref<1000000x32xf32, #tpu.memory_space<hbm>>
    tpu.enqueue_indirect_dma source(%dma_start3A_13 : memref<1000000x32xf32, #tpu.memory_space<hbm>>) target(%dma_start3A_7 : memref<128x32xf32, #tpu.memory_space<vmem>>) offsets(%dma_start3A_10 : memref<128xi32, #tpu.memory_space<vmem>>) semaphore(%arg8 : memref<!tpu.dma_semaphore, #tpu.memory_space<semaphore_mem>>)
    %dma_start3A_14 = arith.constant 1 : i32
    %dma_start3A_15 = arith.constant 128 : i32
    %dma_start3A_16 = arith.constant 0 : i32
    %dma_start3A_17 = tpu.memref_slice %arg6[%dma_start3A_15, %dma_start3A_16] : memref<1664x32xf32, #tpu.memory_space<vmem>> -> memref<128x32xf32, #tpu.memory_space<vmem>>
    %dma_start3A_18 = arith.constant 0 : i32
    %dma_start3A_19 = tpu.memref_slice %arg5[%dma_start3A_14, %dma_start3A_18] : memref<104x128xi32, #tpu.memory_space<vmem>> -> memref<1x128xi32, #tpu.memory_space<vmem>>
    %dma_start3A_20 = tpu.memref_squeeze %dma_start3A_19 : memref<1x128xi32, #tpu.memory_space<vmem>> -> memref<128xi32, #tpu.memory_space<vmem>>
    %dma_start3A_21 = arith.constant 0 : i32
    %dma_start3A_22 = arith.constant 0 : i32
    %dma_start3A_23 = tpu.memref_slice %arg3[%dma_start3A_21, %dma_start3A_22] : memref<1000000x32xf32, #tpu.memory_space<hbm>> -> memref<1000000x32xf32, #tpu.memory_space<hbm>>
    tpu.enqueue_indirect_dma source(%dma_start3A_23 : memref<1000000x32xf32, #tpu.memory_space<hbm>>) target(%dma_start3A_17 : memref<128x32xf32, #tpu.memory_space<vmem>>) offsets(%dma_start3A_20 : memref<128xi32, #tpu.memory_space<vmem>>) semaphore(%arg8 : memref<!tpu.dma_semaphore, #tpu.memory_space<semaphore_mem>>)
    %dma_start3A_24 = arith.constant 2 : i32
    %dma_start3A_25 = arith.constant 256 : i32
    %dma_start3A_26 = arith.constant 0 : i32
    %dma_start3A_27 = tpu.memref_slice %arg6[%dma_start3A_25, %dma_start3A_26] : memref<1664x32xf32, #tpu.memory_space<vmem>> -> memref<128x32xf32, #tpu.memory_space<vmem>>
    %dma_start3A_28 = arith.constant 0 : i32
    %dma_start3A_29 = tpu.memref_slice %arg5[%dma_start3A_24, %dma_start3A_28] : memref<104x128xi32, #tpu.memory_space<vmem>> -> memref<1x128xi32, #tpu.memory_space<vmem>>
    %dma_start3A_30 = tpu.memref_squeeze %dma_start3A_29 : memref<1x128xi32, #tpu.memory_space<vmem>> -> memref<128xi32, #tpu.memory_space<vmem>>
    %dma_start3A_31 = arith.constant 0 : i32
    %dma_start3A_32 = arith.constant 0 : i32
    %dma_start3A_33 = tpu.memref_slice %arg3[%dma_start3A_31, %dma_start3A_32] : memref<1000000x32xf32, #tpu.memory_space<hbm>> -> memref<1000000x32xf32, #tpu.memory_space<hbm>>
    tpu.enqueue_indirect_dma source(%dma_start3A_33 : memref<1000000x32xf32, #tpu.memory_space<hbm>>) target(%dma_start3A_27 : memref<128x32xf32, #tpu.memory_space<vmem>>) offsets(%dma_start3A_30 : memref<128xi32, #tpu.memory_space<vmem>>) semaphore(%arg8 : memref<!tpu.dma_semaphore, #tpu.memory_space<semaphore_mem>>)
    %dma_start3A_34 = arith.constant 3 : i32
    %dma_start3A_35 = arith.constant 384 : i32
    %dma_start3A_36 = arith.constant 0 : i32
    %dma_start3A_37 = tpu.memref_slice %arg6[%dma_start3A_35, %dma_start3A_36] : memref<1664x32xf32, #tpu.memory_space<vmem>> -> memref<128x32xf32, #tpu.memory_space<vmem>>
    %dma_start3A_38 = arith.constant 0 : i32
    %dma_start3A_39 = tpu.memref_slice %arg5[%dma_start3A_34, %dma_start3A_38] : memref<104x128xi32, #tpu.memory_space<vmem>> -> memref<1x128xi32, #tpu.memory_space<vmem>>
    %dma_start3A_40 = tpu.memref_squeeze %dma_start3A_39 : memref<1x128xi32, #tpu.memory_space<vmem>> -> memref<128xi32, #tpu.memory_space<vmem>>
    %dma_start3A_41 = arith.constant 0 : i32
    %dma_start3A_42 = arith.constant 0 : i32
    %dma_start3A_43 = tpu.memref_slice %arg3[%dma_start3A_41, %dma_start3A_42] : memref<1000000x32xf32, #tpu.memory_space<hbm>> -> memref<1000000x32xf32, #tpu.memory_space<hbm>>
    tpu.enqueue_indirect_dma source(%dma_start3A_43 : memref<1000000x32xf32, #tpu.memory_space<hbm>>) target(%dma_start3A_37 : memref<128x32xf32, #tpu.memory_space<vmem>>) offsets(%dma_start3A_40 : memref<128xi32, #tpu.memory_space<vmem>>) semaphore(%arg8 : memref<!tpu.dma_semaphore, #tpu.memory_space<semaphore_mem>>)
    %dma_start3A_44 = arith.constant 4 : i32
    %dma_start3A_45 = arith.constant 512 : i32
    %dma_start3A_46 = arith.constant 0 : i32
    %dma_start3A_47 = tpu.memref_slice %arg6[%dma_start3A_45, %dma_start3A_46] : memref<1664x32xf32, #tpu.memory_space<vmem>> -> memref<128x32xf32, #tpu.memory_space<vmem>>
    %dma_start3A_48 = arith.constant 0 : i32
    %dma_start3A_49 = tpu.memref_slice %arg5[%dma_start3A_44, %dma_start3A_48] : memref<104x128xi32, #tpu.memory_space<vmem>> -> memref<1x128xi32, #tpu.memory_space<vmem>>
    %dma_start3A_50 = tpu.memref_squeeze %dma_start3A_49 : memref<1x128xi32, #tpu.memory_space<vmem>> -> memref<128xi32, #tpu.memory_space<vmem>>
    %dma_start3A_51 = arith.constant 0 : i32
    %dma_start3A_52 = arith.constant 0 : i32
    %dma_start3A_53 = tpu.memref_slice %arg3[%dma_start3A_51, %dma_start3A_52] : memref<1000000x32xf32, #tpu.memory_space<hbm>> -> memref<1000000x32xf32, #tpu.memory_space<hbm>>
    tpu.enqueue_indirect_dma source(%dma_start3A_53 : memref<1000000x32xf32, #tpu.memory_space<hbm>>) target(%dma_start3A_47 : memref<128x32xf32, #tpu.memory_space<vmem>>) offsets(%dma_start3A_50 : memref<128xi32, #tpu.memory_space<vmem>>) semaphore(%arg8 : memref<!tpu.dma_semaphore, #tpu.memory_space<semaphore_mem>>)
    %dma_start3A_54 = arith.constant 5 : i32
    %dma_start3A_55 = arith.constant 640 : i32
    %dma_start3A_56 = arith.constant 0 : i32
    %dma_start3A_57 = tpu.memref_slice %arg6[%dma_start3A_55, %dma_start3A_56] : memref<1664x32xf32, #tpu.memory_space<vmem>> -> memref<128x32xf32, #tpu.memory_space<vmem>>
    %dma_start3A_58 = arith.constant 0 : i32
    %dma_start3A_59 = tpu.memref_slice %arg5[%dma_start3A_54, %dma_start3A_58] : memref<104x128xi32, #tpu.memory_space<vmem>> -> memref<1x128xi32, #tpu.memory_space<vmem>>
    %dma_start3A_60 = tpu.memref_squeeze %dma_start3A_59 : memref<1x128xi32, #tpu.memory_space<vmem>> -> memref<128xi32, #tpu.memory_space<vmem>>
    %dma_start3A_61 = arith.constant 0 : i32
    %dma_start3A_62 = arith.constant 0 : i32
    %dma_start3A_63 = tpu.memref_slice %arg3[%dma_start3A_61, %dma_start3A_62] : memref<1000000x32xf32, #tpu.memory_space<hbm>> -> memref<1000000x32xf32, #tpu.memory_space<hbm>>
    tpu.enqueue_indirect_dma source(%dma_start3A_63 : memref<1000000x32xf32, #tpu.memory_space<hbm>>) target(%dma_start3A_57 : memref<128x32xf32, #tpu.memory_space<vmem>>) offsets(%dma_start3A_60 : memref<128xi32, #tpu.memory_space<vmem>>) semaphore(%arg8 : memref<!tpu.dma_semaphore, #tpu.memory_space<semaphore_mem>>)
    %dma_start3A_64 = arith.constant 6 : i32
    %dma_start3A_65 = arith.constant 768 : i32
    %dma_start3A_66 = arith.constant 0 : i32
    %dma_start3A_67 = tpu.memref_slice %arg6[%dma_start3A_65, %dma_start3A_66] : memref<1664x32xf32, #tpu.memory_space<vmem>> -> memref<128x32xf32, #tpu.memory_space<vmem>>
    %dma_start3A_68 = arith.constant 0 : i32
    %dma_start3A_69 = tpu.memref_slice %arg5[%dma_start3A_64, %dma_start3A_68] : memref<104x128xi32, #tpu.memory_space<vmem>> -> memref<1x128xi32, #tpu.memory_space<vmem>>
    %dma_start3A_70 = tpu.memref_squeeze %dma_start3A_69 : memref<1x128xi32, #tpu.memory_space<vmem>> -> memref<128xi32, #tpu.memory_space<vmem>>
    %dma_start3A_71 = arith.constant 0 : i32
    %dma_start3A_72 = arith.constant 0 : i32
    %dma_start3A_73 = tpu.memref_slice %arg3[%dma_start3A_71, %dma_start3A_72] : memref<1000000x32xf32, #tpu.memory_space<hbm>> -> memref<1000000x32xf32, #tpu.memory_space<hbm>>
    tpu.enqueue_indirect_dma source(%dma_start3A_73 : memref<1000000x32xf32, #tpu.memory_space<hbm>>) target(%dma_start3A_67 : memref<128x32xf32, #tpu.memory_space<vmem>>) offsets(%dma_start3A_70 : memref<128xi32, #tpu.memory_space<vmem>>) semaphore(%arg8 : memref<!tpu.dma_semaphore, #tpu.memory_space<semaphore_mem>>)
    %dma_start3A_74 = arith.constant 7 : i32
    %dma_start3A_75 = arith.constant 896 : i32
    %dma_start3A_76 = arith.constant 0 : i32
    %dma_start3A_77 = tpu.memref_slice %arg6[%dma_start3A_75, %dma_start3A_76] : memref<1664x32xf32, #tpu.memory_space<vmem>> -> memref<128x32xf32, #tpu.memory_space<vmem>>
    %dma_start3A_78 = arith.constant 0 : i32
    %dma_start3A_79 = tpu.memref_slice %arg5[%dma_start3A_74, %dma_start3A_78] : memref<104x128xi32, #tpu.memory_space<vmem>> -> memref<1x128xi32, #tpu.memory_space<vmem>>
    %dma_start3A_80 = tpu.memref_squeeze %dma_start3A_79 : memref<1x128xi32, #tpu.memory_space<vmem>> -> memref<128xi32, #tpu.memory_space<vmem>>
    %dma_start3A_81 = arith.constant 0 : i32
    %dma_start3A_82 = arith.constant 0 : i32
    %dma_start3A_83 = tpu.memref_slice %arg3[%dma_start3A_81, %dma_start3A_82] : memref<1000000x32xf32, #tpu.memory_space<hbm>> -> memref<1000000x32xf32, #tpu.memory_space<hbm>>
    tpu.enqueue_indirect_dma source(%dma_start3A_83 : memref<1000000x32xf32, #tpu.memory_space<hbm>>) target(%dma_start3A_77 : memref<128x32xf32, #tpu.memory_space<vmem>>) offsets(%dma_start3A_80 : memref<128xi32, #tpu.memory_space<vmem>>) semaphore(%arg8 : memref<!tpu.dma_semaphore, #tpu.memory_space<semaphore_mem>>)
    %dma_start3A_84 = arith.constant 8 : i32
    %dma_start3A_85 = arith.constant 1024 : i32
    %dma_start3A_86 = arith.constant 0 : i32
    %dma_start3A_87 = tpu.memref_slice %arg6[%dma_start3A_85, %dma_start3A_86] : memref<1664x32xf32, #tpu.memory_space<vmem>> -> memref<128x32xf32, #tpu.memory_space<vmem>>
    %dma_start3A_88 = arith.constant 0 : i32
    %dma_start3A_89 = tpu.memref_slice %arg5[%dma_start3A_84, %dma_start3A_88] : memref<104x128xi32, #tpu.memory_space<vmem>> -> memref<1x128xi32, #tpu.memory_space<vmem>>
    %dma_start3A_90 = tpu.memref_squeeze %dma_start3A_89 : memref<1x128xi32, #tpu.memory_space<vmem>> -> memref<128xi32, #tpu.memory_space<vmem>>
    %dma_start3A_91 = arith.constant 0 : i32
    %dma_start3A_92 = arith.constant 0 : i32
    %dma_start3A_93 = tpu.memref_slice %arg3[%dma_start3A_91, %dma_start3A_92] : memref<1000000x32xf32, #tpu.memory_space<hbm>> -> memref<1000000x32xf32, #tpu.memory_space<hbm>>
    tpu.enqueue_indirect_dma source(%dma_start3A_93 : memref<1000000x32xf32, #tpu.memory_space<hbm>>) target(%dma_start3A_87 : memref<128x32xf32, #tpu.memory_space<vmem>>) offsets(%dma_start3A_90 : memref<128xi32, #tpu.memory_space<vmem>>) semaphore(%arg8 : memref<!tpu.dma_semaphore, #tpu.memory_space<semaphore_mem>>)
    %dma_start3A_94 = arith.constant 9 : i32
    %dma_start3A_95 = arith.constant 1152 : i32
    %dma_start3A_96 = arith.constant 0 : i32
    %dma_start3A_97 = tpu.memref_slice %arg6[%dma_start3A_95, %dma_start3A_96] : memref<1664x32xf32, #tpu.memory_space<vmem>> -> memref<128x32xf32, #tpu.memory_space<vmem>>
    %dma_start3A_98 = arith.constant 0 : i32
    %dma_start3A_99 = tpu.memref_slice %arg5[%dma_start3A_94, %dma_start3A_98] : memref<104x128xi32, #tpu.memory_space<vmem>> -> memref<1x128xi32, #tpu.memory_space<vmem>>
    %dma_start3A_100 = tpu.memref_squeeze %dma_start3A_99 : memref<1x128xi32, #tpu.memory_space<vmem>> -> memref<128xi32, #tpu.memory_space<vmem>>
    %dma_start3A_101 = arith.constant 0 : i32
    %dma_start3A_102 = arith.constant 0 : i32
    %dma_start3A_103 = tpu.memref_slice %arg3[%dma_start3A_101, %dma_start3A_102] : memref<1000000x32xf32, #tpu.memory_space<hbm>> -> memref<1000000x32xf32, #tpu.memory_space<hbm>>
    tpu.enqueue_indirect_dma source(%dma_start3A_103 : memref<1000000x32xf32, #tpu.memory_space<hbm>>) target(%dma_start3A_97 : memref<128x32xf32, #tpu.memory_space<vmem>>) offsets(%dma_start3A_100 : memref<128xi32, #tpu.memory_space<vmem>>) semaphore(%arg8 : memref<!tpu.dma_semaphore, #tpu.memory_space<semaphore_mem>>)
    %dma_start3A_104 = arith.constant 10 : i32
    %dma_start3A_105 = arith.constant 1280 : i32
    %dma_start3A_106 = arith.constant 0 : i32
    %dma_start3A_107 = tpu.memref_slice %arg6[%dma_start3A_105, %dma_start3A_106] : memref<1664x32xf32, #tpu.memory_space<vmem>> -> memref<128x32xf32, #tpu.memory_space<vmem>>
    %dma_start3A_108 = arith.constant 0 : i32
    %dma_start3A_109 = tpu.memref_slice %arg5[%dma_start3A_104, %dma_start3A_108] : memref<104x128xi32, #tpu.memory_space<vmem>> -> memref<1x128xi32, #tpu.memory_space<vmem>>
    %dma_start3A_110 = tpu.memref_squeeze %dma_start3A_109 : memref<1x128xi32, #tpu.memory_space<vmem>> -> memref<128xi32, #tpu.memory_space<vmem>>
    %dma_start3A_111 = arith.constant 0 : i32
    %dma_start3A_112 = arith.constant 0 : i32
    %dma_start3A_113 = tpu.memref_slice %arg3[%dma_start3A_111, %dma_start3A_112] : memref<1000000x32xf32, #tpu.memory_space<hbm>> -> memref<1000000x32xf32, #tpu.memory_space<hbm>>
    tpu.enqueue_indirect_dma source(%dma_start3A_113 : memref<1000000x32xf32, #tpu.memory_space<hbm>>) target(%dma_start3A_107 : memref<128x32xf32, #tpu.memory_space<vmem>>) offsets(%dma_start3A_110 : memref<128xi32, #tpu.memory_space<vmem>>) semaphore(%arg8 : memref<!tpu.dma_semaphore, #tpu.memory_space<semaphore_mem>>)
    %dma_start3A_114 = arith.constant 11 : i32
    %dma_start3A_115 = arith.constant 1408 : i32
    %dma_start3A_116 = arith.constant 0 : i32
    %dma_start3A_117 = tpu.memref_slice %arg6[%dma_start3A_115, %dma_start3A_116] : memref<1664x32xf32, #tpu.memory_space<vmem>> -> memref<128x32xf32, #tpu.memory_space<vmem>>
    %dma_start3A_118 = arith.constant 0 : i32
    %dma_start3A_119 = tpu.memref_slice %arg5[%dma_start3A_114, %dma_start3A_118] : memref<104x128xi32, #tpu.memory_space<vmem>> -> memref<1x128xi32, #tpu.memory_space<vmem>>
    %dma_start3A_120 = tpu.memref_squeeze %dma_start3A_119 : memref<1x128xi32, #tpu.memory_space<vmem>> -> memref<128xi32, #tpu.memory_space<vmem>>
    %dma_start3A_121 = arith.constant 0 : i32
    %dma_start3A_122 = arith.constant 0 : i32
    %dma_start3A_123 = tpu.memref_slice %arg3[%dma_start3A_121, %dma_start3A_122] : memref<1000000x32xf32, #tpu.memory_space<hbm>> -> memref<1000000x32xf32, #tpu.memory_space<hbm>>
    tpu.enqueue_indirect_dma source(%dma_start3A_123 : memref<1000000x32xf32, #tpu.memory_space<hbm>>) target(%dma_start3A_117 : memref<128x32xf32, #tpu.memory_space<vmem>>) offsets(%dma_start3A_120 : memref<128xi32, #tpu.memory_space<vmem>>) semaphore(%arg8 : memref<!tpu.dma_semaphore, #tpu.memory_space<semaphore_mem>>)
    %dma_start3A_124 = arith.constant 12 : i32
    %dma_start3A_125 = arith.constant 1536 : i32
    %dma_start3A_126 = arith.constant 0 : i32
    %dma_start3A_127 = tpu.memref_slice %arg6[%dma_start3A_125, %dma_start3A_126] : memref<1664x32xf32, #tpu.memory_space<vmem>> -> memref<128x32xf32, #tpu.memory_space<vmem>>
    %dma_start3A_128 = arith.constant 0 : i32
    %dma_start3A_129 = tpu.memref_slice %arg5[%dma_start3A_124, %dma_start3A_128] : memref<104x128xi32, #tpu.memory_space<vmem>> -> memref<1x128xi32, #tpu.memory_space<vmem>>
    %dma_start3A_130 = tpu.memref_squeeze %dma_start3A_129 : memref<1x128xi32, #tpu.memory_space<vmem>> -> memref<128xi32, #tpu.memory_space<vmem>>
    %dma_start3A_131 = arith.constant 0 : i32
    %dma_start3A_132 = arith.constant 0 : i32
    %dma_start3A_133 = tpu.memref_slice %arg3[%dma_start3A_131, %dma_start3A_132] : memref<1000000x32xf32, #tpu.memory_space<hbm>> -> memref<1000000x32xf32, #tpu.memory_space<hbm>>
    tpu.enqueue_indirect_dma source(%dma_start3A_133 : memref<1000000x32xf32, #tpu.memory_space<hbm>>) target(%dma_start3A_127 : memref<128x32xf32, #tpu.memory_space<vmem>>) offsets(%dma_start3A_130 : memref<128xi32, #tpu.memory_space<vmem>>) semaphore(%arg8 : memref<!tpu.dma_semaphore, #tpu.memory_space<semaphore_mem>>)
    %dma_start3A_134 = arith.constant 13 : i32
    %dma_start3A_135 = arith.constant 0 : i32
    %dma_start3A_136 = arith.constant 0 : i32
    %dma_start3A_137 = tpu.memref_slice %arg7[%dma_start3A_135, %dma_start3A_136] : memref<1664x32xf32, #tpu.memory_space<vmem>> -> memref<128x32xf32, #tpu.memory_space<vmem>>
    %dma_start3A_138 = arith.constant 0 : i32
    %dma_start3A_139 = tpu.memref_slice %arg5[%dma_start3A_134, %dma_start3A_138] : memref<104x128xi32, #tpu.memory_space<vmem>> -> memref<1x128xi32, #tpu.memory_space<vmem>>
    %dma_start3A_140 = tpu.memref_squeeze %dma_start3A_139 : memref<1x128xi32, #tpu.memory_space<vmem>> -> memref<128xi32, #tpu.memory_space<vmem>>
    %dma_start3A_141 = arith.constant 0 : i32
    %dma_start3A_142 = arith.constant 0 : i32
    %dma_start3A_143 = tpu.memref_slice %arg3[%dma_start3A_141, %dma_start3A_142] : memref<1000000x32xf32, #tpu.memory_space<hbm>> -> memref<1000000x32xf32, #tpu.memory_space<hbm>>
    tpu.enqueue_indirect_dma source(%dma_start3A_143 : memref<1000000x32xf32, #tpu.memory_space<hbm>>) target(%dma_start3A_137 : memref<128x32xf32, #tpu.memory_space<vmem>>) offsets(%dma_start3A_140 : memref<128xi32, #tpu.memory_space<vmem>>) semaphore(%arg9 : memref<!tpu.dma_semaphore, #tpu.memory_space<semaphore_mem>>)
    %dma_start3A_144 = arith.constant 14 : i32
    %dma_start3A_145 = arith.constant 128 : i32
    %dma_start3A_146 = arith.constant 0 : i32
    %dma_start3A_147 = tpu.memref_slice %arg7[%dma_start3A_145, %dma_start3A_146] : memref<1664x32xf32, #tpu.memory_space<vmem>> -> memref<128x32xf32, #tpu.memory_space<vmem>>
    %dma_start3A_148 = arith.constant 0 : i32
    %dma_start3A_149 = tpu.memref_slice %arg5[%dma_start3A_144, %dma_start3A_148] : memref<104x128xi32, #tpu.memory_space<vmem>> -> memref<1x128xi32, #tpu.memory_space<vmem>>
    %dma_start3A_150 = tpu.memref_squeeze %dma_start3A_149 : memref<1x128xi32, #tpu.memory_space<vmem>> -> memref<128xi32, #tpu.memory_space<vmem>>
    %dma_start3A_151 = arith.constant 0 : i32
    %dma_start3A_152 = arith.constant 0 : i32
    %dma_start3A_153 = tpu.memref_slice %arg3[%dma_start3A_151, %dma_start3A_152] : memref<1000000x32xf32, #tpu.memory_space<hbm>> -> memref<1000000x32xf32, #tpu.memory_space<hbm>>
    tpu.enqueue_indirect_dma source(%dma_start3A_153 : memref<1000000x32xf32, #tpu.memory_space<hbm>>) target(%dma_start3A_147 : memref<128x32xf32, #tpu.memory_space<vmem>>) offsets(%dma_start3A_150 : memref<128xi32, #tpu.memory_space<vmem>>) semaphore(%arg9 : memref<!tpu.dma_semaphore, #tpu.memory_space<semaphore_mem>>)
    %dma_start3A_154 = arith.constant 15 : i32
    %dma_start3A_155 = arith.constant 256 : i32
    %dma_start3A_156 = arith.constant 0 : i32
    %dma_start3A_157 = tpu.memref_slice %arg7[%dma_start3A_155, %dma_start3A_156] : memref<1664x32xf32, #tpu.memory_space<vmem>> -> memref<128x32xf32, #tpu.memory_space<vmem>>
    %dma_start3A_158 = arith.constant 0 : i32
    %dma_start3A_159 = tpu.memref_slice %arg5[%dma_start3A_154, %dma_start3A_158] : memref<104x128xi32, #tpu.memory_space<vmem>> -> memref<1x128xi32, #tpu.memory_space<vmem>>
    %dma_start3A_160 = tpu.memref_squeeze %dma_start3A_159 : memref<1x128xi32, #tpu.memory_space<vmem>> -> memref<128xi32, #tpu.memory_space<vmem>>
    %dma_start3A_161 = arith.constant 0 : i32
    %dma_start3A_162 = arith.constant 0 : i32
    %dma_start3A_163 = tpu.memref_slice %arg3[%dma_start3A_161, %dma_start3A_162] : memref<1000000x32xf32, #tpu.memory_space<hbm>> -> memref<1000000x32xf32, #tpu.memory_space<hbm>>
    tpu.enqueue_indirect_dma source(%dma_start3A_163 : memref<1000000x32xf32, #tpu.memory_space<hbm>>) target(%dma_start3A_157 : memref<128x32xf32, #tpu.memory_space<vmem>>) offsets(%dma_start3A_160 : memref<128xi32, #tpu.memory_space<vmem>>) semaphore(%arg9 : memref<!tpu.dma_semaphore, #tpu.memory_space<semaphore_mem>>)
    %dma_start3A_164 = arith.constant 16 : i32
    %dma_start3A_165 = arith.constant 384 : i32
    %dma_start3A_166 = arith.constant 0 : i32
    %dma_start3A_167 = tpu.memref_slice %arg7[%dma_start3A_165, %dma_start3A_166] : memref<1664x32xf32, #tpu.memory_space<vmem>> -> memref<128x32xf32, #tpu.memory_space<vmem>>
    %dma_start3A_168 = arith.constant 0 : i32
    %dma_start3A_169 = tpu.memref_slice %arg5[%dma_start3A_164, %dma_start3A_168] : memref<104x128xi32, #tpu.memory_space<vmem>> -> memref<1x128xi32, #tpu.memory_space<vmem>>
    %dma_start3A_170 = tpu.memref_squeeze %dma_start3A_169 : memref<1x128xi32, #tpu.memory_space<vmem>> -> memref<128xi32, #tpu.memory_space<vmem>>
    %dma_start3A_171 = arith.constant 0 : i32
    %dma_start3A_172 = arith.constant 0 : i32
    %dma_start3A_173 = tpu.memref_slice %arg3[%dma_start3A_171, %dma_start3A_172] : memref<1000000x32xf32, #tpu.memory_space<hbm>> -> memref<1000000x32xf32, #tpu.memory_space<hbm>>
    tpu.enqueue_indirect_dma source(%dma_start3A_173 : memref<1000000x32xf32, #tpu.memory_space<hbm>>) target(%dma_start3A_167 : memref<128x32xf32, #tpu.memory_space<vmem>>) offsets(%dma_start3A_170 : memref<128xi32, #tpu.memory_space<vmem>>) semaphore(%arg9 : memref<!tpu.dma_semaphore, #tpu.memory_space<semaphore_mem>>)
    %dma_start3A_174 = arith.constant 17 : i32
    %dma_start3A_175 = arith.constant 512 : i32
    %dma_start3A_176 = arith.constant 0 : i32
    %dma_start3A_177 = tpu.memref_slice %arg7[%dma_start3A_175, %dma_start3A_176] : memref<1664x32xf32, #tpu.memory_space<vmem>> -> memref<128x32xf32, #tpu.memory_space<vmem>>
    %dma_start3A_178 = arith.constant 0 : i32
    %dma_start3A_179 = tpu.memref_slice %arg5[%dma_start3A_174, %dma_start3A_178] : memref<104x128xi32, #tpu.memory_space<vmem>> -> memref<1x128xi32, #tpu.memory_space<vmem>>
    %dma_start3A_180 = tpu.memref_squeeze %dma_start3A_179 : memref<1x128xi32, #tpu.memory_space<vmem>> -> memref<128xi32, #tpu.memory_space<vmem>>
    %dma_start3A_181 = arith.constant 0 : i32
    %dma_start3A_182 = arith.constant 0 : i32
    %dma_start3A_183 = tpu.memref_slice %arg3[%dma_start3A_181, %dma_start3A_182] : memref<1000000x32xf32, #tpu.memory_space<hbm>> -> memref<1000000x32xf32, #tpu.memory_space<hbm>>
    tpu.enqueue_indirect_dma source(%dma_start3A_183 : memref<1000000x32xf32, #tpu.memory_space<hbm>>) target(%dma_start3A_177 : memref<128x32xf32, #tpu.memory_space<vmem>>) offsets(%dma_start3A_180 : memref<128xi32, #tpu.memory_space<vmem>>) semaphore(%arg9 : memref<!tpu.dma_semaphore, #tpu.memory_space<semaphore_mem>>)
    %dma_start3A_184 = arith.constant 18 : i32
    %dma_start3A_185 = arith.constant 640 : i32
    %dma_start3A_186 = arith.constant 0 : i32
    %dma_start3A_187 = tpu.memref_slice %arg7[%dma_start3A_185, %dma_start3A_186] : memref<1664x32xf32, #tpu.memory_space<vmem>> -> memref<128x32xf32, #tpu.memory_space<vmem>>
    %dma_start3A_188 = arith.constant 0 : i32
    %dma_start3A_189 = tpu.memref_slice %arg5[%dma_start3A_184, %dma_start3A_188] : memref<104x128xi32, #tpu.memory_space<vmem>> -> memref<1x128xi32, #tpu.memory_space<vmem>>
    %dma_start3A_190 = tpu.memref_squeeze %dma_start3A_189 : memref<1x128xi32, #tpu.memory_space<vmem>> -> memref<128xi32, #tpu.memory_space<vmem>>
    %dma_start3A_191 = arith.constant 0 : i32
    %dma_start3A_192 = arith.constant 0 : i32
    %dma_start3A_193 = tpu.memref_slice %arg3[%dma_start3A_191, %dma_start3A_192] : memref<1000000x32xf32, #tpu.memory_space<hbm>> -> memref<1000000x32xf32, #tpu.memory_space<hbm>>
    tpu.enqueue_indirect_dma source(%dma_start3A_193 : memref<1000000x32xf32, #tpu.memory_space<hbm>>) target(%dma_start3A_187 : memref<128x32xf32, #tpu.memory_space<vmem>>) offsets(%dma_start3A_190 : memref<128xi32, #tpu.memory_space<vmem>>) semaphore(%arg9 : memref<!tpu.dma_semaphore, #tpu.memory_space<semaphore_mem>>)
    %dma_start3A_194 = arith.constant 19 : i32
    %dma_start3A_195 = arith.constant 768 : i32
    %dma_start3A_196 = arith.constant 0 : i32
    %dma_start3A_197 = tpu.memref_slice %arg7[%dma_start3A_195, %dma_start3A_196] : memref<1664x32xf32, #tpu.memory_space<vmem>> -> memref<128x32xf32, #tpu.memory_space<vmem>>
    %dma_start3A_198 = arith.constant 0 : i32
    %dma_start3A_199 = tpu.memref_slice %arg5[%dma_start3A_194, %dma_start3A_198] : memref<104x128xi32, #tpu.memory_space<vmem>> -> memref<1x128xi32, #tpu.memory_space<vmem>>
    %dma_start3A_200 = tpu.memref_squeeze %dma_start3A_199 : memref<1x128xi32, #tpu.memory_space<vmem>> -> memref<128xi32, #tpu.memory_space<vmem>>
    %dma_start3A_201 = arith.constant 0 : i32
    %dma_start3A_202 = arith.constant 0 : i32
    %dma_start3A_203 = tpu.memref_slice %arg3[%dma_start3A_201, %dma_start3A_202] : memref<1000000x32xf32, #tpu.memory_space<hbm>> -> memref<1000000x32xf32, #tpu.memory_space<hbm>>
    tpu.enqueue_indirect_dma source(%dma_start3A_203 : memref<1000000x32xf32, #tpu.memory_space<hbm>>) target(%dma_start3A_197 : memref<128x32xf32, #tpu.memory_space<vmem>>) offsets(%dma_start3A_200 : memref<128xi32, #tpu.memory_space<vmem>>) semaphore(%arg9 : memref<!tpu.dma_semaphore, #tpu.memory_space<semaphore_mem>>)
    %dma_start3A_204 = arith.constant 20 : i32
    %dma_start3A_205 = arith.constant 896 : i32
    %dma_start3A_206 = arith.constant 0 : i32
    %dma_start3A_207 = tpu.memref_slice %arg7[%dma_start3A_205, %dma_start3A_206] : memref<1664x32xf32, #tpu.memory_space<vmem>> -> memref<128x32xf32, #tpu.memory_space<vmem>>
    %dma_start3A_208 = arith.constant 0 : i32
    %dma_start3A_209 = tpu.memref_slice %arg5[%dma_start3A_204, %dma_start3A_208] : memref<104x128xi32, #tpu.memory_space<vmem>> -> memref<1x128xi32, #tpu.memory_space<vmem>>
    %dma_start3A_210 = tpu.memref_squeeze %dma_start3A_209 : memref<1x128xi32, #tpu.memory_space<vmem>> -> memref<128xi32, #tpu.memory_space<vmem>>
    %dma_start3A_211 = arith.constant 0 : i32
    %dma_start3A_212 = arith.constant 0 : i32
    %dma_start3A_213 = tpu.memref_slice %arg3[%dma_start3A_211, %dma_start3A_212] : memref<1000000x32xf32, #tpu.memory_space<hbm>> -> memref<1000000x32xf32, #tpu.memory_space<hbm>>
    tpu.enqueue_indirect_dma source(%dma_start3A_213 : memref<1000000x32xf32, #tpu.memory_space<hbm>>) target(%dma_start3A_207 : memref<128x32xf32, #tpu.memory_space<vmem>>) offsets(%dma_start3A_210 : memref<128xi32, #tpu.memory_space<vmem>>) semaphore(%arg9 : memref<!tpu.dma_semaphore, #tpu.memory_space<semaphore_mem>>)
    %dma_start3A_214 = arith.constant 21 : i32
    %dma_start3A_215 = arith.constant 1024 : i32
    %dma_start3A_216 = arith.constant 0 : i32
    %dma_start3A_217 = tpu.memref_slice %arg7[%dma_start3A_215, %dma_start3A_216] : memref<1664x32xf32, #tpu.memory_space<vmem>> -> memref<128x32xf32, #tpu.memory_space<vmem>>
    %dma_start3A_218 = arith.constant 0 : i32
    %dma_start3A_219 = tpu.memref_slice %arg5[%dma_start3A_214, %dma_start3A_218] : memref<104x128xi32, #tpu.memory_space<vmem>> -> memref<1x128xi32, #tpu.memory_space<vmem>>
    %dma_start3A_220 = tpu.memref_squeeze %dma_start3A_219 : memref<1x128xi32, #tpu.memory_space<vmem>> -> memref<128xi32, #tpu.memory_space<vmem>>
    %dma_start3A_221 = arith.constant 0 : i32
    %dma_start3A_222 = arith.constant 0 : i32
    %dma_start3A_223 = tpu.memref_slice %arg3[%dma_start3A_221, %dma_start3A_222] : memref<1000000x32xf32, #tpu.memory_space<hbm>> -> memref<1000000x32xf32, #tpu.memory_space<hbm>>
    tpu.enqueue_indirect_dma source(%dma_start3A_223 : memref<1000000x32xf32, #tpu.memory_space<hbm>>) target(%dma_start3A_217 : memref<128x32xf32, #tpu.memory_space<vmem>>) offsets(%dma_start3A_220 : memref<128xi32, #tpu.memory_space<vmem>>) semaphore(%arg9 : memref<!tpu.dma_semaphore, #tpu.memory_space<semaphore_mem>>)
    %dma_start3A_224 = arith.constant 22 : i32
    %dma_start3A_225 = arith.constant 1152 : i32
    %dma_start3A_226 = arith.constant 0 : i32
    %dma_start3A_227 = tpu.memref_slice %arg7[%dma_start3A_225, %dma_start3A_226] : memref<1664x32xf32, #tpu.memory_space<vmem>> -> memref<128x32xf32, #tpu.memory_space<vmem>>
    %dma_start3A_228 = arith.constant 0 : i32
    %dma_start3A_229 = tpu.memref_slice %arg5[%dma_start3A_224, %dma_start3A_228] : memref<104x128xi32, #tpu.memory_space<vmem>> -> memref<1x128xi32, #tpu.memory_space<vmem>>
    %dma_start3A_230 = tpu.memref_squeeze %dma_start3A_229 : memref<1x128xi32, #tpu.memory_space<vmem>> -> memref<128xi32, #tpu.memory_space<vmem>>
    %dma_start3A_231 = arith.constant 0 : i32
    %dma_start3A_232 = arith.constant 0 : i32
    %dma_start3A_233 = tpu.memref_slice %arg3[%dma_start3A_231, %dma_start3A_232] : memref<1000000x32xf32, #tpu.memory_space<hbm>> -> memref<1000000x32xf32, #tpu.memory_space<hbm>>
    tpu.enqueue_indirect_dma source(%dma_start3A_233 : memref<1000000x32xf32, #tpu.memory_space<hbm>>) target(%dma_start3A_227 : memref<128x32xf32, #tpu.memory_space<vmem>>) offsets(%dma_start3A_230 : memref<128xi32, #tpu.memory_space<vmem>>) semaphore(%arg9 : memref<!tpu.dma_semaphore, #tpu.memory_space<semaphore_mem>>)
    %dma_start3A_234 = arith.constant 23 : i32
    %dma_start3A_235 = arith.constant 1280 : i32
    %dma_start3A_236 = arith.constant 0 : i32
    %dma_start3A_237 = tpu.memref_slice %arg7[%dma_start3A_235, %dma_start3A_236] : memref<1664x32xf32, #tpu.memory_space<vmem>> -> memref<128x32xf32, #tpu.memory_space<vmem>>
    %dma_start3A_238 = arith.constant 0 : i32
    %dma_start3A_239 = tpu.memref_slice %arg5[%dma_start3A_234, %dma_start3A_238] : memref<104x128xi32, #tpu.memory_space<vmem>> -> memref<1x128xi32, #tpu.memory_space<vmem>>
    %dma_start3A_240 = tpu.memref_squeeze %dma_start3A_239 : memref<1x128xi32, #tpu.memory_space<vmem>> -> memref<128xi32, #tpu.memory_space<vmem>>
    %dma_start3A_241 = arith.constant 0 : i32
    %dma_start3A_242 = arith.constant 0 : i32
    %dma_start3A_243 = tpu.memref_slice %arg3[%dma_start3A_241, %dma_start3A_242] : memref<1000000x32xf32, #tpu.memory_space<hbm>> -> memref<1000000x32xf32, #tpu.memory_space<hbm>>
    tpu.enqueue_indirect_dma source(%dma_start3A_243 : memref<1000000x32xf32, #tpu.memory_space<hbm>>) target(%dma_start3A_237 : memref<128x32xf32, #tpu.memory_space<vmem>>) offsets(%dma_start3A_240 : memref<128xi32, #tpu.memory_space<vmem>>) semaphore(%arg9 : memref<!tpu.dma_semaphore, #tpu.memory_space<semaphore_mem>>)
    %dma_start3A_244 = arith.constant 24 : i32
    %dma_start3A_245 = arith.constant 1408 : i32
    %dma_start3A_246 = arith.constant 0 : i32
    %dma_start3A_247 = tpu.memref_slice %arg7[%dma_start3A_245, %dma_start3A_246] : memref<1664x32xf32, #tpu.memory_space<vmem>> -> memref<128x32xf32, #tpu.memory_space<vmem>>
    %dma_start3A_248 = arith.constant 0 : i32
    %dma_start3A_249 = tpu.memref_slice %arg5[%dma_start3A_244, %dma_start3A_248] : memref<104x128xi32, #tpu.memory_space<vmem>> -> memref<1x128xi32, #tpu.memory_space<vmem>>
    %dma_start3A_250 = tpu.memref_squeeze %dma_start3A_249 : memref<1x128xi32, #tpu.memory_space<vmem>> -> memref<128xi32, #tpu.memory_space<vmem>>
    %dma_start3A_251 = arith.constant 0 : i32
    %dma_start3A_252 = arith.constant 0 : i32
    %dma_start3A_253 = tpu.memref_slice %arg3[%dma_start3A_251, %dma_start3A_252] : memref<1000000x32xf32, #tpu.memory_space<hbm>> -> memref<1000000x32xf32, #tpu.memory_space<hbm>>
    tpu.enqueue_indirect_dma source(%dma_start3A_253 : memref<1000000x32xf32, #tpu.memory_space<hbm>>) target(%dma_start3A_247 : memref<128x32xf32, #tpu.memory_space<vmem>>) offsets(%dma_start3A_250 : memref<128xi32, #tpu.memory_space<vmem>>) semaphore(%arg9 : memref<!tpu.dma_semaphore, #tpu.memory_space<semaphore_mem>>)
    %dma_start3A_254 = arith.constant 25 : i32
    %dma_start3A_255 = arith.constant 1536 : i32
    %dma_start3A_256 = arith.constant 0 : i32
    %dma_start3A_257 = tpu.memref_slice %arg7[%dma_start3A_255, %dma_start3A_256] : memref<1664x32xf32, #tpu.memory_space<vmem>> -> memref<128x32xf32, #tpu.memory_space<vmem>>
    %dma_start3A_258 = arith.constant 0 : i32
    %dma_start3A_259 = tpu.memref_slice %arg5[%dma_start3A_254, %dma_start3A_258] : memref<104x128xi32, #tpu.memory_space<vmem>> -> memref<1x128xi32, #tpu.memory_space<vmem>>
    %dma_start3A_260 = tpu.memref_squeeze %dma_start3A_259 : memref<1x128xi32, #tpu.memory_space<vmem>> -> memref<128xi32, #tpu.memory_space<vmem>>
    %dma_start3A_261 = arith.constant 0 : i32
    %dma_start3A_262 = arith.constant 0 : i32
    %dma_start3A_263 = tpu.memref_slice %arg3[%dma_start3A_261, %dma_start3A_262] : memref<1000000x32xf32, #tpu.memory_space<hbm>> -> memref<1000000x32xf32, #tpu.memory_space<hbm>>
    tpu.enqueue_indirect_dma source(%dma_start3A_263 : memref<1000000x32xf32, #tpu.memory_space<hbm>>) target(%dma_start3A_257 : memref<128x32xf32, #tpu.memory_space<vmem>>) offsets(%dma_start3A_260 : memref<128xi32, #tpu.memory_space<vmem>>) semaphore(%arg9 : memref<!tpu.dma_semaphore, #tpu.memory_space<semaphore_mem>>)
    %scan3A = arith.constant 0 : i32
    %scan3A_264 = arith.constant 0 : i32
    %scan3A_265 = arith.constant 4 : i32
    %scan3A_266 = arith.addi %scan3A_264, %scan3A_265 : i32
    %scan3A_267 = arith.constant 1 : i32
    scf.for %scan3A_269 = %scan3A_264 to %scan3A_266 step %scan3A_267  : i32 {
      %mul3A_270 = arith.constant 2 : i32
      %mul3A_271 = arith.muli %mul3A_270, %scan3A_269 : i32
      %dma_wait3A = arith.constant 0 : i32
      %dma_wait3A_272 = arith.constant 0 : i32
      %dma_wait3A_273 = tpu.memref_slice %arg4[%dma_wait3A, %dma_wait3A_272] : memref<425984x32xf32, #tpu.memory_space<hbm>> -> memref<1664x32xf32, #tpu.memory_space<hbm>>
      %dma_wait3A_274 = arith.constant 0 : i32
      %dma_wait3A_275 = arith.constant 0 : i32
      %dma_wait3A_276 = tpu.memref_slice %arg4[%dma_wait3A_274, %dma_wait3A_275] : memref<425984x32xf32, #tpu.memory_space<hbm>> -> memref<1664x32xf32, #tpu.memory_space<hbm>>
      tpu.wait_dma2 semaphore(%arg8 : memref<!tpu.dma_semaphore, #tpu.memory_space<semaphore_mem>>) src(%dma_wait3A_276 : memref<1664x32xf32, #tpu.memory_space<hbm>>) dst(%arg6 : memref<1664x32xf32, #tpu.memory_space<vmem>>)
      %mul3A_277 = arith.constant 1664 : i32
      %mul3A_278 = arith.muli %mul3A_271, %mul3A_277 : i32
      %add3A_279 = arith.addi %mul3A_4, %mul3A_278 : i32
      "tpu.region"() ({
        %run_scoped3A = tpu.sem_alloc : memref<!tpu.dma_semaphore, #tpu.memory_space<semaphore_mem>>
        %dma_start3A_298 = arith.constant 0 : i32
        %dma_start3A_299 = tpu.memref_slice %arg4[%add3A_279, %dma_start3A_298] : memref<425984x32xf32, #tpu.memory_space<hbm>> -> memref<1664x32xf32, #tpu.memory_space<hbm>>
        %dma_start3A_300 = arith.constant 0 : i32
        %dma_start3A_301 = tpu.memref_slice %arg4[%add3A_279, %dma_start3A_300] : memref<425984x32xf32, #tpu.memory_space<hbm>> -> memref<1664x32xf32, #tpu.memory_space<hbm>>
        tpu.enqueue_dma source(%arg6 : memref<1664x32xf32, #tpu.memory_space<vmem>>) target(%dma_start3A_301 : memref<1664x32xf32, #tpu.memory_space<hbm>>) target_semaphore(%run_scoped3A : memref<!tpu.dma_semaphore, #tpu.memory_space<semaphore_mem>>)
        %dma_wait3A_302 = arith.constant 0 : i32
        %dma_wait3A_303 = tpu.memref_slice %arg4[%add3A_279, %dma_wait3A_302] : memref<425984x32xf32, #tpu.memory_space<hbm>> -> memref<1664x32xf32, #tpu.memory_space<hbm>>
        %dma_wait3A_304 = arith.constant 0 : i32
        %dma_wait3A_305 = tpu.memref_slice %arg4[%add3A_279, %dma_wait3A_304] : memref<425984x32xf32, #tpu.memory_space<hbm>> -> memref<1664x32xf32, #tpu.memory_space<hbm>>
        tpu.wait_dma2 semaphore(%run_scoped3A : memref<!tpu.dma_semaphore, #tpu.memory_space<semaphore_mem>>) src(%arg6 : memref<1664x32xf32, #tpu.memory_space<vmem>>) dst(%dma_wait3A_305 : memref<1664x32xf32, #tpu.memory_space<hbm>>)
        tpu.yield
      }) : () -> ()
      %lt3A = arith.constant 3 : i32
      %lt3A_280 = arith.cmpi slt, %scan3A_269, %lt3A : i32
      %convert_element_type3A = arith.extui %lt3A_280 : i1 to i32
      %cond3A = arith.constant 0 : i32
      %cond3A_281 = arith.cmpi ne, %convert_element_type3A, %cond3A : i32
      scf.if %cond3A_281 {
        %add3A_298 = arith.constant 2 : i32
        %add3A_299 = arith.addi %mul3A_271, %add3A_298 : i32
        %mul3A_300 = arith.constant 13 : i32
        %mul3A_301 = arith.muli %add3A_299, %mul3A_300 : i32
        %add3A_302 = arith.constant 0 : i32
        %add3A_303 = arith.addi %mul3A_301, %add3A_302 : i32
        %dma_start3A_304 = arith.constant 0 : i32
        %dma_start3A_305 = arith.constant 0 : i32
        %dma_start3A_306 = tpu.memref_slice %arg6[%dma_start3A_304, %dma_start3A_305] : memref<1664x32xf32, #tpu.memory_space<vmem>> -> memref<128x32xf32, #tpu.memory_space<vmem>>
        %dma_start3A_307 = arith.constant 0 : i32
        %dma_start3A_308 = tpu.memref_slice %arg5[%add3A_303, %dma_start3A_307] : memref<104x128xi32, #tpu.memory_space<vmem>> -> memref<1x128xi32, #tpu.memory_space<vmem>>
        %dma_start3A_309 = tpu.memref_squeeze %dma_start3A_308 : memref<1x128xi32, #tpu.memory_space<vmem>> -> memref<128xi32, #tpu.memory_space<vmem>>
        %dma_start3A_310 = arith.constant 0 : i32
        %dma_start3A_311 = arith.constant 0 : i32
        %dma_start3A_312 = tpu.memref_slice %arg3[%dma_start3A_310, %dma_start3A_311] : memref<1000000x32xf32, #tpu.memory_space<hbm>> -> memref<1000000x32xf32, #tpu.memory_space<hbm>>
        tpu.enqueue_indirect_dma source(%dma_start3A_312 : memref<1000000x32xf32, #tpu.memory_space<hbm>>) target(%dma_start3A_306 : memref<128x32xf32, #tpu.memory_space<vmem>>) offsets(%dma_start3A_309 : memref<128xi32, #tpu.memory_space<vmem>>) semaphore(%arg8 : memref<!tpu.dma_semaphore, #tpu.memory_space<semaphore_mem>>)
        %mul3A_313 = arith.constant 13 : i32
        %mul3A_314 = arith.muli %add3A_299, %mul3A_313 : i32
        %add3A_315 = arith.constant 1 : i32
        %add3A_316 = arith.addi %mul3A_314, %add3A_315 : i32
        %dma_start3A_317 = arith.constant 128 : i32
        %dma_start3A_318 = arith.constant 0 : i32
        %dma_start3A_319 = tpu.memref_slice %arg6[%dma_start3A_317, %dma_start3A_318] : memref<1664x32xf32, #tpu.memory_space<vmem>> -> memref<128x32xf32, #tpu.memory_space<vmem>>
        %dma_start3A_320 = arith.constant 0 : i32
        %dma_start3A_321 = tpu.memref_slice %arg5[%add3A_316, %dma_start3A_320] : memref<104x128xi32, #tpu.memory_space<vmem>> -> memref<1x128xi32, #tpu.memory_space<vmem>>
        %dma_start3A_322 = tpu.memref_squeeze %dma_start3A_321 : memref<1x128xi32, #tpu.memory_space<vmem>> -> memref<128xi32, #tpu.memory_space<vmem>>
        %dma_start3A_323 = arith.constant 0 : i32
        %dma_start3A_324 = arith.constant 0 : i32
        %dma_start3A_325 = tpu.memref_slice %arg3[%dma_start3A_323, %dma_start3A_324] : memref<1000000x32xf32, #tpu.memory_space<hbm>> -> memref<1000000x32xf32, #tpu.memory_space<hbm>>
        tpu.enqueue_indirect_dma source(%dma_start3A_325 : memref<1000000x32xf32, #tpu.memory_space<hbm>>) target(%dma_start3A_319 : memref<128x32xf32, #tpu.memory_space<vmem>>) offsets(%dma_start3A_322 : memref<128xi32, #tpu.memory_space<vmem>>) semaphore(%arg8 : memref<!tpu.dma_semaphore, #tpu.memory_space<semaphore_mem>>)
        %mul3A_326 = arith.constant 13 : i32
        %mul3A_327 = arith.muli %add3A_299, %mul3A_326 : i32
        %add3A_328 = arith.constant 2 : i32
        %add3A_329 = arith.addi %mul3A_327, %add3A_328 : i32
        %dma_start3A_330 = arith.constant 256 : i32
        %dma_start3A_331 = arith.constant 0 : i32
        %dma_start3A_332 = tpu.memref_slice %arg6[%dma_start3A_330, %dma_start3A_331] : memref<1664x32xf32, #tpu.memory_space<vmem>> -> memref<128x32xf32, #tpu.memory_space<vmem>>
        %dma_start3A_333 = arith.constant 0 : i32
        %dma_start3A_334 = tpu.memref_slice %arg5[%add3A_329, %dma_start3A_333] : memref<104x128xi32, #tpu.memory_space<vmem>> -> memref<1x128xi32, #tpu.memory_space<vmem>>
        %dma_start3A_335 = tpu.memref_squeeze %dma_start3A_334 : memref<1x128xi32, #tpu.memory_space<vmem>> -> memref<128xi32, #tpu.memory_space<vmem>>
        %dma_start3A_336 = arith.constant 0 : i32
        %dma_start3A_337 = arith.constant 0 : i32
        %dma_start3A_338 = tpu.memref_slice %arg3[%dma_start3A_336, %dma_start3A_337] : memref<1000000x32xf32, #tpu.memory_space<hbm>> -> memref<1000000x32xf32, #tpu.memory_space<hbm>>
        tpu.enqueue_indirect_dma source(%dma_start3A_338 : memref<1000000x32xf32, #tpu.memory_space<hbm>>) target(%dma_start3A_332 : memref<128x32xf32, #tpu.memory_space<vmem>>) offsets(%dma_start3A_335 : memref<128xi32, #tpu.memory_space<vmem>>) semaphore(%arg8 : memref<!tpu.dma_semaphore, #tpu.memory_space<semaphore_mem>>)
        %mul3A_339 = arith.constant 13 : i32
        %mul3A_340 = arith.muli %add3A_299, %mul3A_339 : i32
        %add3A_341 = arith.constant 3 : i32
        %add3A_342 = arith.addi %mul3A_340, %add3A_341 : i32
        %dma_start3A_343 = arith.constant 384 : i32
        %dma_start3A_344 = arith.constant 0 : i32
        %dma_start3A_345 = tpu.memref_slice %arg6[%dma_start3A_343, %dma_start3A_344] : memref<1664x32xf32, #tpu.memory_space<vmem>> -> memref<128x32xf32, #tpu.memory_space<vmem>>
        %dma_start3A_346 = arith.constant 0 : i32
        %dma_start3A_347 = tpu.memref_slice %arg5[%add3A_342, %dma_start3A_346] : memref<104x128xi32, #tpu.memory_space<vmem>> -> memref<1x128xi32, #tpu.memory_space<vmem>>
        %dma_start3A_348 = tpu.memref_squeeze %dma_start3A_347 : memref<1x128xi32, #tpu.memory_space<vmem>> -> memref<128xi32, #tpu.memory_space<vmem>>
        %dma_start3A_349 = arith.constant 0 : i32
        %dma_start3A_350 = arith.constant 0 : i32
        %dma_start3A_351 = tpu.memref_slice %arg3[%dma_start3A_349, %dma_start3A_350] : memref<1000000x32xf32, #tpu.memory_space<hbm>> -> memref<1000000x32xf32, #tpu.memory_space<hbm>>
        tpu.enqueue_indirect_dma source(%dma_start3A_351 : memref<1000000x32xf32, #tpu.memory_space<hbm>>) target(%dma_start3A_345 : memref<128x32xf32, #tpu.memory_space<vmem>>) offsets(%dma_start3A_348 : memref<128xi32, #tpu.memory_space<vmem>>) semaphore(%arg8 : memref<!tpu.dma_semaphore, #tpu.memory_space<semaphore_mem>>)
        %mul3A_352 = arith.constant 13 : i32
        %mul3A_353 = arith.muli %add3A_299, %mul3A_352 : i32
        %add3A_354 = arith.constant 4 : i32
        %add3A_355 = arith.addi %mul3A_353, %add3A_354 : i32
        %dma_start3A_356 = arith.constant 512 : i32
        %dma_start3A_357 = arith.constant 0 : i32
        %dma_start3A_358 = tpu.memref_slice %arg6[%dma_start3A_356, %dma_start3A_357] : memref<1664x32xf32, #tpu.memory_space<vmem>> -> memref<128x32xf32, #tpu.memory_space<vmem>>
        %dma_start3A_359 = arith.constant 0 : i32
        %dma_start3A_360 = tpu.memref_slice %arg5[%add3A_355, %dma_start3A_359] : memref<104x128xi32, #tpu.memory_space<vmem>> -> memref<1x128xi32, #tpu.memory_space<vmem>>
        %dma_start3A_361 = tpu.memref_squeeze %dma_start3A_360 : memref<1x128xi32, #tpu.memory_space<vmem>> -> memref<128xi32, #tpu.memory_space<vmem>>
        %dma_start3A_362 = arith.constant 0 : i32
        %dma_start3A_363 = arith.constant 0 : i32
        %dma_start3A_364 = tpu.memref_slice %arg3[%dma_start3A_362, %dma_start3A_363] : memref<1000000x32xf32, #tpu.memory_space<hbm>> -> memref<1000000x32xf32, #tpu.memory_space<hbm>>
        tpu.enqueue_indirect_dma source(%dma_start3A_364 : memref<1000000x32xf32, #tpu.memory_space<hbm>>) target(%dma_start3A_358 : memref<128x32xf32, #tpu.memory_space<vmem>>) offsets(%dma_start3A_361 : memref<128xi32, #tpu.memory_space<vmem>>) semaphore(%arg8 : memref<!tpu.dma_semaphore, #tpu.memory_space<semaphore_mem>>)
        %mul3A_365 = arith.constant 13 : i32
        %mul3A_366 = arith.muli %add3A_299, %mul3A_365 : i32
        %add3A_367 = arith.constant 5 : i32
        %add3A_368 = arith.addi %mul3A_366, %add3A_367 : i32
        %dma_start3A_369 = arith.constant 640 : i32
        %dma_start3A_370 = arith.constant 0 : i32
        %dma_start3A_371 = tpu.memref_slice %arg6[%dma_start3A_369, %dma_start3A_370] : memref<1664x32xf32, #tpu.memory_space<vmem>> -> memref<128x32xf32, #tpu.memory_space<vmem>>
        %dma_start3A_372 = arith.constant 0 : i32
        %dma_start3A_373 = tpu.memref_slice %arg5[%add3A_368, %dma_start3A_372] : memref<104x128xi32, #tpu.memory_space<vmem>> -> memref<1x128xi32, #tpu.memory_space<vmem>>
        %dma_start3A_374 = tpu.memref_squeeze %dma_start3A_373 : memref<1x128xi32, #tpu.memory_space<vmem>> -> memref<128xi32, #tpu.memory_space<vmem>>
        %dma_start3A_375 = arith.constant 0 : i32
        %dma_start3A_376 = arith.constant 0 : i32
        %dma_start3A_377 = tpu.memref_slice %arg3[%dma_start3A_375, %dma_start3A_376] : memref<1000000x32xf32, #tpu.memory_space<hbm>> -> memref<1000000x32xf32, #tpu.memory_space<hbm>>
        tpu.enqueue_indirect_dma source(%dma_start3A_377 : memref<1000000x32xf32, #tpu.memory_space<hbm>>) target(%dma_start3A_371 : memref<128x32xf32, #tpu.memory_space<vmem>>) offsets(%dma_start3A_374 : memref<128xi32, #tpu.memory_space<vmem>>) semaphore(%arg8 : memref<!tpu.dma_semaphore, #tpu.memory_space<semaphore_mem>>)
        %mul3A_378 = arith.constant 13 : i32
        %mul3A_379 = arith.muli %add3A_299, %mul3A_378 : i32
        %add3A_380 = arith.constant 6 : i32
        %add3A_381 = arith.addi %mul3A_379, %add3A_380 : i32
        %dma_start3A_382 = arith.constant 768 : i32
        %dma_start3A_383 = arith.constant 0 : i32
        %dma_start3A_384 = tpu.memref_slice %arg6[%dma_start3A_382, %dma_start3A_383] : memref<1664x32xf32, #tpu.memory_space<vmem>> -> memref<128x32xf32, #tpu.memory_space<vmem>>
        %dma_start3A_385 = arith.constant 0 : i32
        %dma_start3A_386 = tpu.memref_slice %arg5[%add3A_381, %dma_start3A_385] : memref<104x128xi32, #tpu.memory_space<vmem>> -> memref<1x128xi32, #tpu.memory_space<vmem>>
        %dma_start3A_387 = tpu.memref_squeeze %dma_start3A_386 : memref<1x128xi32, #tpu.memory_space<vmem>> -> memref<128xi32, #tpu.memory_space<vmem>>
        %dma_start3A_388 = arith.constant 0 : i32
        %dma_start3A_389 = arith.constant 0 : i32
        %dma_start3A_390 = tpu.memref_slice %arg3[%dma_start3A_388, %dma_start3A_389] : memref<1000000x32xf32, #tpu.memory_space<hbm>> -> memref<1000000x32xf32, #tpu.memory_space<hbm>>
        tpu.enqueue_indirect_dma source(%dma_start3A_390 : memref<1000000x32xf32, #tpu.memory_space<hbm>>) target(%dma_start3A_384 : memref<128x32xf32, #tpu.memory_space<vmem>>) offsets(%dma_start3A_387 : memref<128xi32, #tpu.memory_space<vmem>>) semaphore(%arg8 : memref<!tpu.dma_semaphore, #tpu.memory_space<semaphore_mem>>)
        %mul3A_391 = arith.constant 13 : i32
        %mul3A_392 = arith.muli %add3A_299, %mul3A_391 : i32
        %add3A_393 = arith.constant 7 : i32
        %add3A_394 = arith.addi %mul3A_392, %add3A_393 : i32
        %dma_start3A_395 = arith.constant 896 : i32
        %dma_start3A_396 = arith.constant 0 : i32
        %dma_start3A_397 = tpu.memref_slice %arg6[%dma_start3A_395, %dma_start3A_396] : memref<1664x32xf32, #tpu.memory_space<vmem>> -> memref<128x32xf32, #tpu.memory_space<vmem>>
        %dma_start3A_398 = arith.constant 0 : i32
        %dma_start3A_399 = tpu.memref_slice %arg5[%add3A_394, %dma_start3A_398] : memref<104x128xi32, #tpu.memory_space<vmem>> -> memref<1x128xi32, #tpu.memory_space<vmem>>
        %dma_start3A_400 = tpu.memref_squeeze %dma_start3A_399 : memref<1x128xi32, #tpu.memory_space<vmem>> -> memref<128xi32, #tpu.memory_space<vmem>>
        %dma_start3A_401 = arith.constant 0 : i32
        %dma_start3A_402 = arith.constant 0 : i32
        %dma_start3A_403 = tpu.memref_slice %arg3[%dma_start3A_401, %dma_start3A_402] : memref<1000000x32xf32, #tpu.memory_space<hbm>> -> memref<1000000x32xf32, #tpu.memory_space<hbm>>
        tpu.enqueue_indirect_dma source(%dma_start3A_403 : memref<1000000x32xf32, #tpu.memory_space<hbm>>) target(%dma_start3A_397 : memref<128x32xf32, #tpu.memory_space<vmem>>) offsets(%dma_start3A_400 : memref<128xi32, #tpu.memory_space<vmem>>) semaphore(%arg8 : memref<!tpu.dma_semaphore, #tpu.memory_space<semaphore_mem>>)
        %mul3A_404 = arith.constant 13 : i32
        %mul3A_405 = arith.muli %add3A_299, %mul3A_404 : i32
        %add3A_406 = arith.constant 8 : i32
        %add3A_407 = arith.addi %mul3A_405, %add3A_406 : i32
        %dma_start3A_408 = arith.constant 1024 : i32
        %dma_start3A_409 = arith.constant 0 : i32
        %dma_start3A_410 = tpu.memref_slice %arg6[%dma_start3A_408, %dma_start3A_409] : memref<1664x32xf32, #tpu.memory_space<vmem>> -> memref<128x32xf32, #tpu.memory_space<vmem>>
        %dma_start3A_411 = arith.constant 0 : i32
        %dma_start3A_412 = tpu.memref_slice %arg5[%add3A_407, %dma_start3A_411] : memref<104x128xi32, #tpu.memory_space<vmem>> -> memref<1x128xi32, #tpu.memory_space<vmem>>
        %dma_start3A_413 = tpu.memref_squeeze %dma_start3A_412 : memref<1x128xi32, #tpu.memory_space<vmem>> -> memref<128xi32, #tpu.memory_space<vmem>>
        %dma_start3A_414 = arith.constant 0 : i32
        %dma_start3A_415 = arith.constant 0 : i32
        %dma_start3A_416 = tpu.memref_slice %arg3[%dma_start3A_414, %dma_start3A_415] : memref<1000000x32xf32, #tpu.memory_space<hbm>> -> memref<1000000x32xf32, #tpu.memory_space<hbm>>
        tpu.enqueue_indirect_dma source(%dma_start3A_416 : memref<1000000x32xf32, #tpu.memory_space<hbm>>) target(%dma_start3A_410 : memref<128x32xf32, #tpu.memory_space<vmem>>) offsets(%dma_start3A_413 : memref<128xi32, #tpu.memory_space<vmem>>) semaphore(%arg8 : memref<!tpu.dma_semaphore, #tpu.memory_space<semaphore_mem>>)
        %mul3A_417 = arith.constant 13 : i32
        %mul3A_418 = arith.muli %add3A_299, %mul3A_417 : i32
        %add3A_419 = arith.constant 9 : i32
        %add3A_420 = arith.addi %mul3A_418, %add3A_419 : i32
        %dma_start3A_421 = arith.constant 1152 : i32
        %dma_start3A_422 = arith.constant 0 : i32
        %dma_start3A_423 = tpu.memref_slice %arg6[%dma_start3A_421, %dma_start3A_422] : memref<1664x32xf32, #tpu.memory_space<vmem>> -> memref<128x32xf32, #tpu.memory_space<vmem>>
        %dma_start3A_424 = arith.constant 0 : i32
        %dma_start3A_425 = tpu.memref_slice %arg5[%add3A_420, %dma_start3A_424] : memref<104x128xi32, #tpu.memory_space<vmem>> -> memref<1x128xi32, #tpu.memory_space<vmem>>
        %dma_start3A_426 = tpu.memref_squeeze %dma_start3A_425 : memref<1x128xi32, #tpu.memory_space<vmem>> -> memref<128xi32, #tpu.memory_space<vmem>>
        %dma_start3A_427 = arith.constant 0 : i32
        %dma_start3A_428 = arith.constant 0 : i32
        %dma_start3A_429 = tpu.memref_slice %arg3[%dma_start3A_427, %dma_start3A_428] : memref<1000000x32xf32, #tpu.memory_space<hbm>> -> memref<1000000x32xf32, #tpu.memory_space<hbm>>
        tpu.enqueue_indirect_dma source(%dma_start3A_429 : memref<1000000x32xf32, #tpu.memory_space<hbm>>) target(%dma_start3A_423 : memref<128x32xf32, #tpu.memory_space<vmem>>) offsets(%dma_start3A_426 : memref<128xi32, #tpu.memory_space<vmem>>) semaphore(%arg8 : memref<!tpu.dma_semaphore, #tpu.memory_space<semaphore_mem>>)
        %mul3A_430 = arith.constant 13 : i32
        %mul3A_431 = arith.muli %add3A_299, %mul3A_430 : i32
        %add3A_432 = arith.constant 10 : i32
        %add3A_433 = arith.addi %mul3A_431, %add3A_432 : i32
        %dma_start3A_434 = arith.constant 1280 : i32
        %dma_start3A_435 = arith.constant 0 : i32
        %dma_start3A_436 = tpu.memref_slice %arg6[%dma_start3A_434, %dma_start3A_435] : memref<1664x32xf32, #tpu.memory_space<vmem>> -> memref<128x32xf32, #tpu.memory_space<vmem>>
        %dma_start3A_437 = arith.constant 0 : i32
        %dma_start3A_438 = tpu.memref_slice %arg5[%add3A_433, %dma_start3A_437] : memref<104x128xi32, #tpu.memory_space<vmem>> -> memref<1x128xi32, #tpu.memory_space<vmem>>
        %dma_start3A_439 = tpu.memref_squeeze %dma_start3A_438 : memref<1x128xi32, #tpu.memory_space<vmem>> -> memref<128xi32, #tpu.memory_space<vmem>>
        %dma_start3A_440 = arith.constant 0 : i32
        %dma_start3A_441 = arith.constant 0 : i32
        %dma_start3A_442 = tpu.memref_slice %arg3[%dma_start3A_440, %dma_start3A_441] : memref<1000000x32xf32, #tpu.memory_space<hbm>> -> memref<1000000x32xf32, #tpu.memory_space<hbm>>
        tpu.enqueue_indirect_dma source(%dma_start3A_442 : memref<1000000x32xf32, #tpu.memory_space<hbm>>) target(%dma_start3A_436 : memref<128x32xf32, #tpu.memory_space<vmem>>) offsets(%dma_start3A_439 : memref<128xi32, #tpu.memory_space<vmem>>) semaphore(%arg8 : memref<!tpu.dma_semaphore, #tpu.memory_space<semaphore_mem>>)
        %mul3A_443 = arith.constant 13 : i32
        %mul3A_444 = arith.muli %add3A_299, %mul3A_443 : i32
        %add3A_445 = arith.constant 11 : i32
        %add3A_446 = arith.addi %mul3A_444, %add3A_445 : i32
        %dma_start3A_447 = arith.constant 1408 : i32
        %dma_start3A_448 = arith.constant 0 : i32
        %dma_start3A_449 = tpu.memref_slice %arg6[%dma_start3A_447, %dma_start3A_448] : memref<1664x32xf32, #tpu.memory_space<vmem>> -> memref<128x32xf32, #tpu.memory_space<vmem>>
        %dma_start3A_450 = arith.constant 0 : i32
        %dma_start3A_451 = tpu.memref_slice %arg5[%add3A_446, %dma_start3A_450] : memref<104x128xi32, #tpu.memory_space<vmem>> -> memref<1x128xi32, #tpu.memory_space<vmem>>
        %dma_start3A_452 = tpu.memref_squeeze %dma_start3A_451 : memref<1x128xi32, #tpu.memory_space<vmem>> -> memref<128xi32, #tpu.memory_space<vmem>>
        %dma_start3A_453 = arith.constant 0 : i32
        %dma_start3A_454 = arith.constant 0 : i32
        %dma_start3A_455 = tpu.memref_slice %arg3[%dma_start3A_453, %dma_start3A_454] : memref<1000000x32xf32, #tpu.memory_space<hbm>> -> memref<1000000x32xf32, #tpu.memory_space<hbm>>
        tpu.enqueue_indirect_dma source(%dma_start3A_455 : memref<1000000x32xf32, #tpu.memory_space<hbm>>) target(%dma_start3A_449 : memref<128x32xf32, #tpu.memory_space<vmem>>) offsets(%dma_start3A_452 : memref<128xi32, #tpu.memory_space<vmem>>) semaphore(%arg8 : memref<!tpu.dma_semaphore, #tpu.memory_space<semaphore_mem>>)
        %mul3A_456 = arith.constant 13 : i32
        %mul3A_457 = arith.muli %add3A_299, %mul3A_456 : i32
        %add3A_458 = arith.constant 12 : i32
        %add3A_459 = arith.addi %mul3A_457, %add3A_458 : i32
        %dma_start3A_460 = arith.constant 1536 : i32
        %dma_start3A_461 = arith.constant 0 : i32
        %dma_start3A_462 = tpu.memref_slice %arg6[%dma_start3A_460, %dma_start3A_461] : memref<1664x32xf32, #tpu.memory_space<vmem>> -> memref<128x32xf32, #tpu.memory_space<vmem>>
        %dma_start3A_463 = arith.constant 0 : i32
        %dma_start3A_464 = tpu.memref_slice %arg5[%add3A_459, %dma_start3A_463] : memref<104x128xi32, #tpu.memory_space<vmem>> -> memref<1x128xi32, #tpu.memory_space<vmem>>
        %dma_start3A_465 = tpu.memref_squeeze %dma_start3A_464 : memref<1x128xi32, #tpu.memory_space<vmem>> -> memref<128xi32, #tpu.memory_space<vmem>>
        %dma_start3A_466 = arith.constant 0 : i32
        %dma_start3A_467 = arith.constant 0 : i32
        %dma_start3A_468 = tpu.memref_slice %arg3[%dma_start3A_466, %dma_start3A_467] : memref<1000000x32xf32, #tpu.memory_space<hbm>> -> memref<1000000x32xf32, #tpu.memory_space<hbm>>
        tpu.enqueue_indirect_dma source(%dma_start3A_468 : memref<1000000x32xf32, #tpu.memory_space<hbm>>) target(%dma_start3A_462 : memref<128x32xf32, #tpu.memory_space<vmem>>) offsets(%dma_start3A_465 : memref<128xi32, #tpu.memory_space<vmem>>) semaphore(%arg8 : memref<!tpu.dma_semaphore, #tpu.memory_space<semaphore_mem>>)
      } else {
      }
      %dma_wait3A_282 = arith.constant 0 : i32
      %dma_wait3A_283 = arith.constant 0 : i32
      %dma_wait3A_284 = tpu.memref_slice %arg4[%dma_wait3A_282, %dma_wait3A_283] : memref<425984x32xf32, #tpu.memory_space<hbm>> -> memref<1664x32xf32, #tpu.memory_space<hbm>>
      %dma_wait3A_285 = arith.constant 0 : i32
      %dma_wait3A_286 = arith.constant 0 : i32
      %dma_wait3A_287 = tpu.memref_slice %arg4[%dma_wait3A_285, %dma_wait3A_286] : memref<425984x32xf32, #tpu.memory_space<hbm>> -> memref<1664x32xf32, #tpu.memory_space<hbm>>
      tpu.wait_dma2 semaphore(%arg9 : memref<!tpu.dma_semaphore, #tpu.memory_space<semaphore_mem>>) src(%dma_wait3A_287 : memref<1664x32xf32, #tpu.memory_space<hbm>>) dst(%arg7 : memref<1664x32xf32, #tpu.memory_space<vmem>>)
      %add3A_288 = arith.constant 1 : i32
      %add3A_289 = arith.addi %mul3A_271, %add3A_288 : i32
      %mul3A_290 = arith.constant 1664 : i32
      %mul3A_291 = arith.muli %add3A_289, %mul3A_290 : i32
      %add3A_292 = arith.addi %mul3A_4, %mul3A_291 : i32
      "tpu.region"() ({
        %run_scoped3A = tpu.sem_alloc : memref<!tpu.dma_semaphore, #tpu.memory_space<semaphore_mem>>
        %dma_start3A_298 = arith.constant 0 : i32
        %dma_start3A_299 = tpu.memref_slice %arg4[%add3A_292, %dma_start3A_298] : memref<425984x32xf32, #tpu.memory_space<hbm>> -> memref<1664x32xf32, #tpu.memory_space<hbm>>
        %dma_start3A_300 = arith.constant 0 : i32
        %dma_start3A_301 = tpu.memref_slice %arg4[%add3A_292, %dma_start3A_300] : memref<425984x32xf32, #tpu.memory_space<hbm>> -> memref<1664x32xf32, #tpu.memory_space<hbm>>
        tpu.enqueue_dma source(%arg7 : memref<1664x32xf32, #tpu.memory_space<vmem>>) target(%dma_start3A_301 : memref<1664x32xf32, #tpu.memory_space<hbm>>) target_semaphore(%run_scoped3A : memref<!tpu.dma_semaphore, #tpu.memory_space<semaphore_mem>>)
        %dma_wait3A_302 = arith.constant 0 : i32
        %dma_wait3A_303 = tpu.memref_slice %arg4[%add3A_292, %dma_wait3A_302] : memref<425984x32xf32, #tpu.memory_space<hbm>> -> memref<1664x32xf32, #tpu.memory_space<hbm>>
        %dma_wait3A_304 = arith.constant 0 : i32
        %dma_wait3A_305 = tpu.memref_slice %arg4[%add3A_292, %dma_wait3A_304] : memref<425984x32xf32, #tpu.memory_space<hbm>> -> memref<1664x32xf32, #tpu.memory_space<hbm>>
        tpu.wait_dma2 semaphore(%run_scoped3A : memref<!tpu.dma_semaphore, #tpu.memory_space<semaphore_mem>>) src(%arg7 : memref<1664x32xf32, #tpu.memory_space<vmem>>) dst(%dma_wait3A_305 : memref<1664x32xf32, #tpu.memory_space<hbm>>)
        tpu.yield
      }) : () -> ()
      %lt3A_293 = arith.constant 3 : i32
      %lt3A_294 = arith.cmpi slt, %scan3A_269, %lt3A_293 : i32
      %convert_element_type3A_295 = arith.extui %lt3A_294 : i1 to i32
      %cond3A_296 = arith.constant 0 : i32
      %cond3A_297 = arith.cmpi ne, %convert_element_type3A_295, %cond3A_296 : i32
      scf.if %cond3A_297 {
        %add3A_298 = arith.constant 3 : i32
        %add3A_299 = arith.addi %mul3A_271, %add3A_298 : i32
        %mul3A_300 = arith.constant 13 : i32
        %mul3A_301 = arith.muli %add3A_299, %mul3A_300 : i32
        %add3A_302 = arith.constant 0 : i32
        %add3A_303 = arith.addi %mul3A_301, %add3A_302 : i32
        %dma_start3A_304 = arith.constant 0 : i32
        %dma_start3A_305 = arith.constant 0 : i32
        %dma_start3A_306 = tpu.memref_slice %arg7[%dma_start3A_304, %dma_start3A_305] : memref<1664x32xf32, #tpu.memory_space<vmem>> -> memref<128x32xf32, #tpu.memory_space<vmem>>
        %dma_start3A_307 = arith.constant 0 : i32
        %dma_start3A_308 = tpu.memref_slice %arg5[%add3A_303, %dma_start3A_307] : memref<104x128xi32, #tpu.memory_space<vmem>> -> memref<1x128xi32, #tpu.memory_space<vmem>>
        %dma_start3A_309 = tpu.memref_squeeze %dma_start3A_308 : memref<1x128xi32, #tpu.memory_space<vmem>> -> memref<128xi32, #tpu.memory_space<vmem>>
        %dma_start3A_310 = arith.constant 0 : i32
        %dma_start3A_311 = arith.constant 0 : i32
        %dma_start3A_312 = tpu.memref_slice %arg3[%dma_start3A_310, %dma_start3A_311] : memref<1000000x32xf32, #tpu.memory_space<hbm>> -> memref<1000000x32xf32, #tpu.memory_space<hbm>>
        tpu.enqueue_indirect_dma source(%dma_start3A_312 : memref<1000000x32xf32, #tpu.memory_space<hbm>>) target(%dma_start3A_306 : memref<128x32xf32, #tpu.memory_space<vmem>>) offsets(%dma_start3A_309 : memref<128xi32, #tpu.memory_space<vmem>>) semaphore(%arg9 : memref<!tpu.dma_semaphore, #tpu.memory_space<semaphore_mem>>)
        %mul3A_313 = arith.constant 13 : i32
        %mul3A_314 = arith.muli %add3A_299, %mul3A_313 : i32
        %add3A_315 = arith.constant 1 : i32
        %add3A_316 = arith.addi %mul3A_314, %add3A_315 : i32
        %dma_start3A_317 = arith.constant 128 : i32
        %dma_start3A_318 = arith.constant 0 : i32
        %dma_start3A_319 = tpu.memref_slice %arg7[%dma_start3A_317, %dma_start3A_318] : memref<1664x32xf32, #tpu.memory_space<vmem>> -> memref<128x32xf32, #tpu.memory_space<vmem>>
        %dma_start3A_320 = arith.constant 0 : i32
        %dma_start3A_321 = tpu.memref_slice %arg5[%add3A_316, %dma_start3A_320] : memref<104x128xi32, #tpu.memory_space<vmem>> -> memref<1x128xi32, #tpu.memory_space<vmem>>
        %dma_start3A_322 = tpu.memref_squeeze %dma_start3A_321 : memref<1x128xi32, #tpu.memory_space<vmem>> -> memref<128xi32, #tpu.memory_space<vmem>>
        %dma_start3A_323 = arith.constant 0 : i32
        %dma_start3A_324 = arith.constant 0 : i32
        %dma_start3A_325 = tpu.memref_slice %arg3[%dma_start3A_323, %dma_start3A_324] : memref<1000000x32xf32, #tpu.memory_space<hbm>> -> memref<1000000x32xf32, #tpu.memory_space<hbm>>
        tpu.enqueue_indirect_dma source(%dma_start3A_325 : memref<1000000x32xf32, #tpu.memory_space<hbm>>) target(%dma_start3A_319 : memref<128x32xf32, #tpu.memory_space<vmem>>) offsets(%dma_start3A_322 : memref<128xi32, #tpu.memory_space<vmem>>) semaphore(%arg9 : memref<!tpu.dma_semaphore, #tpu.memory_space<semaphore_mem>>)
        %mul3A_326 = arith.constant 13 : i32
        %mul3A_327 = arith.muli %add3A_299, %mul3A_326 : i32
        %add3A_328 = arith.constant 2 : i32
        %add3A_329 = arith.addi %mul3A_327, %add3A_328 : i32
        %dma_start3A_330 = arith.constant 256 : i32
        %dma_start3A_331 = arith.constant 0 : i32
        %dma_start3A_332 = tpu.memref_slice %arg7[%dma_start3A_330, %dma_start3A_331] : memref<1664x32xf32, #tpu.memory_space<vmem>> -> memref<128x32xf32, #tpu.memory_space<vmem>>
        %dma_start3A_333 = arith.constant 0 : i32
        %dma_start3A_334 = tpu.memref_slice %arg5[%add3A_329, %dma_start3A_333] : memref<104x128xi32, #tpu.memory_space<vmem>> -> memref<1x128xi32, #tpu.memory_space<vmem>>
        %dma_start3A_335 = tpu.memref_squeeze %dma_start3A_334 : memref<1x128xi32, #tpu.memory_space<vmem>> -> memref<128xi32, #tpu.memory_space<vmem>>
        %dma_start3A_336 = arith.constant 0 : i32
        %dma_start3A_337 = arith.constant 0 : i32
        %dma_start3A_338 = tpu.memref_slice %arg3[%dma_start3A_336, %dma_start3A_337] : memref<1000000x32xf32, #tpu.memory_space<hbm>> -> memref<1000000x32xf32, #tpu.memory_space<hbm>>
        tpu.enqueue_indirect_dma source(%dma_start3A_338 : memref<1000000x32xf32, #tpu.memory_space<hbm>>) target(%dma_start3A_332 : memref<128x32xf32, #tpu.memory_space<vmem>>) offsets(%dma_start3A_335 : memref<128xi32, #tpu.memory_space<vmem>>) semaphore(%arg9 : memref<!tpu.dma_semaphore, #tpu.memory_space<semaphore_mem>>)
        %mul3A_339 = arith.constant 13 : i32
        %mul3A_340 = arith.muli %add3A_299, %mul3A_339 : i32
        %add3A_341 = arith.constant 3 : i32
        %add3A_342 = arith.addi %mul3A_340, %add3A_341 : i32
        %dma_start3A_343 = arith.constant 384 : i32
        %dma_start3A_344 = arith.constant 0 : i32
        %dma_start3A_345 = tpu.memref_slice %arg7[%dma_start3A_343, %dma_start3A_344] : memref<1664x32xf32, #tpu.memory_space<vmem>> -> memref<128x32xf32, #tpu.memory_space<vmem>>
        %dma_start3A_346 = arith.constant 0 : i32
        %dma_start3A_347 = tpu.memref_slice %arg5[%add3A_342, %dma_start3A_346] : memref<104x128xi32, #tpu.memory_space<vmem>> -> memref<1x128xi32, #tpu.memory_space<vmem>>
        %dma_start3A_348 = tpu.memref_squeeze %dma_start3A_347 : memref<1x128xi32, #tpu.memory_space<vmem>> -> memref<128xi32, #tpu.memory_space<vmem>>
        %dma_start3A_349 = arith.constant 0 : i32
        %dma_start3A_350 = arith.constant 0 : i32
        %dma_start3A_351 = tpu.memref_slice %arg3[%dma_start3A_349, %dma_start3A_350] : memref<1000000x32xf32, #tpu.memory_space<hbm>> -> memref<1000000x32xf32, #tpu.memory_space<hbm>>
        tpu.enqueue_indirect_dma source(%dma_start3A_351 : memref<1000000x32xf32, #tpu.memory_space<hbm>>) target(%dma_start3A_345 : memref<128x32xf32, #tpu.memory_space<vmem>>) offsets(%dma_start3A_348 : memref<128xi32, #tpu.memory_space<vmem>>) semaphore(%arg9 : memref<!tpu.dma_semaphore, #tpu.memory_space<semaphore_mem>>)
        %mul3A_352 = arith.constant 13 : i32
        %mul3A_353 = arith.muli %add3A_299, %mul3A_352 : i32
        %add3A_354 = arith.constant 4 : i32
        %add3A_355 = arith.addi %mul3A_353, %add3A_354 : i32
        %dma_start3A_356 = arith.constant 512 : i32
        %dma_start3A_357 = arith.constant 0 : i32
        %dma_start3A_358 = tpu.memref_slice %arg7[%dma_start3A_356, %dma_start3A_357] : memref<1664x32xf32, #tpu.memory_space<vmem>> -> memref<128x32xf32, #tpu.memory_space<vmem>>
        %dma_start3A_359 = arith.constant 0 : i32
        %dma_start3A_360 = tpu.memref_slice %arg5[%add3A_355, %dma_start3A_359] : memref<104x128xi32, #tpu.memory_space<vmem>> -> memref<1x128xi32, #tpu.memory_space<vmem>>
        %dma_start3A_361 = tpu.memref_squeeze %dma_start3A_360 : memref<1x128xi32, #tpu.memory_space<vmem>> -> memref<128xi32, #tpu.memory_space<vmem>>
        %dma_start3A_362 = arith.constant 0 : i32
        %dma_start3A_363 = arith.constant 0 : i32
        %dma_start3A_364 = tpu.memref_slice %arg3[%dma_start3A_362, %dma_start3A_363] : memref<1000000x32xf32, #tpu.memory_space<hbm>> -> memref<1000000x32xf32, #tpu.memory_space<hbm>>
        tpu.enqueue_indirect_dma source(%dma_start3A_364 : memref<1000000x32xf32, #tpu.memory_space<hbm>>) target(%dma_start3A_358 : memref<128x32xf32, #tpu.memory_space<vmem>>) offsets(%dma_start3A_361 : memref<128xi32, #tpu.memory_space<vmem>>) semaphore(%arg9 : memref<!tpu.dma_semaphore, #tpu.memory_space<semaphore_mem>>)
        %mul3A_365 = arith.constant 13 : i32
        %mul3A_366 = arith.muli %add3A_299, %mul3A_365 : i32
        %add3A_367 = arith.constant 5 : i32
        %add3A_368 = arith.addi %mul3A_366, %add3A_367 : i32
        %dma_start3A_369 = arith.constant 640 : i32
        %dma_start3A_370 = arith.constant 0 : i32
        %dma_start3A_371 = tpu.memref_slice %arg7[%dma_start3A_369, %dma_start3A_370] : memref<1664x32xf32, #tpu.memory_space<vmem>> -> memref<128x32xf32, #tpu.memory_space<vmem>>
        %dma_start3A_372 = arith.constant 0 : i32
        %dma_start3A_373 = tpu.memref_slice %arg5[%add3A_368, %dma_start3A_372] : memref<104x128xi32, #tpu.memory_space<vmem>> -> memref<1x128xi32, #tpu.memory_space<vmem>>
        %dma_start3A_374 = tpu.memref_squeeze %dma_start3A_373 : memref<1x128xi32, #tpu.memory_space<vmem>> -> memref<128xi32, #tpu.memory_space<vmem>>
        %dma_start3A_375 = arith.constant 0 : i32
        %dma_start3A_376 = arith.constant 0 : i32
        %dma_start3A_377 = tpu.memref_slice %arg3[%dma_start3A_375, %dma_start3A_376] : memref<1000000x32xf32, #tpu.memory_space<hbm>> -> memref<1000000x32xf32, #tpu.memory_space<hbm>>
        tpu.enqueue_indirect_dma source(%dma_start3A_377 : memref<1000000x32xf32, #tpu.memory_space<hbm>>) target(%dma_start3A_371 : memref<128x32xf32, #tpu.memory_space<vmem>>) offsets(%dma_start3A_374 : memref<128xi32, #tpu.memory_space<vmem>>) semaphore(%arg9 : memref<!tpu.dma_semaphore, #tpu.memory_space<semaphore_mem>>)
        %mul3A_378 = arith.constant 13 : i32
        %mul3A_379 = arith.muli %add3A_299, %mul3A_378 : i32
        %add3A_380 = arith.constant 6 : i32
        %add3A_381 = arith.addi %mul3A_379, %add3A_380 : i32
        %dma_start3A_382 = arith.constant 768 : i32
        %dma_start3A_383 = arith.constant 0 : i32
        %dma_start3A_384 = tpu.memref_slice %arg7[%dma_start3A_382, %dma_start3A_383] : memref<1664x32xf32, #tpu.memory_space<vmem>> -> memref<128x32xf32, #tpu.memory_space<vmem>>
        %dma_start3A_385 = arith.constant 0 : i32
        %dma_start3A_386 = tpu.memref_slice %arg5[%add3A_381, %dma_start3A_385] : memref<104x128xi32, #tpu.memory_space<vmem>> -> memref<1x128xi32, #tpu.memory_space<vmem>>
        %dma_start3A_387 = tpu.memref_squeeze %dma_start3A_386 : memref<1x128xi32, #tpu.memory_space<vmem>> -> memref<128xi32, #tpu.memory_space<vmem>>
        %dma_start3A_388 = arith.constant 0 : i32
        %dma_start3A_389 = arith.constant 0 : i32
        %dma_start3A_390 = tpu.memref_slice %arg3[%dma_start3A_388, %dma_start3A_389] : memref<1000000x32xf32, #tpu.memory_space<hbm>> -> memref<1000000x32xf32, #tpu.memory_space<hbm>>
        tpu.enqueue_indirect_dma source(%dma_start3A_390 : memref<1000000x32xf32, #tpu.memory_space<hbm>>) target(%dma_start3A_384 : memref<128x32xf32, #tpu.memory_space<vmem>>) offsets(%dma_start3A_387 : memref<128xi32, #tpu.memory_space<vmem>>) semaphore(%arg9 : memref<!tpu.dma_semaphore, #tpu.memory_space<semaphore_mem>>)
        %mul3A_391 = arith.constant 13 : i32
        %mul3A_392 = arith.muli %add3A_299, %mul3A_391 : i32
        %add3A_393 = arith.constant 7 : i32
        %add3A_394 = arith.addi %mul3A_392, %add3A_393 : i32
        %dma_start3A_395 = arith.constant 896 : i32
        %dma_start3A_396 = arith.constant 0 : i32
        %dma_start3A_397 = tpu.memref_slice %arg7[%dma_start3A_395, %dma_start3A_396] : memref<1664x32xf32, #tpu.memory_space<vmem>> -> memref<128x32xf32, #tpu.memory_space<vmem>>
        %dma_start3A_398 = arith.constant 0 : i32
        %dma_start3A_399 = tpu.memref_slice %arg5[%add3A_394, %dma_start3A_398] : memref<104x128xi32, #tpu.memory_space<vmem>> -> memref<1x128xi32, #tpu.memory_space<vmem>>
        %dma_start3A_400 = tpu.memref_squeeze %dma_start3A_399 : memref<1x128xi32, #tpu.memory_space<vmem>> -> memref<128xi32, #tpu.memory_space<vmem>>
        %dma_start3A_401 = arith.constant 0 : i32
        %dma_start3A_402 = arith.constant 0 : i32
        %dma_start3A_403 = tpu.memref_slice %arg3[%dma_start3A_401, %dma_start3A_402] : memref<1000000x32xf32, #tpu.memory_space<hbm>> -> memref<1000000x32xf32, #tpu.memory_space<hbm>>
        tpu.enqueue_indirect_dma source(%dma_start3A_403 : memref<1000000x32xf32, #tpu.memory_space<hbm>>) target(%dma_start3A_397 : memref<128x32xf32, #tpu.memory_space<vmem>>) offsets(%dma_start3A_400 : memref<128xi32, #tpu.memory_space<vmem>>) semaphore(%arg9 : memref<!tpu.dma_semaphore, #tpu.memory_space<semaphore_mem>>)
        %mul3A_404 = arith.constant 13 : i32
        %mul3A_405 = arith.muli %add3A_299, %mul3A_404 : i32
        %add3A_406 = arith.constant 8 : i32
        %add3A_407 = arith.addi %mul3A_405, %add3A_406 : i32
        %dma_start3A_408 = arith.constant 1024 : i32
        %dma_start3A_409 = arith.constant 0 : i32
        %dma_start3A_410 = tpu.memref_slice %arg7[%dma_start3A_408, %dma_start3A_409] : memref<1664x32xf32, #tpu.memory_space<vmem>> -> memref<128x32xf32, #tpu.memory_space<vmem>>
        %dma_start3A_411 = arith.constant 0 : i32
        %dma_start3A_412 = tpu.memref_slice %arg5[%add3A_407, %dma_start3A_411] : memref<104x128xi32, #tpu.memory_space<vmem>> -> memref<1x128xi32, #tpu.memory_space<vmem>>
        %dma_start3A_413 = tpu.memref_squeeze %dma_start3A_412 : memref<1x128xi32, #tpu.memory_space<vmem>> -> memref<128xi32, #tpu.memory_space<vmem>>
        %dma_start3A_414 = arith.constant 0 : i32
        %dma_start3A_415 = arith.constant 0 : i32
        %dma_start3A_416 = tpu.memref_slice %arg3[%dma_start3A_414, %dma_start3A_415] : memref<1000000x32xf32, #tpu.memory_space<hbm>> -> memref<1000000x32xf32, #tpu.memory_space<hbm>>
        tpu.enqueue_indirect_dma source(%dma_start3A_416 : memref<1000000x32xf32, #tpu.memory_space<hbm>>) target(%dma_start3A_410 : memref<128x32xf32, #tpu.memory_space<vmem>>) offsets(%dma_start3A_413 : memref<128xi32, #tpu.memory_space<vmem>>) semaphore(%arg9 : memref<!tpu.dma_semaphore, #tpu.memory_space<semaphore_mem>>)
        %mul3A_417 = arith.constant 13 : i32
        %mul3A_418 = arith.muli %add3A_299, %mul3A_417 : i32
        %add3A_419 = arith.constant 9 : i32
        %add3A_420 = arith.addi %mul3A_418, %add3A_419 : i32
        %dma_start3A_421 = arith.constant 1152 : i32
        %dma_start3A_422 = arith.constant 0 : i32
        %dma_start3A_423 = tpu.memref_slice %arg7[%dma_start3A_421, %dma_start3A_422] : memref<1664x32xf32, #tpu.memory_space<vmem>> -> memref<128x32xf32, #tpu.memory_space<vmem>>
        %dma_start3A_424 = arith.constant 0 : i32
        %dma_start3A_425 = tpu.memref_slice %arg5[%add3A_420, %dma_start3A_424] : memref<104x128xi32, #tpu.memory_space<vmem>> -> memref<1x128xi32, #tpu.memory_space<vmem>>
        %dma_start3A_426 = tpu.memref_squeeze %dma_start3A_425 : memref<1x128xi32, #tpu.memory_space<vmem>> -> memref<128xi32, #tpu.memory_space<vmem>>
        %dma_start3A_427 = arith.constant 0 : i32
        %dma_start3A_428 = arith.constant 0 : i32
        %dma_start3A_429 = tpu.memref_slice %arg3[%dma_start3A_427, %dma_start3A_428] : memref<1000000x32xf32, #tpu.memory_space<hbm>> -> memref<1000000x32xf32, #tpu.memory_space<hbm>>
        tpu.enqueue_indirect_dma source(%dma_start3A_429 : memref<1000000x32xf32, #tpu.memory_space<hbm>>) target(%dma_start3A_423 : memref<128x32xf32, #tpu.memory_space<vmem>>) offsets(%dma_start3A_426 : memref<128xi32, #tpu.memory_space<vmem>>) semaphore(%arg9 : memref<!tpu.dma_semaphore, #tpu.memory_space<semaphore_mem>>)
        %mul3A_430 = arith.constant 13 : i32
        %mul3A_431 = arith.muli %add3A_299, %mul3A_430 : i32
        %add3A_432 = arith.constant 10 : i32
        %add3A_433 = arith.addi %mul3A_431, %add3A_432 : i32
        %dma_start3A_434 = arith.constant 1280 : i32
        %dma_start3A_435 = arith.constant 0 : i32
        %dma_start3A_436 = tpu.memref_slice %arg7[%dma_start3A_434, %dma_start3A_435] : memref<1664x32xf32, #tpu.memory_space<vmem>> -> memref<128x32xf32, #tpu.memory_space<vmem>>
        %dma_start3A_437 = arith.constant 0 : i32
        %dma_start3A_438 = tpu.memref_slice %arg5[%add3A_433, %dma_start3A_437] : memref<104x128xi32, #tpu.memory_space<vmem>> -> memref<1x128xi32, #tpu.memory_space<vmem>>
        %dma_start3A_439 = tpu.memref_squeeze %dma_start3A_438 : memref<1x128xi32, #tpu.memory_space<vmem>> -> memref<128xi32, #tpu.memory_space<vmem>>
        %dma_start3A_440 = arith.constant 0 : i32
        %dma_start3A_441 = arith.constant 0 : i32
        %dma_start3A_442 = tpu.memref_slice %arg3[%dma_start3A_440, %dma_start3A_441] : memref<1000000x32xf32, #tpu.memory_space<hbm>> -> memref<1000000x32xf32, #tpu.memory_space<hbm>>
        tpu.enqueue_indirect_dma source(%dma_start3A_442 : memref<1000000x32xf32, #tpu.memory_space<hbm>>) target(%dma_start3A_436 : memref<128x32xf32, #tpu.memory_space<vmem>>) offsets(%dma_start3A_439 : memref<128xi32, #tpu.memory_space<vmem>>) semaphore(%arg9 : memref<!tpu.dma_semaphore, #tpu.memory_space<semaphore_mem>>)
        %mul3A_443 = arith.constant 13 : i32
        %mul3A_444 = arith.muli %add3A_299, %mul3A_443 : i32
        %add3A_445 = arith.constant 11 : i32
        %add3A_446 = arith.addi %mul3A_444, %add3A_445 : i32
        %dma_start3A_447 = arith.constant 1408 : i32
        %dma_start3A_448 = arith.constant 0 : i32
        %dma_start3A_449 = tpu.memref_slice %arg7[%dma_start3A_447, %dma_start3A_448] : memref<1664x32xf32, #tpu.memory_space<vmem>> -> memref<128x32xf32, #tpu.memory_space<vmem>>
        %dma_start3A_450 = arith.constant 0 : i32
        %dma_start3A_451 = tpu.memref_slice %arg5[%add3A_446, %dma_start3A_450] : memref<104x128xi32, #tpu.memory_space<vmem>> -> memref<1x128xi32, #tpu.memory_space<vmem>>
        %dma_start3A_452 = tpu.memref_squeeze %dma_start3A_451 : memref<1x128xi32, #tpu.memory_space<vmem>> -> memref<128xi32, #tpu.memory_space<vmem>>
        %dma_start3A_453 = arith.constant 0 : i32
        %dma_start3A_454 = arith.constant 0 : i32
        %dma_start3A_455 = tpu.memref_slice %arg3[%dma_start3A_453, %dma_start3A_454] : memref<1000000x32xf32, #tpu.memory_space<hbm>> -> memref<1000000x32xf32, #tpu.memory_space<hbm>>
        tpu.enqueue_indirect_dma source(%dma_start3A_455 : memref<1000000x32xf32, #tpu.memory_space<hbm>>) target(%dma_start3A_449 : memref<128x32xf32, #tpu.memory_space<vmem>>) offsets(%dma_start3A_452 : memref<128xi32, #tpu.memory_space<vmem>>) semaphore(%arg9 : memref<!tpu.dma_semaphore, #tpu.memory_space<semaphore_mem>>)
        %mul3A_456 = arith.constant 13 : i32
        %mul3A_457 = arith.muli %add3A_299, %mul3A_456 : i32
        %add3A_458 = arith.constant 12 : i32
        %add3A_459 = arith.addi %mul3A_457, %add3A_458 : i32
        %dma_start3A_460 = arith.constant 1536 : i32
        %dma_start3A_461 = arith.constant 0 : i32
        %dma_start3A_462 = tpu.memref_slice %arg7[%dma_start3A_460, %dma_start3A_461] : memref<1664x32xf32, #tpu.memory_space<vmem>> -> memref<128x32xf32, #tpu.memory_space<vmem>>
        %dma_start3A_463 = arith.constant 0 : i32
        %dma_start3A_464 = tpu.memref_slice %arg5[%add3A_459, %dma_start3A_463] : memref<104x128xi32, #tpu.memory_space<vmem>> -> memref<1x128xi32, #tpu.memory_space<vmem>>
        %dma_start3A_465 = tpu.memref_squeeze %dma_start3A_464 : memref<1x128xi32, #tpu.memory_space<vmem>> -> memref<128xi32, #tpu.memory_space<vmem>>
        %dma_start3A_466 = arith.constant 0 : i32
        %dma_start3A_467 = arith.constant 0 : i32
        %dma_start3A_468 = tpu.memref_slice %arg3[%dma_start3A_466, %dma_start3A_467] : memref<1000000x32xf32, #tpu.memory_space<hbm>> -> memref<1000000x32xf32, #tpu.memory_space<hbm>>
        tpu.enqueue_indirect_dma source(%dma_start3A_468 : memref<1000000x32xf32, #tpu.memory_space<hbm>>) target(%dma_start3A_462 : memref<128x32xf32, #tpu.memory_space<vmem>>) offsets(%dma_start3A_465 : memref<128xi32, #tpu.memory_space<vmem>>) semaphore(%arg9 : memref<!tpu.dma_semaphore, #tpu.memory_space<semaphore_mem>>)
      } else {
      }
    }
    %scan3A_268 = arith.constant 4 : i32
    return
  }
}

</mosaic_0001>

<sc_bundles>
// kernel: kernel.4.cloned.1.call-start
scs
__scs_entry_jumppad:
0x0: {  	(pc) =	sbr.rel $0x88, $3  }
0x1: {  	(tag) =	ssettag $0x0;
	lr =	simm.s32 $0x1  }
0x2: {  	[smem:$0x3F9F] =	sst lr;
	_ =	strace $0xD0000000  }
0x3: {  	_ = 	snop  }
0x4: {  	_ = 	snop  }
0x5: {  	_ = 	snop  }
0x6: {  	_ = 	snop  }
0x7: {  	_ = 	snop  }
__scs_overlays_trampoline_lowered:
0x8: {  	[smem:$0x3FAE] =	sst s0  }
0x9: {  	[smem:$0x3FAF] =	sst s1  }
0xa: {  	[smem:$0x3FB0] =	sst s2  }
0xb: {  	[smem:$0x3FB1] =	sst s3  }
0xc: {  	[smem:$0x3FB2] =	sst s4  }
0xd: {  	[smem:$0x3FB3] =	sst s5  }
0xe: {  	[smem:$0x3FB4] =	sst s6  }
0xf: {  	[smem:$0x3FB5] =	sst s7  }
0x10: {  	[smem:$0x3FB6] =	sst s8  }
0x11: {  	[smem:$0x3FB7] =	sst s9;
	s0 =	simm.s32 @!p0 $0x0  }
0x12: {  	s1 =	sld [smem:$0x3F9D];
	s0 =	simm.s32 @p0 $0x1  }
0x13: {  	[smem:$0x3FB8] =	sst s0;
	s0 =	simm.s32 @!p1 $0x0  }
0x14: {  	s2 =	sld [smem:$0x3F9C];
	s0 =	simm.s32 @p1 $0x1  }
0x15: {  	[smem:$0x3FB9] =	sst s0;
	s0 =	simm.s32 @!p2 $0x0  }
0x16: {  	s3 =	sld [smem:$0x3FDB];
	s0 =	simm.s32 @p2 $0x1  }
0x17: {  	s4 =	simm.s32 $0x1BF5;
	[smem:$0x3FBB] =	sst s0  }
0x18: {  	s0 =	sld [smem:$0x3F9E];
	_ =	swait.ge [sflag:s4], $0x0  }
0x19: {  	s7 =	sld [smem:$0x3F9F]  }
0x1a: {  	s8 =	sadd.s32 $0xFFFFE003, lr  }
0x1b: {  	s9 =	sadd.s32 $0xFFFFFEF7, lr;
	s5 =	simm.s32 $0xFFFFFFFF;
	p2 =	slt.u32 s8, $0xFFFFF086  }
0x1c: {  	p1 =	slt.u32 s9, $0xF7A;
	s5 =	simm.s32 @!p2 $0x0  }
0x1d: {  	s5 =	simm.s32 @p1 $0x1;
	p0 =	seq.s32 s7, s2  }
0x1e: {  	s7 =	smul.u32 @!p0 $0xF7A, s2;
	p2 =	seq.s32 @!p0 s5, $0x0  }
0x1f: {  	s9 =	smul.u32 $0xF7A, s1;
	s8 =	simm.s32 @!p0 $0x1BF5;
	p2 =	por !p2, p0  }
0x20: {  	[sflag:s8] =	ssyncset.s32 @!p0 $0xFFFFF086;
	s6 =	sadd.s32 @!p0 s3, s7;
	s7 =	simm.s32 @!p0 $0x108  }
0x21: {  	s3 =	sadd.s32 s3, s9;
	s6 =	sadd.s32 @!p0 $0x88, s6;
	s7 =	simm.s32 @p2 $0x1082  }
0x22: {  	[simem:s7], [sflag:s8] =	dma.local @!p0 [hbm:s6], $0xF7A  }
0x23: {  	s9 =	sor.u32 $0xD0000000, s2;
	s6 =	simm.s32 $0x108;
	_ =	swait.ge @!p0 [sflag:s8], $0x0  }
0x24: {  	s3 =	sadd.s32 $0x88, s3;
	s6 =	simm.s32 @!p1 $0x1082;
	[sflag:s4] =	ssyncset.s32 $0xFFFFF086  }
0x25: {  	[simem:s6], [sflag:s4] =	dma.local [hbm:s3], $0xF7A  }
0x26: {  	[smem:$0x3F9F] =	sst s1;
	(tag) =	ssettag s2;
	_ =	strace s9  }
0x27: {  	s1 =	sld [smem:$0x3FAF]  }
0x28: {  	s2 =	sld [smem:$0x3FB0]  }
0x29: {  	s4 =	sld [smem:$0x3FB2]  }
0x2a: {  	p0 =	seq.s32 s5, $0x0;
	s5 =	sld [smem:$0x3FB3]  }
0x2b: {  	s6 =	sld [smem:$0x3FB4]  }
0x2c: {  	s7 =	sld [smem:$0x3FB5]  }
0x2d: {  	s3 =	simm.s32 $0x108;
	s8 =	sld [smem:$0x3FB6]  }
0x2e: {  	s3 =	simm.s32 @!p0 $0x1082;
	s9 =	sld [smem:$0x3FB7]  }
0x2f: {  	lr =	sadd.s32 s0, s3;
	s0 =	sld [smem:$0x3FAE]  }
0x30: {  	s3 =	sld [smem:$0x3FB1]  }
0x31: {  	[smem:$0x3FBA] =	sst s10  }
0x32: {  	s10 =	sld [smem:$0x3FB8];
	_ =	sdelay $0x3  }
0x33: {  	p0 =	seq.s32 s10, $0x1;
	s10 =	sld [smem:$0x3FBA];
	_ =	sdelay $0x3  }
0x34: {  	[smem:$0x3FBA] =	sst s10  }
0x35: {  	s10 =	sld [smem:$0x3FB9];
	_ =	sdelay $0x3  }
0x36: {  	p1 =	seq.s32 s10, $0x1;
	s10 =	sld [smem:$0x3FBA];
	_ =	sdelay $0x3  }
0x37: {  	[smem:$0x3FBA] =	sst s10  }
0x38: {  	s10 =	sld [smem:$0x3FBB]  }
0x39: {  	_ = 	snop;
	(pc) =	sbr.ind lr, $3  }
0x3a: {  	_ = 	snop  }
0x3b: {  	_ = 	snop  }
0x3c: {  	p2 =	seq.s32 s10, $0x1;
	s10 =	sld [smem:$0x3FBA]  }
0x3d: {  	_ =	shalt  }
0x3e: {  	_ =	shalt  }
0x3f: {  	_ =	shalt  }
0x40: {  	_ =	shalt  }
0x41: {  	_ =	shalt  }
0x42: {  	_ =	shalt  }
0x43: {  	_ =	shalt  }
0x44: {  	_ =	shalt  }
0x45: {  	_ =	shalt  }
0x46: {  	_ =	shalt  }
0x47: {  	_ =	shalt  }
0x48: {  	_ =	shalt  }
0x49: {  	_ =	shalt  }
0x4a: {  	_ =	shalt  }
0x4b: {  	_ =	shalt  }
0x4c: {  	_ =	shalt  }
0x4d: {  	_ =	shalt  }
0x4e: {  	_ =	shalt  }
0x4f: {  	_ =	shalt  }
0x50: {  	_ =	shalt  }
0x51: {  	_ =	shalt  }
0x52: {  	_ =	shalt  }
0x53: {  	_ =	shalt  }
0x54: {  	_ =	shalt  }
0x55: {  	_ =	shalt  }
0x56: {  	_ =	shalt  }
0x57: {  	_ =	shalt  }
0x58: {  	_ =	shalt  }
0x59: {  	_ =	shalt  }
0x5a: {  	_ =	shalt  }
0x5b: {  	_ =	shalt  }
0x5c: {  	_ =	shalt  }
0x5d: {  	_ =	shalt  }
0x5e: {  	_ =	shalt  }
0x5f: {  	_ =	shalt  }
0x60: {  	_ =	shalt  }
0x61: {  	_ =	shalt  }
0x62: {  	_ =	shalt  }
0x63: {  	_ =	shalt  }
0x64: {  	_ =	shalt  }
0x65: {  	_ =	shalt  }
0x66: {  	_ =	shalt  }
0x67: {  	_ =	shalt  }
0x68: {  	_ =	shalt  }
0x69: {  	_ =	shalt  }
0x6a: {  	_ =	shalt  }
0x6b: {  	_ =	shalt  }
0x6c: {  	_ =	shalt  }
0x6d: {  	_ =	shalt  }
0x6e: {  	_ =	shalt  }
0x6f: {  	_ =	shalt  }
0x70: {  	_ =	shalt  }
0x71: {  	_ =	shalt  }
0x72: {  	_ =	shalt  }
0x73: {  	_ =	shalt  }
0x74: {  	_ =	shalt  }
0x75: {  	_ =	shalt  }
0x76: {  	_ =	shalt  }
0x77: {  	_ =	shalt  }
0x78: {  	_ =	shalt  }
0x79: {  	_ =	shalt  }
0x7a: {  	_ =	shalt  }
0x7b: {  	_ =	shalt  }
0x7c: {  	_ =	shalt  }
0x7d: {  	_ =	shalt  }
0x7e: {  	_ =	shalt  }
0x7f: {  	_ =	shalt  }
0x80: {  	_ =	shalt  }
0x81: {  	_ =	shalt  }
0x82: {  	_ =	shalt  }
0x83: {  	_ =	shalt  }
0x84: {  	_ =	shalt  }
0x85: {  	_ =	shalt  }
0x86: {  	_ =	shalt  }
0x87: {  	_ =	shalt  }
.Lfunc_end0:
.L_simem_size_0:
called_computation_lowered:
.L_overlay_start_0:
0x88: {  	s2 =	sld [smem:$0x3FD9]  }
0x89: {  	s3 =	sld [smem:$0x3FFE];
	_ =	sdelay $0x1  }
0x8a: {  	s1 =	srdreg.scid  }
0x8b: {  	s0 =	sand.u32 $0x1, s1  }
0x8c: {  	s17 =	sshll.u32 s0, $0xA;
	s2 =	sadd.s32 s3, s2  }
0x8d: {  	s2 =	sadd.s32 s2, s17  }
0x8e: {  	[smem:$0x3FC6] =	sst s2  }
0x8f: {  	_ = 	snop  }
0x90: {  	s2 =	sld [smem:$0x3FD0];
	(tm) =	ssettm $0x1  }
0x91: {  	s18 =	sld [smem:$0x3FFB];
	_ =	sdelay $0x3  }
0x92: {  	_ =	strace s18  }
0x93: {  	s3 =	sld [smem:$0x3FFC];
	_ =	sdelay $0x3  }
0x94: {  	_ =	strace s3  }
0x95: {  	s3 =	sld [smem:$0x3FFD];
	_ =	sdelay $0x3  }
0x96: {  	_ =	strace s3  }
0x97: {  	_ =	strace $0x8FFFFFFF  }
0x98: {  	s19 =	sld [smem:$0x3FDB];
	_ =	sdelay $0x1  }
0x99: {  	s4 =	simm.s32 $_scs_section_size  }
0x9a: {  	s5 =	simm.s32 $_size__tile_overlayer_lowered;
	s6 =	simm.s32 $_tile_overlayer_lowered  }
0x9b: {  	s22 =	simm.s32 $0x1BFF;
	s21 =	sshll.u32 s6, $0x1;
	s3 =	sadd.s32 s4, s19  }
0x9c: {  	s7 =	simm.s32 $0x0;
	s20 =	sshll.u32 s5, $0x1;
	s5 =	sadd.s32 s21, s3  }
0x9d: {  	[timem:s7], [sflag:s22] =	dma.local [hbm:s5], s20  }
0x9e: {  	_ =	swait.ge [sflag:s22], s20  }
0x9f: {  	s4 =	ssub.s32 $0x0, s20;
	[sflag:s22] =	ssyncset.done $0x0  }
0xa0: {  	[sflag:s22] =	ssyncadd.s32 s4;
	_ =	sdelay $0x1  }
0xa1: {  	s23 =	simm.s32 $0x1B8B  }
0xa2: {  	_ =	swait.ge [sflag:s23], $0x1  }
0xa3: {  	[sflag:s23] =	ssyncset.done $0x0  }
0xa4: {  	s25 =	simm.s32 $0x1B8E;
	s24 =	sld [smem:$0x3FFE];
	[sflag:s23] =	ssyncadd.s32 $0xFFFFFFFF  }
0xa5: {  	s26 =	simm.s32 $execute0_lowered;
	[smem:$0x3FD2] =	sst s25  }
0xa6: {  	s5 =	sshll.u32 s26, $0x1;
	_ =	strace $0x80000046;
	[dreg:$0x1] =	wrdreg $0xFFFFFFFF  }
0xa7: {  	s28 =	simm.s32 $_size_execute0_lowered;
	s3 =	sadd.s32 s3, s5;
	[dreg:$0x0] =	wrdreg $0x0  }
0xa8: {  	s5 =	sshll.u32 s28, $0x1;
	[dreg:$0x2] =	wrdreg s3  }
0xa9: {  	[dreg:$0x3] =	wrdreg s5  }
0xaa: {  	[dreg:$0x4] =	wrdreg $0xC0  }
0xab: {  	_ =	task [dreg:s7], $0x5FFFF  }
0xac: {  	[dreg:$0x1] =	wrdreg $0xFFFFFFFF  }
0xad: {  	[dreg:$0x0] =	wrdreg $0x60  }
0xae: {  	[dreg:$0x2] =	wrdreg s2  }
0xaf: {  	[dreg:$0x3] =	wrdreg s24  }
0xb0: {  	[dreg:$0x4] =	wrdreg $0x9  }
0xb1: {  	_ =	task.clear_ibuf [dreg:s7], $0x5FFFF;
	_ =	strace $0x90000046  }
0xb2: {  	s29 =	simm.s32 $0x9;
	_ =	strace $0x80000048  }
0xb3: {  	_ =	swait.ge [sflag:s29], $0x1  }
0xb4: {  	[sflag:s29] =	ssyncadd.s32 $0xFFFFFFFF  }
0xb5: {  	_ =	strace $0x90000048  }
0xb6: {  	_ =	sfence  }
0xb7: {  	s30 =	sld [smem:$0x0];
	_ =	sdelay $0x2  }
0xb8: {  	s31 =	sshll.u32 s1, $0xD;
	s1 =	sshrl.u32 s1, $0x2  }
0xb9: {  	s3 =	sand.u32 $0x4000, s31;
	s1 =	sadd.s32 s1, s30  }
0xba: {  	s0 =	sor.u32 s3, s0;
	s1 =	sshll.u32 s1, $0x11  }
0xbb: {  	s0 =	sor.u32 s1, s0  }
0xbc: {  	s0 =	sadd.s32 $0x8F2B, s0  }
0xbd: {  	[sflag:s0] =	ssyncadd.remote.s32 $0x1  }
0xbe: {  	_ =	sfence.sel $0xFFFF  }
0xbf: {  	[dreg:$0x0] =	wrdreg $0xFFFFFFFF;
	(pc) =	sbr.abs _section_cstart, $3  }
0xc0: {  	[dreg:$0x1] =	wrdreg $0xFFFFFFFF  }
0xc1: {  	_ =	task.clear_ibuf [dreg:s7], $0x2FFFF;
	_ =	strace $0x9FFFFFFF  }
0xc2: {  	(tm) =	ssettm $0x7FFFFFFF  }
0xc3: {  	_ =	shalt  }
tec
execute0_lowered:
.L_overlay_start_1:
0x0: {  	(tag) =	ssettag $0x1  }
0x1: {  	s0 =	srdreg.scid  }
0x2: {  	s1 =	stileid.u32;
	s3 =	rddreg [dreg:$0x0];
	s2 =	simm.s32 $0x0  }
0x3: {  	s0 =	sand.u32 $0x1, s0;
	s1 =	sshll.u32 s1, $0x1;
	[smem:$0x7FF] =	sst s2  }
0x4: {  	s6 =	simm.s32 $0x180;
	s4 =	sor.u32 s0, s1;
	s1 =	rddreg [dreg:$0x1]  }
0x5: {  	s7 =	simm.s32 $0x200;
	_ =	strace $0x80000047;
	[dreg:$0xd] =	wrdreg s6  }
0x6: {  	s8 =	simm.s32 $0x280;
	[dreg:$0xe] =	wrdreg s7  }
0x7: {  	s9 =	simm.s32 $0x300;
	[dreg:$0xf] =	wrdreg s8  }
0x8: {  	s10 =	simm.s32 $0x380;
	[dreg:$0x10] =	wrdreg s9  }
0x9: {  	s11 =	simm.s32 $0x400;
	[dreg:$0x11] =	wrdreg s10  }
0xa: {  	s12 =	simm.s32 $0x480;
	[dreg:$0x12] =	wrdreg s11  }
0xb: {  	s13 =	simm.s32 $0x500;
	[dreg:$0x13] =	wrdreg s12  }
0xc: {  	s14 =	simm.s32 $0x580;
	[dreg:$0x14] =	wrdreg s13  }
0xd: {  	s15 =	simm.s32 $0x600;
	[dreg:$0x15] =	wrdreg s14  }
0xe: {  	s16 =	simm.s32 $0x680;
	[dreg:$0x16] =	wrdreg s15  }
0xf: {  	s17 =	simm.s32 $0x700;
	[dreg:$0x17] =	wrdreg s16  }
0x10: {  	s18 =	simm.s32 $0x780;
	[dreg:$0x18] =	wrdreg s17  }
0x11: {  	s19 =	simm.s32 $0x800;
	[dreg:$0x19] =	wrdreg s18  }
0x12: {  	s20 =	simm.s32 $0x880;
	[dreg:$0x1a] =	wrdreg s19  }
0x13: {  	s21 =	simm.s32 $0x900;
	[dreg:$0x1b] =	wrdreg s20  }
0x14: {  	s22 =	simm.s32 $0x980;
	[dreg:$0x1c] =	wrdreg s21  }
0x15: {  	[dreg:$0x1d] =	wrdreg s22;
	s6 =	simm.s32 $0xE80  }
0x16: {  	s7 =	simm.s32 $0xF00;
	[smem:$0x7B3] =	sst s6  }
0x17: {  	s8 =	simm.s32 $0xF80;
	[smem:$0x7B4] =	sst s7  }
0x18: {  	s9 =	simm.s32 $0x1000;
	[smem:$0x7B5] =	sst s8  }
0x19: {  	s10 =	simm.s32 $0x1080;
	[smem:$0x7B6] =	sst s9  }
0x1a: {  	s11 =	simm.s32 $0x1100;
	[smem:$0x7B7] =	sst s10  }
0x1b: {  	s12 =	simm.s32 $0x1180;
	[smem:$0x7B8] =	sst s11  }
0x1c: {  	s13 =	simm.s32 $0x1200;
	[smem:$0x7B9] =	sst s12  }
0x1d: {  	s14 =	simm.s32 $0x1280;
	[smem:$0x7BA] =	sst s13  }
0x1e: {  	s15 =	simm.s32 $0x1300;
	[smem:$0x7BB] =	sst s14  }
0x1f: {  	s16 =	simm.s32 $0x1380;
	[smem:$0x7BC] =	sst s15  }
0x20: {  	s17 =	simm.s32 $0x1400;
	[smem:$0x7BD] =	sst s16  }
0x21: {  	s18 =	simm.s32 $0x1480;
	[smem:$0x7BE] =	sst s17  }
0x22: {  	s19 =	simm.s32 $0x1500;
	[smem:$0x7BF] =	sst s18  }
0x23: {  	s20 =	simm.s32 $0x1580;
	[smem:$0x7C0] =	sst s19  }
0x24: {  	s21 =	simm.s32 $0x1600;
	[smem:$0x7C1] =	sst s20  }
0x25: {  	s22 =	simm.s32 $0x1680;
	[smem:$0x7C2] =	sst s21  }
0x26: {  	[smem:$0x7C3] =	sst s22;
	s6 =	simm.s32 $0x1B80  }
0x27: {  	s7 =	simm.s32 $0x1C00;
	[smem:$0x7CD] =	sst s6  }
0x28: {  	s8 =	simm.s32 $0x1C80;
	[smem:$0x7CE] =	sst s7  }
0x29: {  	s9 =	simm.s32 $0x1D00;
	[smem:$0x7CF] =	sst s8  }
0x2a: {  	s10 =	simm.s32 $0x1D80;
	[smem:$0x7D0] =	sst s9  }
0x2b: {  	s11 =	simm.s32 $0x1E00;
	[smem:$0x7D1] =	sst s10  }
0x2c: {  	s12 =	simm.s32 $0x1E80;
	[smem:$0x7D2] =	sst s11  }
0x2d: {  	s13 =	simm.s32 $0x1F00;
	[smem:$0x7D3] =	sst s12  }
0x2e: {  	s14 =	simm.s32 $0x1F80;
	[smem:$0x7D4] =	sst s13  }
0x2f: {  	s15 =	simm.s32 $0x2000;
	[smem:$0x7D5] =	sst s14  }
0x30: {  	s16 =	simm.s32 $0x2080;
	[smem:$0x7D6] =	sst s15  }
0x31: {  	s17 =	simm.s32 $0x2100;
	[smem:$0x7D7] =	sst s16  }
0x32: {  	s18 =	simm.s32 $0x2180;
	[smem:$0x7D8] =	sst s17  }
0x33: {  	s19 =	simm.s32 $0x2200;
	[smem:$0x7D9] =	sst s18  }
0x34: {  	s20 =	simm.s32 $0x2280;
	[smem:$0x7DA] =	sst s19  }
0x35: {  	s21 =	simm.s32 $0x2300;
	[smem:$0x7DB] =	sst s20  }
0x36: {  	s22 =	simm.s32 $0x2380;
	[smem:$0x7DC] =	sst s21  }
0x37: {  	[smem:$0x7DD] =	sst s22;
	s7 =	simm.s32 $0x2880  }
0x38: {  	s8 =	simm.s32 $0x2900;
	[smem:$0x7E7] =	sst s7  }
0x39: {  	s10 =	simm.s32 $0x2980;
	[smem:$0x7E8] =	sst s8  }
0x3a: {  	s11 =	simm.s32 $0x2A00;
	[smem:$0x7E9] =	sst s10  }
0x3b: {  	s12 =	simm.s32 $0x2A80;
	[smem:$0x7EA] =	sst s11  }
0x3c: {  	s13 =	simm.s32 $0x2B00;
	[smem:$0x7EB] =	sst s12  }
0x3d: {  	s14 =	simm.s32 $0x2B80;
	[smem:$0x7EC] =	sst s13  }
0x3e: {  	s15 =	simm.s32 $0x2C00;
	[smem:$0x7ED] =	sst s14  }
0x3f: {  	s16 =	simm.s32 $0x2C80;
	[smem:$0x7EE] =	sst s15  }
0x40: {  	s17 =	simm.s32 $0x2D00;
	[smem:$0x7EF] =	sst s16  }
0x41: {  	s18 =	simm.s32 $0x2D80;
	[smem:$0x7F0] =	sst s17  }
0x42: {  	s19 =	simm.s32 $0x2E00;
	[smem:$0x7F1] =	sst s18  }
0x43: {  	s5 =	smul.u32 $0xD000, s4;
	s20 =	simm.s32 $0x2E80;
	[smem:$0x7F2] =	sst s19  }
0x44: {  	s4 =	smul.u32 $0x680, s4;
	s21 =	simm.s32 $0x2F00;
	[smem:$0x7F3] =	sst s20  }
0x45: {  	s22 =	simm.s32 $0x2F80;
	[smem:$0x7F4] =	sst s21  }
0x46: {  	s3 =	sadd.s32 s3, s4;
	[smem:$0x7F5] =	sst s22  }
0x47: {  	s7 =	simm.s32 $0x3080;
	[dreg:$0x3] =	wrdreg s3  }
0x48: {  	s5 =	sadd.s32 s5, s1;
	s8 =	simm.s32 $0x3100;
	[smem:$0x7F7] =	sst s7  }
0x49: {  	s23 =	sadd.s32 $0xA600, s5;
	[smem:$0x7F8] =	sst s8  }
0x4a: {  	s24 =	sadd.s32 $0xC000, s5;
	[dreg:$0x4] =	wrdreg s23  }
0x4b: {  	s25 =	sadd.s32 $0xA00, s5;
	[dreg:$0x5] =	wrdreg s24  }
0x4c: {  	s26 =	sadd.s32 $0x2400, s5;
	[dreg:$0x6] =	wrdreg s25  }
0x4d: {  	s28 =	sadd.s32 $0x3E00, s5;
	[dreg:$0x7] =	wrdreg s26  }
0x4e: {  	s29 =	sadd.s32 $0x5800, s5;
	[dreg:$0x8] =	wrdreg s28  }
0x4f: {  	s30 =	sadd.s32 $0x7200, s5;
	[dreg:$0x9] =	wrdreg s29  }
0x50: {  	s4 =	sadd.s32 $0x8C00, s5;
	[dreg:$0xa] =	wrdreg s30  }
0x51: {  	s5 =	simm.s32 $0x100;
	[dreg:$0xb] =	wrdreg s4  }
0x52: {  	s3 =	simm.s32 $0x2780;
	[dreg:$0xc] =	wrdreg s5  }
0x53: {  	[smem:$0x7E5] =	sst s3  }
0x54: {  	s23 =	simm.s32 $0xA00;
	s11 =	rddreg [dreg:$0x3]  }
0x55: {  	s24 =	simm.s32 $0xA80;
	[dreg:$0x1e] =	wrdreg s23  }
0x56: {  	s25 =	simm.s32 $0xB00;
	[dreg:$0x1f] =	wrdreg s24  }
0x57: {  	s26 =	simm.s32 $0xB80;
	[smem:$0x7AC] =	sst s25  }
0x58: {  	s28 =	simm.s32 $0xC00;
	[smem:$0x7AD] =	sst s26  }
0x59: {  	s29 =	simm.s32 $0xC80;
	[smem:$0x7AE] =	sst s28  }
0x5a: {  	s30 =	simm.s32 $0xD00;
	[smem:$0x7AF] =	sst s29  }
0x5b: {  	s4 =	simm.s32 $0xD80;
	[smem:$0x7B0] =	sst s30  }
0x5c: {  	s5 =	simm.s32 $0xE00;
	[smem:$0x7B1] =	sst s4  }
0x5d: {  	[smem:$0x7B2] =	sst s5;
	s23 =	simm.s32 $0x1700  }
0x5e: {  	s24 =	simm.s32 $0x1780;
	[smem:$0x7C4] =	sst s23  }
0x5f: {  	s25 =	simm.s32 $0x1800;
	[smem:$0x7C5] =	sst s24  }
0x60: {  	s31 =	simm.s32 $0x3400;
	s26 =	simm.s32 $0x1880;
	[smem:$0x7C6] =	sst s25  }
0x61: {  	p0 =	por $0x0, $0x0;
	s28 =	simm.s32 $0x1900;
	[smem:$0x7C7] =	sst s26  }
0x62: {  	s0 =	ssub.s32 $0x2, s0;
	s29 =	simm.s32 $0x1980;
	[smem:$0x7C8] =	sst s28  }
0x63: {  	s6 =	sshrl.u32 s0, $0x1;
	s30 =	simm.s32 $0x1A00;
	[smem:$0x7C9] =	sst s29  }
0x64: {  	s0 =	ssub.s32 s0, s6;
	s4 =	simm.s32 $0x1A80;
	[smem:$0x7CA] =	sst s30  }
0x65: {  	s6 =	simm.s32 $0x80;
	s5 =	simm.s32 $0x1B00;
	[smem:$0x7CB] =	sst s4  }
0x66: {  	s10 =	simm.s32 $0x4400;
	[smem:$0x7CC] =	sst s5;
	s23 =	simm.s32 $0x2400  }
0x67: {  	s12 =	simm.s32 $0xE400;
	s24 =	simm.s32 $0x2480;
	[smem:$0x7DE] =	sst s23  }
0x68: {  	s13 =	simm.s32 $0xF400;
	s25 =	simm.s32 $0x2500;
	[smem:$0x7DF] =	sst s24  }
0x69: {  	s14 =	simm.s32 $0x1;
	s26 =	simm.s32 $0x2580;
	[smem:$0x7E0] =	sst s25  }
0x6a: {  	s9 =	smax.u32 s0, $0x1;
	s28 =	simm.s32 $0x2600;
	[smem:$0x7E1] =	sst s26  }
0x6b: {  	s0 =	simm.s32 $0x15400;
	s29 =	simm.s32 $0x2680;
	[smem:$0x7E2] =	sst s28  }
0x6c: {  	s7 =	simm.s32 $0x16400;
	s30 =	simm.s32 $0x2700;
	[smem:$0x7E3] =	sst s29  }
0x6d: {  	s8 =	simm.s32 $0x2;
	s5 =	simm.s32 $0x2800;
	[smem:$0x7E4] =	sst s30  }
0x6e: {  	s3 =	simm.s32 $0x3;
	[smem:$0x7E6] =	sst s5;
	s23 =	simm.s32 $0x3000  }
0x6f: {  	p1 =	sne.s32 s9, $0x1;
	s24 =	simm.s32 $0x3180;
	[smem:$0x7F6] =	sst s23  }
.Ltmp0:
0x70: {  	s26 =	simm.s32 $0x3200;
	[smem:$0x7F9] =	sst s24;
	(pc) =	sbr.rel @!p1 .LBB2_5-.Ltmp0, $4  }
0x71: {  	s17 =	sadd.s32 $0xFFFFFFFF, s9;
	s28 =	simm.s32 $0x3280;
	[smem:$0x7FA] =	sst s26  }
0x72: {  	s9 =	simm.s32 $0x18400;
	s29 =	simm.s32 $0x3300;
	[smem:$0x7FB] =	sst s28  }
0x73: {  	s4 =	sadd.s32 $0xF42E00, s1;
	s30 =	simm.s32 $0x3380;
	[smem:$0x7FC] =	sst s29  }
0x74: {  	s25 =	simm.s32 $0x10400;
	s5 =	simm.s32 $0x17400;
	[smem:$0x7FD] =	sst s30  }
0x75: {  	[tilespmem:s2], [sflag:$0x3] =	stream.linear.gather [hbm4b:s11+s2], $0x3400, $0x38;
	[tilespmem:$0x1D400] =	vst v63  }
0x76: {  	_ =	swait.ge [sflag:s3], $0x3400  }
0x77: {  	[sflag:s3] =	ssyncset.done $0x0  }
0x78: {  	[sflag:s3] =	ssyncadd.s32 $0xFFFFCC00  }
0x79: {  	[tilespmem:s31], [sflag:$0x1] =	stream.indirect.gather [hbm4b:s4+s6], $0x20, s2, s6, $0xb8;
	[tilespmem:$0x1D400] =	vst v63  }
0x7a: {  	s23 =	rddreg [dreg:$0xc]  }
0x7b: {  	[tilespmem:s10], [sflag:$0x1] =	stream.indirect.gather [hbm4b:s4+s6], $0x20, s6, s6, $0xb8;
	[tilespmem:$0x1D400] =	vst v63  }
0x7c: {  	s18 =	simm.s32 $0x5400;
	s24 =	rddreg [dreg:$0xd]  }
0x7d: {  	[tilespmem:s18], [sflag:$0x1] =	stream.indirect.gather [hbm4b:s4+s6], $0x20, s23, s6, $0xb8;
	[tilespmem:$0x1D400] =	vst v63  }
0x7e: {  	s19 =	simm.s32 $0x6400;
	s26 =	rddreg [dreg:$0xe]  }
0x7f: {  	[tilespmem:s19], [sflag:$0x1] =	stream.indirect.gather [hbm4b:s4+s6], $0x20, s24, s6, $0xb8;
	[tilespmem:$0x1D400] =	vst v63  }
0x80: {  	s21 =	simm.s32 $0x7400;
	s28 =	rddreg [dreg:$0xf]  }
0x81: {  	[tilespmem:s21], [sflag:$0x1] =	stream.indirect.gather [hbm4b:s4+s6], $0x20, s26, s6, $0xb8;
	[tilespmem:$0x1D400] =	vst v63  }
0x82: {  	s29 =	rddreg [dreg:$0x10];
	s23 =	simm.s32 $0x8400  }
0x83: {  	[tilespmem:s23], [sflag:$0x1] =	stream.indirect.gather [hbm4b:s4+s6], $0x20, s28, s6, $0xb8;
	[tilespmem:$0x1D400] =	vst v63  }
0x84: {  	s30 =	rddreg [dreg:$0x11];
	s28 =	simm.s32 $0x9400  }
0x85: {  	[tilespmem:s28], [sflag:$0x1] =	stream.indirect.gather [hbm4b:s4+s6], $0x20, s29, s6, $0xb8;
	[tilespmem:$0x1D400] =	vst v63  }
0x86: {  	s20 =	simm.s32 $0xA400;
	s1 =	rddreg [dreg:$0x12]  }
0x87: {  	[tilespmem:s20], [sflag:$0x1] =	stream.indirect.gather [hbm4b:s4+s6], $0x20, s30, s6, $0xb8;
	[tilespmem:$0x1D400] =	vst v63  }
0x88: {  	s22 =	simm.s32 $0xB400;
	s15 =	rddreg [dreg:$0x13]  }
0x89: {  	[tilespmem:s22], [sflag:$0x1] =	stream.indirect.gather [hbm4b:s4+s6], $0x20, s1, s6, $0xb8;
	[tilespmem:$0x1D400] =	vst v63  }
0x8a: {  	s16 =	rddreg [dreg:$0x14];
	s24 =	simm.s32 $0xC400  }
0x8b: {  	[tilespmem:s24], [sflag:$0x1] =	stream.indirect.gather [hbm4b:s4+s6], $0x20, s15, s6, $0xb8;
	[tilespmem:$0x1D400] =	vst v63  }
0x8c: {  	s11 =	rddreg [dreg:$0x1c];
	s29 =	simm.s32 $0xD400  }
0x8d: {  	[tilespmem:s29], [sflag:$0x1] =	stream.indirect.gather [hbm4b:s4+s6], $0x20, s16, s6, $0xb8;
	[tilespmem:$0x1D400] =	vst v63  }
0x8e: {  	s26 =	rddreg [dreg:$0x15]  }
0x8f: {  	[tilespmem:s12], [sflag:$0x1] =	stream.indirect.gather [hbm4b:s4+s6], $0x20, s26, s6, $0xb8;
	[tilespmem:$0x1D400] =	vst v63  }
0x90: {  	s30 =	rddreg [dreg:$0x16]  }
0x91: {  	[tilespmem:s13], [sflag:$0x1] =	stream.indirect.gather [hbm4b:s4+s6], $0x20, s30, s6, $0xb8;
	[tilespmem:$0x1D400] =	vst v63  }
0x92: {  	s1 =	rddreg [dreg:$0x17]  }
0x93: {  	[tilespmem:s25], [sflag:$0x2] =	stream.indirect.gather [hbm4b:s4+s6], $0x20, s1, s6, $0xb8;
	[tilespmem:$0x1D400] =	vst v63  }
0x94: {  	s13 =	rddreg [dreg:$0x18];
	s30 =	simm.s32 $0x11400  }
0x95: {  	[tilespmem:s30], [sflag:$0x2] =	stream.indirect.gather [hbm4b:s4+s6], $0x20, s13, s6, $0xb8;
	[tilespmem:$0x1D400] =	vst v63  }
0x96: {  	s16 =	rddreg [dreg:$0x19];
	s26 =	simm.s32 $0x12400  }
0x97: {  	[tilespmem:s26], [sflag:$0x2] =	stream.indirect.gather [hbm4b:s4+s6], $0x20, s16, s6, $0xb8;
	[tilespmem:$0x1D400] =	vst v63  }
0x98: {  	s1 =	rddreg [dreg:$0x1a];
	s30 =	simm.s32 $0x13400  }
0x99: {  	[tilespmem:s30], [sflag:$0x2] =	stream.indirect.gather [hbm4b:s4+s6], $0x20, s1, s6, $0xb8;
	[tilespmem:$0x1D400] =	vst v63  }
0x9a: {  	s13 =	rddreg [dreg:$0x1b];
	s1 =	simm.s32 $0x14400  }
0x9b: {  	[tilespmem:s1], [sflag:$0x2] =	stream.indirect.gather [hbm4b:s4+s6], $0x20, s13, s6, $0xb8;
	[tilespmem:$0x1D400] =	vst v63  }
0x9c: {  	s1 =	rddreg [dreg:$0x1d]  }
0x9d: {  	[tilespmem:s0], [sflag:$0x2] =	stream.indirect.gather [hbm4b:s4+s6], $0x20, s11, s6, $0xb8;
	[tilespmem:$0x1D400] =	vst v63  }
0x9e: {  	s13 =	rddreg [dreg:$0x1e]  }
0x9f: {  	[tilespmem:s7], [sflag:$0x2] =	stream.indirect.gather [hbm4b:s4+s6], $0x20, s1, s6, $0xb8;
	[tilespmem:$0x1D400] =	vst v63  }
0xa0: {  	s1 =	rddreg [dreg:$0x1f]  }
0xa1: {  	[tilespmem:s5], [sflag:$0x2] =	stream.indirect.gather [hbm4b:s4+s6], $0x20, s13, s6, $0xb8;
	[tilespmem:$0x1D400] =	vst v63  }
0xa2: {  	s7 =	sld [smem:$0x7AC]  }
0xa3: {  	[tilespmem:s9], [sflag:$0x2] =	stream.indirect.gather [hbm4b:s4+s6], $0x20, s1, s6, $0xb8;
	[tilespmem:$0x1D400] =	vst v63  }
0xa4: {  	s13 =	sld [smem:$0x7AD];
	s1 =	simm.s32 $0x19400  }
0xa5: {  	[tilespmem:s1], [sflag:$0x2] =	stream.indirect.gather [hbm4b:s4+s6], $0x20, s7, s6, $0xb8;
	[tilespmem:$0x1D400] =	vst v63  }
0xa6: {  	s7 =	sld [smem:$0x7AE];
	s1 =	simm.s32 $0x1A400  }
0xa7: {  	[tilespmem:s1], [sflag:$0x2] =	stream.indirect.gather [hbm4b:s4+s6], $0x20, s13, s6, $0xb8;
	[tilespmem:$0x1D400] =	vst v63  }
0xa8: {  	s10 =	sld [smem:$0x7AF];
	s13 =	simm.s32 $0x1B400  }
0xa9: {  	[tilespmem:s13], [sflag:$0x2] =	stream.indirect.gather [hbm4b:s4+s6], $0x20, s7, s6, $0xb8;
	[tilespmem:$0x1D400] =	vst v63  }
0xaa: {  	s7 =	simm.s32 $0x1C400  }
0xab: {  	[tilespmem:s7], [sflag:$0x2] =	stream.indirect.gather [hbm4b:s4+s6], $0x20, s10, s6, $0xb8;
	[tilespmem:$0x1D400] =	vst v63  }
0xac: {  	_ =	swait.ge [sflag:s14], $0xD000  }
0xad: {  	[sflag:s14] =	ssyncset.done $0x0  }
0xae: {  	s11 =	rddreg [dreg:$0x6];
	[sflag:s14] =	ssyncadd.s32 $0xFFFF3000  }
0xaf: {  	[hbm4b:s11+s2] =	stream.linear.scatter [tilespmem:s31], [sflag:$0x3], $0xD000, $0x38;
	[tilespmem:$0x1D400] =	vst v63  }
0xb0: {  	_ =	swait.ge [sflag:s3], $0xD000  }
0xb1: {  	s13 =	sld [smem:$0x7B0]  }
0xb2: {  	[sflag:s3] =	ssyncset.done $0x0  }
0xb3: {  	s1 =	sld [smem:$0x7B1];
	[sflag:s3] =	ssyncadd.s32 $0xFFFF3000  }
0xb4: {  	[tilespmem:s31], [sflag:$0x1] =	stream.indirect.gather [hbm4b:s4+s6], $0x20, s13, s6, $0xb8;
	[tilespmem:$0x1D400] =	vst v63  }
0xb5: {  	s7 =	sld [smem:$0x7B2];
	s13 =	simm.s32 $0x4400  }
0xb6: {  	[tilespmem:s13], [sflag:$0x1] =	stream.indirect.gather [hbm4b:s4+s6], $0x20, s1, s6, $0xb8;
	[tilespmem:$0x1D400] =	vst v63  }
0xb7: {  	s1 =	sld [smem:$0x7B3]  }
0xb8: {  	[tilespmem:s18], [sflag:$0x1] =	stream.indirect.gather [hbm4b:s4+s6], $0x20, s7, s6, $0xb8;
	[tilespmem:$0x1D400] =	vst v63  }
0xb9: {  	s7 =	sld [smem:$0x7B4]  }
0xba: {  	[tilespmem:s19], [sflag:$0x1] =	stream.indirect.gather [hbm4b:s4+s6], $0x20, s1, s6, $0xb8;
	[tilespmem:$0x1D400] =	vst v63  }
0xbb: {  	s1 =	sld [smem:$0x7B5]  }
0xbc: {  	[tilespmem:s21], [sflag:$0x1] =	stream.indirect.gather [hbm4b:s4+s6], $0x20, s7, s6, $0xb8;
	[tilespmem:$0x1D400] =	vst v63  }
0xbd: {  	s7 =	sld [smem:$0x7B6]  }
0xbe: {  	[tilespmem:s23], [sflag:$0x1] =	stream.indirect.gather [hbm4b:s4+s6], $0x20, s1, s6, $0xb8;
	[tilespmem:$0x1D400] =	vst v63  }
0xbf: {  	s1 =	sld [smem:$0x7B7]  }
0xc0: {  	[tilespmem:s28], [sflag:$0x1] =	stream.indirect.gather [hbm4b:s4+s6], $0x20, s7, s6, $0xb8;
	[tilespmem:$0x1D400] =	vst v63  }
0xc1: {  	s7 =	sld [smem:$0x7B8]  }
0xc2: {  	[tilespmem:s20], [sflag:$0x1] =	stream.indirect.gather [hbm4b:s4+s6], $0x20, s1, s6, $0xb8;
	[tilespmem:$0x1D400] =	vst v63  }
0xc3: {  	s1 =	sld [smem:$0x7B9]  }
0xc4: {  	[tilespmem:s22], [sflag:$0x1] =	stream.indirect.gather [hbm4b:s4+s6], $0x20, s7, s6, $0xb8;
	[tilespmem:$0x1D400] =	vst v63  }
0xc5: {  	s7 =	sld [smem:$0x7BA]  }
0xc6: {  	[tilespmem:s24], [sflag:$0x1] =	stream.indirect.gather [hbm4b:s4+s6], $0x20, s1, s6, $0xb8;
	[tilespmem:$0x1D400] =	vst v63  }
0xc7: {  	s1 =	sld [smem:$0x7BB]  }
0xc8: {  	[tilespmem:s29], [sflag:$0x1] =	stream.indirect.gather [hbm4b:s4+s6], $0x20, s7, s6, $0xb8;
	[tilespmem:$0x1D400] =	vst v63  }
0xc9: {  	s7 =	sld [smem:$0x7BC]  }
0xca: {  	[tilespmem:s12], [sflag:$0x1] =	stream.indirect.gather [hbm4b:s4+s6], $0x20, s1, s6, $0xb8;
	[tilespmem:$0x1D400] =	vst v63  }
0xcb: {  	s16 =	simm.s32 $0xF400  }
0xcc: {  	[tilespmem:s16], [sflag:$0x1] =	stream.indirect.gather [hbm4b:s4+s6], $0x20, s7, s6, $0xb8;
	[tilespmem:$0x1D400] =	vst v63  }
0xcd: {  	_ =	swait.ge [sflag:s8], $0xD000  }
0xce: {  	[sflag:s8] =	ssyncset.done $0x0  }
0xcf: {  	s15 =	simm.s32 $0x10400;
	s11 =	rddreg [dreg:$0x7];
	[sflag:s8] =	ssyncadd.s32 $0xFFFF3000  }
0xd0: {  	[hbm4b:s11+s2] =	stream.linear.scatter [tilespmem:s15], [sflag:$0x3], $0xD000, $0x38;
	[tilespmem:$0x1D400] =	vst v63  }
0xd1: {  	_ =	swait.ge [sflag:s3], $0xD000  }
0xd2: {  	s16 =	sld [smem:$0x7BD]  }
0xd3: {  	[sflag:s3] =	ssyncset.done $0x0  }
0xd4: {  	s1 =	sld [smem:$0x7BE];
	[sflag:s3] =	ssyncadd.s32 $0xFFFF3000  }
0xd5: {  	[tilespmem:s15], [sflag:$0x2] =	stream.indirect.gather [hbm4b:s4+s6], $0x20, s16, s6, $0xb8;
	[tilespmem:$0x1D400] =	vst v63  }
0xd6: {  	s25 =	simm.s32 $0x11400;
	s7 =	sld [smem:$0x7BF]  }
0xd7: {  	[tilespmem:s25], [sflag:$0x2] =	stream.indirect.gather [hbm4b:s4+s6], $0x20, s1, s6, $0xb8;
	[tilespmem:$0x1D400] =	vst v63  }
0xd8: {  	s16 =	sld [smem:$0x7C0]  }
0xd9: {  	[tilespmem:s26], [sflag:$0x2] =	stream.indirect.gather [hbm4b:s4+s6], $0x20, s7, s6, $0xb8;
	[tilespmem:$0x1D400] =	vst v63  }
0xda: {  	s25 =	sld [smem:$0x7C1]  }
0xdb: {  	[tilespmem:s30], [sflag:$0x2] =	stream.indirect.gather [hbm4b:s4+s6], $0x20, s16, s6, $0xb8;
	[tilespmem:$0x1D400] =	vst v63  }
0xdc: {  	s1 =	sld [smem:$0x7C2];
	s7 =	simm.s32 $0x14400  }
0xdd: {  	[tilespmem:s7], [sflag:$0x2] =	stream.indirect.gather [hbm4b:s4+s6], $0x20, s25, s6, $0xb8;
	[tilespmem:$0x1D400] =	vst v63  }
0xde: {  	s16 =	sld [smem:$0x7C3]  }
0xdf: {  	[tilespmem:s0], [sflag:$0x2] =	stream.indirect.gather [hbm4b:s4+s6], $0x20, s1, s6, $0xb8;
	[tilespmem:$0x1D400] =	vst v63  }
0xe0: {  	s5 =	simm.s32 $0x16400;
	s25 =	sld [smem:$0x7C4]  }
0xe1: {  	[tilespmem:s5], [sflag:$0x2] =	stream.indirect.gather [hbm4b:s4+s6], $0x20, s16, s6, $0xb8;
	[tilespmem:$0x1D400] =	vst v63  }
0xe2: {  	s1 =	simm.s32 $0x17400;
	s5 =	sld [smem:$0x7C5]  }
0xe3: {  	[tilespmem:s1], [sflag:$0x2] =	stream.indirect.gather [hbm4b:s4+s6], $0x20, s25, s6, $0xb8;
	[tilespmem:$0x1D400] =	vst v63  }
0xe4: {  	s16 =	sld [smem:$0x7C6]  }
0xe5: {  	[tilespmem:s9], [sflag:$0x2] =	stream.indirect.gather [hbm4b:s4+s6], $0x20, s5, s6, $0xb8;
	[tilespmem:$0x1D400] =	vst v63  }
0xe6: {  	s25 =	sld [smem:$0x7C7];
	s5 =	simm.s32 $0x19400  }
0xe7: {  	[tilespmem:s5], [sflag:$0x2] =	stream.indirect.gather [hbm4b:s4+s6], $0x20, s16, s6, $0xb8;
	[tilespmem:$0x1D400] =	vst v63  }
0xe8: {  	s11 =	sld [smem:$0x7C8];
	s16 =	simm.s32 $0x1A400  }
0xe9: {  	[tilespmem:s16], [sflag:$0x2] =	stream.indirect.gather [hbm4b:s4+s6], $0x20, s25, s6, $0xb8;
	[tilespmem:$0x1D400] =	vst v63  }
0xea: {  	s10 =	sld [smem:$0x7C9];
	s25 =	simm.s32 $0x1B400  }
0xeb: {  	[tilespmem:s25], [sflag:$0x2] =	stream.indirect.gather [hbm4b:s4+s6], $0x20, s11, s6, $0xb8;
	[tilespmem:$0x1D400] =	vst v63  }
0xec: {  	s25 =	simm.s32 $0x1C400  }
0xed: {  	[tilespmem:s25], [sflag:$0x2] =	stream.indirect.gather [hbm4b:s4+s6], $0x20, s10, s6, $0xb8;
	[tilespmem:$0x1D400] =	vst v63  }
0xee: {  	_ =	swait.ge [sflag:s14], $0xD000  }
0xef: {  	[sflag:s14] =	ssyncset.done $0x0  }
0xf0: {  	s25 =	rddreg [dreg:$0x8];
	[sflag:s14] =	ssyncadd.s32 $0xFFFF3000  }
0xf1: {  	[hbm4b:s25+s2] =	stream.linear.scatter [tilespmem:s31], [sflag:$0x3], $0xD000, $0x38;
	[tilespmem:$0x1D400] =	vst v63  }
0xf2: {  	_ =	swait.ge [sflag:s3], $0xD000  }
0xf3: {  	s11 =	sld [smem:$0x7CA]  }
0xf4: {  	[sflag:s3] =	ssyncset.done $0x0  }
0xf5: {  	s25 =	sld [smem:$0x7CB];
	[sflag:s3] =	ssyncadd.s32 $0xFFFF3000  }
0xf6: {  	[tilespmem:s31], [sflag:$0x1] =	stream.indirect.gather [hbm4b:s4+s6], $0x20, s11, s6, $0xb8;
	[tilespmem:$0x1D400] =	vst v63  }
0xf7: {  	s10 =	sld [smem:$0x7CC]  }
0xf8: {  	[tilespmem:s13], [sflag:$0x1] =	stream.indirect.gather [hbm4b:s4+s6], $0x20, s25, s6, $0xb8;
	[tilespmem:$0x1D400] =	vst v63  }
0xf9: {  	s25 =	sld [smem:$0x7CD]  }
0xfa: {  	[tilespmem:s18], [sflag:$0x1] =	stream.indirect.gather [hbm4b:s4+s6], $0x20, s10, s6, $0xb8;
	[tilespmem:$0x1D400] =	vst v63  }
0xfb: {  	s10 =	sld [smem:$0x7CE]  }
0xfc: {  	[tilespmem:s19], [sflag:$0x1] =	stream.indirect.gather [hbm4b:s4+s6], $0x20, s25, s6, $0xb8;
	[tilespmem:$0x1D400] =	vst v63  }
0xfd: {  	s25 =	sld [smem:$0x7CF]  }
0xfe: {  	[tilespmem:s21], [sflag:$0x1] =	stream.indirect.gather [hbm4b:s4+s6], $0x20, s10, s6, $0xb8;
	[tilespmem:$0x1D400] =	vst v63  }
0xff: {  	s10 =	sld [smem:$0x7D0]  }
0x100: {  	[tilespmem:s23], [sflag:$0x1] =	stream.indirect.gather [hbm4b:s4+s6], $0x20, s25, s6, $0xb8;
	[tilespmem:$0x1D400] =	vst v63  }
0x101: {  	s25 =	sld [smem:$0x7D1]  }
0x102: {  	[tilespmem:s28], [sflag:$0x1] =	stream.indirect.gather [hbm4b:s4+s6], $0x20, s10, s6, $0xb8;
	[tilespmem:$0x1D400] =	vst v63  }
0x103: {  	s10 =	sld [smem:$0x7D2]  }
0x104: {  	[tilespmem:s20], [sflag:$0x1] =	stream.indirect.gather [hbm4b:s4+s6], $0x20, s25, s6, $0xb8;
	[tilespmem:$0x1D400] =	vst v63  }
0x105: {  	s25 =	sld [smem:$0x7D3]  }
0x106: {  	[tilespmem:s22], [sflag:$0x1] =	stream.indirect.gather [hbm4b:s4+s6], $0x20, s10, s6, $0xb8;
	[tilespmem:$0x1D400] =	vst v63  }
0x107: {  	s10 =	sld [smem:$0x7D4]  }
0x108: {  	[tilespmem:s24], [sflag:$0x1] =	stream.indirect.gather [hbm4b:s4+s6], $0x20, s25, s6, $0xb8;
	[tilespmem:$0x1D400] =	vst v63  }
0x109: {  	s25 =	sld [smem:$0x7D5]  }
0x10a: {  	[tilespmem:s29], [sflag:$0x1] =	stream.indirect.gather [hbm4b:s4+s6], $0x20, s10, s6, $0xb8;
	[tilespmem:$0x1D400] =	vst v63  }
0x10b: {  	s10 =	sld [smem:$0x7D6]  }
0x10c: {  	[tilespmem:s12], [sflag:$0x1] =	stream.indirect.gather [hbm4b:s4+s6], $0x20, s25, s6, $0xb8;
	[tilespmem:$0x1D400] =	vst v63  }
0x10d: {  	s25 =	simm.s32 $0xF400  }
0x10e: {  	[tilespmem:s25], [sflag:$0x1] =	stream.indirect.gather [hbm4b:s4+s6], $0x20, s10, s6, $0xb8;
	[tilespmem:$0x1D400] =	vst v63  }
0x10f: {  	_ =	swait.ge [sflag:s8], $0xD000  }
0x110: {  	[sflag:s8] =	ssyncset.done $0x0  }
0x111: {  	s11 =	rddreg [dreg:$0x9];
	[sflag:s8] =	ssyncadd.s32 $0xFFFF3000  }
0x112: {  	[hbm4b:s11+s2] =	stream.linear.scatter [tilespmem:s15], [sflag:$0x3], $0xD000, $0x38;
	[tilespmem:$0x1D400] =	vst v63  }
0x113: {  	_ =	swait.ge [sflag:s3], $0xD000  }
0x114: {  	s25 =	sld [smem:$0x7D7]  }
0x115: {  	[sflag:s3] =	ssyncset.done $0x0  }
0x116: {  	s11 =	sld [smem:$0x7D8];
	[sflag:s3] =	ssyncadd.s32 $0xFFFF3000  }
0x117: {  	[tilespmem:s15], [sflag:$0x2] =	stream.indirect.gather [hbm4b:s4+s6], $0x20, s25, s6, $0xb8;
	[tilespmem:$0x1D400] =	vst v63  }
0x118: {  	s10 =	sld [smem:$0x7D9];
	s25 =	simm.s32 $0x11400  }
0x119: {  	[tilespmem:s25], [sflag:$0x2] =	stream.indirect.gather [hbm4b:s4+s6], $0x20, s11, s6, $0xb8;
	[tilespmem:$0x1D400] =	vst v63  }
0x11a: {  	s11 =	sld [smem:$0x7DA]  }
0x11b: {  	[tilespmem:s26], [sflag:$0x2] =	stream.indirect.gather [hbm4b:s4+s6], $0x20, s10, s6, $0xb8;
	[tilespmem:$0x1D400] =	vst v63  }
0x11c: {  	s10 =	sld [smem:$0x7DB]  }
0x11d: {  	[tilespmem:s30], [sflag:$0x2] =	stream.indirect.gather [hbm4b:s4+s6], $0x20, s11, s6, $0xb8;
	[tilespmem:$0x1D400] =	vst v63  }
0x11e: {  	s11 =	sld [smem:$0x7DC]  }
0x11f: {  	[tilespmem:s7], [sflag:$0x2] =	stream.indirect.gather [hbm4b:s4+s6], $0x20, s10, s6, $0xb8;
	[tilespmem:$0x1D400] =	vst v63  }
0x120: {  	s10 =	sld [smem:$0x7DD]  }
0x121: {  	[tilespmem:s0], [sflag:$0x2] =	stream.indirect.gather [hbm4b:s4+s6], $0x20, s11, s6, $0xb8;
	[tilespmem:$0x1D400] =	vst v63  }
0x122: {  	s7 =	simm.s32 $0x16400;
	s11 =	sld [smem:$0x7DE]  }
0x123: {  	[tilespmem:s7], [sflag:$0x2] =	stream.indirect.gather [hbm4b:s4+s6], $0x20, s10, s6, $0xb8;
	[tilespmem:$0x1D400] =	vst v63  }
0x124: {  	s10 =	sld [smem:$0x7DF]  }
0x125: {  	[tilespmem:s1], [sflag:$0x2] =	stream.indirect.gather [hbm4b:s4+s6], $0x20, s11, s6, $0xb8;
	[tilespmem:$0x1D400] =	vst v63  }
0x126: {  	s11 =	sld [smem:$0x7E0]  }
0x127: {  	[tilespmem:s9], [sflag:$0x2] =	stream.indirect.gather [hbm4b:s4+s6], $0x20, s10, s6, $0xb8;
	[tilespmem:$0x1D400] =	vst v63  }
0x128: {  	s1 =	sld [smem:$0x7E1]  }
0x129: {  	[tilespmem:s5], [sflag:$0x2] =	stream.indirect.gather [hbm4b:s4+s6], $0x20, s11, s6, $0xb8;
	[tilespmem:$0x1D400] =	vst v63  }
0x12a: {  	s11 =	sld [smem:$0x7E2]  }
0x12b: {  	[tilespmem:s16], [sflag:$0x2] =	stream.indirect.gather [hbm4b:s4+s6], $0x20, s1, s6, $0xb8;
	[tilespmem:$0x1D400] =	vst v63  }
0x12c: {  	s10 =	sld [smem:$0x7E3];
	s1 =	simm.s32 $0x1B400  }
0x12d: {  	[tilespmem:s1], [sflag:$0x2] =	stream.indirect.gather [hbm4b:s4+s6], $0x20, s11, s6, $0xb8;
	[tilespmem:$0x1D400] =	vst v63  }
0x12e: {  	s1 =	simm.s32 $0x1C400  }
0x12f: {  	[tilespmem:s1], [sflag:$0x2] =	stream.indirect.gather [hbm4b:s4+s6], $0x20, s10, s6, $0xb8;
	[tilespmem:$0x1D400] =	vst v63  }
0x130: {  	_ =	swait.ge [sflag:s14], $0xD000  }
0x131: {  	[sflag:s14] =	ssyncset.done $0x0  }
0x132: {  	s11 =	rddreg [dreg:$0xa];
	[sflag:s14] =	ssyncadd.s32 $0xFFFF3000  }
0x133: {  	[hbm4b:s11+s2] =	stream.linear.scatter [tilespmem:s31], [sflag:$0x3], $0xD000, $0x38;
	[tilespmem:$0x1D400] =	vst v63  }
0x134: {  	_ =	swait.ge [sflag:s3], $0xD000  }
0x135: {  	s10 =	sld [smem:$0x7E4]  }
0x136: {  	[sflag:s3] =	ssyncset.done $0x0  }
0x137: {  	s11 =	sld [smem:$0x7E5];
	[sflag:s3] =	ssyncadd.s32 $0xFFFF3000  }
0x138: {  	[tilespmem:s31], [sflag:$0x1] =	stream.indirect.gather [hbm4b:s4+s6], $0x20, s10, s6, $0xb8;
	[tilespmem:$0x1D400] =	vst v63  }
0x139: {  	s13 =	simm.s32 $0x4400;
	s10 =	sld [smem:$0x7E6]  }
0x13a: {  	[tilespmem:s13], [sflag:$0x1] =	stream.indirect.gather [hbm4b:s4+s6], $0x20, s11, s6, $0xb8;
	[tilespmem:$0x1D400] =	vst v63  }
0x13b: {  	s13 =	sld [smem:$0x7E7]  }
0x13c: {  	[tilespmem:s18], [sflag:$0x1] =	stream.indirect.gather [hbm4b:s4+s6], $0x20, s10, s6, $0xb8;
	[tilespmem:$0x1D400] =	vst v63  }
0x13d: {  	s18 =	sld [smem:$0x7E8]  }
0x13e: {  	[tilespmem:s19], [sflag:$0x1] =	stream.indirect.gather [hbm4b:s4+s6], $0x20, s13, s6, $0xb8;
	[tilespmem:$0x1D400] =	vst v63  }
0x13f: {  	s19 =	sld [smem:$0x7E9]  }
0x140: {  	[tilespmem:s21], [sflag:$0x1] =	stream.indirect.gather [hbm4b:s4+s6], $0x20, s18, s6, $0xb8;
	[tilespmem:$0x1D400] =	vst v63  }
0x141: {  	s21 =	sld [smem:$0x7EA]  }
0x142: {  	[tilespmem:s23], [sflag:$0x1] =	stream.indirect.gather [hbm4b:s4+s6], $0x20, s19, s6, $0xb8;
	[tilespmem:$0x1D400] =	vst v63  }
0x143: {  	s23 =	sld [smem:$0x7EB]  }
0x144: {  	[tilespmem:s28], [sflag:$0x1] =	stream.indirect.gather [hbm4b:s4+s6], $0x20, s21, s6, $0xb8;
	[tilespmem:$0x1D400] =	vst v63  }
0x145: {  	s28 =	sld [smem:$0x7EC]  }
0x146: {  	[tilespmem:s20], [sflag:$0x1] =	stream.indirect.gather [hbm4b:s4+s6], $0x20, s23, s6, $0xb8;
	[tilespmem:$0x1D400] =	vst v63  }
0x147: {  	s13 =	sld [smem:$0x7ED]  }
0x148: {  	[tilespmem:s22], [sflag:$0x1] =	stream.indirect.gather [hbm4b:s4+s6], $0x20, s28, s6, $0xb8;
	[tilespmem:$0x1D400] =	vst v63  }
0x149: {  	s18 =	sld [smem:$0x7EE]  }
0x14a: {  	[tilespmem:s24], [sflag:$0x1] =	stream.indirect.gather [hbm4b:s4+s6], $0x20, s13, s6, $0xb8;
	[tilespmem:$0x1D400] =	vst v63  }
0x14b: {  	s19 =	sld [smem:$0x7EF]  }
0x14c: {  	[tilespmem:s29], [sflag:$0x1] =	stream.indirect.gather [hbm4b:s4+s6], $0x20, s18, s6, $0xb8;
	[tilespmem:$0x1D400] =	vst v63  }
0x14d: {  	s20 =	sld [smem:$0x7F0]  }
0x14e: {  	[tilespmem:s12], [sflag:$0x1] =	stream.indirect.gather [hbm4b:s4+s6], $0x20, s19, s6, $0xb8;
	[tilespmem:$0x1D400] =	vst v63  }
0x14f: {  	s21 =	simm.s32 $0xF400  }
0x150: {  	[tilespmem:s21], [sflag:$0x1] =	stream.indirect.gather [hbm4b:s4+s6], $0x20, s20, s6, $0xb8;
	[tilespmem:$0x1D400] =	vst v63  }
0x151: {  	_ =	swait.ge [sflag:s8], $0xD000  }
0x152: {  	[sflag:s8] =	ssyncset.done $0x0  }
0x153: {  	s22 =	rddreg [dreg:$0xb];
	[sflag:s8] =	ssyncadd.s32 $0xFFFF3000  }
0x154: {  	[hbm4b:s22+s2] =	stream.linear.scatter [tilespmem:s15], [sflag:$0x3], $0xD000, $0x38;
	[tilespmem:$0x1D400] =	vst v63  }
0x155: {  	_ =	swait.ge [sflag:s3], $0xD000  }
0x156: {  	s23 =	sld [smem:$0x7F1]  }
0x157: {  	[sflag:s3] =	ssyncset.done $0x0  }
0x158: {  	s24 =	sld [smem:$0x7F2];
	[sflag:s3] =	ssyncadd.s32 $0xFFFF3000  }
0x159: {  	[tilespmem:s15], [sflag:$0x2] =	stream.indirect.gather [hbm4b:s4+s6], $0x20, s23, s6, $0xb8;
	[tilespmem:$0x1D400] =	vst v63  }
0x15a: {  	s28 =	sld [smem:$0x7F3]  }
0x15b: {  	[tilespmem:s25], [sflag:$0x2] =	stream.indirect.gather [hbm4b:s4+s6], $0x20, s24, s6, $0xb8;
	[tilespmem:$0x1D400] =	vst v63  }
0x15c: {  	s29 =	sld [smem:$0x7F4]  }
0x15d: {  	[tilespmem:s26], [sflag:$0x2] =	stream.indirect.gather [hbm4b:s4+s6], $0x20, s28, s6, $0xb8;
	[tilespmem:$0x1D400] =	vst v63  }
0x15e: {  	s12 =	sld [smem:$0x7F5]  }
0x15f: {  	[tilespmem:s30], [sflag:$0x2] =	stream.indirect.gather [hbm4b:s4+s6], $0x20, s29, s6, $0xb8;
	[tilespmem:$0x1D400] =	vst v63  }
0x160: {  	s13 =	sld [smem:$0x7F6];
	s15 =	simm.s32 $0x14400  }
0x161: {  	[tilespmem:s15], [sflag:$0x2] =	stream.indirect.gather [hbm4b:s4+s6], $0x20, s12, s6, $0xb8;
	[tilespmem:$0x1D400] =	vst v63  }
0x162: {  	s18 =	sld [smem:$0x7F7]  }
0x163: {  	[tilespmem:s0], [sflag:$0x2] =	stream.indirect.gather [hbm4b:s4+s6], $0x20, s13, s6, $0xb8;
	[tilespmem:$0x1D400] =	vst v63  }
0x164: {  	s20 =	simm.s32 $0x16400;
	s19 =	sld [smem:$0x7F8]  }
0x165: {  	[tilespmem:s20], [sflag:$0x2] =	stream.indirect.gather [hbm4b:s4+s6], $0x20, s18, s6, $0xb8;
	[tilespmem:$0x1D400] =	vst v63  }
0x166: {  	s7 =	simm.s32 $0x17400;
	s21 =	sld [smem:$0x7F9]  }
0x167: {  	[tilespmem:s7], [sflag:$0x2] =	stream.indirect.gather [hbm4b:s4+s6], $0x20, s19, s6, $0xb8;
	[tilespmem:$0x1D400] =	vst v63  }
0x168: {  	s22 =	sld [smem:$0x7FA]  }
0x169: {  	[tilespmem:s9], [sflag:$0x2] =	stream.indirect.gather [hbm4b:s4+s6], $0x20, s21, s6, $0xb8;
	[tilespmem:$0x1D400] =	vst v63  }
0x16a: {  	s5 =	simm.s32 $0x19400;
	s23 =	sld [smem:$0x7FB]  }
0x16b: {  	[tilespmem:s5], [sflag:$0x2] =	stream.indirect.gather [hbm4b:s4+s6], $0x20, s22, s6, $0xb8;
	[tilespmem:$0x1D400] =	vst v63  }
0x16c: {  	s16 =	simm.s32 $0x1A400;
	s24 =	sld [smem:$0x7FC]  }
0x16d: {  	[tilespmem:s16], [sflag:$0x2] =	stream.indirect.gather [hbm4b:s4+s6], $0x20, s23, s6, $0xb8;
	[tilespmem:$0x1D400] =	vst v63  }
0x16e: {  	s26 =	sld [smem:$0x7FD];
	s28 =	simm.s32 $0x1B400  }
0x16f: {  	[tilespmem:s28], [sflag:$0x2] =	stream.indirect.gather [hbm4b:s4+s6], $0x20, s24, s6, $0xb8;
	[tilespmem:$0x1D400] =	vst v63  }
0x170: {  	_ = 	snop  }
0x171: {  	[tilespmem:s1], [sflag:$0x2] =	stream.indirect.gather [hbm4b:s4+s6], $0x20, s26, s6, $0xb8;
	[tilespmem:$0x1D400] =	vst v63  }
0x172: {  	_ =	swait.ge [sflag:s14], $0xD000  }
0x173: {  	[sflag:s14] =	ssyncset.done $0x0  }
0x174: {  	s29 =	rddreg [dreg:$0x4];
	[sflag:s14] =	ssyncadd.s32 $0xFFFF3000  }
0x175: {  	[hbm4b:s29+s2] =	stream.linear.scatter [tilespmem:s31], [sflag:$0x3], $0xD000, $0x38;
	[tilespmem:$0x1D400] =	vst v63  }
0x176: {  	_ =	swait.ge [sflag:s3], $0xD000  }
0x177: {  	[sflag:s3] =	ssyncset.done $0x0  }
0x178: {  	[sflag:s3] =	ssyncadd.s32 $0xFFFF3000  }
0x179: {  	p1 =	sne.s32 s17, $0x1;
	_ =	swait.ge [sflag:s8], $0xD000  }
.Ltmp1:
0x17a: {  	[sflag:s8] =	ssyncset.done $0x0;
	(pc) =	sbr.rel @!p1 .LBB2_6-.Ltmp1, $4  }
0x17b: {  	s25 =	simm.s32 $0x10400;
	s30 =	rddreg [dreg:$0x5];
	[sflag:s8] =	ssyncadd.s32 $0xFFFF3000  }
0x17c: {  	[hbm4b:s30+s2] =	stream.linear.scatter [tilespmem:s25], [sflag:$0x3], $0xD000, $0x38;
	[tilespmem:$0x1D400] =	vst v63  }
0x17d: {  	p0 =	por $0x1, $0x1;
	_ =	swait.ge [sflag:s3], $0xD000  }
0x17e: {  	s10 =	sadd.s32 $0xFFFFFFFF, s17;
	s11 =	rddreg [dreg:$0x3];
	[sflag:s3] =	ssyncset.done $0x0  }
0x17f: {  	s16 =	simm.s32 $0x3400;
	s18 =	simm.s32 $0x10400;
	s17 =	simm.s32 $0x0  }
.LBB2_3:
0x180: {  	[sflag:s3] =	ssyncadd.s32 $0xFFFF3000  }
0x181: {  	[tilespmem:s2], [sflag:$0x3] =	stream.linear.gather [hbm4b:s11+s2], $0x3400, $0x38;
	[tilespmem:$0x1D400] =	vst v63  }
0x182: {  	_ =	swait.ge [sflag:s3], $0x3400  }
0x183: {  	[sflag:s3] =	ssyncset.done $0x0  }
0x184: {  	[sflag:s3] =	ssyncadd.s32 $0xFFFFCC00  }
0x185: {  	[tilespmem:s31], [sflag:$0x1] =	stream.indirect.gather [hbm4b:s4+s6], $0x20, s2, s6, $0xb8;
	[tilespmem:$0x1D400] =	vst v63  }
0x186: {  	s0 =	simm.s32 $0x4400;
	s9 =	rddreg [dreg:$0xc]  }
0x187: {  	[tilespmem:s0], [sflag:$0x1] =	stream.indirect.gather [hbm4b:s4+s6], $0x20, s6, s6, $0xb8;
	[tilespmem:$0x1D400] =	vst v63  }
0x188: {  	s13 =	simm.s32 $0x5400;
	s12 =	rddreg [dreg:$0xd]  }
0x189: {  	[tilespmem:s13], [sflag:$0x1] =	stream.indirect.gather [hbm4b:s4+s6], $0x20, s9, s6, $0xb8;
	[tilespmem:$0x1D400] =	vst v63  }
0x18a: {  	s15 =	simm.s32 $0x6400;
	s14 =	rddreg [dreg:$0xe]  }
0x18b: {  	[tilespmem:s15], [sflag:$0x1] =	stream.indirect.gather [hbm4b:s4+s6], $0x20, s12, s6, $0xb8;
	[tilespmem:$0x1D400] =	vst v63  }
0x18c: {  	s20 =	simm.s32 $0x7400;
	s19 =	rddreg [dreg:$0xf]  }
0x18d: {  	[tilespmem:s20], [sflag:$0x1] =	stream.indirect.gather [hbm4b:s4+s6], $0x20, s14, s6, $0xb8;
	[tilespmem:$0x1D400] =	vst v63  }
0x18e: {  	s22 =	simm.s32 $0x8400;
	s21 =	rddreg [dreg:$0x10]  }
0x18f: {  	[tilespmem:s22], [sflag:$0x1] =	stream.indirect.gather [hbm4b:s4+s6], $0x20, s19, s6, $0xb8;
	[tilespmem:$0x1D400] =	vst v63  }
0x190: {  	s26 =	simm.s32 $0x9400;
	s24 =	rddreg [dreg:$0x11]  }
0x191: {  	[tilespmem:s26], [sflag:$0x1] =	stream.indirect.gather [hbm4b:s4+s6], $0x20, s21, s6, $0xb8;
	[tilespmem:$0x1D400] =	vst v63  }
0x192: {  	s30 =	simm.s32 $0xA400;
	s28 =	rddreg [dreg:$0x12]  }
0x193: {  	[tilespmem:s30], [sflag:$0x1] =	stream.indirect.gather [hbm4b:s4+s6], $0x20, s24, s6, $0xb8;
	[tilespmem:$0x1D400] =	vst v63  }
0x194: {  	s1 =	rddreg [dreg:$0x13];
	s2 =	simm.s32 $0xB400  }
0x195: {  	[tilespmem:s2], [sflag:$0x1] =	stream.indirect.gather [hbm4b:s4+s6], $0x20, s28, s6, $0xb8;
	[tilespmem:$0x1D400] =	vst v63  }
0x196: {  	s7 =	simm.s32 $0xC400;
	s5 =	rddreg [dreg:$0x14]  }
0x197: {  	[tilespmem:s7], [sflag:$0x1] =	stream.indirect.gather [hbm4b:s4+s6], $0x20, s1, s6, $0xb8;
	[tilespmem:$0x1D400] =	vst v63  }
0x198: {  	s8 =	rddreg [dreg:$0x15];
	s9 =	simm.s32 $0xD400  }
0x199: {  	[tilespmem:s9], [sflag:$0x1] =	stream.indirect.gather [hbm4b:s4+s6], $0x20, s5, s6, $0xb8;
	[tilespmem:$0x1D400] =	vst v63  }
0x19a: {  	s14 =	rddreg [dreg:$0x16];
	s22 =	simm.s32 $0xE400  }
0x19b: {  	[tilespmem:s22], [sflag:$0x1] =	stream.indirect.gather [hbm4b:s4+s6], $0x20, s8, s6, $0xb8;
	[tilespmem:$0x1D400] =	vst v63  }
0x19c: {  	s24 =	rddreg [dreg:$0x17];
	s30 =	simm.s32 $0xF400  }
0x19d: {  	[tilespmem:s30], [sflag:$0x1] =	stream.indirect.gather [hbm4b:s4+s6], $0x20, s14, s6, $0xb8;
	[tilespmem:$0x1D400] =	vst v63  }
0x19e: {  	s2 =	rddreg [dreg:$0x19]  }
0x19f: {  	[tilespmem:s25], [sflag:$0x2] =	stream.indirect.gather [hbm4b:s4+s6], $0x20, s24, s6, $0xb8;
	[tilespmem:$0x1D400] =	vst v63  }
0x1a0: {  	s1 =	rddreg [dreg:$0x18];
	s5 =	simm.s32 $0x11400  }
0x1a1: {  	[tilespmem:s5], [sflag:$0x2] =	stream.indirect.gather [hbm4b:s4+s6], $0x20, s1, s6, $0xb8;
	[tilespmem:$0x1D400] =	vst v63  }
0x1a2: {  	s7 =	rddreg [dreg:$0x1a];
	s8 =	simm.s32 $0x12400  }
0x1a3: {  	[tilespmem:s8], [sflag:$0x2] =	stream.indirect.gather [hbm4b:s4+s6], $0x20, s2, s6, $0xb8;
	[tilespmem:$0x1D400] =	vst v63  }
0x1a4: {  	s9 =	rddreg [dreg:$0x1b];
	s14 =	simm.s32 $0x13400  }
0x1a5: {  	[tilespmem:s14], [sflag:$0x2] =	stream.indirect.gather [hbm4b:s4+s6], $0x20, s7, s6, $0xb8;
	[tilespmem:$0x1D400] =	vst v63  }
0x1a6: {  	s30 =	simm.s32 $0x14400;
	s24 =	rddreg [dreg:$0x1c]  }
0x1a7: {  	[tilespmem:s30], [sflag:$0x2] =	stream.indirect.gather [hbm4b:s4+s6], $0x20, s9, s6, $0xb8;
	[tilespmem:$0x1D400] =	vst v63  }
0x1a8: {  	s1 =	rddreg [dreg:$0x1d];
	s7 =	simm.s32 $0x15400  }
0x1a9: {  	[tilespmem:s7], [sflag:$0x2] =	stream.indirect.gather [hbm4b:s4+s6], $0x20, s24, s6, $0xb8;
	[tilespmem:$0x1D400] =	vst v63  }
0x1aa: {  	s5 =	simm.s32 $0x16400;
	s9 =	rddreg [dreg:$0x1e]  }
0x1ab: {  	[tilespmem:s5], [sflag:$0x2] =	stream.indirect.gather [hbm4b:s4+s6], $0x20, s1, s6, $0xb8;
	[tilespmem:$0x1D400] =	vst v63  }
0x1ac: {  	s30 =	sld [smem:$0x7AC];
	s1 =	simm.s32 $0x17400  }
0x1ad: {  	[tilespmem:s1], [sflag:$0x2] =	stream.indirect.gather [hbm4b:s4+s6], $0x20, s9, s6, $0xb8;
	[tilespmem:$0x1D400] =	vst v63  }
0x1ae: {  	s24 =	rddreg [dreg:$0x1f];
	s1 =	simm.s32 $0x18400  }
0x1af: {  	[tilespmem:s1], [sflag:$0x2] =	stream.indirect.gather [hbm4b:s4+s6], $0x20, s24, s6, $0xb8;
	[tilespmem:$0x1D400] =	vst v63  }
0x1b0: {  	s5 =	sld [smem:$0x7AD];
	s9 =	simm.s32 $0x19400  }
0x1b1: {  	[tilespmem:s9], [sflag:$0x2] =	stream.indirect.gather [hbm4b:s4+s6], $0x20, s30, s6, $0xb8;
	[tilespmem:$0x1D400] =	vst v63  }
0x1b2: {  	s24 =	sld [smem:$0x7AE];
	s9 =	simm.s32 $0x1A400  }
0x1b3: {  	[tilespmem:s9], [sflag:$0x2] =	stream.indirect.gather [hbm4b:s4+s6], $0x20, s5, s6, $0xb8;
	[tilespmem:$0x1D400] =	vst v63  }
0x1b4: {  	s30 =	sld [smem:$0x7AF];
	s5 =	simm.s32 $0x1B400  }
0x1b5: {  	[tilespmem:s5], [sflag:$0x2] =	stream.indirect.gather [hbm4b:s4+s6], $0x20, s24, s6, $0xb8;
	[tilespmem:$0x1D400] =	vst v63  }
0x1b6: {  	s11 =	simm.s32 $0x1C400;
	s0 =	simm.s32 $0x1  }
0x1b7: {  	[tilespmem:s11], [sflag:$0x2] =	stream.indirect.gather [hbm4b:s4+s6], $0x20, s30, s6, $0xb8;
	[tilespmem:$0x1D400] =	vst v63  }
0x1b8: {  	_ =	swait.ge [sflag:s0], $0xD000  }
0x1b9: {  	[sflag:s0] =	ssyncset.done $0x0  }
0x1ba: {  	s12 =	rddreg [dreg:$0x6];
	[sflag:s0] =	ssyncadd.s32 $0xFFFF3000  }
0x1bb: {  	[hbm4b:s12+s17] =	stream.linear.scatter [tilespmem:s16], [sflag:$0x3], $0xD000, $0x38;
	[tilespmem:$0x1D400] =	vst v63  }
0x1bc: {  	_ =	swait.ge [sflag:s3], $0xD000  }
0x1bd: {  	s30 =	sld [smem:$0x7B0]  }
0x1be: {  	[sflag:s3] =	ssyncset.done $0x0  }
0x1bf: {  	s1 =	sld [smem:$0x7B1];
	[sflag:s3] =	ssyncadd.s32 $0xFFFF3000  }
0x1c0: {  	[tilespmem:s16], [sflag:$0x1] =	stream.indirect.gather [hbm4b:s4+s6], $0x20, s30, s6, $0xb8;
	[tilespmem:$0x1D400] =	vst v63  }
0x1c1: {  	s29 =	simm.s32 $0x4400;
	s5 =	sld [smem:$0x7B2]  }
0x1c2: {  	[tilespmem:s29], [sflag:$0x1] =	stream.indirect.gather [hbm4b:s4+s6], $0x20, s1, s6, $0xb8;
	[tilespmem:$0x1D400] =	vst v63  }
0x1c3: {  	s23 =	simm.s32 $0x5400;
	s29 =	sld [smem:$0x7B3]  }
0x1c4: {  	[tilespmem:s23], [sflag:$0x1] =	stream.indirect.gather [hbm4b:s4+s6], $0x20, s5, s6, $0xb8;
	[tilespmem:$0x1D400] =	vst v63  }
0x1c5: {  	s13 =	simm.s32 $0x6400;
	s30 =	sld [smem:$0x7B4]  }
0x1c6: {  	[tilespmem:s13], [sflag:$0x1] =	stream.indirect.gather [hbm4b:s4+s6], $0x20, s29, s6, $0xb8;
	[tilespmem:$0x1D400] =	vst v63  }
0x1c7: {  	s20 =	simm.s32 $0x7400;
	s1 =	sld [smem:$0x7B5]  }
0x1c8: {  	[tilespmem:s20], [sflag:$0x1] =	stream.indirect.gather [hbm4b:s4+s6], $0x20, s30, s6, $0xb8;
	[tilespmem:$0x1D400] =	vst v63  }
0x1c9: {  	s5 =	sld [smem:$0x7B6];
	s13 =	simm.s32 $0x8400  }
0x1ca: {  	[tilespmem:s13], [sflag:$0x1] =	stream.indirect.gather [hbm4b:s4+s6], $0x20, s1, s6, $0xb8;
	[tilespmem:$0x1D400] =	vst v63  }
0x1cb: {  	s26 =	simm.s32 $0x9400;
	s20 =	sld [smem:$0x7B7]  }
0x1cc: {  	[tilespmem:s26], [sflag:$0x1] =	stream.indirect.gather [hbm4b:s4+s6], $0x20, s5, s6, $0xb8;
	[tilespmem:$0x1D400] =	vst v63  }
0x1cd: {  	s15 =	simm.s32 $0xA400;
	s26 =	sld [smem:$0x7B8]  }
0x1ce: {  	[tilespmem:s15], [sflag:$0x1] =	stream.indirect.gather [hbm4b:s4+s6], $0x20, s20, s6, $0xb8;
	[tilespmem:$0x1D400] =	vst v63  }
0x1cf: {  	s19 =	simm.s32 $0xB400;
	s30 =	sld [smem:$0x7B9]  }
0x1d0: {  	[tilespmem:s19], [sflag:$0x1] =	stream.indirect.gather [hbm4b:s4+s6], $0x20, s26, s6, $0xb8;
	[tilespmem:$0x1D400] =	vst v63  }
0x1d1: {  	s21 =	simm.s32 $0xC400;
	s1 =	sld [smem:$0x7BA]  }
0x1d2: {  	[tilespmem:s21], [sflag:$0x1] =	stream.indirect.gather [hbm4b:s4+s6], $0x20, s30, s6, $0xb8;
	[tilespmem:$0x1D400] =	vst v63  }
0x1d3: {  	s5 =	sld [smem:$0x7BB];
	s15 =	simm.s32 $0xD400  }
0x1d4: {  	[tilespmem:s15], [sflag:$0x1] =	stream.indirect.gather [hbm4b:s4+s6], $0x20, s1, s6, $0xb8;
	[tilespmem:$0x1D400] =	vst v63  }
0x1d5: {  	s22 =	simm.s32 $0xE400;
	s19 =	sld [smem:$0x7BC]  }
0x1d6: {  	[tilespmem:s22], [sflag:$0x1] =	stream.indirect.gather [hbm4b:s4+s6], $0x20, s5, s6, $0xb8;
	[tilespmem:$0x1D400] =	vst v63  }
0x1d7: {  	s28 =	simm.s32 $0xF400;
	s14 =	simm.s32 $0x2  }
0x1d8: {  	[tilespmem:s28], [sflag:$0x1] =	stream.indirect.gather [hbm4b:s4+s6], $0x20, s19, s6, $0xb8;
	[tilespmem:$0x1D400] =	vst v63  }
0x1d9: {  	_ =	swait.ge [sflag:s14], $0xD000  }
0x1da: {  	[sflag:s14] =	ssyncset.done $0x0  }
0x1db: {  	s20 =	rddreg [dreg:$0x7];
	[sflag:s14] =	ssyncadd.s32 $0xFFFF3000  }
0x1dc: {  	[hbm4b:s20+s17] =	stream.linear.scatter [tilespmem:s18], [sflag:$0x3], $0xD000, $0x38;
	[tilespmem:$0x1D400] =	vst v63  }
0x1dd: {  	_ =	swait.ge [sflag:s3], $0xD000  }
0x1de: {  	s21 =	sld [smem:$0x7BD]  }
0x1df: {  	[sflag:s3] =	ssyncset.done $0x0  }
0x1e0: {  	s22 =	sld [smem:$0x7BE];
	[sflag:s3] =	ssyncadd.s32 $0xFFFF3000  }
0x1e1: {  	[tilespmem:s18], [sflag:$0x2] =	stream.indirect.gather [hbm4b:s4+s6], $0x20, s21, s6, $0xb8;
	[tilespmem:$0x1D400] =	vst v63  }
0x1e2: {  	s25 =	simm.s32 $0x11400;
	s28 =	sld [smem:$0x7BF]  }
0x1e3: {  	[tilespmem:s25], [sflag:$0x2] =	stream.indirect.gather [hbm4b:s4+s6], $0x20, s22, s6, $0xb8;
	[tilespmem:$0x1D400] =	vst v63  }
0x1e4: {  	s2 =	simm.s32 $0x12400;
	s1 =	sld [smem:$0x7C0]  }
0x1e5: {  	[tilespmem:s2], [sflag:$0x2] =	stream.indirect.gather [hbm4b:s4+s6], $0x20, s28, s6, $0xb8;
	[tilespmem:$0x1D400] =	vst v63  }
0x1e6: {  	s8 =	simm.s32 $0x13400;
	s2 =	sld [smem:$0x7C1]  }
0x1e7: {  	[tilespmem:s8], [sflag:$0x2] =	stream.indirect.gather [hbm4b:s4+s6], $0x20, s1, s6, $0xb8;
	[tilespmem:$0x1D400] =	vst v63  }
0x1e8: {  	s5 =	simm.s32 $0x14400;
	s19 =	sld [smem:$0x7C2]  }
0x1e9: {  	[tilespmem:s5], [sflag:$0x2] =	stream.indirect.gather [hbm4b:s4+s6], $0x20, s2, s6, $0xb8;
	[tilespmem:$0x1D400] =	vst v63  }
0x1ea: {  	s20 =	sld [smem:$0x7C3];
	s2 =	simm.s32 $0x15400  }
0x1eb: {  	[tilespmem:s2], [sflag:$0x2] =	stream.indirect.gather [hbm4b:s4+s6], $0x20, s19, s6, $0xb8;
	[tilespmem:$0x1D400] =	vst v63  }
0x1ec: {  	s25 =	sld [smem:$0x7C4];
	s8 =	simm.s32 $0x16400  }
0x1ed: {  	[tilespmem:s8], [sflag:$0x2] =	stream.indirect.gather [hbm4b:s4+s6], $0x20, s20, s6, $0xb8;
	[tilespmem:$0x1D400] =	vst v63  }
0x1ee: {  	s7 =	simm.s32 $0x17400;
	s28 =	sld [smem:$0x7C5]  }
0x1ef: {  	[tilespmem:s7], [sflag:$0x2] =	stream.indirect.gather [hbm4b:s4+s6], $0x20, s25, s6, $0xb8;
	[tilespmem:$0x1D400] =	vst v63  }
0x1f0: {  	s1 =	simm.s32 $0x18400;
	s19 =	sld [smem:$0x7C6]  }
0x1f1: {  	[tilespmem:s1], [sflag:$0x2] =	stream.indirect.gather [hbm4b:s4+s6], $0x20, s28, s6, $0xb8;
	[tilespmem:$0x1D400] =	vst v63  }
0x1f2: {  	s25 =	sld [smem:$0x7C7];
	s7 =	simm.s32 $0x19400  }
0x1f3: {  	[tilespmem:s7], [sflag:$0x2] =	stream.indirect.gather [hbm4b:s4+s6], $0x20, s19, s6, $0xb8;
	[tilespmem:$0x1D400] =	vst v63  }
0x1f4: {  	s9 =	simm.s32 $0x1A400;
	s28 =	sld [smem:$0x7C8]  }
0x1f5: {  	[tilespmem:s9], [sflag:$0x2] =	stream.indirect.gather [hbm4b:s4+s6], $0x20, s25, s6, $0xb8;
	[tilespmem:$0x1D400] =	vst v63  }
0x1f6: {  	s19 =	sld [smem:$0x7C9];
	s9 =	simm.s32 $0x1B400  }
0x1f7: {  	[tilespmem:s9], [sflag:$0x2] =	stream.indirect.gather [hbm4b:s4+s6], $0x20, s28, s6, $0xb8;
	[tilespmem:$0x1D400] =	vst v63  }
0x1f8: {  	s24 =	simm.s32 $0x1C400  }
0x1f9: {  	[tilespmem:s24], [sflag:$0x2] =	stream.indirect.gather [hbm4b:s4+s6], $0x20, s19, s6, $0xb8;
	[tilespmem:$0x1D400] =	vst v63  }
0x1fa: {  	_ =	swait.ge [sflag:s0], $0xD000  }
0x1fb: {  	[sflag:s0] =	ssyncset.done $0x0  }
0x1fc: {  	s28 =	rddreg [dreg:$0x8];
	[sflag:s0] =	ssyncadd.s32 $0xFFFF3000  }
0x1fd: {  	[hbm4b:s28+s17] =	stream.linear.scatter [tilespmem:s16], [sflag:$0x3], $0xD000, $0x38;
	[tilespmem:$0x1D400] =	vst v63  }
0x1fe: {  	_ =	swait.ge [sflag:s3], $0xD000  }
0x1ff: {  	s12 =	sld [smem:$0x7CA]  }
0x200: {  	[sflag:s3] =	ssyncset.done $0x0  }
0x201: {  	s24 =	sld [smem:$0x7CB];
	[sflag:s3] =	ssyncadd.s32 $0xFFFF3000  }
0x202: {  	[tilespmem:s16], [sflag:$0x1] =	stream.indirect.gather [hbm4b:s4+s6], $0x20, s12, s6, $0xb8;
	[tilespmem:$0x1D400] =	vst v63  }
0x203: {  	s28 =	simm.s32 $0x4400;
	s11 =	sld [smem:$0x7CC]  }
0x204: {  	[tilespmem:s28], [sflag:$0x1] =	stream.indirect.gather [hbm4b:s4+s6], $0x20, s24, s6, $0xb8;
	[tilespmem:$0x1D400] =	vst v63  }
0x205: {  	s12 =	sld [smem:$0x7CD];
	s28 =	simm.s32 $0x5400  }
0x206: {  	[tilespmem:s28], [sflag:$0x1] =	stream.indirect.gather [hbm4b:s4+s6], $0x20, s11, s6, $0xb8;
	[tilespmem:$0x1D400] =	vst v63  }
0x207: {  	s23 =	simm.s32 $0x6400;
	s28 =	sld [smem:$0x7CE]  }
0x208: {  	[tilespmem:s23], [sflag:$0x1] =	stream.indirect.gather [hbm4b:s4+s6], $0x20, s12, s6, $0xb8;
	[tilespmem:$0x1D400] =	vst v63  }
0x209: {  	s29 =	simm.s32 $0x7400;
	s24 =	sld [smem:$0x7CF]  }
0x20a: {  	[tilespmem:s29], [sflag:$0x1] =	stream.indirect.gather [hbm4b:s4+s6], $0x20, s28, s6, $0xb8;
	[tilespmem:$0x1D400] =	vst v63  }
0x20b: {  	s11 =	sld [smem:$0x7D0]  }
0x20c: {  	[tilespmem:s13], [sflag:$0x1] =	stream.indirect.gather [hbm4b:s4+s6], $0x20, s24, s6, $0xb8;
	[tilespmem:$0x1D400] =	vst v63  }
0x20d: {  	s12 =	sld [smem:$0x7D1];
	s28 =	simm.s32 $0x9400  }
0x20e: {  	[tilespmem:s28], [sflag:$0x1] =	stream.indirect.gather [hbm4b:s4+s6], $0x20, s11, s6, $0xb8;
	[tilespmem:$0x1D400] =	vst v63  }
0x20f: {  	s11 =	sld [smem:$0x7D2];
	s28 =	simm.s32 $0xA400  }
0x210: {  	[tilespmem:s28], [sflag:$0x1] =	stream.indirect.gather [hbm4b:s4+s6], $0x20, s12, s6, $0xb8;
	[tilespmem:$0x1D400] =	vst v63  }
0x211: {  	s26 =	simm.s32 $0xB400;
	s13 =	sld [smem:$0x7D3]  }
0x212: {  	[tilespmem:s26], [sflag:$0x1] =	stream.indirect.gather [hbm4b:s4+s6], $0x20, s11, s6, $0xb8;
	[tilespmem:$0x1D400] =	vst v63  }
0x213: {  	s30 =	simm.s32 $0xC400;
	s26 =	sld [smem:$0x7D4]  }
0x214: {  	[tilespmem:s30], [sflag:$0x1] =	stream.indirect.gather [hbm4b:s4+s6], $0x20, s13, s6, $0xb8;
	[tilespmem:$0x1D400] =	vst v63  }
0x215: {  	s13 =	sld [smem:$0x7D5]  }
0x216: {  	[tilespmem:s15], [sflag:$0x1] =	stream.indirect.gather [hbm4b:s4+s6], $0x20, s26, s6, $0xb8;
	[tilespmem:$0x1D400] =	vst v63  }
0x217: {  	s31 =	simm.s32 $0xE400;
	s15 =	sld [smem:$0x7D6]  }
0x218: {  	[tilespmem:s31], [sflag:$0x1] =	stream.indirect.gather [hbm4b:s4+s6], $0x20, s13, s6, $0xb8;
	[tilespmem:$0x1D400] =	vst v63  }
0x219: {  	s13 =	simm.s32 $0xF400  }
0x21a: {  	[tilespmem:s13], [sflag:$0x1] =	stream.indirect.gather [hbm4b:s4+s6], $0x20, s15, s6, $0xb8;
	[tilespmem:$0x1D400] =	vst v63  }
0x21b: {  	_ =	swait.ge [sflag:s14], $0xD000  }
0x21c: {  	[sflag:s14] =	ssyncset.done $0x0  }
0x21d: {  	s15 =	rddreg [dreg:$0x9];
	[sflag:s14] =	ssyncadd.s32 $0xFFFF3000  }
0x21e: {  	[hbm4b:s15+s17] =	stream.linear.scatter [tilespmem:s18], [sflag:$0x3], $0xD000, $0x38;
	[tilespmem:$0x1D400] =	vst v63  }
0x21f: {  	_ =	swait.ge [sflag:s3], $0xD000  }
0x220: {  	s12 =	sld [smem:$0x7D7]  }
0x221: {  	[sflag:s3] =	ssyncset.done $0x0  }
0x222: {  	s13 =	sld [smem:$0x7D8];
	[sflag:s3] =	ssyncadd.s32 $0xFFFF3000  }
0x223: {  	[tilespmem:s18], [sflag:$0x2] =	stream.indirect.gather [hbm4b:s4+s6], $0x20, s12, s6, $0xb8;
	[tilespmem:$0x1D400] =	vst v63  }
0x224: {  	s15 =	simm.s32 $0x11400;
	s11 =	sld [smem:$0x7D9]  }
0x225: {  	[tilespmem:s15], [sflag:$0x2] =	stream.indirect.gather [hbm4b:s4+s6], $0x20, s13, s6, $0xb8;
	[tilespmem:$0x1D400] =	vst v63  }
0x226: {  	s21 =	simm.s32 $0x12400;
	s15 =	sld [smem:$0x7DA]  }
0x227: {  	[tilespmem:s21], [sflag:$0x2] =	stream.indirect.gather [hbm4b:s4+s6], $0x20, s11, s6, $0xb8;
	[tilespmem:$0x1D400] =	vst v63  }
0x228: {  	s22 =	simm.s32 $0x13400;
	s13 =	sld [smem:$0x7DB]  }
0x229: {  	[tilespmem:s22], [sflag:$0x2] =	stream.indirect.gather [hbm4b:s4+s6], $0x20, s15, s6, $0xb8;
	[tilespmem:$0x1D400] =	vst v63  }
0x22a: {  	s15 =	sld [smem:$0x7DC]  }
0x22b: {  	[tilespmem:s5], [sflag:$0x2] =	stream.indirect.gather [hbm4b:s4+s6], $0x20, s13, s6, $0xb8;
	[tilespmem:$0x1D400] =	vst v63  }
0x22c: {  	s13 =	sld [smem:$0x7DD]  }
0x22d: {  	[tilespmem:s2], [sflag:$0x2] =	stream.indirect.gather [hbm4b:s4+s6], $0x20, s15, s6, $0xb8;
	[tilespmem:$0x1D400] =	vst v63  }
0x22e: {  	s12 =	sld [smem:$0x7DE]  }
0x22f: {  	[tilespmem:s8], [sflag:$0x2] =	stream.indirect.gather [hbm4b:s4+s6], $0x20, s13, s6, $0xb8;
	[tilespmem:$0x1D400] =	vst v63  }
0x230: {  	s20 =	simm.s32 $0x17400;
	s15 =	sld [smem:$0x7DF]  }
0x231: {  	[tilespmem:s20], [sflag:$0x2] =	stream.indirect.gather [hbm4b:s4+s6], $0x20, s12, s6, $0xb8;
	[tilespmem:$0x1D400] =	vst v63  }
0x232: {  	s8 =	sld [smem:$0x7E0]  }
0x233: {  	[tilespmem:s1], [sflag:$0x2] =	stream.indirect.gather [hbm4b:s4+s6], $0x20, s15, s6, $0xb8;
	[tilespmem:$0x1D400] =	vst v63  }
0x234: {  	s15 =	sld [smem:$0x7E1]  }
0x235: {  	[tilespmem:s7], [sflag:$0x2] =	stream.indirect.gather [hbm4b:s4+s6], $0x20, s8, s6, $0xb8;
	[tilespmem:$0x1D400] =	vst v63  }
0x236: {  	s25 =	simm.s32 $0x1A400;
	s12 =	sld [smem:$0x7E2]  }
0x237: {  	[tilespmem:s25], [sflag:$0x2] =	stream.indirect.gather [hbm4b:s4+s6], $0x20, s15, s6, $0xb8;
	[tilespmem:$0x1D400] =	vst v63  }
0x238: {  	s8 =	sld [smem:$0x7E3]  }
0x239: {  	[tilespmem:s9], [sflag:$0x2] =	stream.indirect.gather [hbm4b:s4+s6], $0x20, s12, s6, $0xb8;
	[tilespmem:$0x1D400] =	vst v63  }
0x23a: {  	s19 =	simm.s32 $0x1C400  }
0x23b: {  	[tilespmem:s19], [sflag:$0x2] =	stream.indirect.gather [hbm4b:s4+s6], $0x20, s8, s6, $0xb8;
	[tilespmem:$0x1D400] =	vst v63  }
0x23c: {  	_ =	swait.ge [sflag:s0], $0xD000  }
0x23d: {  	[sflag:s0] =	ssyncset.done $0x0  }
0x23e: {  	s12 =	rddreg [dreg:$0xa];
	[sflag:s0] =	ssyncadd.s32 $0xFFFF3000  }
0x23f: {  	[hbm4b:s12+s17] =	stream.linear.scatter [tilespmem:s16], [sflag:$0x3], $0xD000, $0x38;
	[tilespmem:$0x1D400] =	vst v63  }
0x240: {  	_ =	swait.ge [sflag:s3], $0xD000  }
0x241: {  	s25 =	sld [smem:$0x7E4]  }
0x242: {  	[sflag:s3] =	ssyncset.done $0x0  }
0x243: {  	s0 =	sld [smem:$0x7E5];
	[sflag:s3] =	ssyncadd.s32 $0xFFFF3000  }
0x244: {  	[tilespmem:s16], [sflag:$0x1] =	stream.indirect.gather [hbm4b:s4+s6], $0x20, s25, s6, $0xb8;
	[tilespmem:$0x1D400] =	vst v63  }
0x245: {  	s8 =	simm.s32 $0x4400;
	s11 =	sld [smem:$0x7E6]  }
0x246: {  	[tilespmem:s8], [sflag:$0x1] =	stream.indirect.gather [hbm4b:s4+s6], $0x20, s0, s6, $0xb8;
	[tilespmem:$0x1D400] =	vst v63  }
0x247: {  	s12 =	sld [smem:$0x7E7];
	s25 =	simm.s32 $0x5400  }
0x248: {  	[tilespmem:s25], [sflag:$0x1] =	stream.indirect.gather [hbm4b:s4+s6], $0x20, s11, s6, $0xb8;
	[tilespmem:$0x1D400] =	vst v63  }
0x249: {  	s23 =	simm.s32 $0x6400;
	s8 =	sld [smem:$0x7E8]  }
0x24a: {  	[tilespmem:s23], [sflag:$0x1] =	stream.indirect.gather [hbm4b:s4+s6], $0x20, s12, s6, $0xb8;
	[tilespmem:$0x1D400] =	vst v63  }
0x24b: {  	s29 =	simm.s32 $0x7400;
	s23 =	sld [smem:$0x7E9]  }
0x24c: {  	[tilespmem:s29], [sflag:$0x1] =	stream.indirect.gather [hbm4b:s4+s6], $0x20, s8, s6, $0xb8;
	[tilespmem:$0x1D400] =	vst v63  }
0x24d: {  	s24 =	simm.s32 $0x8400;
	s25 =	sld [smem:$0x7EA]  }
0x24e: {  	[tilespmem:s24], [sflag:$0x1] =	stream.indirect.gather [hbm4b:s4+s6], $0x20, s23, s6, $0xb8;
	[tilespmem:$0x1D400] =	vst v63  }
0x24f: {  	s29 =	sld [smem:$0x7EB];
	s8 =	simm.s32 $0x9400  }
0x250: {  	[tilespmem:s8], [sflag:$0x1] =	stream.indirect.gather [hbm4b:s4+s6], $0x20, s25, s6, $0xb8;
	[tilespmem:$0x1D400] =	vst v63  }
0x251: {  	s23 =	sld [smem:$0x7EC];
	s24 =	simm.s32 $0xA400  }
0x252: {  	[tilespmem:s24], [sflag:$0x1] =	stream.indirect.gather [hbm4b:s4+s6], $0x20, s29, s6, $0xb8;
	[tilespmem:$0x1D400] =	vst v63  }
0x253: {  	s28 =	simm.s32 $0xB400;
	s25 =	sld [smem:$0x7ED]  }
0x254: {  	[tilespmem:s28], [sflag:$0x1] =	stream.indirect.gather [hbm4b:s4+s6], $0x20, s23, s6, $0xb8;
	[tilespmem:$0x1D400] =	vst v63  }
0x255: {  	s30 =	simm.s32 $0xC400;
	s28 =	sld [smem:$0x7EE]  }
0x256: {  	[tilespmem:s30], [sflag:$0x1] =	stream.indirect.gather [hbm4b:s4+s6], $0x20, s25, s6, $0xb8;
	[tilespmem:$0x1D400] =	vst v63  }
0x257: {  	s26 =	simm.s32 $0xD400;
	s29 =	sld [smem:$0x7EF]  }
0x258: {  	[tilespmem:s26], [sflag:$0x1] =	stream.indirect.gather [hbm4b:s4+s6], $0x20, s28, s6, $0xb8;
	[tilespmem:$0x1D400] =	vst v63  }
0x259: {  	s8 =	simm.s32 $0xE400;
	s30 =	sld [smem:$0x7F0]  }
0x25a: {  	[tilespmem:s8], [sflag:$0x1] =	stream.indirect.gather [hbm4b:s4+s6], $0x20, s29, s6, $0xb8;
	[tilespmem:$0x1D400] =	vst v63  }
0x25b: {  	s12 =	simm.s32 $0xF400  }
0x25c: {  	[tilespmem:s12], [sflag:$0x1] =	stream.indirect.gather [hbm4b:s4+s6], $0x20, s30, s6, $0xb8;
	[tilespmem:$0x1D400] =	vst v63  }
0x25d: {  	_ =	swait.ge [sflag:s14], $0xD000  }
0x25e: {  	[sflag:s14] =	ssyncset.done $0x0  }
0x25f: {  	s23 =	rddreg [dreg:$0xb];
	[sflag:s14] =	ssyncadd.s32 $0xFFFF3000  }
0x260: {  	[hbm4b:s23+s17] =	stream.linear.scatter [tilespmem:s18], [sflag:$0x3], $0xD000, $0x38;
	[tilespmem:$0x1D400] =	vst v63  }
0x261: {  	_ =	swait.ge [sflag:s3], $0xD000  }
0x262: {  	s24 =	sld [smem:$0x7F1]  }
0x263: {  	[sflag:s3] =	ssyncset.done $0x0  }
0x264: {  	s25 =	sld [smem:$0x7F2];
	[sflag:s3] =	ssyncadd.s32 $0xFFFF3000  }
0x265: {  	[tilespmem:s18], [sflag:$0x2] =	stream.indirect.gather [hbm4b:s4+s6], $0x20, s24, s6, $0xb8;
	[tilespmem:$0x1D400] =	vst v63  }
0x266: {  	s28 =	simm.s32 $0x11400;
	s26 =	sld [smem:$0x7F3]  }
0x267: {  	[tilespmem:s28], [sflag:$0x2] =	stream.indirect.gather [hbm4b:s4+s6], $0x20, s25, s6, $0xb8;
	[tilespmem:$0x1D400] =	vst v63  }
0x268: {  	s21 =	simm.s32 $0x12400;
	s29 =	sld [smem:$0x7F4]  }
0x269: {  	[tilespmem:s21], [sflag:$0x2] =	stream.indirect.gather [hbm4b:s4+s6], $0x20, s26, s6, $0xb8;
	[tilespmem:$0x1D400] =	vst v63  }
0x26a: {  	s22 =	simm.s32 $0x13400;
	s30 =	sld [smem:$0x7F5]  }
0x26b: {  	[tilespmem:s22], [sflag:$0x2] =	stream.indirect.gather [hbm4b:s4+s6], $0x20, s29, s6, $0xb8;
	[tilespmem:$0x1D400] =	vst v63  }
0x26c: {  	s5 =	simm.s32 $0x14400;
	s0 =	sld [smem:$0x7F6]  }
0x26d: {  	[tilespmem:s5], [sflag:$0x2] =	stream.indirect.gather [hbm4b:s4+s6], $0x20, s30, s6, $0xb8;
	[tilespmem:$0x1D400] =	vst v63  }
0x26e: {  	s2 =	simm.s32 $0x15400;
	s5 =	sld [smem:$0x7F7]  }
0x26f: {  	[tilespmem:s2], [sflag:$0x2] =	stream.indirect.gather [hbm4b:s4+s6], $0x20, s0, s6, $0xb8;
	[tilespmem:$0x1D400] =	vst v63  }
0x270: {  	s13 =	simm.s32 $0x16400;
	s21 =	sld [smem:$0x7F8]  }
0x271: {  	[tilespmem:s13], [sflag:$0x2] =	stream.indirect.gather [hbm4b:s4+s6], $0x20, s5, s6, $0xb8;
	[tilespmem:$0x1D400] =	vst v63  }
0x272: {  	s20 =	simm.s32 $0x17400;
	s22 =	sld [smem:$0x7F9]  }
0x273: {  	[tilespmem:s20], [sflag:$0x2] =	stream.indirect.gather [hbm4b:s4+s6], $0x20, s21, s6, $0xb8;
	[tilespmem:$0x1D400] =	vst v63  }
0x274: {  	s1 =	simm.s32 $0x18400;
	s23 =	sld [smem:$0x7FA]  }
0x275: {  	[tilespmem:s1], [sflag:$0x2] =	stream.indirect.gather [hbm4b:s4+s6], $0x20, s22, s6, $0xb8;
	[tilespmem:$0x1D400] =	vst v63  }
0x276: {  	s7 =	simm.s32 $0x19400;
	s24 =	sld [smem:$0x7FB]  }
0x277: {  	[tilespmem:s7], [sflag:$0x2] =	stream.indirect.gather [hbm4b:s4+s6], $0x20, s23, s6, $0xb8;
	[tilespmem:$0x1D400] =	vst v63  }
0x278: {  	s15 =	simm.s32 $0x1A400;
	s26 =	sld [smem:$0x7FC]  }
0x279: {  	[tilespmem:s15], [sflag:$0x2] =	stream.indirect.gather [hbm4b:s4+s6], $0x20, s24, s6, $0xb8;
	[tilespmem:$0x1D400] =	vst v63  }
0x27a: {  	s9 =	simm.s32 $0x1B400;
	s28 =	sld [smem:$0x7FD]  }
0x27b: {  	[tilespmem:s9], [sflag:$0x2] =	stream.indirect.gather [hbm4b:s4+s6], $0x20, s26, s6, $0xb8;
	[tilespmem:$0x1D400] =	vst v63  }
0x27c: {  	s19 =	simm.s32 $0x1C400;
	s14 =	simm.s32 $0x1  }
0x27d: {  	[tilespmem:s19], [sflag:$0x2] =	stream.indirect.gather [hbm4b:s4+s6], $0x20, s28, s6, $0xb8;
	[tilespmem:$0x1D400] =	vst v63  }
0x27e: {  	_ =	swait.ge [sflag:s14], $0xD000  }
0x27f: {  	s31 =	simm.s32 $0x3400;
	[sflag:s14] =	ssyncset.done $0x0  }
0x280: {  	s2 =	simm.s32 $0x0;
	s29 =	rddreg [dreg:$0x4];
	[sflag:s14] =	ssyncadd.s32 $0xFFFF3000  }
0x281: {  	[hbm4b:s29+s2] =	stream.linear.scatter [tilespmem:s31], [sflag:$0x3], $0xD000, $0x38;
	[tilespmem:$0x1D400] =	vst v63  }
0x282: {  	_ =	swait.ge [sflag:s3], $0xD000  }
0x283: {  	[sflag:s3] =	ssyncset.done $0x0  }
0x284: {  	s8 =	simm.s32 $0x2;
	[sflag:s3] =	ssyncadd.s32 $0xFFFF3000  }
0x285: {  	p1 =	sne.s32 s10, $0x1;
	_ =	swait.ge [sflag:s8], $0xD000  }
.Ltmp2:
0x286: {  	[sflag:s8] =	ssyncset.done $0x0;
	(pc) =	sbr.rel @p1 .LBB2_3-.Ltmp2, $4  }
0x287: {  	s25 =	simm.s32 $0x10400;
	s30 =	rddreg [dreg:$0x5];
	[sflag:s8] =	ssyncadd.s32 $0xFFFF3000  }
0x288: {  	[hbm4b:s30+s2] =	stream.linear.scatter [tilespmem:s25], [sflag:$0x3], $0xD000, $0x38;
	[tilespmem:$0x1D400] =	vst v63  }
0x289: {  	_ =	swait.ge [sflag:s3], $0xD000  }
0x28a: {  	s10 =	sadd.s32 $0xFFFFFFFF, s10;
	s11 =	rddreg [dreg:$0x3];
	[sflag:s3] =	ssyncset.done $0x0  }
0x28b: {  	s12 =	simm.s32 $0xE400;
	s0 =	simm.s32 $0x15400;
	s9 =	simm.s32 $0x18400  }
.LBB2_5:
0x28c: {  	[sflag:s3] =	ssyncadd.s32 @p0 $0xFFFF3000  }
0x28d: {  	[tilespmem:s2], [sflag:$0x3] =	stream.linear.gather [hbm4b:s11+s2], $0x3400, $0x38;
	[tilespmem:$0x1D400] =	vst v63  }
0x28e: {  	_ =	swait.ge [sflag:s3], $0x3400  }
0x28f: {  	[sflag:s3] =	ssyncset.done $0x0  }
0x290: {  	[sflag:s3] =	ssyncadd.s32 $0xFFFFCC00  }
0x291: {  	[tilespmem:s31], [sflag:$0x1] =	stream.indirect.gather [hbm4b:s4+s6], $0x20, s2, s6, $0xb8;
	[tilespmem:$0x1D400] =	vst v63  }
0x292: {  	s20 =	simm.s32 $0x4400;
	s10 =	rddreg [dreg:$0xc]  }
0x293: {  	[tilespmem:s20], [sflag:$0x1] =	stream.indirect.gather [hbm4b:s4+s6], $0x20, s6, s6, $0xb8;
	[tilespmem:$0x1D400] =	vst v63  }
0x294: {  	s22 =	simm.s32 $0x5400;
	s1 =	rddreg [dreg:$0xd]  }
0x295: {  	[tilespmem:s22], [sflag:$0x1] =	stream.indirect.gather [hbm4b:s4+s6], $0x20, s10, s6, $0xb8;
	[tilespmem:$0x1D400] =	vst v63  }
0x296: {  	s24 =	simm.s32 $0x6400;
	s5 =	rddreg [dreg:$0xe]  }
0x297: {  	[tilespmem:s24], [sflag:$0x1] =	stream.indirect.gather [hbm4b:s4+s6], $0x20, s1, s6, $0xb8;
	[tilespmem:$0x1D400] =	vst v63  }
0x298: {  	s17 =	simm.s32 $0x7400;
	s7 =	rddreg [dreg:$0xf]  }
0x299: {  	[tilespmem:s17], [sflag:$0x1] =	stream.indirect.gather [hbm4b:s4+s6], $0x20, s5, s6, $0xb8;
	[tilespmem:$0x1D400] =	vst v63  }
0x29a: {  	s18 =	simm.s32 $0x8400;
	s13 =	rddreg [dreg:$0x10]  }
0x29b: {  	[tilespmem:s18], [sflag:$0x1] =	stream.indirect.gather [hbm4b:s4+s6], $0x20, s7, s6, $0xb8;
	[tilespmem:$0x1D400] =	vst v63  }
0x29c: {  	s19 =	simm.s32 $0x9400;
	s15 =	rddreg [dreg:$0x11]  }
0x29d: {  	[tilespmem:s19], [sflag:$0x1] =	stream.indirect.gather [hbm4b:s4+s6], $0x20, s13, s6, $0xb8;
	[tilespmem:$0x1D400] =	vst v63  }
0x29e: {  	s21 =	simm.s32 $0xA400;
	s16 =	rddreg [dreg:$0x12]  }
0x29f: {  	[tilespmem:s21], [sflag:$0x1] =	stream.indirect.gather [hbm4b:s4+s6], $0x20, s15, s6, $0xb8;
	[tilespmem:$0x1D400] =	vst v63  }
0x2a0: {  	s23 =	simm.s32 $0xB400;
	s26 =	rddreg [dreg:$0x13]  }
0x2a1: {  	[tilespmem:s23], [sflag:$0x1] =	stream.indirect.gather [hbm4b:s4+s6], $0x20, s16, s6, $0xb8;
	[tilespmem:$0x1D400] =	vst v63  }
0x2a2: {  	s28 =	simm.s32 $0xC400;
	s29 =	rddreg [dreg:$0x14]  }
0x2a3: {  	[tilespmem:s28], [sflag:$0x1] =	stream.indirect.gather [hbm4b:s4+s6], $0x20, s26, s6, $0xb8;
	[tilespmem:$0x1D400] =	vst v63  }
0x2a4: {  	s30 =	rddreg [dreg:$0x15];
	s31 =	simm.s32 $0xD400  }
0x2a5: {  	[tilespmem:s31], [sflag:$0x1] =	stream.indirect.gather [hbm4b:s4+s6], $0x20, s29, s6, $0xb8;
	[tilespmem:$0x1D400] =	vst v63  }
0x2a6: {  	s1 =	rddreg [dreg:$0x16]  }
0x2a7: {  	[tilespmem:s12], [sflag:$0x1] =	stream.indirect.gather [hbm4b:s4+s6], $0x20, s30, s6, $0xb8;
	[tilespmem:$0x1D400] =	vst v63  }
0x2a8: {  	s5 =	rddreg [dreg:$0x17];
	s16 =	simm.s32 $0xF400  }
0x2a9: {  	[tilespmem:s16], [sflag:$0x1] =	stream.indirect.gather [hbm4b:s4+s6], $0x20, s1, s6, $0xb8;
	[tilespmem:$0x1D400] =	vst v63  }
0x2aa: {  	s7 =	rddreg [dreg:$0x18]  }
0x2ab: {  	[tilespmem:s25], [sflag:$0x2] =	stream.indirect.gather [hbm4b:s4+s6], $0x20, s5, s6, $0xb8;
	[tilespmem:$0x1D400] =	vst v63  }
0x2ac: {  	s15 =	rddreg [dreg:$0x1a];
	s1 =	simm.s32 $0x11400  }
0x2ad: {  	[tilespmem:s1], [sflag:$0x2] =	stream.indirect.gather [hbm4b:s4+s6], $0x20, s7, s6, $0xb8;
	[tilespmem:$0x1D400] =	vst v63  }
0x2ae: {  	s12 =	rddreg [dreg:$0x19];
	s25 =	simm.s32 $0x12400  }
0x2af: {  	[tilespmem:s25], [sflag:$0x2] =	stream.indirect.gather [hbm4b:s4+s6], $0x20, s12, s6, $0xb8;
	[tilespmem:$0x1D400] =	vst v63  }
0x2b0: {  	s26 =	rddreg [dreg:$0x1b];
	s29 =	simm.s32 $0x13400  }
0x2b1: {  	[tilespmem:s29], [sflag:$0x2] =	stream.indirect.gather [hbm4b:s4+s6], $0x20, s15, s6, $0xb8;
	[tilespmem:$0x1D400] =	vst v63  }
0x2b2: {  	s30 =	rddreg [dreg:$0x1c];
	s29 =	simm.s32 $0x14400  }
0x2b3: {  	[tilespmem:s29], [sflag:$0x2] =	stream.indirect.gather [hbm4b:s4+s6], $0x20, s26, s6, $0xb8;
	[tilespmem:$0x1D400] =	vst v63  }
0x2b4: {  	s5 =	rddreg [dreg:$0x1e]  }
0x2b5: {  	[tilespmem:s0], [sflag:$0x2] =	stream.indirect.gather [hbm4b:s4+s6], $0x20, s30, s6, $0xb8;
	[tilespmem:$0x1D400] =	vst v63  }
0x2b6: {  	s1 =	rddreg [dreg:$0x1d];
	s7 =	simm.s32 $0x16400  }
0x2b7: {  	[tilespmem:s7], [sflag:$0x2] =	stream.indirect.gather [hbm4b:s4+s6], $0x20, s1, s6, $0xb8;
	[tilespmem:$0x1D400] =	vst v63  }
0x2b8: {  	s12 =	rddreg [dreg:$0x1f];
	s15 =	simm.s32 $0x17400  }
0x2b9: {  	[tilespmem:s15], [sflag:$0x2] =	stream.indirect.gather [hbm4b:s4+s6], $0x20, s5, s6, $0xb8;
	[tilespmem:$0x1D400] =	vst v63  }
0x2ba: {  	s25 =	sld [smem:$0x7AC]  }
0x2bb: {  	[tilespmem:s9], [sflag:$0x2] =	stream.indirect.gather [hbm4b:s4+s6], $0x20, s12, s6, $0xb8;
	[tilespmem:$0x1D400] =	vst v63  }
0x2bc: {  	s26 =	sld [smem:$0x7AD];
	s7 =	simm.s32 $0x19400  }
0x2bd: {  	[tilespmem:s7], [sflag:$0x2] =	stream.indirect.gather [hbm4b:s4+s6], $0x20, s25, s6, $0xb8;
	[tilespmem:$0x1D400] =	vst v63  }
0x2be: {  	s30 =	simm.s32 $0x1A400;
	s1 =	sld [smem:$0x7AE]  }
0x2bf: {  	[tilespmem:s30], [sflag:$0x2] =	stream.indirect.gather [hbm4b:s4+s6], $0x20, s26, s6, $0xb8;
	[tilespmem:$0x1D400] =	vst v63  }
0x2c0: {  	s5 =	simm.s32 $0x1B400;
	s12 =	sld [smem:$0x7AF]  }
0x2c1: {  	[tilespmem:s5], [sflag:$0x2] =	stream.indirect.gather [hbm4b:s4+s6], $0x20, s1, s6, $0xb8;
	[tilespmem:$0x1D400] =	vst v63  }
0x2c2: {  	s26 =	simm.s32 $0x1C400  }
0x2c3: {  	[tilespmem:s26], [sflag:$0x2] =	stream.indirect.gather [hbm4b:s4+s6], $0x20, s12, s6, $0xb8;
	[tilespmem:$0x1D400] =	vst v63  }
0x2c4: {  	_ =	swait.ge [sflag:s14], $0xD000  }
0x2c5: {  	[sflag:s14] =	ssyncset.done $0x0  }
0x2c6: {  	s13 =	simm.s32 $0x3400;
	s11 =	rddreg [dreg:$0x6];
	[sflag:s14] =	ssyncadd.s32 $0xFFFF3000  }
0x2c7: {  	[hbm4b:s11+s2] =	stream.linear.scatter [tilespmem:s13], [sflag:$0x3], $0xD000, $0x38;
	[tilespmem:$0x1D400] =	vst v63  }
0x2c8: {  	_ =	swait.ge [sflag:s3], $0xD000  }
0x2c9: {  	s12 =	sld [smem:$0x7B0]  }
0x2ca: {  	[sflag:s3] =	ssyncset.done $0x0  }
0x2cb: {  	s1 =	sld [smem:$0x7B1];
	[sflag:s3] =	ssyncadd.s32 $0xFFFF3000  }
0x2cc: {  	[tilespmem:s13], [sflag:$0x1] =	stream.indirect.gather [hbm4b:s4+s6], $0x20, s12, s6, $0xb8;
	[tilespmem:$0x1D400] =	vst v63  }
0x2cd: {  	s5 =	sld [smem:$0x7B2]  }
0x2ce: {  	[tilespmem:s20], [sflag:$0x1] =	stream.indirect.gather [hbm4b:s4+s6], $0x20, s1, s6, $0xb8;
	[tilespmem:$0x1D400] =	vst v63  }
0x2cf: {  	s12 =	sld [smem:$0x7B3]  }
0x2d0: {  	[tilespmem:s22], [sflag:$0x1] =	stream.indirect.gather [hbm4b:s4+s6], $0x20, s5, s6, $0xb8;
	[tilespmem:$0x1D400] =	vst v63  }
0x2d1: {  	s1 =	sld [smem:$0x7B4]  }
0x2d2: {  	[tilespmem:s24], [sflag:$0x1] =	stream.indirect.gather [hbm4b:s4+s6], $0x20, s12, s6, $0xb8;
	[tilespmem:$0x1D400] =	vst v63  }
0x2d3: {  	s5 =	sld [smem:$0x7B5]  }
0x2d4: {  	[tilespmem:s17], [sflag:$0x1] =	stream.indirect.gather [hbm4b:s4+s6], $0x20, s1, s6, $0xb8;
	[tilespmem:$0x1D400] =	vst v63  }
0x2d5: {  	s12 =	sld [smem:$0x7B6]  }
0x2d6: {  	[tilespmem:s18], [sflag:$0x1] =	stream.indirect.gather [hbm4b:s4+s6], $0x20, s5, s6, $0xb8;
	[tilespmem:$0x1D400] =	vst v63  }
0x2d7: {  	s1 =	sld [smem:$0x7B7]  }
0x2d8: {  	[tilespmem:s19], [sflag:$0x1] =	stream.indirect.gather [hbm4b:s4+s6], $0x20, s12, s6, $0xb8;
	[tilespmem:$0x1D400] =	vst v63  }
0x2d9: {  	s5 =	sld [smem:$0x7B8]  }
0x2da: {  	[tilespmem:s21], [sflag:$0x1] =	stream.indirect.gather [hbm4b:s4+s6], $0x20, s1, s6, $0xb8;
	[tilespmem:$0x1D400] =	vst v63  }
0x2db: {  	s12 =	sld [smem:$0x7B9]  }
0x2dc: {  	[tilespmem:s23], [sflag:$0x1] =	stream.indirect.gather [hbm4b:s4+s6], $0x20, s5, s6, $0xb8;
	[tilespmem:$0x1D400] =	vst v63  }
0x2dd: {  	s1 =	sld [smem:$0x7BA]  }
0x2de: {  	[tilespmem:s28], [sflag:$0x1] =	stream.indirect.gather [hbm4b:s4+s6], $0x20, s12, s6, $0xb8;
	[tilespmem:$0x1D400] =	vst v63  }
0x2df: {  	s5 =	sld [smem:$0x7BB]  }
0x2e0: {  	[tilespmem:s31], [sflag:$0x1] =	stream.indirect.gather [hbm4b:s4+s6], $0x20, s1, s6, $0xb8;
	[tilespmem:$0x1D400] =	vst v63  }
0x2e1: {  	s0 =	simm.s32 $0xE400;
	s12 =	sld [smem:$0x7BC]  }
0x2e2: {  	[tilespmem:s0], [sflag:$0x1] =	stream.indirect.gather [hbm4b:s4+s6], $0x20, s5, s6, $0xb8;
	[tilespmem:$0x1D400] =	vst v63  }
0x2e3: {  	_ = 	snop  }
0x2e4: {  	[tilespmem:s16], [sflag:$0x1] =	stream.indirect.gather [hbm4b:s4+s6], $0x20, s12, s6, $0xb8;
	[tilespmem:$0x1D400] =	vst v63  }
0x2e5: {  	_ =	swait.ge [sflag:s8], $0xD000  }
0x2e6: {  	[sflag:s8] =	ssyncset.done $0x0  }
0x2e7: {  	s7 =	simm.s32 $0x10400;
	s0 =	rddreg [dreg:$0x7];
	[sflag:s8] =	ssyncadd.s32 $0xFFFF3000  }
0x2e8: {  	[hbm4b:s0+s2] =	stream.linear.scatter [tilespmem:s7], [sflag:$0x3], $0xD000, $0x38;
	[tilespmem:$0x1D400] =	vst v63  }
0x2e9: {  	_ =	swait.ge [sflag:s3], $0xD000  }
0x2ea: {  	s1 =	sld [smem:$0x7BD]  }
0x2eb: {  	[sflag:s3] =	ssyncset.done $0x0  }
0x2ec: {  	s5 =	sld [smem:$0x7BE];
	[sflag:s3] =	ssyncadd.s32 $0xFFFF3000  }
0x2ed: {  	[tilespmem:s7], [sflag:$0x2] =	stream.indirect.gather [hbm4b:s4+s6], $0x20, s1, s6, $0xb8;
	[tilespmem:$0x1D400] =	vst v63  }
0x2ee: {  	s12 =	sld [smem:$0x7BF];
	s1 =	simm.s32 $0x11400  }
0x2ef: {  	[tilespmem:s1], [sflag:$0x2] =	stream.indirect.gather [hbm4b:s4+s6], $0x20, s5, s6, $0xb8;
	[tilespmem:$0x1D400] =	vst v63  }
0x2f0: {  	s0 =	sld [smem:$0x7C0];
	s5 =	simm.s32 $0x12400  }
0x2f1: {  	[tilespmem:s5], [sflag:$0x2] =	stream.indirect.gather [hbm4b:s4+s6], $0x20, s12, s6, $0xb8;
	[tilespmem:$0x1D400] =	vst v63  }
0x2f2: {  	s10 =	sld [smem:$0x7C1];
	s12 =	simm.s32 $0x13400  }
0x2f3: {  	[tilespmem:s12], [sflag:$0x2] =	stream.indirect.gather [hbm4b:s4+s6], $0x20, s0, s6, $0xb8;
	[tilespmem:$0x1D400] =	vst v63  }
0x2f4: {  	s0 =	sld [smem:$0x7C2]  }
0x2f5: {  	[tilespmem:s29], [sflag:$0x2] =	stream.indirect.gather [hbm4b:s4+s6], $0x20, s10, s6, $0xb8;
	[tilespmem:$0x1D400] =	vst v63  }
0x2f6: {  	s15 =	simm.s32 $0x15400;
	s10 =	sld [smem:$0x7C3]  }
0x2f7: {  	[tilespmem:s15], [sflag:$0x2] =	stream.indirect.gather [hbm4b:s4+s6], $0x20, s0, s6, $0xb8;
	[tilespmem:$0x1D400] =	vst v63  }
0x2f8: {  	s11 =	sld [smem:$0x7C4];
	s0 =	simm.s32 $0x16400  }
0x2f9: {  	[tilespmem:s0], [sflag:$0x2] =	stream.indirect.gather [hbm4b:s4+s6], $0x20, s10, s6, $0xb8;
	[tilespmem:$0x1D400] =	vst v63  }
0x2fa: {  	s15 =	simm.s32 $0x17400;
	s10 =	sld [smem:$0x7C5]  }
0x2fb: {  	[tilespmem:s15], [sflag:$0x2] =	stream.indirect.gather [hbm4b:s4+s6], $0x20, s11, s6, $0xb8;
	[tilespmem:$0x1D400] =	vst v63  }
0x2fc: {  	s11 =	sld [smem:$0x7C6]  }
0x2fd: {  	[tilespmem:s9], [sflag:$0x2] =	stream.indirect.gather [hbm4b:s4+s6], $0x20, s10, s6, $0xb8;
	[tilespmem:$0x1D400] =	vst v63  }
0x2fe: {  	s25 =	simm.s32 $0x19400;
	s10 =	sld [smem:$0x7C7]  }
0x2ff: {  	[tilespmem:s25], [sflag:$0x2] =	stream.indirect.gather [hbm4b:s4+s6], $0x20, s11, s6, $0xb8;
	[tilespmem:$0x1D400] =	vst v63  }
0x300: {  	s11 =	sld [smem:$0x7C8]  }
0x301: {  	[tilespmem:s30], [sflag:$0x2] =	stream.indirect.gather [hbm4b:s4+s6], $0x20, s10, s6, $0xb8;
	[tilespmem:$0x1D400] =	vst v63  }
0x302: {  	s25 =	simm.s32 $0x1B400;
	s10 =	sld [smem:$0x7C9]  }
0x303: {  	[tilespmem:s25], [sflag:$0x2] =	stream.indirect.gather [hbm4b:s4+s6], $0x20, s11, s6, $0xb8;
	[tilespmem:$0x1D400] =	vst v63  }
0x304: {  	_ = 	snop  }
0x305: {  	[tilespmem:s26], [sflag:$0x2] =	stream.indirect.gather [hbm4b:s4+s6], $0x20, s10, s6, $0xb8;
	[tilespmem:$0x1D400] =	vst v63  }
0x306: {  	_ =	swait.ge [sflag:s14], $0xD000  }
0x307: {  	[sflag:s14] =	ssyncset.done $0x0  }
0x308: {  	s11 =	rddreg [dreg:$0x8];
	[sflag:s14] =	ssyncadd.s32 $0xFFFF3000  }
0x309: {  	[hbm4b:s11+s2] =	stream.linear.scatter [tilespmem:s13], [sflag:$0x3], $0xD000, $0x38;
	[tilespmem:$0x1D400] =	vst v63  }
0x30a: {  	_ =	swait.ge [sflag:s3], $0xD000  }
0x30b: {  	s25 =	sld [smem:$0x7CA]  }
0x30c: {  	[sflag:s3] =	ssyncset.done $0x0  }
0x30d: {  	s11 =	sld [smem:$0x7CB];
	[sflag:s3] =	ssyncadd.s32 $0xFFFF3000  }
0x30e: {  	[tilespmem:s13], [sflag:$0x1] =	stream.indirect.gather [hbm4b:s4+s6], $0x20, s25, s6, $0xb8;
	[tilespmem:$0x1D400] =	vst v63  }
0x30f: {  	s25 =	sld [smem:$0x7CC]  }
0x310: {  	[tilespmem:s20], [sflag:$0x1] =	stream.indirect.gather [hbm4b:s4+s6], $0x20, s11, s6, $0xb8;
	[tilespmem:$0x1D400] =	vst v63  }
0x311: {  	s11 =	sld [smem:$0x7CD]  }
0x312: {  	[tilespmem:s22], [sflag:$0x1] =	stream.indirect.gather [hbm4b:s4+s6], $0x20, s25, s6, $0xb8;
	[tilespmem:$0x1D400] =	vst v63  }
0x313: {  	s25 =	sld [smem:$0x7CE]  }
0x314: {  	[tilespmem:s24], [sflag:$0x1] =	stream.indirect.gather [hbm4b:s4+s6], $0x20, s11, s6, $0xb8;
	[tilespmem:$0x1D400] =	vst v63  }
0x315: {  	s11 =	sld [smem:$0x7CF]  }
0x316: {  	[tilespmem:s17], [sflag:$0x1] =	stream.indirect.gather [hbm4b:s4+s6], $0x20, s25, s6, $0xb8;
	[tilespmem:$0x1D400] =	vst v63  }
0x317: {  	s25 =	sld [smem:$0x7D0]  }
0x318: {  	[tilespmem:s18], [sflag:$0x1] =	stream.indirect.gather [hbm4b:s4+s6], $0x20, s11, s6, $0xb8;
	[tilespmem:$0x1D400] =	vst v63  }
0x319: {  	s11 =	sld [smem:$0x7D1]  }
0x31a: {  	[tilespmem:s19], [sflag:$0x1] =	stream.indirect.gather [hbm4b:s4+s6], $0x20, s25, s6, $0xb8;
	[tilespmem:$0x1D400] =	vst v63  }
0x31b: {  	s25 =	sld [smem:$0x7D2]  }
0x31c: {  	[tilespmem:s21], [sflag:$0x1] =	stream.indirect.gather [hbm4b:s4+s6], $0x20, s11, s6, $0xb8;
	[tilespmem:$0x1D400] =	vst v63  }
0x31d: {  	s11 =	sld [smem:$0x7D3]  }
0x31e: {  	[tilespmem:s23], [sflag:$0x1] =	stream.indirect.gather [hbm4b:s4+s6], $0x20, s25, s6, $0xb8;
	[tilespmem:$0x1D400] =	vst v63  }
0x31f: {  	s25 =	sld [smem:$0x7D4]  }
0x320: {  	[tilespmem:s28], [sflag:$0x1] =	stream.indirect.gather [hbm4b:s4+s6], $0x20, s11, s6, $0xb8;
	[tilespmem:$0x1D400] =	vst v63  }
0x321: {  	s11 =	sld [smem:$0x7D5]  }
0x322: {  	[tilespmem:s31], [sflag:$0x1] =	stream.indirect.gather [hbm4b:s4+s6], $0x20, s25, s6, $0xb8;
	[tilespmem:$0x1D400] =	vst v63  }
0x323: {  	s10 =	sld [smem:$0x7D6];
	s25 =	simm.s32 $0xE400  }
0x324: {  	[tilespmem:s25], [sflag:$0x1] =	stream.indirect.gather [hbm4b:s4+s6], $0x20, s11, s6, $0xb8;
	[tilespmem:$0x1D400] =	vst v63  }
0x325: {  	_ = 	snop  }
0x326: {  	[tilespmem:s16], [sflag:$0x1] =	stream.indirect.gather [hbm4b:s4+s6], $0x20, s10, s6, $0xb8;
	[tilespmem:$0x1D400] =	vst v63  }
0x327: {  	_ =	swait.ge [sflag:s8], $0xD000  }
0x328: {  	[sflag:s8] =	ssyncset.done $0x0  }
0x329: {  	s11 =	rddreg [dreg:$0x9];
	[sflag:s8] =	ssyncadd.s32 $0xFFFF3000  }
0x32a: {  	[hbm4b:s11+s2] =	stream.linear.scatter [tilespmem:s7], [sflag:$0x3], $0xD000, $0x38;
	[tilespmem:$0x1D400] =	vst v63  }
0x32b: {  	_ =	swait.ge [sflag:s3], $0xD000  }
0x32c: {  	s25 =	sld [smem:$0x7D7]  }
0x32d: {  	[sflag:s3] =	ssyncset.done $0x0  }
0x32e: {  	s11 =	sld [smem:$0x7D8];
	[sflag:s3] =	ssyncadd.s32 $0xFFFF3000  }
0x32f: {  	[tilespmem:s7], [sflag:$0x2] =	stream.indirect.gather [hbm4b:s4+s6], $0x20, s25, s6, $0xb8;
	[tilespmem:$0x1D400] =	vst v63  }
0x330: {  	s25 =	sld [smem:$0x7D9]  }
0x331: {  	[tilespmem:s1], [sflag:$0x2] =	stream.indirect.gather [hbm4b:s4+s6], $0x20, s11, s6, $0xb8;
	[tilespmem:$0x1D400] =	vst v63  }
0x332: {  	s11 =	sld [smem:$0x7DA]  }
0x333: {  	[tilespmem:s5], [sflag:$0x2] =	stream.indirect.gather [hbm4b:s4+s6], $0x20, s25, s6, $0xb8;
	[tilespmem:$0x1D400] =	vst v63  }
0x334: {  	s25 =	sld [smem:$0x7DB]  }
0x335: {  	[tilespmem:s12], [sflag:$0x2] =	stream.indirect.gather [hbm4b:s4+s6], $0x20, s11, s6, $0xb8;
	[tilespmem:$0x1D400] =	vst v63  }
0x336: {  	s11 =	sld [smem:$0x7DC]  }
0x337: {  	[tilespmem:s29], [sflag:$0x2] =	stream.indirect.gather [hbm4b:s4+s6], $0x20, s25, s6, $0xb8;
	[tilespmem:$0x1D400] =	vst v63  }
0x338: {  	s10 =	sld [smem:$0x7DD];
	s25 =	simm.s32 $0x15400  }
0x339: {  	[tilespmem:s25], [sflag:$0x2] =	stream.indirect.gather [hbm4b:s4+s6], $0x20, s11, s6, $0xb8;
	[tilespmem:$0x1D400] =	vst v63  }
0x33a: {  	s25 =	sld [smem:$0x7DE]  }
0x33b: {  	[tilespmem:s0], [sflag:$0x2] =	stream.indirect.gather [hbm4b:s4+s6], $0x20, s10, s6, $0xb8;
	[tilespmem:$0x1D400] =	vst v63  }
0x33c: {  	s15 =	simm.s32 $0x17400;
	s10 =	sld [smem:$0x7DF]  }
0x33d: {  	[tilespmem:s15], [sflag:$0x2] =	stream.indirect.gather [hbm4b:s4+s6], $0x20, s25, s6, $0xb8;
	[tilespmem:$0x1D400] =	vst v63  }
0x33e: {  	s0 =	sld [smem:$0x7E0]  }
0x33f: {  	[tilespmem:s9], [sflag:$0x2] =	stream.indirect.gather [hbm4b:s4+s6], $0x20, s10, s6, $0xb8;
	[tilespmem:$0x1D400] =	vst v63  }
0x340: {  	s15 =	simm.s32 $0x19400;
	s10 =	sld [smem:$0x7E1]  }
0x341: {  	[tilespmem:s15], [sflag:$0x2] =	stream.indirect.gather [hbm4b:s4+s6], $0x20, s0, s6, $0xb8;
	[tilespmem:$0x1D400] =	vst v63  }
0x342: {  	s11 =	sld [smem:$0x7E2]  }
0x343: {  	[tilespmem:s30], [sflag:$0x2] =	stream.indirect.gather [hbm4b:s4+s6], $0x20, s10, s6, $0xb8;
	[tilespmem:$0x1D400] =	vst v63  }
0x344: {  	s0 =	simm.s32 $0x1B400;
	s10 =	sld [smem:$0x7E3]  }
0x345: {  	[tilespmem:s0], [sflag:$0x2] =	stream.indirect.gather [hbm4b:s4+s6], $0x20, s11, s6, $0xb8;
	[tilespmem:$0x1D400] =	vst v63  }
0x346: {  	_ = 	snop  }
0x347: {  	[tilespmem:s26], [sflag:$0x2] =	stream.indirect.gather [hbm4b:s4+s6], $0x20, s10, s6, $0xb8;
	[tilespmem:$0x1D400] =	vst v63  }
0x348: {  	_ =	swait.ge [sflag:s14], $0xD000  }
0x349: {  	[sflag:s14] =	ssyncset.done $0x0  }
0x34a: {  	s0 =	rddreg [dreg:$0xa];
	[sflag:s14] =	ssyncadd.s32 $0xFFFF3000  }
0x34b: {  	[hbm4b:s0+s2] =	stream.linear.scatter [tilespmem:s13], [sflag:$0x3], $0xD000, $0x38;
	[tilespmem:$0x1D400] =	vst v63  }
0x34c: {  	_ =	swait.ge [sflag:s3], $0xD000  }
0x34d: {  	s11 =	sld [smem:$0x7E4]  }
0x34e: {  	[sflag:s3] =	ssyncset.done $0x0  }
0x34f: {  	s0 =	sld [smem:$0x7E5];
	[sflag:s3] =	ssyncadd.s32 $0xFFFF3000  }
0x350: {  	[tilespmem:s13], [sflag:$0x1] =	stream.indirect.gather [hbm4b:s4+s6], $0x20, s11, s6, $0xb8;
	[tilespmem:$0x1D400] =	vst v63  }
0x351: {  	s10 =	sld [smem:$0x7E6]  }
0x352: {  	[tilespmem:s20], [sflag:$0x1] =	stream.indirect.gather [hbm4b:s4+s6], $0x20, s0, s6, $0xb8;
	[tilespmem:$0x1D400] =	vst v63  }
0x353: {  	s0 =	sld [smem:$0x7E7]  }
0x354: {  	[tilespmem:s22], [sflag:$0x1] =	stream.indirect.gather [hbm4b:s4+s6], $0x20, s10, s6, $0xb8;
	[tilespmem:$0x1D400] =	vst v63  }
0x355: {  	s20 =	sld [smem:$0x7E8]  }
0x356: {  	[tilespmem:s24], [sflag:$0x1] =	stream.indirect.gather [hbm4b:s4+s6], $0x20, s0, s6, $0xb8;
	[tilespmem:$0x1D400] =	vst v63  }
0x357: {  	s22 =	sld [smem:$0x7E9]  }
0x358: {  	[tilespmem:s17], [sflag:$0x1] =	stream.indirect.gather [hbm4b:s4+s6], $0x20, s20, s6, $0xb8;
	[tilespmem:$0x1D400] =	vst v63  }
0x359: {  	s24 =	sld [smem:$0x7EA]  }
0x35a: {  	[tilespmem:s18], [sflag:$0x1] =	stream.indirect.gather [hbm4b:s4+s6], $0x20, s22, s6, $0xb8;
	[tilespmem:$0x1D400] =	vst v63  }
0x35b: {  	s0 =	sld [smem:$0x7EB]  }
0x35c: {  	[tilespmem:s19], [sflag:$0x1] =	stream.indirect.gather [hbm4b:s4+s6], $0x20, s24, s6, $0xb8;
	[tilespmem:$0x1D400] =	vst v63  }
0x35d: {  	s17 =	sld [smem:$0x7EC]  }
0x35e: {  	[tilespmem:s21], [sflag:$0x1] =	stream.indirect.gather [hbm4b:s4+s6], $0x20, s0, s6, $0xb8;
	[tilespmem:$0x1D400] =	vst v63  }
0x35f: {  	s18 =	sld [smem:$0x7ED]  }
0x360: {  	[tilespmem:s23], [sflag:$0x1] =	stream.indirect.gather [hbm4b:s4+s6], $0x20, s17, s6, $0xb8;
	[tilespmem:$0x1D400] =	vst v63  }
0x361: {  	s19 =	sld [smem:$0x7EE]  }
0x362: {  	[tilespmem:s28], [sflag:$0x1] =	stream.indirect.gather [hbm4b:s4+s6], $0x20, s18, s6, $0xb8;
	[tilespmem:$0x1D400] =	vst v63  }
0x363: {  	s20 =	sld [smem:$0x7EF]  }
0x364: {  	[tilespmem:s31], [sflag:$0x1] =	stream.indirect.gather [hbm4b:s4+s6], $0x20, s19, s6, $0xb8;
	[tilespmem:$0x1D400] =	vst v63  }
0x365: {  	s22 =	simm.s32 $0xE400;
	s21 =	sld [smem:$0x7F0]  }
0x366: {  	[tilespmem:s22], [sflag:$0x1] =	stream.indirect.gather [hbm4b:s4+s6], $0x20, s20, s6, $0xb8;
	[tilespmem:$0x1D400] =	vst v63  }
0x367: {  	_ = 	snop  }
0x368: {  	[tilespmem:s16], [sflag:$0x1] =	stream.indirect.gather [hbm4b:s4+s6], $0x20, s21, s6, $0xb8;
	[tilespmem:$0x1D400] =	vst v63  }
0x369: {  	_ =	swait.ge [sflag:s8], $0xD000  }
0x36a: {  	[sflag:s8] =	ssyncset.done $0x0  }
0x36b: {  	s23 =	rddreg [dreg:$0xb];
	[sflag:s8] =	ssyncadd.s32 $0xFFFF3000  }
0x36c: {  	[hbm4b:s23+s2] =	stream.linear.scatter [tilespmem:s7], [sflag:$0x3], $0xD000, $0x38;
	[tilespmem:$0x1D400] =	vst v63  }
0x36d: {  	_ =	swait.ge [sflag:s3], $0xD000  }
0x36e: {  	s24 =	sld [smem:$0x7F1]  }
0x36f: {  	[sflag:s3] =	ssyncset.done $0x0  }
0x370: {  	s28 =	sld [smem:$0x7F2];
	[sflag:s3] =	ssyncadd.s32 $0xFFFF3000  }
0x371: {  	[tilespmem:s7], [sflag:$0x2] =	stream.indirect.gather [hbm4b:s4+s6], $0x20, s24, s6, $0xb8;
	[tilespmem:$0x1D400] =	vst v63  }
0x372: {  	s1 =	simm.s32 $0x11400;
	s31 =	sld [smem:$0x7F3]  }
0x373: {  	[tilespmem:s1], [sflag:$0x2] =	stream.indirect.gather [hbm4b:s4+s6], $0x20, s28, s6, $0xb8;
	[tilespmem:$0x1D400] =	vst v63  }
0x374: {  	s5 =	simm.s32 $0x12400;
	s1 =	sld [smem:$0x7F4]  }
0x375: {  	[tilespmem:s5], [sflag:$0x2] =	stream.indirect.gather [hbm4b:s4+s6], $0x20, s31, s6, $0xb8;
	[tilespmem:$0x1D400] =	vst v63  }
0x376: {  	s12 =	simm.s32 $0x13400;
	s11 =	sld [smem:$0x7F5]  }
0x377: {  	[tilespmem:s12], [sflag:$0x2] =	stream.indirect.gather [hbm4b:s4+s6], $0x20, s1, s6, $0xb8;
	[tilespmem:$0x1D400] =	vst v63  }
0x378: {  	s16 =	sld [smem:$0x7F6]  }
0x379: {  	[tilespmem:s29], [sflag:$0x2] =	stream.indirect.gather [hbm4b:s4+s6], $0x20, s11, s6, $0xb8;
	[tilespmem:$0x1D400] =	vst v63  }
0x37a: {  	s18 =	simm.s32 $0x15400;
	s17 =	sld [smem:$0x7F7]  }
0x37b: {  	[tilespmem:s18], [sflag:$0x2] =	stream.indirect.gather [hbm4b:s4+s6], $0x20, s16, s6, $0xb8;
	[tilespmem:$0x1D400] =	vst v63  }
0x37c: {  	s20 =	simm.s32 $0x16400;
	s19 =	sld [smem:$0x7F8]  }
0x37d: {  	[tilespmem:s20], [sflag:$0x2] =	stream.indirect.gather [hbm4b:s4+s6], $0x20, s17, s6, $0xb8;
	[tilespmem:$0x1D400] =	vst v63  }
0x37e: {  	s25 =	simm.s32 $0x17400;
	s21 =	sld [smem:$0x7F9]  }
0x37f: {  	[tilespmem:s25], [sflag:$0x2] =	stream.indirect.gather [hbm4b:s4+s6], $0x20, s19, s6, $0xb8;
	[tilespmem:$0x1D400] =	vst v63  }
0x380: {  	s22 =	sld [smem:$0x7FA]  }
0x381: {  	[tilespmem:s9], [sflag:$0x2] =	stream.indirect.gather [hbm4b:s4+s6], $0x20, s21, s6, $0xb8;
	[tilespmem:$0x1D400] =	vst v63  }
0x382: {  	s15 =	simm.s32 $0x19400;
	s23 =	sld [smem:$0x7FB]  }
0x383: {  	[tilespmem:s15], [sflag:$0x2] =	stream.indirect.gather [hbm4b:s4+s6], $0x20, s22, s6, $0xb8;
	[tilespmem:$0x1D400] =	vst v63  }
0x384: {  	s24 =	sld [smem:$0x7FC]  }
0x385: {  	[tilespmem:s30], [sflag:$0x2] =	stream.indirect.gather [hbm4b:s4+s6], $0x20, s23, s6, $0xb8;
	[tilespmem:$0x1D400] =	vst v63  }
0x386: {  	s28 =	simm.s32 $0x1B400;
	s25 =	sld [smem:$0x7FD]  }
0x387: {  	[tilespmem:s28], [sflag:$0x2] =	stream.indirect.gather [hbm4b:s4+s6], $0x20, s24, s6, $0xb8;
	[tilespmem:$0x1D400] =	vst v63  }
0x388: {  	_ = 	snop  }
0x389: {  	[tilespmem:s26], [sflag:$0x2] =	stream.indirect.gather [hbm4b:s4+s6], $0x20, s25, s6, $0xb8;
	[tilespmem:$0x1D400] =	vst v63  }
0x38a: {  	_ =	swait.ge [sflag:s14], $0xD000  }
0x38b: {  	[sflag:s14] =	ssyncset.done $0x0  }
0x38c: {  	s29 =	rddreg [dreg:$0x4];
	[sflag:s14] =	ssyncadd.s32 $0xFFFF3000  }
0x38d: {  	[hbm4b:s29+s2] =	stream.linear.scatter [tilespmem:s13], [sflag:$0x3], $0xD000, $0x38;
	[tilespmem:$0x1D400] =	vst v63  }
0x38e: {  	_ =	swait.ge [sflag:s3], $0xD000  }
0x38f: {  	[sflag:s3] =	ssyncset.done $0x0  }
0x390: {  	[sflag:s3] =	ssyncadd.s32 $0xFFFF3000  }
0x391: {  	_ =	swait.ge [sflag:s8], $0xD000  }
0x392: {  	[sflag:s8] =	ssyncset.done $0x0  }
0x393: {  	s30 =	rddreg [dreg:$0x5];
	[sflag:s8] =	ssyncadd.s32 $0xFFFF3000  }
0x394: {  	[hbm4b:s30+s2] =	stream.linear.scatter [tilespmem:s7], [sflag:$0x3], $0xD000, $0x38;
	[tilespmem:$0x1D400] =	vst v63  }
0x395: {  	_ =	swait.ge [sflag:s3], $0xD000  }
0x396: {  	[sflag:s3] =	ssyncset.done $0x0  }
0x397: {  	[sflag:s3] =	ssyncadd.s32 $0xFFFF3000  }
0x398: {  	_ =	sfence.sel $0x180000  }
0x399: {  	[bflag:$0x0] =	sbarrier.arrive $0xFFFF  }
0x39a: {  	_ =	strace $0x90000047  }
0x39b: {  	s31 =	stileid.u32;
	[bflag:$0x2] =	sbarrier.arrive $0xFFFF  }
0x39c: {  	p0 =	sne.s32 s31, $0x0;
	s0 =	rddreg [dreg:$0x2]  }
0x39d: {  	s0 =	sadd.s32 @!p0 $0x100000, s0  }
0x39e: {  	[sflag:s0] =	ssyncadd.tile.s32 @!p0 $0x1;
	_ =	shalt  }
.LBB2_6:
.Ltmp3:
0x39f: {  	(pc) =	sbr.rel .LBB2_5-.Ltmp3, $2  }
0x3a0: {  	_ =	sdelay $0x2  }
0x3a1: {  	s12 =	simm.s32 $0xE400;
	s0 =	simm.s32 $0x15400;
	s9 =	simm.s32 $0x18400  }
.Lfunc_end2:
_tile_overlayer_lowered:
.L_overlay_start_2:
0x3a2: {  	(tag) =	ssettag $0x2  }
0x3a3: {  	s0 =	rddreg [dreg:$0x0];
	s2 =	stileid.u32  }
0x3a4: {  	s1 =	rddreg [dreg:$0x1];
	p0 =	sne.s32 s2, $0x0  }
0x3a5: {  	s3 =	rddreg [dreg:$0x2];
	[bflag:$0x3] =	sbarrier.arrive $0xFFFF;
	s2 =	simm.s32 @!p0 $0x1C03  }
0x3a6: {  	[timem:s3], [sflag:s2] =	dma.local @!p0 [hbm:s0], s1  }
0x3a7: {  	s0 =	simm.s32 @!p0 $0x3  }
0x3a8: {  	_ =	swait.ge @!p0 [sflag:s0], s1  }
0x3a9: {  	s1 =	ssub.s32 @!p0 $0x0, s1;
	[sflag:s0] =	ssyncset.done @!p0 $0x0  }
0x3aa: {  	[sflag:s0] =	ssyncadd.s32 @!p0 s1  }
0x3ab: {  	[bflag:$0x3] =	sbarrier.arrive $0xFFFF  }
0x3ac: {  	_ =	shalt  }

// kernel: kernel.7.cloned.1.call-start
scs
__scs_entry_jumppad:
0x0: {  	(pc) =	sbr.rel $0x88, $3  }
0x1: {  	(tag) =	ssettag $0x0;
	lr =	simm.s32 $0x1  }
0x2: {  	[smem:$0x3F9F] =	sst lr;
	_ =	strace $0xD0000000  }
0x3: {  	_ = 	snop  }
0x4: {  	_ = 	snop  }
0x5: {  	_ = 	snop  }
0x6: {  	_ = 	snop  }
0x7: {  	_ = 	snop  }
__scs_overlays_trampoline_lowered:
0x8: {  	[smem:$0x3FAE] =	sst s0  }
0x9: {  	[smem:$0x3FAF] =	sst s1  }
0xa: {  	[smem:$0x3FB0] =	sst s2  }
0xb: {  	[smem:$0x3FB1] =	sst s3  }
0xc: {  	[smem:$0x3FB2] =	sst s4  }
0xd: {  	[smem:$0x3FB3] =	sst s5  }
0xe: {  	[smem:$0x3FB4] =	sst s6  }
0xf: {  	[smem:$0x3FB5] =	sst s7  }
0x10: {  	[smem:$0x3FB6] =	sst s8  }
0x11: {  	[smem:$0x3FB7] =	sst s9;
	s0 =	simm.s32 @!p0 $0x0  }
0x12: {  	s1 =	sld [smem:$0x3F9D];
	s0 =	simm.s32 @p0 $0x1  }
0x13: {  	[smem:$0x3FB8] =	sst s0;
	s0 =	simm.s32 @!p1 $0x0  }
0x14: {  	s2 =	sld [smem:$0x3F9C];
	s0 =	simm.s32 @p1 $0x1  }
0x15: {  	[smem:$0x3FB9] =	sst s0;
	s0 =	simm.s32 @!p2 $0x0  }
0x16: {  	s3 =	sld [smem:$0x3FDB];
	s0 =	simm.s32 @p2 $0x1  }
0x17: {  	s4 =	simm.s32 $0x1BF5;
	[smem:$0x3FBB] =	sst s0  }
0x18: {  	s0 =	sld [smem:$0x3F9E];
	_ =	swait.ge [sflag:s4], $0x0  }
0x19: {  	s7 =	sld [smem:$0x3F9F]  }
0x1a: {  	s8 =	sadd.s32 $0xFFFFE003, lr  }
0x1b: {  	s9 =	sadd.s32 $0xFFFFFEF7, lr;
	s5 =	simm.s32 $0xFFFFFFFF;
	p2 =	slt.u32 s8, $0xFFFFF086  }
0x1c: {  	p1 =	slt.u32 s9, $0xF7A;
	s5 =	simm.s32 @!p2 $0x0  }
0x1d: {  	s5 =	simm.s32 @p1 $0x1;
	p0 =	seq.s32 s7, s2  }
0x1e: {  	s7 =	smul.u32 @!p0 $0xF7A, s2;
	p2 =	seq.s32 @!p0 s5, $0x0  }
0x1f: {  	s9 =	smul.u32 $0xF7A, s1;
	s8 =	simm.s32 @!p0 $0x1BF5;
	p2 =	por !p2, p0  }
0x20: {  	[sflag:s8] =	ssyncset.s32 @!p0 $0xFFFFF086;
	s6 =	sadd.s32 @!p0 s3, s7;
	s7 =	simm.s32 @!p0 $0x108  }
0x21: {  	s3 =	sadd.s32 s3, s9;
	s6 =	sadd.s32 @!p0 $0x88, s6;
	s7 =	simm.s32 @p2 $0x1082  }
0x22: {  	[simem:s7], [sflag:s8] =	dma.local @!p0 [hbm:s6], $0xF7A  }
0x23: {  	s9 =	sor.u32 $0xD0000000, s2;
	s6 =	simm.s32 $0x108;
	_ =	swait.ge @!p0 [sflag:s8], $0x0  }
0x24: {  	s3 =	sadd.s32 $0x88, s3;
	s6 =	simm.s32 @!p1 $0x1082;
	[sflag:s4] =	ssyncset.s32 $0xFFFFF086  }
0x25: {  	[simem:s6], [sflag:s4] =	dma.local [hbm:s3], $0xF7A  }
0x26: {  	[smem:$0x3F9F] =	sst s1;
	(tag) =	ssettag s2;
	_ =	strace s9  }
0x27: {  	s1 =	sld [smem:$0x3FAF]  }
0x28: {  	s2 =	sld [smem:$0x3FB0]  }
0x29: {  	s4 =	sld [smem:$0x3FB2]  }
0x2a: {  	p0 =	seq.s32 s5, $0x0;
	s5 =	sld [smem:$0x3FB3]  }
0x2b: {  	s6 =	sld [smem:$0x3FB4]  }
0x2c: {  	s7 =	sld [smem:$0x3FB5]  }
0x2d: {  	s3 =	simm.s32 $0x108;
	s8 =	sld [smem:$0x3FB6]  }
0x2e: {  	s3 =	simm.s32 @!p0 $0x1082;
	s9 =	sld [smem:$0x3FB7]  }
0x2f: {  	lr =	sadd.s32 s0, s3;
	s0 =	sld [smem:$0x3FAE]  }
0x30: {  	s3 =	sld [smem:$0x3FB1]  }
0x31: {  	[smem:$0x3FBA] =	sst s10  }
0x32: {  	s10 =	sld [smem:$0x3FB8];
	_ =	sdelay $0x3  }
0x33: {  	p0 =	seq.s32 s10, $0x1;
	s10 =	sld [smem:$0x3FBA];
	_ =	sdelay $0x3  }
0x34: {  	[smem:$0x3FBA] =	sst s10  }
0x35: {  	s10 =	sld [smem:$0x3FB9];
	_ =	sdelay $0x3  }
0x36: {  	p1 =	seq.s32 s10, $0x1;
	s10 =	sld [smem:$0x3FBA];
	_ =	sdelay $0x3  }
0x37: {  	[smem:$0x3FBA] =	sst s10  }
0x38: {  	s10 =	sld [smem:$0x3FBB]  }
0x39: {  	_ = 	snop;
	(pc) =	sbr.ind lr, $3  }
0x3a: {  	_ = 	snop  }
0x3b: {  	_ = 	snop  }
0x3c: {  	p2 =	seq.s32 s10, $0x1;
	s10 =	sld [smem:$0x3FBA]  }
0x3d: {  	_ =	shalt  }
0x3e: {  	_ =	shalt  }
0x3f: {  	_ =	shalt  }
0x40: {  	_ =	shalt  }
0x41: {  	_ =	shalt  }
0x42: {  	_ =	shalt  }
0x43: {  	_ =	shalt  }
0x44: {  	_ =	shalt  }
0x45: {  	_ =	shalt  }
0x46: {  	_ =	shalt  }
0x47: {  	_ =	shalt  }
0x48: {  	_ =	shalt  }
0x49: {  	_ =	shalt  }
0x4a: {  	_ =	shalt  }
0x4b: {  	_ =	shalt  }
0x4c: {  	_ =	shalt  }
0x4d: {  	_ =	shalt  }
0x4e: {  	_ =	shalt  }
0x4f: {  	_ =	shalt  }
0x50: {  	_ =	shalt  }
0x51: {  	_ =	shalt  }
0x52: {  	_ =	shalt  }
0x53: {  	_ =	shalt  }
0x54: {  	_ =	shalt  }
0x55: {  	_ =	shalt  }
0x56: {  	_ =	shalt  }
0x57: {  	_ =	shalt  }
0x58: {  	_ =	shalt  }
0x59: {  	_ =	shalt  }
0x5a: {  	_ =	shalt  }
0x5b: {  	_ =	shalt  }
0x5c: {  	_ =	shalt  }
0x5d: {  	_ =	shalt  }
0x5e: {  	_ =	shalt  }
0x5f: {  	_ =	shalt  }
0x60: {  	_ =	shalt  }
0x61: {  	_ =	shalt  }
0x62: {  	_ =	shalt  }
0x63: {  	_ =	shalt  }
0x64: {  	_ =	shalt  }
0x65: {  	_ =	shalt  }
0x66: {  	_ =	shalt  }
0x67: {  	_ =	shalt  }
0x68: {  	_ =	shalt  }
0x69: {  	_ =	shalt  }
0x6a: {  	_ =	shalt  }
0x6b: {  	_ =	shalt  }
0x6c: {  	_ =	shalt  }
0x6d: {  	_ =	shalt  }
0x6e: {  	_ =	shalt  }
0x6f: {  	_ =	shalt  }
0x70: {  	_ =	shalt  }
0x71: {  	_ =	shalt  }
0x72: {  	_ =	shalt  }
0x73: {  	_ =	shalt  }
0x74: {  	_ =	shalt  }
0x75: {  	_ =	shalt  }
0x76: {  	_ =	shalt  }
0x77: {  	_ =	shalt  }
0x78: {  	_ =	shalt  }
0x79: {  	_ =	shalt  }
0x7a: {  	_ =	shalt  }
0x7b: {  	_ =	shalt  }
0x7c: {  	_ =	shalt  }
0x7d: {  	_ =	shalt  }
0x7e: {  	_ =	shalt  }
0x7f: {  	_ =	shalt  }
0x80: {  	_ =	shalt  }
0x81: {  	_ =	shalt  }
0x82: {  	_ =	shalt  }
0x83: {  	_ =	shalt  }
0x84: {  	_ =	shalt  }
0x85: {  	_ =	shalt  }
0x86: {  	_ =	shalt  }
0x87: {  	_ =	shalt  }
.Lfunc_end0:
.L_simem_size_0:
called_computation.1_lowered:
.L_overlay_start_0:
0x88: {  	s2 =	sld [smem:$0x3FD9]  }
0x89: {  	s3 =	sld [smem:$0x3FFE];
	_ =	sdelay $0x1  }
0x8a: {  	s1 =	srdreg.scid  }
0x8b: {  	s0 =	sand.u32 $0x1, s1  }
0x8c: {  	s17 =	sshll.u32 s0, $0xA;
	s2 =	sadd.s32 s3, s2  }
0x8d: {  	s2 =	sadd.s32 s2, s17  }
0x8e: {  	[smem:$0x3FC6] =	sst s2  }
0x8f: {  	_ = 	snop  }
0x90: {  	s2 =	sld [smem:$0x3FD0];
	(tm) =	ssettm $0x1  }
0x91: {  	s18 =	sld [smem:$0x3FFB];
	_ =	sdelay $0x3  }
0x92: {  	_ =	strace s18  }
0x93: {  	s3 =	sld [smem:$0x3FFC];
	_ =	sdelay $0x3  }
0x94: {  	_ =	strace s3  }
0x95: {  	s3 =	sld [smem:$0x3FFD];
	_ =	sdelay $0x3  }
0x96: {  	_ =	strace s3  }
0x97: {  	_ =	strace $0x8FFFFFFF  }
0x98: {  	s19 =	sld [smem:$0x3FDB];
	_ =	sdelay $0x1  }
0x99: {  	s4 =	simm.s32 $_scs_section_size  }
0x9a: {  	s5 =	simm.s32 $_size__tile_overlayer_lowered;
	s6 =	simm.s32 $_tile_overlayer_lowered  }
0x9b: {  	s22 =	simm.s32 $0x1BFF;
	s21 =	sshll.u32 s6, $0x1;
	s3 =	sadd.s32 s4, s19  }
0x9c: {  	s7 =	simm.s32 $0x0;
	s20 =	sshll.u32 s5, $0x1;
	s5 =	sadd.s32 s21, s3  }
0x9d: {  	[timem:s7], [sflag:s22] =	dma.local [hbm:s5], s20  }
0x9e: {  	_ =	swait.ge [sflag:s22], s20  }
0x9f: {  	s4 =	ssub.s32 $0x0, s20;
	[sflag:s22] =	ssyncset.done $0x0  }
0xa0: {  	[sflag:s22] =	ssyncadd.s32 s4;
	_ =	sdelay $0x1  }
0xa1: {  	s23 =	simm.s32 $0x1B8B  }
0xa2: {  	_ =	swait.ge [sflag:s23], $0x1  }
0xa3: {  	[sflag:s23] =	ssyncset.done $0x0  }
0xa4: {  	s25 =	simm.s32 $0x1B8E;
	s24 =	sld [smem:$0x3FFE];
	[sflag:s23] =	ssyncadd.s32 $0xFFFFFFFF  }
0xa5: {  	s26 =	simm.s32 $execute0_lowered;
	[smem:$0x3FD2] =	sst s25  }
0xa6: {  	s5 =	sshll.u32 s26, $0x1;
	_ =	strace $0x80000049;
	[dreg:$0x1] =	wrdreg $0xFFFFFFFF  }
0xa7: {  	s28 =	simm.s32 $_size_execute0_lowered;
	s3 =	sadd.s32 s3, s5;
	[dreg:$0x0] =	wrdreg $0x0  }
0xa8: {  	s5 =	sshll.u32 s28, $0x1;
	[dreg:$0x2] =	wrdreg s3  }
0xa9: {  	[dreg:$0x3] =	wrdreg s5  }
0xaa: {  	[dreg:$0x4] =	wrdreg $0xC0  }
0xab: {  	_ =	task [dreg:s7], $0x5FFFF  }
0xac: {  	[dreg:$0x1] =	wrdreg $0xFFFFFFFF  }
0xad: {  	[dreg:$0x0] =	wrdreg $0x60  }
0xae: {  	[dreg:$0x2] =	wrdreg s24  }
0xaf: {  	[dreg:$0x3] =	wrdreg s2  }
0xb0: {  	[dreg:$0x4] =	wrdreg $0x9  }
0xb1: {  	_ =	task.clear_ibuf [dreg:s7], $0x5FFFF;
	_ =	strace $0x90000049  }
0xb2: {  	s29 =	simm.s32 $0x9;
	_ =	strace $0x8000004B  }
0xb3: {  	_ =	swait.ge [sflag:s29], $0x1  }
0xb4: {  	[sflag:s29] =	ssyncadd.s32 $0xFFFFFFFF  }
0xb5: {  	_ =	strace $0x9000004B  }
0xb6: {  	_ =	sfence  }
0xb7: {  	s30 =	sld [smem:$0x0];
	_ =	sdelay $0x2  }
0xb8: {  	s31 =	sshll.u32 s1, $0xD;
	s1 =	sshrl.u32 s1, $0x2  }
0xb9: {  	s3 =	sand.u32 $0x4000, s31;
	s1 =	sadd.s32 s1, s30  }
0xba: {  	s0 =	sor.u32 s3, s0;
	s1 =	sshll.u32 s1, $0x11  }
0xbb: {  	s0 =	sor.u32 s1, s0  }
0xbc: {  	s0 =	sadd.s32 $0x8F2B, s0  }
0xbd: {  	[sflag:s0] =	ssyncadd.remote.s32 $0x1  }
0xbe: {  	_ =	sfence.sel $0xFFFF  }
0xbf: {  	[dreg:$0x0] =	wrdreg $0xFFFFFFFF;
	(pc) =	sbr.abs _section_cstart, $3  }
0xc0: {  	[dreg:$0x1] =	wrdreg $0xFFFFFFFF  }
0xc1: {  	_ =	task.clear_ibuf [dreg:s7], $0x2FFFF;
	_ =	strace $0x9FFFFFFF  }
0xc2: {  	(tm) =	ssettm $0x7FFFFFFF  }
0xc3: {  	_ =	shalt  }
tec
execute0_lowered:
.L_overlay_start_1:
0x0: {  	(tag) =	ssettag $0x1  }
0x1: {  	v0 =	vimm.s32 $0x64432201  }
0x2: {  	v1 =	vimm.s32 $0xE8C7A685;
	vm2 =	vcmask $0xF00;
	v2 =	vimm.s32 $0x65442302  }
0x3: {  	vm3 =	vcmask $0x1F10;
	v3 =	vimm.s32 $0xE9C8A786;
	vm0 =	vcmask $0x2320  }
0x4: {  	v4 =	vimm.s32 $0x67462504;
	v5 =	vimm.s32 $0x68472605;
	v6 =	vimm.s32 $0x6A492807  }
0x5: {  	v7 =	vimm.s32 $0xEDCCAB8A;
	v8 =	vimm.s32 $0xEECDAC8B;
	v9 =	vimm.s32 $0x6B4A2908  }
0x6: {  	v10 =	vimm.s32 $0x6C4B2A09;
	vm1 =	vcmask $0x300;
	v11 =	vimm.s32 $0x6E4D2C0B  }
0x7: {  	v12 =	vimm.s32 $0x6F4E2D0C;
	v13 =	vimm.s32 $0x604F2E0D;
	v15 =	vimm.s32 $0x61402F0E  }
0x8: {  	v16 =	vimm.s32 $0x6241200F;
	vm12 =	vcmask $0x704;
	v17 =	vimm.s32 $0xE0CFAE8D  }
0x9: {  	v18 =	vimm.s32 $0xE1C0AF8E;
	v20 =	vimm.s32 $0xE6C5A483;
	vm13 =	vcmask $0xB08  }
0xa: {  	v22 =	vimm.s32 $0x38F;
	v23 =	vimm.s32 $0x40F;
	v24 =	vimm.s32 $0x48F  }
0xb: {  	v25 =	vimm.s32 $0x50F;
	v26 =	vimm.s32 $0x58F;
	v27 =	vimm.s32 $0x60F  }
0xc: {  	v28 =	vimm.s32 $0x68F;
	v29 =	vimm.s32 $0x70F;
	v30 =	vimm.s32 $0x80F  }
0xd: {  	v31 =	vimm.s32 $0x88F;
	v32 =	vimm.s32 $0x90F;
	v33 =	vimm.s32 $0x98F  }
0xe: {  	v34 =	vimm.s32 $0xA0F;
	v35 =	vimm.s32 $0xA8F;
	v36 =	vimm.s32 $0xB0F  }
0xf: {  	v37 =	vimm.s32 $0xB8F;
	v38 =	vimm.s32 $0xC0F;
	v39 =	vimm.s32 $0xC8F  }
0x10: {  	v40 =	vimm.s32 $0xD0F;
	v41 =	vimm.s32 $0xD8F;
	v42 =	vimm.s32 $0xE0F  }
0x11: {  	v43 =	vimm.s32 $0xE8F;
	v44 =	vimm.s32 $0xF0F;
	vm4 =	vcmask $0xF0C  }
0x12: {  	vm14 =	vcmask $0x1310;
	vm15 =	vcmask $0x2724;
	vm8 =	vcmask $0x1714  }
0x13: {  	vm9 =	vcmask $0x1B18;
	vm10 =	vcmask $0x2B28;
	vm11 =	vcmask $0x1F1C  }
0x14: {  	v0 =	vunpack.c.0.s8.s32 v0;
	v1 =	vunpack.c.0.s8.s32 v1;
	v2 =	vunpack.c.0.s8.s32 v2  }
0x15: {  	v5 =	vunpack.c.0.s8.s32 v5;
	v6 =	vunpack.c.0.s8.s32 v6;
	v7 =	vunpack.c.0.s8.s32 v7  }
0x16: {  	v8 =	vunpack.c.0.s8.s32 v8;
	v9 =	vunpack.c.0.s8.s32 v9;
	v10 =	vunpack.c.0.s8.s32 v10  }
0x17: {  	v11 =	vunpack.c.0.s8.s32 v11;
	v12 =	vunpack.c.0.s8.s32 v12;
	v13 =	vunpack.c.0.s8.s32 v13  }
0x18: {  	v15 =	vunpack.c.0.s8.s32 v15;
	v16 =	vunpack.c.0.s8.s32 v16;
	v17 =	vunpack.c.0.s8.s32 v17  }
0x19: {  	v18 =	vunpack.c.0.s8.s32 v18;
	v20 =	vunpack.c.0.s8.s32 v20;
	v22 =	vsel vm1, $0x400, v22  }
0x1a: {  	v23 =	vsel vm1, $0x480, v23;
	v24 =	vsel vm1, $0x500, v24;
	v25 =	vsel vm1, $0x580, v25  }
0x1b: {  	v26 =	vsel vm1, $0x600, v26;
	v27 =	vsel vm1, $0x680, v27;
	v28 =	vsel vm1, $0x700, v28  }
0x1c: {  	v29 =	vsel vm1, $0x780, v29;
	v30 =	vsel vm1, $0x880, v30;
	v31 =	vsel vm1, $0x900, v31  }
0x1d: {  	v32 =	vsel vm1, $0x980, v32;
	v33 =	vsel vm1, $0xA00, v33;
	v34 =	vsel vm1, $0xA80, v34  }
0x1e: {  	v35 =	vsel vm1, $0xB00, v35;
	v36 =	vsel vm1, $0xB80, v36;
	v37 =	vsel vm1, $0xC00, v37  }
0x1f: {  	v38 =	vsel vm1, $0xC80, v38;
	v39 =	vsel vm1, $0xD00, v39;
	v40 =	vsel vm1, $0xD80, v40  }
0x20: {  	v41 =	vsel vm1, $0xE00, v41;
	v42 =	vsel vm1, $0xE80, v42;
	v43 =	vsel vm1, $0xF00, v43  }
0x21: {  	v44 =	vsel vm1, $0xF80, v44;
	v22 =	vsel vm12, $0x481, v22;
	v23 =	vsel vm12, $0x501, v23  }
0x22: {  	v24 =	vsel vm12, $0x581, v24;
	v25 =	vsel vm12, $0x601, v25;
	v26 =	vsel vm12, $0x681, v26  }
0x23: {  	v27 =	vsel vm12, $0x701, v27;
	v28 =	vsel vm12, $0x781, v28;
	v29 =	vsel vm12, $0x1, v29  }
0x24: {  	v30 =	vsel vm12, $0x901, v30;
	v31 =	vsel vm12, $0x981, v31;
	v32 =	vsel vm12, $0xA01, v32  }
0x25: {  	v33 =	vsel vm12, $0xA81, v33;
	v34 =	vsel vm12, $0xB01, v34;
	v35 =	vsel vm12, $0xB81, v35  }
0x26: {  	v36 =	vsel vm12, $0xC01, v36;
	v37 =	vsel vm12, $0xC81, v37;
	v38 =	vsel vm12, $0xD01, v38  }
0x27: {  	v39 =	vsel vm12, $0xD81, v39;
	v40 =	vsel vm12, $0xE01, v40;
	v41 =	vsel vm12, $0xE81, v41  }
0x28: {  	v42 =	vsel vm12, $0xF01, v42;
	v43 =	vsel vm12, $0xF81, v43;
	v44 =	vsel vm12, $0x801, v44  }
0x29: {  	v0 =	vand.u32 $0xFF, v0;
	v1 =	vand.u32 $0xFF, v1;
	v2 =	vand.u32 $0xFF, v2  }
0x2a: {  	v5 =	vand.u32 $0xFF, v5;
	v11 =	vand.u32 $0xFF, v11;
	v12 =	vand.u32 $0xFF, v12  }
0x2b: {  	v13 =	vand.u32 $0xFF, v13;
	v15 =	vand.u32 $0xFF, v15;
	v16 =	vand.u32 $0xFF, v16  }
0x2c: {  	v22 =	vsel vm13, $0x502, v22;
	v23 =	vsel vm13, $0x582, v23;
	v24 =	vsel vm13, $0x602, v24  }
0x2d: {  	v25 =	vsel vm13, $0x682, v25;
	v26 =	vsel vm13, $0x702, v26;
	v27 =	vsel vm13, $0x782, v27  }
0x2e: {  	v28 =	vsel vm13, $0x2, v28;
	v29 =	vsel vm13, $0x82, v29;
	v30 =	vsel vm13, $0x982, v30  }
0x2f: {  	v31 =	vsel vm13, $0xA02, v31;
	v32 =	vsel vm13, $0xA82, v32;
	v33 =	vsel vm13, $0xB02, v33  }
0x30: {  	v34 =	vsel vm13, $0xB82, v34;
	v35 =	vsel vm13, $0xC02, v35;
	v36 =	vsel vm13, $0xC82, v36  }
0x31: {  	v37 =	vsel vm13, $0xD02, v37;
	v38 =	vsel vm13, $0xD82, v38;
	v39 =	vsel vm13, $0xE02, v39  }
0x32: {  	v40 =	vsel vm13, $0xE82, v40;
	v41 =	vsel vm13, $0xF02, v41;
	v42 =	vsel vm13, $0xF82, v42  }
0x33: {  	v43 =	vsel vm13, $0x802, v43;
	v44 =	vsel vm13, $0x882, v44;
	v0 =	vnsel vm2, $0x1E0, v0  }
0x34: {  	v2 =	vnsel vm2, $0x1E1, v2;
	v11 =	vnsel vm2, $0x1EA, v11;
	v12 =	vnsel vm2, $0x1EB, v12  }
0x35: {  	v13 =	vnsel vm2, $0x1EC, v13;
	v15 =	vnsel vm2, $0x1ED, v15;
	v16 =	vnsel vm2, $0x1EE, v16  }
0x36: {  	v22 =	vsel vm4, $0x583, v22;
	v23 =	vsel vm4, $0x603, v23;
	v24 =	vsel vm4, $0x683, v24  }
0x37: {  	v25 =	vsel vm4, $0x703, v25;
	v26 =	vsel vm4, $0x783, v26;
	v27 =	vsel vm4, $0x3, v27  }
0x38: {  	v28 =	vsel vm4, $0x83, v28;
	v29 =	vsel vm4, $0x103, v29;
	v30 =	vsel vm4, $0xA03, v30  }
0x39: {  	v31 =	vsel vm4, $0xA83, v31;
	v32 =	vsel vm4, $0xB03, v32;
	v33 =	vsel vm4, $0xB83, v33  }
0x3a: {  	v34 =	vsel vm4, $0xC03, v34;
	v35 =	vsel vm4, $0xC83, v35;
	v36 =	vsel vm4, $0xD03, v36  }
0x3b: {  	v37 =	vsel vm4, $0xD83, v37;
	v38 =	vsel vm4, $0xE03, v38;
	v39 =	vsel vm4, $0xE83, v39  }
0x3c: {  	v40 =	vsel vm4, $0xF03, v40;
	v41 =	vsel vm4, $0xF83, v41;
	v42 =	vsel vm4, $0x803, v42  }
0x3d: {  	v43 =	vsel vm4, $0x883, v43;
	v44 =	vsel vm4, $0x903, v44;
	v14 =	vsel vm3, v1, v0  }
0x3e: {  	v0 =	vunpack.c.0.s8.s32 v3;
	v1 =	vimm.s32 $0x66452403;
	v3 =	vimm.s32 $0xEAC9A887  }
0x3f: {  	v22 =	vsel vm14, $0x604, v22;
	v23 =	vsel vm14, $0x684, v23;
	v24 =	vsel vm14, $0x704, v24  }
0x40: {  	v25 =	vsel vm14, $0x784, v25;
	v26 =	vsel vm14, $0x4, v26;
	v27 =	vsel vm14, $0x84, v27  }
0x41: {  	v28 =	vsel vm14, $0x104, v28;
	v29 =	vsel vm14, $0x184, v29;
	v30 =	vsel vm14, $0xA84, v30  }
0x42: {  	v31 =	vsel vm14, $0xB04, v31;
	v32 =	vsel vm14, $0xB84, v32;
	v33 =	vsel vm14, $0xC04, v33  }
0x43: {  	v34 =	vsel vm14, $0xC84, v34;
	v35 =	vsel vm14, $0xD04, v35;
	v36 =	vsel vm14, $0xD84, v36  }
0x44: {  	v37 =	vsel vm14, $0xE04, v37;
	v38 =	vsel vm14, $0xE84, v38;
	v39 =	vsel vm14, $0xF04, v39  }
0x45: {  	v40 =	vsel vm14, $0xF84, v40;
	v41 =	vsel vm14, $0x804, v41;
	v42 =	vsel vm14, $0x884, v42  }
0x46: {  	v43 =	vsel vm14, $0x904, v43;
	v44 =	vsel vm14, $0x984, v44;
	v1 =	vunpack.c.0.s8.s32 v1  }
0x47: {  	v3 =	vunpack.c.0.s8.s32 v3;
	v14 =	vsel vm0, $0x109, v14;
	v22 =	vsel vm8, $0x685, v22  }
0x48: {  	v23 =	vsel vm8, $0x705, v23;
	v24 =	vsel vm8, $0x785, v24;
	v25 =	vsel vm8, $0x5, v25  }
0x49: {  	v26 =	vsel vm8, $0x85, v26;
	v27 =	vsel vm8, $0x105, v27;
	v28 =	vsel vm8, $0x185, v28  }
0x4a: {  	v29 =	vsel vm8, $0x205, v29;
	v30 =	vsel vm8, $0xB05, v30;
	v31 =	vsel vm8, $0xB85, v31  }
0x4b: {  	v32 =	vsel vm8, $0xC05, v32;
	v33 =	vsel vm8, $0xC85, v33;
	v34 =	vsel vm8, $0xD05, v34  }
0x4c: {  	v35 =	vsel vm8, $0xD85, v35;
	v36 =	vsel vm8, $0xE05, v36;
	v37 =	vsel vm8, $0xE85, v37  }
0x4d: {  	v38 =	vsel vm8, $0xF05, v38;
	v39 =	vsel vm8, $0xF85, v39;
	v40 =	vsel vm8, $0x805, v40  }
0x4e: {  	v41 =	vsel vm8, $0x885, v41;
	v42 =	vsel vm8, $0x905, v42;
	v43 =	vsel vm8, $0x985, v43  }
0x4f: {  	v44 =	vsel vm8, $0xA05, v44;
	v0 =	vand.u32 $0xFF, v0;
	v14 =	vsel vm15, $0x12A, v14  }
0x50: {  	v22 =	vsel vm9, $0x706, v22;
	v23 =	vsel vm9, $0x786, v23;
	v24 =	vsel vm9, $0x6, v24  }
0x51: {  	v25 =	vsel vm9, $0x86, v25;
	v26 =	vsel vm9, $0x106, v26;
	v27 =	vsel vm9, $0x186, v27  }
0x52: {  	v28 =	vsel vm9, $0x206, v28;
	v29 =	vsel vm9, $0x286, v29;
	v30 =	vsel vm9, $0xB86, v30  }
0x53: {  	v31 =	vsel vm9, $0xC06, v31;
	v32 =	vsel vm9, $0xC86, v32;
	v33 =	vsel vm9, $0xD06, v33  }
0x54: {  	v34 =	vsel vm9, $0xD86, v34;
	v35 =	vsel vm9, $0xE06, v35;
	v36 =	vsel vm9, $0xE86, v36  }
0x55: {  	v37 =	vsel vm9, $0xF06, v37;
	v38 =	vsel vm9, $0xF86, v38;
	v39 =	vsel vm9, $0x806, v39  }
0x56: {  	v40 =	vsel vm9, $0x886, v40;
	v41 =	vsel vm9, $0x906, v41;
	v42 =	vsel vm9, $0x986, v42  }
0x57: {  	v43 =	vsel vm9, $0xA06, v43;
	v44 =	vsel vm9, $0xA86, v44;
	v1 =	vand.u32 $0xFF, v1  }
0x58: {  	v0 =	vsel vm3, v0, v2;
	v2 =	vunpack.c.0.s8.s32 v4;
	v3 =	vand.u32 $0xFF, v3  }
0x59: {  	v4 =	vimm.s32 $0xEBCAA988;
	v14 =	vsel vm10, $0x14B, v14;
	v22 =	vsel vm11, $0x787, v22  }
0x5a: {  	v23 =	vsel vm11, $0x7, v23;
	v24 =	vsel vm11, $0x87, v24;
	v25 =	vsel vm11, $0x107, v25  }
0x5b: {  	v26 =	vsel vm11, $0x187, v26;
	v27 =	vsel vm11, $0x207, v27;
	v28 =	vsel vm11, $0x287, v28  }
0x5c: {  	v29 =	vsel vm11, $0x307, v29;
	v30 =	vsel vm11, $0xC07, v30;
	v31 =	vsel vm11, $0xC87, v31  }
0x5d: {  	v32 =	vsel vm11, $0xD07, v32;
	v33 =	vsel vm11, $0xD87, v33;
	v34 =	vsel vm11, $0xE07, v34  }
0x5e: {  	v35 =	vsel vm11, $0xE87, v35;
	v36 =	vsel vm11, $0xF07, v36;
	v37 =	vsel vm11, $0xF87, v37  }
0x5f: {  	v38 =	vsel vm11, $0x807, v38;
	v39 =	vsel vm11, $0x887, v39;
	v40 =	vsel vm11, $0x907, v40  }
0x60: {  	v41 =	vsel vm11, $0x987, v41;
	v42 =	vsel vm11, $0xA07, v42;
	v43 =	vsel vm11, $0xA87, v43  }
0x61: {  	v44 =	vsel vm11, $0xB07, v44;
	v1 =	vnsel vm2, $0x1E2, v1;
	v4 =	vunpack.c.0.s8.s32 v4  }
0x62: {  	v0 =	vsel vm0, $0x10A, v0;
	v22 =	vsel vm0, $0x8, v22;
	v23 =	vsel vm0, $0x88, v23  }
0x63: {  	v24 =	vsel vm0, $0x108, v24;
	v25 =	vsel vm0, $0x188, v25;
	v26 =	vsel vm0, $0x208, v26  }
0x64: {  	v27 =	vsel vm0, $0x288, v27;
	v28 =	vsel vm0, $0x308, v28;
	v29 =	vsel vm0, $0x388, v29  }
0x65: {  	v30 =	vsel vm0, $0xC88, v30;
	v31 =	vsel vm0, $0xD08, v31;
	v32 =	vsel vm0, $0xD88, v32  }
0x66: {  	v33 =	vsel vm0, $0xE08, v33;
	v34 =	vsel vm0, $0xE88, v34;
	v35 =	vsel vm0, $0xF08, v35  }
0x67: {  	v36 =	vsel vm0, $0xF88, v36;
	v37 =	vsel vm0, $0x808, v37;
	v38 =	vsel vm0, $0x888, v38  }
0x68: {  	v39 =	vsel vm0, $0x908, v39;
	v40 =	vsel vm0, $0x988, v40;
	v41 =	vsel vm0, $0xA08, v41  }
0x69: {  	v42 =	vsel vm0, $0xA88, v42;
	v43 =	vsel vm0, $0xB08, v43;
	v44 =	vsel vm0, $0xB88, v44  }
0x6a: {  	v2 =	vand.u32 $0xFF, v2;
	v1 =	vsel vm3, v3, v1;
	v3 =	vimm.s32 $0xECCBAA89  }
0x6b: {  	v0 =	vsel vm15, $0x12B, v0;
	v22 =	vsel vm15, $0x89, v22;
	v23 =	vsel vm15, $0x109, v23  }
0x6c: {  	v24 =	vsel vm15, $0x189, v24;
	v25 =	vsel vm15, $0x209, v25;
	v26 =	vsel vm15, $0x289, v26  }
0x6d: {  	v27 =	vsel vm15, $0x309, v27;
	v28 =	vsel vm15, $0x389, v28;
	v29 =	vsel vm15, $0x409, v29  }
0x6e: {  	v30 =	vsel vm15, $0xD09, v30;
	v31 =	vsel vm15, $0xD89, v31;
	v32 =	vsel vm15, $0xE09, v32  }
0x6f: {  	v33 =	vsel vm15, $0xE89, v33;
	v34 =	vsel vm15, $0xF09, v34;
	v35 =	vsel vm15, $0xF89, v35  }
0x70: {  	v36 =	vsel vm15, $0x809, v36;
	v37 =	vsel vm15, $0x889, v37;
	v38 =	vsel vm15, $0x909, v38  }
0x71: {  	v39 =	vsel vm15, $0x989, v39;
	v40 =	vsel vm15, $0xA09, v40;
	v41 =	vsel vm15, $0xA89, v41  }
0x72: {  	v42 =	vsel vm15, $0xB09, v42;
	v43 =	vsel vm15, $0xB89, v43;
	v44 =	vsel vm15, $0xC09, v44  }
0x73: {  	v2 =	vnsel vm2, $0x1E3, v2;
	v4 =	vand.u32 $0xFF, v4;
	v3 =	vunpack.c.0.s8.s32 v3  }
0x74: {  	v1 =	vsel vm0, $0x10B, v1;
	v0 =	vsel vm10, $0x14C, v0;
	v22 =	vsel vm10, $0x10A, v22  }
0x75: {  	v23 =	vsel vm10, $0x18A, v23;
	v24 =	vsel vm10, $0x20A, v24;
	v25 =	vsel vm10, $0x28A, v25  }
0x76: {  	v26 =	vsel vm10, $0x30A, v26;
	v27 =	vsel vm10, $0x38A, v27;
	v28 =	vsel vm10, $0x40A, v28  }
0x77: {  	v29 =	vsel vm10, $0x48A, v29;
	v30 =	vsel vm10, $0xD8A, v30;
	v31 =	vsel vm10, $0xE0A, v31  }
0x78: {  	v32 =	vsel vm10, $0xE8A, v32;
	v33 =	vsel vm10, $0xF0A, v33;
	v34 =	vsel vm10, $0xF8A, v34  }
0x79: {  	v35 =	vsel vm10, $0x80A, v35;
	v36 =	vsel vm10, $0x88A, v36;
	v37 =	vsel vm10, $0x90A, v37  }
0x7a: {  	v38 =	vsel vm10, $0x98A, v38;
	v39 =	vsel vm10, $0xA0A, v39;
	v40 =	vsel vm10, $0xA8A, v40  }
0x7b: {  	v41 =	vsel vm10, $0xB0A, v41;
	v42 =	vsel vm10, $0xB8A, v42;
	v43 =	vsel vm10, $0xC0A, v43  }
0x7c: {  	v2 =	vsel vm3, v4, v2;
	v4 =	vnsel vm2, $0x1E4, v5;
	v5 =	vimm.s32 $0x69482706  }
0x7d: {  	v44 =	vsel vm10, $0xC8A, v44;
	v1 =	vsel vm15, $0x12C, v1;
	v5 =	vunpack.c.0.s8.s32 v5  }
0x7e: {  	v3 =	vand.u32 $0xFF, v3;
	v2 =	vsel vm0, $0x10C, v2;
	v1 =	vsel vm10, $0x14D, v1  }
0x7f: {  	v3 =	vsel vm3, v3, v4;
	v2 =	vsel vm15, $0x12D, v2;
	v5 =	vand.u32 $0xFF, v5  }
0x80: {  	v3 =	vsel vm0, $0x10D, v3;
	v2 =	vsel vm10, $0x14E, v2;
	v4 =	vnsel vm2, $0x1E5, v5  }
0x81: {  	v5 =	vand.u32 $0xFF, v6;
	v6 =	vand.u32 $0xFF, v7;
	v7 =	vand.u32 $0xFF, v8  }
0x82: {  	v8 =	vimm.s32 $0xF;
	v3 =	vsel vm15, $0x12E, v3;
	v5 =	vnsel vm2, $0x1E6, v5  }
0x83: {  	v4 =	vsel vm3, v6, v4;
	v6 =	vsel vm1, $0x80, v8;
	v8 =	vimm.s32 $0xEFCEAD8C  }
0x84: {  	v3 =	vsel vm10, $0x14F, v3;
	v5 =	vsel vm3, v7, v5;
	v7 =	vand.u32 $0xFF, v9  }
0x85: {  	v9 =	vand.u32 $0xFF, v10;
	v10 =	vimm.s32 $0x6D4C2B0A;
	v8 =	vunpack.c.0.s8.s32 v8  }
0x86: {  	v19 =	vsel vm12, $0x101, v6;
	v4 =	vsel vm0, $0x10E, v4;
	v10 =	vunpack.c.0.s8.s32 v10  }
0x87: {  	v7 =	vnsel vm2, $0x1E7, v7;
	v9 =	vnsel vm2, $0x1E8, v9;
	v5 =	vsel vm0, $0x10F, v5  }
0x88: {  	v4 =	vsel vm15, $0x12F, v4;
	v8 =	vand.u32 $0xFF, v8;
	v5 =	vsel vm15, $0x120, v5  }
0x89: {  	v4 =	vsel vm10, $0x140, v4;
	v10 =	vand.u32 $0xFF, v10;
	v6 =	vsel vm3, v8, v7  }
0x8a: {  	v7 =	vimm.s32 $0xE2C1A08F;
	v8 =	vand.u32 $0xFF, v17;
	v17 =	vand.u32 $0xFF, v18  }
0x8b: {  	v5 =	vsel vm10, $0x141, v5;
	v10 =	vnsel vm2, $0x1E9, v10;
	v18 =	vunpack.c.0.s8.s32 v7  }
0x8c: {  	v7 =	vsel vm3, v8, v9;
	v9 =	vimm.s32 $0xE3C2A180;
	v6 =	vsel vm0, $0x100, v6  }
0x8d: {  	v8 =	vsel vm3, v17, v10;
	v9 =	vunpack.c.0.s8.s32 v9;
	v17 =	vimm.s32 $0xE4C3A281  }
0x8e: {  	v7 =	vsel vm0, $0x101, v7;
	v6 =	vsel vm15, $0x121, v6;
	v10 =	vand.u32 $0xFF, v18  }
0x8f: {  	v17 =	vunpack.c.0.s8.s32 v17;
	v18 =	vimm.s32 $0xE5C4A382;
	v8 =	vsel vm0, $0x102, v8  }
0x90: {  	v7 =	vsel vm15, $0x122, v7;
	v6 =	vsel vm10, $0x142, v6;
	v21 =	vand.u32 $0xFF, v9  }
0x91: {  	v18 =	vunpack.c.0.s8.s32 v18;
	v9 =	vsel vm3, v10, v11;
	v8 =	vsel vm15, $0x123, v8  }
0x92: {  	v7 =	vsel vm10, $0x143, v7;
	v10 =	vsel vm3, v21, v12;
	v11 =	vand.u32 $0xFF, v17  }
0x93: {  	v17 =	vimm.s32 $0x10F;
	v21 =	vimm.s32 $0x30F;
	v9 =	vsel vm0, $0x103, v9  }
0x94: {  	v8 =	vsel vm10, $0x144, v8;
	v11 =	vsel vm3, v11, v13;
	v12 =	vand.u32 $0xFF, v18  }
0x95: {  	v13 =	vand.u32 $0xFF, v20;
	v17 =	vsel vm1, $0x180, v17;
	v18 =	vimm.s32 $0x18F  }
0x96: {  	v20 =	vimm.s32 $0x28F;
	v21 =	vsel vm1, $0x380, v21;
	v10 =	vsel vm0, $0x104, v10  }
0x97: {  	v9 =	vsel vm15, $0x124, v9;
	v12 =	vsel vm3, v12, v15;
	v13 =	vsel vm3, v13, v16  }
0x98: {  	v15 =	vsel vm13, $0x182, v19;
	v16 =	vimm.s32 $0x8F;
	v18 =	vsel vm1, $0x200, v18  }
0x99: {  	v19 =	vimm.s32 $0x20F;
	v20 =	vsel vm1, $0x300, v20;
	v17 =	vsel vm12, $0x201, v17  }
0x9a: {  	v21 =	vsel vm12, $0x401, v21;
	v11 =	vsel vm0, $0x105, v11;
	v10 =	vsel vm15, $0x125, v10  }
0x9b: {  	v9 =	vsel vm10, $0x145, v9;
	v16 =	vsel vm1, $0x100, v16;
	v19 =	vsel vm1, $0x280, v19  }
0x9c: {  	v15 =	vsel vm4, $0x203, v15;
	v18 =	vsel vm12, $0x281, v18;
	v20 =	vsel vm12, $0x381, v20  }
0x9d: {  	v17 =	vsel vm13, $0x282, v17;
	v21 =	vsel vm13, $0x482, v21;
	v12 =	vsel vm0, $0x106, v12  }
0x9e: {  	v13 =	vsel vm0, $0x107, v13;
	v11 =	vsel vm15, $0x126, v11;
	v10 =	vsel vm10, $0x146, v10  }
0x9f: {  	v16 =	vsel vm12, $0x181, v16;
	v19 =	vsel vm12, $0x301, v19;
	v18 =	vsel vm13, $0x302, v18  }
0xa0: {  	v20 =	vsel vm13, $0x402, v20;
	v15 =	vsel vm14, $0x284, v15;
	v17 =	vsel vm4, $0x303, v17  }
0xa1: {  	v21 =	vsel vm4, $0x503, v21;
	vm12 =	vcmask $0x2F2C;
	v12 =	vsel vm15, $0x127, v12  }
0xa2: {  	v13 =	vsel vm15, $0x128, v13;
	v11 =	vsel vm10, $0x147, v11;
	v16 =	vsel vm13, $0x202, v16  }
0xa3: {  	v19 =	vsel vm13, $0x382, v19;
	v18 =	vsel vm4, $0x383, v18;
	v20 =	vsel vm4, $0x483, v20  }
0xa4: {  	v15 =	vsel vm8, $0x305, v15;
	v17 =	vsel vm14, $0x384, v17;
	v21 =	vsel vm14, $0x584, v21  }
0xa5: {  	v14 =	vsel vm12, $0x16C, v14;
	vm13 =	vcmask $0x3330;
	v12 =	vsel vm10, $0x148, v12  }
0xa6: {  	v13 =	vsel vm10, $0x149, v13;
	v0 =	vsel vm12, $0x16D, v0;
	v1 =	vsel vm12, $0x16E, v1  }
0xa7: {  	v2 =	vsel vm12, $0x16F, v2;
	v3 =	vsel vm12, $0x160, v3;
	v4 =	vsel vm12, $0x161, v4  }
0xa8: {  	v5 =	vsel vm12, $0x162, v5;
	v6 =	vsel vm12, $0x163, v6;
	v7 =	vsel vm12, $0x164, v7  }
0xa9: {  	v8 =	vsel vm12, $0x165, v8;
	v9 =	vsel vm12, $0x166, v9;
	v10 =	vsel vm12, $0x167, v10  }
0xaa: {  	v11 =	vsel vm12, $0x168, v11;
	v22 =	vsel vm12, $0x18B, v22;
	v23 =	vsel vm12, $0x20B, v23  }
0xab: {  	v24 =	vsel vm12, $0x28B, v24;
	v25 =	vsel vm12, $0x30B, v25;
	v26 =	vsel vm12, $0x38B, v26  }
0xac: {  	v27 =	vsel vm12, $0x40B, v27;
	v28 =	vsel vm12, $0x48B, v28;
	v29 =	vsel vm12, $0x50B, v29  }
0xad: {  	v30 =	vsel vm12, $0xE0B, v30;
	v31 =	vsel vm12, $0xE8B, v31;
	v32 =	vsel vm12, $0xF0B, v32  }
0xae: {  	v33 =	vsel vm12, $0xF8B, v33;
	v34 =	vsel vm12, $0x80B, v34;
	v35 =	vsel vm12, $0x88B, v35  }
0xaf: {  	v36 =	vsel vm12, $0x90B, v36;
	v37 =	vsel vm12, $0x98B, v37;
	v38 =	vsel vm12, $0xA0B, v38  }
0xb0: {  	v39 =	vsel vm12, $0xA8B, v39;
	v40 =	vsel vm12, $0xB0B, v40;
	v41 =	vsel vm12, $0xB8B, v41  }
0xb1: {  	v42 =	vsel vm12, $0xC0B, v42;
	v43 =	vsel vm12, $0xC8B, v43;
	v44 =	vsel vm12, $0xD0B, v44  }
0xb2: {  	v16 =	vsel vm4, $0x283, v16;
	v19 =	vsel vm4, $0x403, v19;
	v18 =	vsel vm14, $0x404, v18  }
0xb3: {  	v20 =	vsel vm14, $0x504, v20;
	v17 =	vsel vm8, $0x405, v17;
	v21 =	vsel vm8, $0x605, v21  }
0xb4: {  	v15 =	vsel vm9, $0x386, v15;
	v14 =	vsel vm13, $0x18D, v14;
	v12 =	vsel vm12, $0x169, v12  }
0xb5: {  	v13 =	vsel vm12, $0x16A, v13;
	v0 =	vsel vm13, $0x18E, v0;
	v1 =	vsel vm13, $0x18F, v1  }
0xb6: {  	v2 =	vsel vm13, $0x180, v2;
	v3 =	vsel vm13, $0x181, v3;
	v4 =	vsel vm13, $0x182, v4  }
0xb7: {  	v5 =	vsel vm13, $0x183, v5;
	v6 =	vsel vm13, $0x184, v6;
	v7 =	vsel vm13, $0x185, v7  }
0xb8: {  	v8 =	vsel vm13, $0x186, v8;
	v9 =	vsel vm13, $0x187, v9;
	v10 =	vsel vm13, $0x188, v10  }
0xb9: {  	v11 =	vsel vm13, $0x189, v11;
	v22 =	vsel vm13, $0x20C, v22;
	v23 =	vsel vm13, $0x28C, v23  }
0xba: {  	v24 =	vsel vm13, $0x30C, v24;
	v25 =	vsel vm13, $0x38C, v25;
	v26 =	vsel vm13, $0x40C, v26  }
0xbb: {  	v27 =	vsel vm13, $0x48C, v27;
	v28 =	vsel vm13, $0x50C, v28;
	v29 =	vsel vm13, $0x58C, v29  }
0xbc: {  	v30 =	vsel vm13, $0xE8C, v30;
	v31 =	vsel vm13, $0xF0C, v31;
	v32 =	vsel vm13, $0xF8C, v32  }
0xbd: {  	v33 =	vsel vm13, $0x80C, v33;
	v34 =	vsel vm13, $0x88C, v34;
	v35 =	vsel vm13, $0x90C, v35  }
0xbe: {  	v36 =	vsel vm13, $0x98C, v36;
	v37 =	vsel vm13, $0xA0C, v37;
	v38 =	vsel vm13, $0xA8C, v38  }
0xbf: {  	v39 =	vsel vm13, $0xB0C, v39;
	v40 =	vsel vm13, $0xB8C, v40;
	v41 =	vsel vm13, $0xC0C, v41  }
0xc0: {  	v42 =	vsel vm13, $0xC8C, v42;
	v43 =	vsel vm13, $0xD0C, v43;
	v44 =	vsel vm13, $0xD8C, v44  }
0xc1: {  	v16 =	vsel vm14, $0x304, v16;
	v19 =	vsel vm14, $0x484, v19;
	v18 =	vsel vm8, $0x485, v18  }
0xc2: {  	v20 =	vsel vm8, $0x585, v20;
	v17 =	vsel vm9, $0x486, v17;
	v21 =	vsel vm9, $0x686, v21  }
0xc3: {  	v15 =	vsel vm11, $0x407, v15;
	vm14 =	vcmask $0x3734;
	v12 =	vsel vm13, $0x18A, v12  }
0xc4: {  	v13 =	vsel vm13, $0x18B, v13;
	v16 =	vsel vm8, $0x385, v16;
	v19 =	vsel vm8, $0x505, v19  }
0xc5: {  	v18 =	vsel vm9, $0x506, v18;
	v20 =	vsel vm9, $0x606, v20;
	v17 =	vsel vm11, $0x507, v17  }
0xc6: {  	v21 =	vsel vm11, $0x707, v21;
	v15 =	vsel vm0, $0x488, v15;
	v14 =	vsel vm14, $0x1AE, v14  }
0xc7: {  	v45 =	vsel vm14, $0x1AF, v0;
	v47 =	vsel vm14, $0x1A0, v1;
	v48 =	vsel vm14, $0x1A1, v2  }
0xc8: {  	v49 =	vsel vm14, $0x1A2, v3;
	v50 =	vsel vm14, $0x1A3, v4;
	v51 =	vsel vm14, $0x1A4, v5  }
0xc9: {  	v52 =	vsel vm14, $0x1A5, v6;
	v53 =	vsel vm14, $0x1A6, v7;
	v54 =	vsel vm14, $0x1A7, v8  }
0xca: {  	v55 =	vsel vm14, $0x1A8, v9;
	v56 =	vsel vm14, $0x1A9, v10;
	v57 =	vsel vm14, $0x1AA, v11  }
0xcb: {  	v58 =	vsel vm14, $0x1AB, v12;
	v59 =	vsel vm14, $0x1AC, v13;
	v0 =	vsel vm14, $0x50D, v27  }
0xcc: {  	v60 =	vsel vm14, $0x28D, v22;
	v61 =	vsel vm14, $0x30D, v23;
	[tilespmem:$0x1FEE0] =	vst v0;
	v0 =	vsel vm14, $0x58D, v28  }
0xcd: {  	v62 =	vsel vm14, $0x38D, v24;
	v63 =	vsel vm14, $0x40D, v25;
	[tilespmem:$0x1FEF0] =	vst v0;
	v0 =	vsel vm14, $0x60D, v29  }
0xce: {  	v46 =	vsel vm14, $0x48D, v26;
	v7 =	vlaneseq.u32;
	[tilespmem:$0x1FF00] =	vst v0;
	v0 =	vsel vm14, $0xF0D, v30  }
0xcf: {  	v16 =	vsel vm9, $0x406, v16;
	v19 =	vsel vm9, $0x586, v19;
	[tilespmem:$0x1FF10] =	vst v0;
	v0 =	vsel vm14, $0xF8D, v31  }
0xd0: {  	v18 =	vsel vm11, $0x587, v18;
	v20 =	vsel vm11, $0x687, v20;
	[tilespmem:$0x1FF20] =	vst v0;
	v0 =	vsel vm14, $0x80D, v32  }
0xd1: {  	v17 =	vsel vm0, $0x588, v17;
	v21 =	vsel vm0, $0x788, v21;
	[tilespmem:$0x1FF30] =	vst v0;
	v0 =	vsel vm14, $0x88D, v33  }
0xd2: {  	v15 =	vsel vm15, $0x509, v15;
	v7 =	vmul.u32 $0x81, v7;
	[tilespmem:$0x1FF40] =	vst v0;
	v0 =	vsel vm14, $0x90D, v34  }
0xd3: {  	v16 =	vsel vm11, $0x487, v16;
	v19 =	vsel vm11, $0x607, v19;
	[tilespmem:$0x1FF50] =	vst v0;
	v0 =	vsel vm14, $0x98D, v35  }
0xd4: {  	v18 =	vsel vm0, $0x608, v18;
	v20 =	vsel vm0, $0x708, v20;
	[tilespmem:$0x1FF60] =	vst v0;
	v0 =	vsel vm14, $0xA0D, v36  }
0xd5: {  	v17 =	vsel vm15, $0x609, v17;
	v21 =	vsel vm15, $0x9, v21;
	[tilespmem:$0x1FF70] =	vst v0;
	v0 =	vsel vm14, $0xA8D, v37  }
0xd6: {  	v15 =	vsel vm10, $0x58A, v15;
	v16 =	vsel vm0, $0x508, v16;
	[tilespmem:$0x1FF80] =	vst v0;
	v0 =	vsel vm14, $0xB0D, v38  }
0xd7: {  	v19 =	vsel vm0, $0x688, v19;
	v18 =	vsel vm15, $0x689, v18;
	[tilespmem:$0x1FF90] =	vst v0;
	v0 =	vsel vm14, $0xB8D, v39  }
0xd8: {  	v20 =	vsel vm15, $0x789, v20;
	v17 =	vsel vm10, $0x68A, v17;
	[tilespmem:$0x1FFA0] =	vst v0;
	v0 =	vsel vm14, $0xC0D, v40  }
0xd9: {  	v21 =	vsel vm10, $0x8A, v21;
	v15 =	vsel vm12, $0x60B, v15;
	[tilespmem:$0x1FFB0] =	vst v0;
	v0 =	vsel vm14, $0xC8D, v41  }
0xda: {  	v16 =	vsel vm15, $0x589, v16;
	v19 =	vsel vm15, $0x709, v19;
	[tilespmem:$0x1FFC0] =	vst v0;
	v0 =	vsel vm14, $0xD0D, v42  }
0xdb: {  	s4 =	rddreg [dreg:$0x0];
	v18 =	vsel vm10, $0x70A, v18;
	v20 =	vsel vm10, $0xA, v20;
	[tilespmem:$0x1FFD0] =	vst v0;
	v0 =	vsel vm14, $0xD8D, v43  }
0xdc: {  	s2 =	rddreg [dreg:$0x1];
	s3 =	simm.s32 $0x0;
	v17 =	vsel vm12, $0x70B, v17;
	v21 =	vsel vm12, $0x10B, v21;
	[tilespmem:$0x1FFE0] =	vst v0;
	v0 =	vsel vm14, $0xE0D, v44  }
0xdd: {  	s1 =	srdreg.scid;
	[smem:$0x7FF] =	sst s3;
	v28 =	vld [tilespmem:$0x1FEE0];
	v15 =	vsel vm13, $0x68C, v15;
	vm15 =	vcmask $0x3B38;
	v16 =	vsel vm10, $0x60A, v16;
	[tilespmem:$0x1FFF0] =	vst v0  }
0xde: {  	s5 =	sand.u32 $0x1, s1;
	s1 =	rddreg [dreg:$0x2];
	v29 =	vld [tilespmem:$0x1FEF0];
	v19 =	vsel vm10, $0x78A, v19;
	v18 =	vsel vm12, $0x78B, v18;
	v20 =	vsel vm12, $0x8B, v20;
	_ =	strace $0x8000004A  }
0xdf: {  	v17 =	vsel vm13, $0x78C, v17;
	v21 =	vsel vm13, $0x18C, v21;
	v15 =	vsel vm14, $0x70D, v15;
	v30 =	vld [tilespmem:$0x1FF00]  }
0xe0: {  	v1 =	vsel vm15, $0x1C0, v45;
	v5 =	vsel vm15, $0x1C4, v50;
	v6 =	vsel vm15, $0x1C5, v51;
	v31 =	vld [tilespmem:$0x1FF10]  }
0xe1: {  	v16 =	vsel vm12, $0x68B, v16;
	v19 =	vsel vm12, $0xB, v19;
	v18 =	vsel vm13, $0xC, v18;
	v50 =	vld [tilespmem:$0x1FF20]  }
0xe2: {  	v20 =	vsel vm13, $0x10C, v20;
	v17 =	vsel vm14, $0xD, v17;
	v16 =	vsel vm13, $0x70C, v16;
	v51 =	vld [tilespmem:$0x1FF30]  }
0xe3: {  	v8 =	vsel vm15, $0x78E, v15;
	v15 =	vsel vm15, $0x1C6, v52;
	v16 =	vsel vm14, $0x78D, v16;
	v52 =	vld [tilespmem:$0x1FF40]  }
0xe4: {  	v19 =	vsel vm13, $0x8C, v19;
	v9 =	vsel vm15, $0xE, v16;
	v16 =	vsel vm15, $0x1C7, v53;
	v53 =	vld [tilespmem:$0x1FF50]  }
0xe5: {  	v18 =	vsel vm14, $0x8D, v18;
	v10 =	vsel vm15, $0x8E, v17;
	v17 =	vsel vm15, $0x1C8, v54;
	v54 =	vld [tilespmem:$0x1FF60]  }
0xe6: {  	v19 =	vsel vm14, $0x10D, v19;
	v11 =	vsel vm15, $0x10E, v18;
	v18 =	vsel vm15, $0x1C9, v55;
	v55 =	vld [tilespmem:$0x1FF70]  }
0xe7: {  	v20 =	vsel vm14, $0x18D, v20;
	v12 =	vsel vm15, $0x18E, v19;
	v19 =	vsel vm15, $0x1CA, v56;
	v56 =	vld [tilespmem:$0x1FF80]  }
0xe8: {  	v21 =	vsel vm14, $0x20D, v21;
	v13 =	vsel vm15, $0x20E, v20;
	v20 =	vsel vm15, $0x1CB, v57;
	v57 =	vld [tilespmem:$0x1FF90]  }
0xe9: {  	v0 =	vsel vm15, $0x1CF, v14;
	v14 =	vsel vm15, $0x28E, v21;
	v21 =	vsel vm15, $0x1CC, v58;
	v58 =	vld [tilespmem:$0x1FFA0]  }
0xea: {  	v2 =	vsel vm15, $0x1C1, v47;
	v3 =	vsel vm15, $0x1C2, v48;
	v22 =	vsel vm15, $0x1CD, v59;
	v59 =	vld [tilespmem:$0x1FFB0]  }
0xeb: {  	v4 =	vsel vm15, $0x1C3, v49;
	v49 =	vlaneseq.u32;
	v23 =	vsel vm15, $0x30E, v60;
	v60 =	vld [tilespmem:$0x1FFC0]  }
0xec: {  	s0 =	stileid.u32;
	s11 =	simm.s32 $0x5;
	s12 =	simm.s32 $0x1000;
	v24 =	vsel vm15, $0x38E, v61;
	v25 =	vsel vm15, $0x40E, v62;
	v26 =	vsel vm15, $0x48E, v63;
	v61 =	vld [tilespmem:$0x1FFD0]  }
0xed: {  	s13 =	simm.s32 $0x2000;
	s14 =	simm.s32 $0x400;
	s6 =	sshll.u32 s0, $0x1;
	v27 =	vsel vm15, $0x50E, v46;
	v47 =	vor.u32 $0x800, v7;
	v46 =	vmul.u32 $0x21, v49;
	v62 =	vld [tilespmem:$0x1FFE0]  }
0xee: {  	s15 =	simm.s32 $0x20000;
	s16 =	simm.s32 $0x2;
	s6 =	sor.u32 s5, s6;
	v28 =	vsel vm15, $0x58E, v28;
	v29 =	vsel vm15, $0x60E, v29;
	v63 =	vld [tilespmem:$0x1FFF0];
	v30 =	vsel vm15, $0x68E, v30  }
0xef: {  	s17 =	simm.s32 $0x3000;
	s18 =	simm.s32 $0x3;
	s7 =	smul.u32 $0xD000, s6;
	v31 =	vsel vm15, $0xF8E, v31;
	v32 =	vsel vm15, $0x80E, v50;
	v33 =	vsel vm15, $0x88E, v51  }
0xf0: {  	s19 =	simm.s32 $0x4;
	s8 =	ssub.s32 $0x2, s5;
	s5 =	smul.u32 $0x68, s6;
	v34 =	vsel vm15, $0x90E, v52;
	v35 =	vsel vm15, $0x98E, v53;
	v36 =	vsel vm15, $0xA0E, v54  }
0xf1: {  	s20 =	simm.s32 $0x0;
	s4 =	sadd.s32 $0xA00, s4;
	s9 =	sshrl.u32 s8, $0x1;
	v37 =	vsel vm15, $0xA8E, v55;
	v38 =	vsel vm15, $0xB0E, v56;
	v39 =	vsel vm15, $0xB8E, v57  }
0xf2: {  	s10 =	ssub.s32 s8, s9;
	s6 =	sadd.s32 s4, s7;
	s8 =	sor.u32 $0x2, s5;
	v40 =	vsel vm15, $0xC0E, v58;
	v41 =	vsel vm15, $0xC8E, v59;
	v42 =	vsel vm15, $0xD0E, v60  }
0xf3: {  	s9 =	sor.u32 $0x3, s5;
	s10 =	smax.u32 s10, $0x1;
	s7 =	sadd.s32 $0x200, s6;
	v43 =	vsel vm15, $0xD8E, v61;
	v44 =	vsel vm15, $0xE0E, v62;
	v45 =	vsel vm15, $0xE8E, v63  }
.LBB2_1:
0xf4: {  	[tilespmem:s3], [sflag:$0x5] =	stream.linear.gather [hbm4b:s6+s3], $0x1000, $0x38;
	[tilespmem:$0x4000] =	vst v63  }
0xf5: {  	_ =	swait.ge [sflag:s11], $0x1000  }
0xf6: {  	[sflag:s11] =	ssyncset.done $0x0  }
0xf7: {  	s21 =	simm.s32 $0x0;
	[sflag:s11] =	ssyncadd.s32 $0xFFFFF000  }
0xf8: {  	[tilespmem:s12], [sflag:$0x2] =	stream.linear.gather [hbm4b:s7+s3], $0x1000, $0x38;
	[tilespmem:$0x4000] =	vst v63  }
.LBB2_2:
0xf9: {  	s24 =	simm.s32 $0x0  }
0xfa: {  	p0 =	seq.s32 s21, $0x0;
	v48 =	vor.u32 s24, v6  }
0xfb: {  	s22 =	simm.s32 @!p0 $0x1;
	v49 =	vor.u32 s24, v5  }
0xfc: {  	v50 =	vor.u32 s24, v46;
	_ =	swait.ge @!p0 [sflag:s22], $0x1000  }
0xfd: {  	v51 =	vor.u32 s24, v0;
	[sflag:s22] =	ssyncset.done @!p0 $0x0  }
0xfe: {  	v52 =	vor.u32 s24, v1;
	[sflag:s22] =	ssyncadd.s32 @!p0 $0xFFFFF000  }
0xff: {  	v53 =	vor.u32 s24, v2;
	v48 =	vld.idx.msk [tilespmem:v48+s3+$0x0], $0xffff  }
0x100: {  	v54 =	vor.u32 s24, v3;
	v49 =	vld.idx.msk [tilespmem:v49+s3+$0x0], $0xffff  }
0x101: {  	v55 =	vor.u32 s24, v4;
	v56 =	vor.u32 s24, v7;
	v50 =	vld.idx.msk [tilespmem:v50+s3+$0x0], $0xffff  }
0x102: {  	v57 =	vor.u32 s24, v8;
	v51 =	vld.idx.msk [tilespmem:v51+s3+$0x0], $0xffff  }
0x103: {  	v58 =	vor.u32 s24, v9;
	v52 =	vld.idx.msk [tilespmem:v52+s3+$0x0], $0xffff  }
0x104: {  	v59 =	vor.u32 s24, v10;
	v53 =	vld.idx.msk [tilespmem:v53+s3+$0x0], $0xffff  }
0x105: {  	v60 =	vor.u32 s24, v11;
	v54 =	vld.idx.msk [tilespmem:v54+s3+$0x0], $0xffff  }
0x106: {  	v55 =	vld.idx.msk [tilespmem:v55+s3+$0x0], $0xffff;
	[tilespmem:v56+s13+$0x0] =	vst.idx.msk $0xffff, v50;
	v50 =	vor.u32 s24, v12  }
0x107: {  	v61 =	vor.u32 s24, v13;
	[tilespmem:v57+s13+$0x0] =	vst.idx.msk $0xffff, v51  }
0x108: {  	v62 =	vor.u32 s24, v14;
	[tilespmem:v58+s13+$0x0] =	vst.idx.msk $0xffff, v52  }
0x109: {  	v63 =	vor.u32 s24, v17;
	[tilespmem:v59+s13+$0x0] =	vst.idx.msk $0xffff, v53  }
0x10a: {  	v57 =	vor.u32 s24, v16;
	[tilespmem:v60+s13+$0x0] =	vst.idx.msk $0xffff, v54  }
0x10b: {  	v58 =	vor.u32 s24, v15;
	[tilespmem:v50+s13+$0x0] =	vst.idx.msk $0xffff, v55  }
0x10c: {  	v59 =	vor.u32 s24, v18;
	[tilespmem:v61+s13+$0x0] =	vst.idx.msk $0xffff, v49  }
0x10d: {  	v60 =	vor.u32 s24, v22;
	[tilespmem:v62+s13+$0x0] =	vst.idx.msk $0xffff, v48  }
0x10e: {  	v61 =	vor.u32 s24, v19;
	v51 =	vld.idx.msk [tilespmem:v63+s3+$0x0], $0xffff  }
0x10f: {  	v62 =	vor.u32 s24, v21;
	v53 =	vld.idx.msk [tilespmem:v57+s3+$0x0], $0xffff  }
0x110: {  	v56 =	vor.u32 s24, v23;
	v63 =	vor.u32 s24, v20;
	v50 =	vld.idx.msk [tilespmem:v58+s3+$0x0], $0xffff  }
0x111: {  	v49 =	vld.idx.msk [tilespmem:v59+s3+$0x0], $0xffff;
	v57 =	vor.u32 s24, v24  }
0x112: {  	v58 =	vor.u32 s24, v25;
	v55 =	vld.idx.msk [tilespmem:v60+s3+$0x0], $0xffff  }
0x113: {  	v59 =	vor.u32 s24, v26;
	v48 =	vld.idx.msk [tilespmem:v61+s3+$0x0], $0xffff  }
0x114: {  	v60 =	vor.u32 s24, v27;
	v52 =	vld.idx.msk [tilespmem:v62+s3+$0x0], $0xffff  }
0x115: {  	v61 =	vor.u32 s24, v28;
	v54 =	vld.idx.msk [tilespmem:v63+s3+$0x0], $0xffff;
	[tilespmem:v56+s13+$0x0] =	vst.idx.msk $0xffff, v50  }
0x116: {  	v62 =	vor.u32 s24, v29;
	[tilespmem:v57+s13+$0x0] =	vst.idx.msk $0xffff, v53  }
0x117: {  	s31 =	simm.s32 $0x10;
	v63 =	vor.u32 s24, v30;
	[tilespmem:v58+s13+$0x0] =	vst.idx.msk $0xffff, v51  }
0x118: {  	v56 =	vor.u32 s31, v1;
	[tilespmem:v59+s13+$0x0] =	vst.idx.msk $0xffff, v49  }
0x119: {  	v57 =	vor.u32 s31, v0;
	[tilespmem:v60+s13+$0x0] =	vst.idx.msk $0xffff, v48  }
0x11a: {  	v58 =	vor.u32 s31, v46;
	[tilespmem:v61+s13+$0x0] =	vst.idx.msk $0xffff, v54  }
0x11b: {  	v59 =	vor.u32 s31, v2;
	[tilespmem:v62+s13+$0x0] =	vst.idx.msk $0xffff, v52  }
0x11c: {  	v60 =	vor.u32 s31, v5;
	[tilespmem:v63+s13+$0x0] =	vst.idx.msk $0xffff, v55  }
0x11d: {  	v61 =	vor.u32 s31, v3;
	v49 =	vld.idx.msk [tilespmem:v56+s3+$0x0], $0xffff  }
0x11e: {  	v62 =	vor.u32 s31, v4;
	v48 =	vld.idx.msk [tilespmem:v57+s3+$0x0], $0xffff  }
0x11f: {  	v63 =	vor.u32 s31, v6;
	v50 =	vld.idx.msk [tilespmem:v58+s3+$0x0], $0xffff;
	v56 =	vor.u32 s24, v47  }
0x120: {  	v52 =	vld.idx.msk [tilespmem:v59+s3+$0x0], $0xffff;
	v57 =	vor.u32 s24, v31  }
0x121: {  	v58 =	vor.u32 s24, v32;
	v55 =	vld.idx.msk [tilespmem:v60+s3+$0x0], $0xffff  }
0x122: {  	v59 =	vor.u32 s24, v33;
	v51 =	vld.idx.msk [tilespmem:v61+s3+$0x0], $0xffff  }
0x123: {  	v60 =	vor.u32 s24, v34;
	v53 =	vld.idx.msk [tilespmem:v62+s3+$0x0], $0xffff  }
0x124: {  	v54 =	vld.idx.msk [tilespmem:v63+s3+$0x0], $0xffff;
	[tilespmem:v56+s13+$0x0] =	vst.idx.msk $0xffff, v50;
	v50 =	vor.u32 s24, v35  }
0x125: {  	[tilespmem:v57+s13+$0x0] =	vst.idx.msk $0xffff, v48;
	v48 =	vor.u32 s24, v36  }
0x126: {  	[tilespmem:v58+s13+$0x0] =	vst.idx.msk $0xffff, v49;
	v49 =	vor.u32 s24, v37  }
0x127: {  	v61 =	vor.u32 s31, v17;
	[tilespmem:v59+s13+$0x0] =	vst.idx.msk $0xffff, v52  }
0x128: {  	v62 =	vor.u32 s31, v16;
	[tilespmem:v60+s13+$0x0] =	vst.idx.msk $0xffff, v51  }
0x129: {  	v63 =	vor.u32 s31, v15;
	[tilespmem:v50+s13+$0x0] =	vst.idx.msk $0xffff, v53  }
0x12a: {  	v52 =	vor.u32 s31, v20;
	[tilespmem:v48+s13+$0x0] =	vst.idx.msk $0xffff, v55  }
0x12b: {  	v50 =	vor.u32 s31, v19;
	[tilespmem:v49+s13+$0x0] =	vst.idx.msk $0xffff, v54  }
0x12c: {  	v48 =	vor.u32 s31, v18;
	v49 =	vld.idx.msk [tilespmem:v61+s3+$0x0], $0xffff  }
0x12d: {  	v55 =	vor.u32 s31, v22;
	v51 =	vld.idx.msk [tilespmem:v62+s3+$0x0], $0xffff  }
0x12e: {  	v59 =	vor.u32 s31, v21;
	v60 =	vld.idx.msk [tilespmem:v63+s3+$0x0], $0xffff;
	v62 =	vor.u32 s24, v38  }
0x12f: {  	v58 =	vor.u32 s24, v39;
	v52 =	vld.idx.msk [tilespmem:v52+s3+$0x0], $0xffff  }
0x130: {  	v56 =	vor.u32 s24, v40;
	v53 =	vld.idx.msk [tilespmem:v50+s3+$0x0], $0xffff  }
0x131: {  	v57 =	vor.u32 s24, v41;
	v54 =	vld.idx.msk [tilespmem:v48+s3+$0x0], $0xffff  }
0x132: {  	v61 =	vor.u32 s24, v42;
	v50 =	vld.idx.msk [tilespmem:v55+s3+$0x0], $0xffff  }
0x133: {  	s23 =	simm.s32 $0x200;
	s22 =	sshll.u32 s21, $0x1;
	v48 =	vor.u32 s24, v45;
	v55 =	vld.idx.msk [tilespmem:v59+s3+$0x0], $0xffff;
	v59 =	vor.u32 s24, v43;
	[tilespmem:v62+s13+$0x0] =	vst.idx.msk $0xffff, v60;
	v60 =	vor.u32 s24, v44;
	s24 =	simm.s32 $0x10  }
.LBB2_3:
0x134: {  	v62 =	vor.u32 s24, v45;
	p0 =	sne.s32 s23, $0xE00;
	[tilespmem:v58+s13+$0x0] =	vst.idx.msk $0xffff, v51;
	s25 =	smov.u32 s23;
	s23 =	sadd.s32 $0x200, s23  }
0x135: {  	[tilespmem:v56+s13+$0x0] =	vst.idx.msk $0xffff, v49  }
0x136: {  	v49 =	vor.u32 s25, v6;
	[tilespmem:v57+s13+$0x0] =	vst.idx.msk $0xffff, v54  }
0x137: {  	v51 =	vor.u32 s25, v5;
	[tilespmem:v61+s13+$0x0] =	vst.idx.msk $0xffff, v53  }
0x138: {  	v53 =	vor.u32 s25, v46;
	[tilespmem:v59+s13+$0x0] =	vst.idx.msk $0xffff, v52  }
0x139: {  	v52 =	vor.u32 s25, v0;
	[tilespmem:v60+s13+$0x0] =	vst.idx.msk $0xffff, v55  }
0x13a: {  	v54 =	vor.u32 s25, v1;
	[tilespmem:v48+s13+$0x0] =	vst.idx.msk $0xffff, v50;
	v48 =	vmov v62  }
0x13b: {  	v50 =	vor.u32 s25, v2;
	v49 =	vld.idx.msk [tilespmem:v49+s3+$0x0], $0xffff  }
0x13c: {  	v55 =	vor.u32 s25, v3;
	v51 =	vld.idx.msk [tilespmem:v51+s3+$0x0], $0xffff  }
0x13d: {  	v56 =	vor.u32 s25, v4;
	v53 =	vld.idx.msk [tilespmem:v53+s3+$0x0], $0xffff  }
0x13e: {  	v57 =	vor.u32 s24, v7;
	v52 =	vld.idx.msk [tilespmem:v52+s3+$0x0], $0xffff  }
0x13f: {  	v58 =	vor.u32 s24, v8;
	v54 =	vld.idx.msk [tilespmem:v54+s3+$0x0], $0xffff  }
0x140: {  	v59 =	vor.u32 s24, v9;
	v50 =	vld.idx.msk [tilespmem:v50+s3+$0x0], $0xffff  }
0x141: {  	v60 =	vor.u32 s24, v10;
	v55 =	vld.idx.msk [tilespmem:v55+s3+$0x0], $0xffff  }
0x142: {  	v61 =	vor.u32 s24, v11;
	v56 =	vld.idx.msk [tilespmem:v56+s3+$0x0], $0xffff  }
0x143: {  	[tilespmem:v57+s13+$0x0] =	vst.idx.msk $0xffff, v53;
	v53 =	vor.u32 s24, v12  }
0x144: {  	[tilespmem:v58+s13+$0x0] =	vst.idx.msk $0xffff, v52;
	v52 =	vor.u32 s24, v13  }
0x145: {  	[tilespmem:v59+s13+$0x0] =	vst.idx.msk $0xffff, v54;
	v54 =	vor.u32 s24, v14  }
0x146: {  	[tilespmem:v60+s13+$0x0] =	vst.idx.msk $0xffff, v50;
	v50 =	vor.u32 s25, v17  }
0x147: {  	[tilespmem:v61+s13+$0x0] =	vst.idx.msk $0xffff, v55;
	v55 =	vor.u32 s25, v16  }
0x148: {  	[tilespmem:v53+s13+$0x0] =	vst.idx.msk $0xffff, v56;
	v53 =	vor.u32 s25, v15  }
0x149: {  	[tilespmem:v52+s13+$0x0] =	vst.idx.msk $0xffff, v51;
	v51 =	vor.u32 s25, v18  }
0x14a: {  	[tilespmem:v54+s13+$0x0] =	vst.idx.msk $0xffff, v49;
	v49 =	vor.u32 s25, v19  }
0x14b: {  	v52 =	vor.u32 s25, v21;
	v50 =	vld.idx.msk [tilespmem:v50+s3+$0x0], $0xffff  }
0x14c: {  	v54 =	vld.idx.msk [tilespmem:v55+s3+$0x0], $0xffff;
	v55 =	vor.u32 s25, v20  }
0x14d: {  	v56 =	vor.u32 s25, v22;
	v53 =	vld.idx.msk [tilespmem:v53+s3+$0x0], $0xffff  }
0x14e: {  	v57 =	vor.u32 s24, v23;
	v51 =	vld.idx.msk [tilespmem:v51+s3+$0x0], $0xffff  }
0x14f: {  	v58 =	vor.u32 s24, v24;
	v49 =	vld.idx.msk [tilespmem:v49+s3+$0x0], $0xffff  }
0x150: {  	v59 =	vor.u32 s24, v25;
	v52 =	vld.idx.msk [tilespmem:v52+s3+$0x0], $0xffff  }
0x151: {  	v60 =	vor.u32 s24, v26;
	v55 =	vld.idx.msk [tilespmem:v55+s3+$0x0], $0xffff  }
0x152: {  	v61 =	vor.u32 s24, v27;
	v56 =	vld.idx.msk [tilespmem:v56+s3+$0x0], $0xffff  }
0x153: {  	[tilespmem:v57+s13+$0x0] =	vst.idx.msk $0xffff, v53;
	v53 =	vor.u32 s24, v28  }
0x154: {  	[tilespmem:v58+s13+$0x0] =	vst.idx.msk $0xffff, v54;
	v54 =	vor.u32 s24, v29  }
0x155: {  	s25 =	sadd.s32 $0x10, s25;
	[tilespmem:v59+s13+$0x0] =	vst.idx.msk $0xffff, v50;
	v50 =	vor.u32 s24, v30  }
0x156: {  	[tilespmem:v60+s13+$0x0] =	vst.idx.msk $0xffff, v51;
	v51 =	vor.u32 s25, v1  }
0x157: {  	[tilespmem:v61+s13+$0x0] =	vst.idx.msk $0xffff, v49;
	v49 =	vor.u32 s25, v0  }
0x158: {  	[tilespmem:v53+s13+$0x0] =	vst.idx.msk $0xffff, v55;
	v53 =	vor.u32 s25, v46  }
0x159: {  	[tilespmem:v54+s13+$0x0] =	vst.idx.msk $0xffff, v52;
	v52 =	vor.u32 s25, v2  }
0x15a: {  	[tilespmem:v50+s13+$0x0] =	vst.idx.msk $0xffff, v56;
	v50 =	vor.u32 s25, v3  }
0x15b: {  	v54 =	vor.u32 s25, v4;
	v51 =	vld.idx.msk [tilespmem:v51+s3+$0x0], $0xffff  }
0x15c: {  	v55 =	vor.u32 s25, v6;
	v49 =	vld.idx.msk [tilespmem:v49+s3+$0x0], $0xffff  }
0x15d: {  	v56 =	vor.u32 s25, v5;
	v53 =	vld.idx.msk [tilespmem:v53+s3+$0x0], $0xffff  }
0x15e: {  	v57 =	vor.u32 s24, v47;
	v52 =	vld.idx.msk [tilespmem:v52+s3+$0x0], $0xffff  }
0x15f: {  	v58 =	vor.u32 s24, v31;
	v50 =	vld.idx.msk [tilespmem:v50+s3+$0x0], $0xffff  }
0x160: {  	v59 =	vor.u32 s24, v32;
	v54 =	vld.idx.msk [tilespmem:v54+s3+$0x0], $0xffff  }
0x161: {  	v60 =	vor.u32 s24, v33;
	v55 =	vld.idx.msk [tilespmem:v55+s3+$0x0], $0xffff  }
0x162: {  	v61 =	vor.u32 s24, v34;
	v56 =	vld.idx.msk [tilespmem:v56+s3+$0x0], $0xffff  }
0x163: {  	[tilespmem:v57+s13+$0x0] =	vst.idx.msk $0xffff, v53;
	v53 =	vor.u32 s24, v35  }
0x164: {  	[tilespmem:v58+s13+$0x0] =	vst.idx.msk $0xffff, v49;
	v49 =	vor.u32 s24, v36  }
0x165: {  	[tilespmem:v59+s13+$0x0] =	vst.idx.msk $0xffff, v51;
	v51 =	vor.u32 s24, v37  }
0x166: {  	[tilespmem:v60+s13+$0x0] =	vst.idx.msk $0xffff, v52;
	v52 =	vor.u32 s25, v17  }
0x167: {  	v57 =	vor.u32 s25, v16;
	[tilespmem:v61+s13+$0x0] =	vst.idx.msk $0xffff, v50;
	v50 =	vor.u32 s25, v15  }
0x168: {  	[tilespmem:v53+s13+$0x0] =	vst.idx.msk $0xffff, v54  }
0x169: {  	v53 =	vor.u32 s25, v18;
	[tilespmem:v49+s13+$0x0] =	vst.idx.msk $0xffff, v56  }
0x16a: {  	[tilespmem:v51+s13+$0x0] =	vst.idx.msk $0xffff, v55;
	v55 =	vor.u32 s25, v19  }
0x16b: {  	v49 =	vld.idx.msk [tilespmem:v52+s3+$0x0], $0xffff;
	v52 =	vor.u32 s25, v20  }
0x16c: {  	v59 =	vor.u32 s25, v22;
	v51 =	vld.idx.msk [tilespmem:v57+s3+$0x0], $0xffff  }
0x16d: {  	v63 =	vor.u32 s24, v38;
	v62 =	vor.u32 s25, v21;
	v60 =	vld.idx.msk [tilespmem:v50+s3+$0x0], $0xffff  }
0x16e: {  	v58 =	vor.u32 s24, v39;
	v54 =	vld.idx.msk [tilespmem:v53+s3+$0x0], $0xffff  }
.Ltmp0:
0x16f: {  	v56 =	vor.u32 s24, v40;
	v53 =	vld.idx.msk [tilespmem:v55+s3+$0x0], $0xffff;
	(pc) =	sbr.rel @p0 .LBB2_3-.Ltmp0, $4  }
0x170: {  	v57 =	vor.u32 s24, v41;
	v52 =	vld.idx.msk [tilespmem:v52+s3+$0x0], $0xffff  }
0x171: {  	v61 =	vor.u32 s24, v42;
	v50 =	vld.idx.msk [tilespmem:v59+s3+$0x0], $0xffff  }
0x172: {  	v59 =	vor.u32 s24, v43;
	v55 =	vld.idx.msk [tilespmem:v62+s3+$0x0], $0xffff  }
0x173: {  	[tilespmem:v63+s13+$0x0] =	vst.idx.msk $0xffff, v60;
	v60 =	vor.u32 s24, v44;
	s24 =	sadd.s32 $0x10, s24  }
0x174: {  	_ =	sdelay $0x3  }
0x175: {  	[tilespmem:v58+s13+$0x0] =	vst.idx.msk $0xffff, v51  }
0x176: {  	[tilespmem:v56+s13+$0x0] =	vst.idx.msk $0xffff, v49  }
0x177: {  	p0 =	seq.s32 s21, $0x33;
	[tilespmem:v57+s13+$0x0] =	vst.idx.msk $0xffff, v54  }
0x178: {  	s23 =	sadd.s32 @!p0 s22, s8;
	[tilespmem:v61+s13+$0x0] =	vst.idx.msk $0xffff, v53  }
0x179: {  	s28 =	sadd.s32 s5, s22;
	s30 =	simm.s32 $0x0;
	s23 =	sshll.u32 @!p0 s23, $0x9;
	[tilespmem:v59+s13+$0x0] =	vst.idx.msk $0xffff, v52  }
0x17a: {  	p1 =	seq.s32 @!p0 s21, $0x0;
	s24 =	simm.s32 @!p0 $0x0;
	s23 =	sand.u32 @!p0 $0x1FFFFC00, s23;
	[tilespmem:v60+s13+$0x0] =	vst.idx.msk $0xffff, v55  }
0x17b: {  	s29 =	sshll.u32 s28, $0x7;
	p1 =	por p0, !p1;
	s23 =	sadd.s32 @!p0 s4, s23;
	[tilespmem:v48+s13+$0x0] =	vst.idx.msk $0xffff, v50  }
0x17c: {  	[tilespmem:s24], [sflag:$0x1] =	stream.linear.gather @!p0 [hbm4b:s23+s24], $0x1000, $0x38;
	[tilespmem:$0x4000] =	vst v63  }
0x17d: {  	s23 =	sshll.u32 s28, $0x9;
	s24 =	sand.u32 $0x3F00, s29;
	_ =	swait.ge @p1 [sflag:s18], $0x1000  }
0x17e: {  	s23 =	sand.u32 $0xFFF0000, s23;
	s25 =	sadd.s32 s2, s24;
	[sflag:s18] =	ssyncset.done @p1 $0x0  }
0x17f: {  	v56 =	vor.u32 s30, v6;
	s23 =	sadd.s32 s23, s25;
	[sflag:s18] =	ssyncadd.s32 @p1 $0xFFFFF000  }
0x180: {  	v57 =	vor.u32 s30, v5;
	[hbm4b:s23+s14] =	stream.strided.scatter [tilespmem:s13], [sflag:$0x3], $0x1000, s15, s14, $0x38;
	[tilespmem:$0x4000] =	vst v63  }
0x181: {  	v58 =	vor.u32 s30, v46;
	_ =	swait.ge [sflag:s16], $0x1000  }
0x182: {  	v59 =	vor.u32 s30, v0;
	[sflag:s16] =	ssyncset.done $0x0  }
0x183: {  	v61 =	vor.u32 s30, v1;
	[sflag:s16] =	ssyncadd.s32 $0xFFFFF000  }
0x184: {  	v62 =	vor.u32 s30, v2;
	v48 =	vld.idx.msk [tilespmem:v56+s12+$0x0], $0xffff  }
0x185: {  	v63 =	vor.u32 s30, v3;
	v49 =	vld.idx.msk [tilespmem:v57+s12+$0x0], $0xffff  }
0x186: {  	v60 =	vor.u32 s30, v4;
	v50 =	vld.idx.msk [tilespmem:v58+s12+$0x0], $0xffff  }
0x187: {  	v51 =	vld.idx.msk [tilespmem:v59+s12+$0x0], $0xffff;
	v56 =	vor.u32 s30, v7  }
0x188: {  	v52 =	vld.idx.msk [tilespmem:v61+s12+$0x0], $0xffff;
	v57 =	vor.u32 s30, v8  }
0x189: {  	v53 =	vld.idx.msk [tilespmem:v62+s12+$0x0], $0xffff;
	v58 =	vor.u32 s30, v9  }
0x18a: {  	v54 =	vld.idx.msk [tilespmem:v63+s12+$0x0], $0xffff;
	v59 =	vor.u32 s30, v10  }
0x18b: {  	v55 =	vld.idx.msk [tilespmem:v60+s12+$0x0], $0xffff;
	v60 =	vor.u32 s30, v11  }
0x18c: {  	[tilespmem:v56+s17+$0x0] =	vst.idx.msk $0xffff, v50;
	v50 =	vor.u32 s30, v12  }
0x18d: {  	v61 =	vor.u32 s30, v13;
	[tilespmem:v57+s17+$0x0] =	vst.idx.msk $0xffff, v51  }
0x18e: {  	v62 =	vor.u32 s30, v14;
	[tilespmem:v58+s17+$0x0] =	vst.idx.msk $0xffff, v52  }
0x18f: {  	v63 =	vor.u32 s30, v17;
	[tilespmem:v59+s17+$0x0] =	vst.idx.msk $0xffff, v53  }
0x190: {  	v57 =	vor.u32 s30, v16;
	[tilespmem:v60+s17+$0x0] =	vst.idx.msk $0xffff, v54  }
0x191: {  	v58 =	vor.u32 s30, v15;
	[tilespmem:v50+s17+$0x0] =	vst.idx.msk $0xffff, v55  }
0x192: {  	v59 =	vor.u32 s30, v18;
	[tilespmem:v61+s17+$0x0] =	vst.idx.msk $0xffff, v49  }
0x193: {  	v60 =	vor.u32 s30, v22;
	[tilespmem:v62+s17+$0x0] =	vst.idx.msk $0xffff, v48  }
0x194: {  	v61 =	vor.u32 s30, v19;
	v51 =	vld.idx.msk [tilespmem:v63+s12+$0x0], $0xffff  }
0x195: {  	v62 =	vor.u32 s30, v21;
	v53 =	vld.idx.msk [tilespmem:v57+s12+$0x0], $0xffff  }
0x196: {  	v56 =	vor.u32 s30, v23;
	v63 =	vor.u32 s30, v20;
	v50 =	vld.idx.msk [tilespmem:v58+s12+$0x0], $0xffff  }
0x197: {  	v49 =	vld.idx.msk [tilespmem:v59+s12+$0x0], $0xffff;
	v57 =	vor.u32 s30, v24  }
0x198: {  	v58 =	vor.u32 s30, v25;
	v55 =	vld.idx.msk [tilespmem:v60+s12+$0x0], $0xffff  }
0x199: {  	v59 =	vor.u32 s30, v26;
	v48 =	vld.idx.msk [tilespmem:v61+s12+$0x0], $0xffff  }
0x19a: {  	v60 =	vor.u32 s30, v27;
	v52 =	vld.idx.msk [tilespmem:v62+s12+$0x0], $0xffff  }
0x19b: {  	v61 =	vor.u32 s30, v28;
	v54 =	vld.idx.msk [tilespmem:v63+s12+$0x0], $0xffff;
	[tilespmem:v56+s17+$0x0] =	vst.idx.msk $0xffff, v50  }
0x19c: {  	v62 =	vor.u32 s30, v29;
	[tilespmem:v57+s17+$0x0] =	vst.idx.msk $0xffff, v53  }
0x19d: {  	s31 =	simm.s32 $0x10;
	v63 =	vor.u32 s30, v30;
	[tilespmem:v58+s17+$0x0] =	vst.idx.msk $0xffff, v51  }
0x19e: {  	v56 =	vor.u32 s31, v1;
	[tilespmem:v59+s17+$0x0] =	vst.idx.msk $0xffff, v49  }
0x19f: {  	v57 =	vor.u32 s31, v0;
	[tilespmem:v60+s17+$0x0] =	vst.idx.msk $0xffff, v48  }
0x1a0: {  	v58 =	vor.u32 s31, v46;
	[tilespmem:v61+s17+$0x0] =	vst.idx.msk $0xffff, v54  }
0x1a1: {  	v59 =	vor.u32 s31, v2;
	[tilespmem:v62+s17+$0x0] =	vst.idx.msk $0xffff, v52  }
0x1a2: {  	v60 =	vor.u32 s31, v5;
	[tilespmem:v63+s17+$0x0] =	vst.idx.msk $0xffff, v55  }
0x1a3: {  	v61 =	vor.u32 s31, v3;
	v49 =	vld.idx.msk [tilespmem:v56+s12+$0x0], $0xffff  }
0x1a4: {  	v62 =	vor.u32 s31, v4;
	v48 =	vld.idx.msk [tilespmem:v57+s12+$0x0], $0xffff  }
0x1a5: {  	v63 =	vor.u32 s31, v6;
	v50 =	vld.idx.msk [tilespmem:v58+s12+$0x0], $0xffff;
	v56 =	vor.u32 s30, v47  }
0x1a6: {  	v52 =	vld.idx.msk [tilespmem:v59+s12+$0x0], $0xffff;
	v57 =	vor.u32 s30, v31  }
0x1a7: {  	v58 =	vor.u32 s30, v32;
	v55 =	vld.idx.msk [tilespmem:v60+s12+$0x0], $0xffff  }
0x1a8: {  	v59 =	vor.u32 s30, v33;
	v51 =	vld.idx.msk [tilespmem:v61+s12+$0x0], $0xffff  }
0x1a9: {  	v60 =	vor.u32 s30, v34;
	v53 =	vld.idx.msk [tilespmem:v62+s12+$0x0], $0xffff  }
0x1aa: {  	v54 =	vld.idx.msk [tilespmem:v63+s12+$0x0], $0xffff;
	[tilespmem:v56+s17+$0x0] =	vst.idx.msk $0xffff, v50;
	v50 =	vor.u32 s30, v35  }
0x1ab: {  	[tilespmem:v57+s17+$0x0] =	vst.idx.msk $0xffff, v48;
	v48 =	vor.u32 s30, v36  }
0x1ac: {  	[tilespmem:v58+s17+$0x0] =	vst.idx.msk $0xffff, v49;
	v49 =	vor.u32 s30, v37  }
0x1ad: {  	v61 =	vor.u32 s31, v17;
	[tilespmem:v59+s17+$0x0] =	vst.idx.msk $0xffff, v52  }
0x1ae: {  	v62 =	vor.u32 s31, v16;
	[tilespmem:v60+s17+$0x0] =	vst.idx.msk $0xffff, v51  }
0x1af: {  	v63 =	vor.u32 s31, v15;
	[tilespmem:v50+s17+$0x0] =	vst.idx.msk $0xffff, v53  }
0x1b0: {  	v52 =	vor.u32 s31, v20;
	[tilespmem:v48+s17+$0x0] =	vst.idx.msk $0xffff, v55  }
0x1b1: {  	v50 =	vor.u32 s31, v19;
	[tilespmem:v49+s17+$0x0] =	vst.idx.msk $0xffff, v54  }
0x1b2: {  	v48 =	vor.u32 s31, v18;
	v49 =	vld.idx.msk [tilespmem:v61+s12+$0x0], $0xffff  }
0x1b3: {  	v55 =	vor.u32 s31, v22;
	v51 =	vld.idx.msk [tilespmem:v62+s12+$0x0], $0xffff  }
0x1b4: {  	v59 =	vor.u32 s31, v21;
	v60 =	vld.idx.msk [tilespmem:v63+s12+$0x0], $0xffff;
	v62 =	vor.u32 s30, v38  }
0x1b5: {  	v58 =	vor.u32 s30, v39;
	v52 =	vld.idx.msk [tilespmem:v52+s12+$0x0], $0xffff  }
0x1b6: {  	v56 =	vor.u32 s30, v40;
	v54 =	vld.idx.msk [tilespmem:v50+s12+$0x0], $0xffff  }
0x1b7: {  	v57 =	vor.u32 s30, v41;
	v53 =	vld.idx.msk [tilespmem:v48+s12+$0x0], $0xffff  }
0x1b8: {  	v61 =	vor.u32 s30, v42;
	v50 =	vld.idx.msk [tilespmem:v55+s12+$0x0], $0xffff  }
0x1b9: {  	s24 =	simm.s32 $0x10;
	s23 =	simm.s32 $0x200;
	v48 =	vor.u32 s30, v45;
	v55 =	vld.idx.msk [tilespmem:v59+s12+$0x0], $0xffff;
	v59 =	vor.u32 s30, v43;
	[tilespmem:v62+s17+$0x0] =	vst.idx.msk $0xffff, v60;
	v60 =	vor.u32 s30, v44  }
.LBB2_5:
0x1ba: {  	v62 =	vor.u32 s24, v45;
	p2 =	sne.s32 s23, $0xE00;
	[tilespmem:v58+s17+$0x0] =	vst.idx.msk $0xffff, v51;
	s25 =	smov.u32 s23;
	s23 =	sadd.s32 $0x200, s23  }
0x1bb: {  	[tilespmem:v56+s17+$0x0] =	vst.idx.msk $0xffff, v49  }
0x1bc: {  	v49 =	vor.u32 s25, v6;
	[tilespmem:v57+s17+$0x0] =	vst.idx.msk $0xffff, v53  }
0x1bd: {  	v51 =	vor.u32 s25, v5;
	[tilespmem:v61+s17+$0x0] =	vst.idx.msk $0xffff, v54  }
0x1be: {  	v53 =	vor.u32 s25, v46;
	[tilespmem:v59+s17+$0x0] =	vst.idx.msk $0xffff, v52  }
0x1bf: {  	v52 =	vor.u32 s25, v0;
	[tilespmem:v60+s17+$0x0] =	vst.idx.msk $0xffff, v55  }
0x1c0: {  	v54 =	vor.u32 s25, v1;
	[tilespmem:v48+s17+$0x0] =	vst.idx.msk $0xffff, v50;
	v48 =	vmov v62  }
0x1c1: {  	v50 =	vor.u32 s25, v2;
	v49 =	vld.idx.msk [tilespmem:v49+s12+$0x0], $0xffff  }
0x1c2: {  	v55 =	vor.u32 s25, v3;
	v51 =	vld.idx.msk [tilespmem:v51+s12+$0x0], $0xffff  }
0x1c3: {  	v56 =	vor.u32 s25, v4;
	v53 =	vld.idx.msk [tilespmem:v53+s12+$0x0], $0xffff  }
0x1c4: {  	v57 =	vor.u32 s24, v7;
	v52 =	vld.idx.msk [tilespmem:v52+s12+$0x0], $0xffff  }
0x1c5: {  	v58 =	vor.u32 s24, v8;
	v54 =	vld.idx.msk [tilespmem:v54+s12+$0x0], $0xffff  }
0x1c6: {  	v59 =	vor.u32 s24, v9;
	v50 =	vld.idx.msk [tilespmem:v50+s12+$0x0], $0xffff  }
0x1c7: {  	v60 =	vor.u32 s24, v10;
	v55 =	vld.idx.msk [tilespmem:v55+s12+$0x0], $0xffff  }
0x1c8: {  	v61 =	vor.u32 s24, v11;
	v56 =	vld.idx.msk [tilespmem:v56+s12+$0x0], $0xffff  }
0x1c9: {  	[tilespmem:v57+s17+$0x0] =	vst.idx.msk $0xffff, v53;
	v53 =	vor.u32 s24, v12  }
0x1ca: {  	[tilespmem:v58+s17+$0x0] =	vst.idx.msk $0xffff, v52;
	v52 =	vor.u32 s24, v13  }
0x1cb: {  	[tilespmem:v59+s17+$0x0] =	vst.idx.msk $0xffff, v54;
	v54 =	vor.u32 s24, v14  }
0x1cc: {  	[tilespmem:v60+s17+$0x0] =	vst.idx.msk $0xffff, v50;
	v50 =	vor.u32 s25, v17  }
0x1cd: {  	[tilespmem:v61+s17+$0x0] =	vst.idx.msk $0xffff, v55;
	v55 =	vor.u32 s25, v16  }
0x1ce: {  	[tilespmem:v53+s17+$0x0] =	vst.idx.msk $0xffff, v56;
	v53 =	vor.u32 s25, v15  }
0x1cf: {  	[tilespmem:v52+s17+$0x0] =	vst.idx.msk $0xffff, v51;
	v51 =	vor.u32 s25, v18  }
0x1d0: {  	[tilespmem:v54+s17+$0x0] =	vst.idx.msk $0xffff, v49;
	v49 =	vor.u32 s25, v19  }
0x1d1: {  	v52 =	vor.u32 s25, v21;
	v50 =	vld.idx.msk [tilespmem:v50+s12+$0x0], $0xffff  }
0x1d2: {  	v54 =	vld.idx.msk [tilespmem:v55+s12+$0x0], $0xffff;
	v55 =	vor.u32 s25, v20  }
0x1d3: {  	v56 =	vor.u32 s25, v22;
	v53 =	vld.idx.msk [tilespmem:v53+s12+$0x0], $0xffff  }
0x1d4: {  	v57 =	vor.u32 s24, v23;
	v51 =	vld.idx.msk [tilespmem:v51+s12+$0x0], $0xffff  }
0x1d5: {  	v58 =	vor.u32 s24, v24;
	v49 =	vld.idx.msk [tilespmem:v49+s12+$0x0], $0xffff  }
0x1d6: {  	v59 =	vor.u32 s24, v25;
	v52 =	vld.idx.msk [tilespmem:v52+s12+$0x0], $0xffff  }
0x1d7: {  	v60 =	vor.u32 s24, v26;
	v55 =	vld.idx.msk [tilespmem:v55+s12+$0x0], $0xffff  }
0x1d8: {  	v61 =	vor.u32 s24, v27;
	v56 =	vld.idx.msk [tilespmem:v56+s12+$0x0], $0xffff  }
0x1d9: {  	[tilespmem:v57+s17+$0x0] =	vst.idx.msk $0xffff, v53;
	v53 =	vor.u32 s24, v28  }
0x1da: {  	[tilespmem:v58+s17+$0x0] =	vst.idx.msk $0xffff, v54;
	v54 =	vor.u32 s24, v29  }
0x1db: {  	s25 =	sadd.s32 $0x10, s25;
	[tilespmem:v59+s17+$0x0] =	vst.idx.msk $0xffff, v50;
	v50 =	vor.u32 s24, v30  }
0x1dc: {  	[tilespmem:v60+s17+$0x0] =	vst.idx.msk $0xffff, v51;
	v51 =	vor.u32 s25, v1  }
0x1dd: {  	[tilespmem:v61+s17+$0x0] =	vst.idx.msk $0xffff, v49;
	v49 =	vor.u32 s25, v0  }
0x1de: {  	[tilespmem:v53+s17+$0x0] =	vst.idx.msk $0xffff, v55;
	v53 =	vor.u32 s25, v46  }
0x1df: {  	[tilespmem:v54+s17+$0x0] =	vst.idx.msk $0xffff, v52;
	v52 =	vor.u32 s25, v2  }
0x1e0: {  	[tilespmem:v50+s17+$0x0] =	vst.idx.msk $0xffff, v56;
	v50 =	vor.u32 s25, v3  }
0x1e1: {  	v54 =	vor.u32 s25, v4;
	v51 =	vld.idx.msk [tilespmem:v51+s12+$0x0], $0xffff  }
0x1e2: {  	v55 =	vor.u32 s25, v6;
	v49 =	vld.idx.msk [tilespmem:v49+s12+$0x0], $0xffff  }
0x1e3: {  	v56 =	vor.u32 s25, v5;
	v53 =	vld.idx.msk [tilespmem:v53+s12+$0x0], $0xffff  }
0x1e4: {  	v57 =	vor.u32 s24, v47;
	v52 =	vld.idx.msk [tilespmem:v52+s12+$0x0], $0xffff  }
0x1e5: {  	v58 =	vor.u32 s24, v31;
	v50 =	vld.idx.msk [tilespmem:v50+s12+$0x0], $0xffff  }
0x1e6: {  	v59 =	vor.u32 s24, v32;
	v54 =	vld.idx.msk [tilespmem:v54+s12+$0x0], $0xffff  }
0x1e7: {  	v60 =	vor.u32 s24, v33;
	v55 =	vld.idx.msk [tilespmem:v55+s12+$0x0], $0xffff  }
0x1e8: {  	v61 =	vor.u32 s24, v34;
	v56 =	vld.idx.msk [tilespmem:v56+s12+$0x0], $0xffff  }
0x1e9: {  	[tilespmem:v57+s17+$0x0] =	vst.idx.msk $0xffff, v53;
	v53 =	vor.u32 s24, v35  }
0x1ea: {  	[tilespmem:v58+s17+$0x0] =	vst.idx.msk $0xffff, v49;
	v49 =	vor.u32 s24, v36  }
0x1eb: {  	[tilespmem:v59+s17+$0x0] =	vst.idx.msk $0xffff, v51;
	v51 =	vor.u32 s24, v37  }
0x1ec: {  	[tilespmem:v60+s17+$0x0] =	vst.idx.msk $0xffff, v52;
	v52 =	vor.u32 s25, v17  }
0x1ed: {  	v57 =	vor.u32 s25, v16;
	[tilespmem:v61+s17+$0x0] =	vst.idx.msk $0xffff, v50;
	v50 =	vor.u32 s25, v15  }
0x1ee: {  	[tilespmem:v53+s17+$0x0] =	vst.idx.msk $0xffff, v54  }
0x1ef: {  	v53 =	vor.u32 s25, v18;
	[tilespmem:v49+s17+$0x0] =	vst.idx.msk $0xffff, v56  }
0x1f0: {  	v54 =	vor.u32 s25, v19;
	[tilespmem:v51+s17+$0x0] =	vst.idx.msk $0xffff, v55  }
0x1f1: {  	v49 =	vld.idx.msk [tilespmem:v52+s12+$0x0], $0xffff;
	v52 =	vor.u32 s25, v20  }
0x1f2: {  	v55 =	vor.u32 s25, v22;
	v51 =	vld.idx.msk [tilespmem:v57+s12+$0x0], $0xffff  }
0x1f3: {  	v62 =	vor.u32 s24, v38;
	v59 =	vor.u32 s25, v21;
	v60 =	vld.idx.msk [tilespmem:v50+s12+$0x0], $0xffff  }
0x1f4: {  	v58 =	vor.u32 s24, v39;
	v53 =	vld.idx.msk [tilespmem:v53+s12+$0x0], $0xffff  }
.Ltmp1:
0x1f5: {  	v56 =	vor.u32 s24, v40;
	v54 =	vld.idx.msk [tilespmem:v54+s12+$0x0], $0xffff;
	(pc) =	sbr.rel @p2 .LBB2_5-.Ltmp1, $4  }
0x1f6: {  	v57 =	vor.u32 s24, v41;
	v52 =	vld.idx.msk [tilespmem:v52+s12+$0x0], $0xffff  }
0x1f7: {  	v61 =	vor.u32 s24, v42;
	v50 =	vld.idx.msk [tilespmem:v55+s12+$0x0], $0xffff  }
0x1f8: {  	v55 =	vld.idx.msk [tilespmem:v59+s12+$0x0], $0xffff;
	v59 =	vor.u32 s24, v43  }
0x1f9: {  	[tilespmem:v62+s17+$0x0] =	vst.idx.msk $0xffff, v60;
	v60 =	vor.u32 s24, v44;
	s24 =	sadd.s32 $0x10, s24  }
0x1fa: {  	_ =	sdelay $0x3  }
0x1fb: {  	[tilespmem:v58+s17+$0x0] =	vst.idx.msk $0xffff, v51  }
0x1fc: {  	[tilespmem:v56+s17+$0x0] =	vst.idx.msk $0xffff, v49  }
0x1fd: {  	[tilespmem:v57+s17+$0x0] =	vst.idx.msk $0xffff, v53  }
0x1fe: {  	s23 =	sadd.s32 @!p0 s22, s9;
	[tilespmem:v61+s17+$0x0] =	vst.idx.msk $0xffff, v54  }
0x1ff: {  	s23 =	sshll.u32 @!p0 s23, $0x9;
	[tilespmem:v59+s17+$0x0] =	vst.idx.msk $0xffff, v52  }
0x200: {  	s24 =	simm.s32 @!p0 $0x0;
	s25 =	simm.s32 @!p0 $0x1000;
	s23 =	sand.u32 @!p0 $0x1FFFFE00, s23;
	[tilespmem:v60+s17+$0x0] =	vst.idx.msk $0xffff, v55  }
0x201: {  	s30 =	sadd.s32 s22, s5;
	s21 =	sadd.s32 $0x1, s21;
	s23 =	sadd.s32 @!p0 s4, s23;
	[tilespmem:v48+s17+$0x0] =	vst.idx.msk $0xffff, v50  }
0x202: {  	[tilespmem:s25], [sflag:$0x2] =	stream.linear.gather @!p0 [hbm4b:s23+s24], $0x1000, $0x38;
	[tilespmem:$0x4000] =	vst v63  }
0x203: {  	s22 =	sadd.s32 $0x1, s30;
	p0 =	sne.s32 s21, $0x34  }
.Ltmp2:
0x204: {  	s31 =	sshll.u32 s22, $0x7;
	(pc) =	sbr.rel @p0 .LBB2_2-.Ltmp2, $4  }
0x205: {  	s22 =	sshll.u32 s22, $0x9;
	s23 =	sand.u32 $0x3F80, s31;
	_ =	swait.ge @p1 [sflag:s19], $0x1000  }
0x206: {  	s22 =	sand.u32 $0xFFF0000, s22;
	s23 =	sadd.s32 s2, s23;
	[sflag:s19] =	ssyncset.done @p1 $0x0  }
0x207: {  	s22 =	sadd.s32 s22, s23;
	[sflag:s19] =	ssyncadd.s32 @p1 $0xFFFFF000  }
0x208: {  	[hbm4b:s22+s14] =	stream.strided.scatter [tilespmem:s17], [sflag:$0x4], $0x1000, s15, s14, $0x38;
	[tilespmem:$0x4000] =	vst v63  }
0x209: {  	s20 =	sadd.s32 $0x1, s20  }
0x20a: {  	_ =	swait.ge [sflag:s18], $0x1000;
	p0 =	sne.s32 s20, s10  }
.Ltmp3:
0x20b: {  	[sflag:s18] =	ssyncset.done $0x0;
	(pc) =	sbr.rel @p0 .LBB2_1-.Ltmp3, $4  }
0x20c: {  	[sflag:s18] =	ssyncadd.s32 $0xFFFFF000  }
0x20d: {  	_ =	swait.ge [sflag:s19], $0x1000  }
0x20e: {  	[sflag:s19] =	ssyncset.done $0x0  }
0x20f: {  	[sflag:s19] =	ssyncadd.s32 $0xFFFFF000  }
0x210: {  	_ =	sfence.sel $0x180000  }
0x211: {  	[bflag:$0x0] =	sbarrier.arrive $0xFFFF  }
0x212: {  	p0 =	sne.s32 s0, $0x0;
	_ =	strace $0x9000004A  }
0x213: {  	s0 =	sadd.s32 @!p0 $0x100000, s1;
	[bflag:$0x2] =	sbarrier.arrive $0xFFFF  }
0x214: {  	[sflag:s0] =	ssyncadd.tile.s32 @!p0 $0x1;
	_ =	shalt  }
.Lfunc_end2:
_tile_overlayer_lowered:
.L_overlay_start_2:
0x215: {  	(tag) =	ssettag $0x2  }
0x216: {  	s0 =	rddreg [dreg:$0x0];
	s2 =	stileid.u32  }
0x217: {  	s1 =	rddreg [dreg:$0x1];
	p0 =	sne.s32 s2, $0x0  }
0x218: {  	s3 =	rddreg [dreg:$0x2];
	[bflag:$0x3] =	sbarrier.arrive $0xFFFF;
	s2 =	simm.s32 @!p0 $0x1C05  }
0x219: {  	[timem:s3], [sflag:s2] =	dma.local @!p0 [hbm:s0], s1  }
0x21a: {  	s0 =	simm.s32 @!p0 $0x5  }
0x21b: {  	_ =	swait.ge @!p0 [sflag:s0], s1  }
0x21c: {  	s1 =	ssub.s32 @!p0 $0x0, s1;
	[sflag:s0] =	ssyncset.done @!p0 $0x0  }
0x21d: {  	[sflag:s0] =	ssyncadd.s32 @!p0 s1  }
0x21e: {  	[bflag:$0x3] =	sbarrier.arrive $0xFFFF  }
0x21f: {  	_ =	shalt  }

</sc_bundles>
